<compile_context>
chip_gen: v7x
topology: tpu7x:2x2x1
jax: 0.10.2.dev20260603
libtpu: 0.0.44.dev20260713+nightly
codegen_flags: <defaults>
</compile_context>

<pallas_src>
import functools
import jax
import jax.numpy as jnp
from jax import lax
from jax.experimental import pallas as pl
from jax.experimental.pallas import tpu as pltpu
from jax.experimental.pallas import tpu_sc as plsc

H = 128
NUM_F = 8
CAT_F = 6
BIN_F = 6
TOKENS = NUM_F + CAT_F + BIN_F
CH = 8
L = 16
NJ = H // L
VOCABS = (151, 101, 21, 5, 4, 15)


def kernel(numeric, categorical, binary, W_num, b_num, bin_emb,
           cat_emb_0, cat_emb_1, cat_emb_2, cat_emb_3, cat_emb_4, cat_emb_5):
    B = numeric.shape[0]
    info = plsc.get_sparse_core_info()
    NC, NS = info.num_cores, info.num_subcores
    NW = NC * NS
    rows_w = B // NW
    nch = rows_w // CH

    num_cp = jnp.pad(numeric, ((0, 0), (0, L - NUM_F)))
    num_cp = num_cp.reshape(NW, rows_w * L)

    boffs = (jnp.arange(BIN_F, dtype=jnp.int32) * 2 * H)[None, :]
    idx16 = jnp.concatenate(
        [categorical.astype(jnp.int32) * H,
         binary.astype(jnp.int32) * H + boffs,
         jnp.zeros((B, L - CAT_F - BIN_F), jnp.int32)], axis=1)
    idx_cp = idx16.reshape(NW, rows_w * L)

    cat_tables = [cat_emb_0.reshape(-1), cat_emb_1.reshape(-1),
                  cat_emb_2.reshape(-1), cat_emb_3.reshape(-1),
                  cat_emb_4.reshape(-1), cat_emb_5.reshape(-1)]
    be_flat = bin_emb.reshape(BIN_F * 2 * H)
    mesh = plsc.VectorSubcoreMesh(core_axis_name="c", subcore_axis_name="s")

    @functools.partial(
        pl.kernel, mesh=mesh,
        out_type=jax.ShapeDtypeStruct((B, TOKENS, H), jnp.float32),
        scratch_types=[
            pltpu.VMEM((2, CH, TOKENS, H), jnp.float32),
            pltpu.VMEM((rows_w * L,), jnp.float32),
            pltpu.VMEM((rows_w * L,), jnp.int32),
            pltpu.VMEM((NUM_F, H), jnp.float32),
            pltpu.VMEM((NUM_F, H), jnp.float32),
            pltpu.VMEM((BIN_F * 2 * H,), jnp.float32),
        ] + [pltpu.VMEM((v * H,), jnp.float32) for v in VOCABS]
        + [pltpu.SemaphoreType.DMA],
    )
    def sck(num_hbm, idx_hbm, wn_hbm, bn_hbm, be_hbm,
            ct0_hbm, ct1_hbm, ct2_hbm, ct3_hbm, ct4_hbm, ct5_hbm,
            out_hbm, staging, num_v, idx_v, w_v, b_v, be_v,
            ct0, ct1, ct2, ct3, ct4, ct5, sem):
        wid = lax.axis_index("s") * NC + lax.axis_index("c")
        base = wid * rows_w
        ctabs = [ct0, ct1, ct2, ct3, ct4, ct5]
        ct_hbms = [ct0_hbm, ct1_hbm, ct2_hbm, ct3_hbm, ct4_hbm, ct5_hbm]
        pltpu.sync_copy(num_hbm.at[wid], num_v)
        pltpu.sync_copy(idx_hbm.at[wid], idx_v)
        pltpu.sync_copy(wn_hbm, w_v)
        pltpu.sync_copy(bn_hbm, b_v)
        pltpu.sync_copy(be_hbm, be_v)
        for i in range(CAT_F):
            pltpu.sync_copy(ct_hbms[i], ctabs[i])

        def do_chunk(c, _):
            cmod = c % 2
            sref = staging.at[cmod]

            @pl.when(c >= 2)
            def _drain():
                pltpu.make_async_copy(
                    staging.at[0], out_hbm.at[pl.ds(base, CH)], sem).wait()

            wvecs = [[w_v[t, pl.ds(L * j, L)] for j in range(NJ)]
                     for t in range(NUM_F)]
            bvecs = [[b_v[t, pl.ds(L * j, L)] for j in range(NJ)]
                     for t in range(NUM_F)]

            @plsc.parallel_loop(0, CH, step=1, unroll=4)
            def _rows(rl):
                iv = idx_v[pl.ds(c * (CH * L) + rl * L, L)]
                xv = num_v[pl.ds(c * (CH * L) + rl * L, L)]
                for t in range(NUM_F):
                    xsp = jnp.full((L,), xv[t], jnp.float32)
                    for j in range(NJ):
                        sref[rl, t, pl.ds(L * j, L)] = (
                            xsp * wvecs[t][j] + bvecs[t][j])
                for i in range(CAT_F):
                    ibase = iv[i]
                    for j in range(NJ):
                        sref[rl, NUM_F + i, pl.ds(L * j, L)] = (
                            ctabs[i][pl.ds(ibase + L * j, L)])
                for i in range(BIN_F):
                    bbase = iv[CAT_F + i]
                    for j in range(NJ):
                        sref[rl, NUM_F + CAT_F + i, pl.ds(L * j, L)] = (
                            be_v[pl.ds(bbase + L * j, L)])

            pltpu.async_copy(
                staging.at[cmod], out_hbm.at[pl.ds(base + c * CH, CH)], sem)
            return 0

        lax.fori_loop(0, nch, do_chunk, 0)
        for _ in range(2):
            pltpu.make_async_copy(
                staging.at[0], out_hbm.at[pl.ds(base, CH)], sem).wait()

    return sck(num_cp, idx_cp, W_num, b_num, be_flat, *cat_tables)

# --- scband reference (transcript-rebuilt; emitter-appended) ---
"""Pipeline reference for scband-tabular-tokenizer-11390253269597 (READ-ONLY COPY).

The authoritative reference and input builder live on the scoring server;
editing this copy changes nothing except your own understanding.
"""

import jax, jax.numpy as jnp
import numpy as np

VOCABS = [151, 101, 21, 5, 4, 15]
H = 128
B = 16384

def setup_inputs(seed: int = 0) -> dict:
    key = jax.random.key(seed)
    ks = jax.random.split(key, 12)
    inp = {
        "numeric": jax.random.normal(ks[0], (B, 8), dtype=jnp.float32),
        "categorical": jax.random.randint(ks[1], (B, 6), 0, 4, dtype=jnp.int32).astype(jnp.int64) if False else jax.random.randint(ks[1], (B, 6), 0, 4),
        "binary": jax.random.randint(ks[2], (B, 6), 0, 2),
        "W_num": jax.random.normal(ks[3], (8, H), dtype=jnp.float32) * 0.02,
        "b_num": jax.random.normal(ks[4], (8, H), dtype=jnp.float32) * 0.02,
        "bin_emb": jax.random.normal(ks[5], (6, 2, H), dtype=jnp.float32) * 0.02,
    }
    for i, v in enumerate(VOCABS):
        inp[f"cat_emb_{i}"] = jax.random.normal(ks[6 + i], (v, H), dtype=jnp.float32) * 0.02
    return inp

def reference(numeric, categorical, binary, W_num, b_num, bin_emb,
              cat_emb_0, cat_emb_1, cat_emb_2, cat_emb_3, cat_emb_4, cat_emb_5):
    cat_tables = [cat_emb_0, cat_emb_1, cat_emb_2, cat_emb_3, cat_emb_4, cat_emb_5]
    tokens = []
    # numeric: per-feature Linear(1, H): x[:, i:i+1] @ W^T + b, W is [H,1] -> outer product
    for i in range(8):
        tokens.append(numeric[:, i:i + 1] * W_num[i][None, :] + b_num[i][None, :])
    # categorical: per-feature embedding gather
    for i in range(6):
        tokens.append(jnp.take(cat_tables[i], categorical[:, i], axis=0))
    # binary: per-feature 2-row embedding gather
    for i in range(6):
        tokens.append(jnp.take(bin_emb[i], binary[:, i], axis=0))
    return jnp.stack(tokens, axis=1)

if __name__ == "__main__":
    import jax
    _d = setup_inputs()
    print(jax.jit(kernel)(*tuple(_d.values())))

</pallas_src>

<mosaic_0001>
#map = affine_map<(d0, d1) -> (0, 0)>
#map1 = affine_map<(d0, d1) -> (0)>
#map2 = affine_map<(d0, d1) -> (0, 0, 0)>
module attributes {stable_mosaic.version = 14 : i64} {
  func.func @sck(%arg0: i32, %arg1: i32, %arg2: memref<32x8192xf32, #tpu.memory_space<hbm>>, %arg3: memref<32x8192xi32, #tpu.memory_space<hbm>>, %arg4: memref<8x128xf32, #tpu.memory_space<hbm>>, %arg5: memref<8x128xf32, #tpu.memory_space<hbm>>, %arg6: memref<1536xf32, #tpu.memory_space<hbm>>, %arg7: memref<19328xf32, #tpu.memory_space<hbm>>, %arg8: memref<12928xf32, #tpu.memory_space<hbm>>, %arg9: memref<2688xf32, #tpu.memory_space<hbm>>, %arg10: memref<640xf32, #tpu.memory_space<hbm>>, %arg11: memref<512xf32, #tpu.memory_space<hbm>>, %arg12: memref<1920xf32, #tpu.memory_space<hbm>>, %arg13: memref<16384x20x128xf32, #tpu.memory_space<hbm>>, %arg14: memref<2x8x20x128xf32, #tpu.memory_space<vmem>>, %arg15: memref<8192xf32, #tpu.memory_space<vmem>>, %arg16: memref<8192xi32, #tpu.memory_space<vmem>>, %arg17: memref<8x128xf32, #tpu.memory_space<vmem>>, %arg18: memref<8x128xf32, #tpu.memory_space<vmem>>, %arg19: memref<1536xf32, #tpu.memory_space<vmem>>, %arg20: memref<19328xf32, #tpu.memory_space<vmem>>, %arg21: memref<12928xf32, #tpu.memory_space<vmem>>, %arg22: memref<2688xf32, #tpu.memory_space<vmem>>, %arg23: memref<640xf32, #tpu.memory_space<vmem>>, %arg24: memref<512xf32, #tpu.memory_space<vmem>>, %arg25: memref<1920xf32, #tpu.memory_space<vmem>>, %arg26: memref<!tpu.dma_semaphore, #tpu.memory_space<semaphore_mem>>) attributes {dimension_semantics = [#tpu.dimension_semantics<core_parallel>, #tpu.dimension_semantics<subcore_parallel>], iteration_bounds = array<i64: 2, 16>, scalar_prefetch = 0 : i64, scratch_operands = 13 : i64, tpu.core_type = #tpu.core_type<sc_vector_subcore>, window_params = [{transform_indices = #map}, {transform_indices = #map}, {transform_indices = #map}, {transform_indices = #map}, {transform_indices = #map1}, {transform_indices = #map1}, {transform_indices = #map1}, {transform_indices = #map1}, {transform_indices = #map1}, {transform_indices = #map1}, {transform_indices = #map1}, {transform_indices = #map2}]} {
    %mul3A = arith.constant 2 : i32
    %mul3A_0 = arith.muli %arg1, %mul3A : i32
    %add3A = arith.addi %mul3A_0, %arg0 : i32
    %mul3A_1 = arith.constant 512 : i32
    %mul3A_2 = arith.muli %add3A, %mul3A_1 : i32
    "tpu.region"() ({
      %run_scoped3A = tpu.sem_alloc : memref<!tpu.dma_semaphore, #tpu.memory_space<semaphore_mem>>
      %dma_start3A = arith.constant 0 : i32
      %dma_start3A_42 = tpu.memref_slice %arg2[%add3A, %dma_start3A] : memref<32x8192xf32, #tpu.memory_space<hbm>> -> memref<1x8192xf32, #tpu.memory_space<hbm>>
      %dma_start3A_43 = tpu.memref_squeeze %dma_start3A_42 : memref<1x8192xf32, #tpu.memory_space<hbm>> -> memref<8192xf32, #tpu.memory_space<hbm>>
      %dma_start3A_44 = arith.constant 0 : i32
      %dma_start3A_45 = tpu.memref_slice %arg2[%add3A, %dma_start3A_44] : memref<32x8192xf32, #tpu.memory_space<hbm>> -> memref<1x8192xf32, #tpu.memory_space<hbm>>
      %dma_start3A_46 = tpu.memref_squeeze %dma_start3A_45 : memref<1x8192xf32, #tpu.memory_space<hbm>> -> memref<8192xf32, #tpu.memory_space<hbm>>
      tpu.enqueue_dma source(%dma_start3A_46 : memref<8192xf32, #tpu.memory_space<hbm>>) target(%arg15 : memref<8192xf32, #tpu.memory_space<vmem>>) target_semaphore(%run_scoped3A : memref<!tpu.dma_semaphore, #tpu.memory_space<semaphore_mem>>)
      %dma_wait3A_47 = arith.constant 0 : i32
      %dma_wait3A_48 = tpu.memref_slice %arg2[%add3A, %dma_wait3A_47] : memref<32x8192xf32, #tpu.memory_space<hbm>> -> memref<1x8192xf32, #tpu.memory_space<hbm>>
      %dma_wait3A_49 = tpu.memref_squeeze %dma_wait3A_48 : memref<1x8192xf32, #tpu.memory_space<hbm>> -> memref<8192xf32, #tpu.memory_space<hbm>>
      %dma_wait3A_50 = arith.constant 0 : i32
      %dma_wait3A_51 = tpu.memref_slice %arg2[%add3A, %dma_wait3A_50] : memref<32x8192xf32, #tpu.memory_space<hbm>> -> memref<1x8192xf32, #tpu.memory_space<hbm>>
      %dma_wait3A_52 = tpu.memref_squeeze %dma_wait3A_51 : memref<1x8192xf32, #tpu.memory_space<hbm>> -> memref<8192xf32, #tpu.memory_space<hbm>>
      tpu.wait_dma2 semaphore(%run_scoped3A : memref<!tpu.dma_semaphore, #tpu.memory_space<semaphore_mem>>) src(%dma_wait3A_52 : memref<8192xf32, #tpu.memory_space<hbm>>) dst(%arg15 : memref<8192xf32, #tpu.memory_space<vmem>>)
      tpu.yield
    }) : () -> ()
    "tpu.region"() ({
      %run_scoped3A = tpu.sem_alloc : memref<!tpu.dma_semaphore, #tpu.memory_space<semaphore_mem>>
      %dma_start3A = arith.constant 0 : i32
      %dma_start3A_42 = tpu.memref_slice %arg3[%add3A, %dma_start3A] : memref<32x8192xi32, #tpu.memory_space<hbm>> -> memref<1x8192xi32, #tpu.memory_space<hbm>>
      %dma_start3A_43 = tpu.memref_squeeze %dma_start3A_42 : memref<1x8192xi32, #tpu.memory_space<hbm>> -> memref<8192xi32, #tpu.memory_space<hbm>>
      %dma_start3A_44 = arith.constant 0 : i32
      %dma_start3A_45 = tpu.memref_slice %arg3[%add3A, %dma_start3A_44] : memref<32x8192xi32, #tpu.memory_space<hbm>> -> memref<1x8192xi32, #tpu.memory_space<hbm>>
      %dma_start3A_46 = tpu.memref_squeeze %dma_start3A_45 : memref<1x8192xi32, #tpu.memory_space<hbm>> -> memref<8192xi32, #tpu.memory_space<hbm>>
      tpu.enqueue_dma source(%dma_start3A_46 : memref<8192xi32, #tpu.memory_space<hbm>>) target(%arg16 : memref<8192xi32, #tpu.memory_space<vmem>>) target_semaphore(%run_scoped3A : memref<!tpu.dma_semaphore, #tpu.memory_space<semaphore_mem>>)
      %dma_wait3A_47 = arith.constant 0 : i32
      %dma_wait3A_48 = tpu.memref_slice %arg3[%add3A, %dma_wait3A_47] : memref<32x8192xi32, #tpu.memory_space<hbm>> -> memref<1x8192xi32, #tpu.memory_space<hbm>>
      %dma_wait3A_49 = tpu.memref_squeeze %dma_wait3A_48 : memref<1x8192xi32, #tpu.memory_space<hbm>> -> memref<8192xi32, #tpu.memory_space<hbm>>
      %dma_wait3A_50 = arith.constant 0 : i32
      %dma_wait3A_51 = tpu.memref_slice %arg3[%add3A, %dma_wait3A_50] : memref<32x8192xi32, #tpu.memory_space<hbm>> -> memref<1x8192xi32, #tpu.memory_space<hbm>>
      %dma_wait3A_52 = tpu.memref_squeeze %dma_wait3A_51 : memref<1x8192xi32, #tpu.memory_space<hbm>> -> memref<8192xi32, #tpu.memory_space<hbm>>
      tpu.wait_dma2 semaphore(%run_scoped3A : memref<!tpu.dma_semaphore, #tpu.memory_space<semaphore_mem>>) src(%dma_wait3A_52 : memref<8192xi32, #tpu.memory_space<hbm>>) dst(%arg16 : memref<8192xi32, #tpu.memory_space<vmem>>)
      tpu.yield
    }) : () -> ()
    "tpu.region"() ({
      %run_scoped3A = tpu.sem_alloc : memref<!tpu.dma_semaphore, #tpu.memory_space<semaphore_mem>>
      tpu.enqueue_dma source(%arg4 : memref<8x128xf32, #tpu.memory_space<hbm>>) target(%arg17 : memref<8x128xf32, #tpu.memory_space<vmem>>) target_semaphore(%run_scoped3A : memref<!tpu.dma_semaphore, #tpu.memory_space<semaphore_mem>>)
      tpu.wait_dma2 semaphore(%run_scoped3A : memref<!tpu.dma_semaphore, #tpu.memory_space<semaphore_mem>>) src(%arg4 : memref<8x128xf32, #tpu.memory_space<hbm>>) dst(%arg17 : memref<8x128xf32, #tpu.memory_space<vmem>>)
      tpu.yield
    }) : () -> ()
    "tpu.region"() ({
      %run_scoped3A = tpu.sem_alloc : memref<!tpu.dma_semaphore, #tpu.memory_space<semaphore_mem>>
      tpu.enqueue_dma source(%arg5 : memref<8x128xf32, #tpu.memory_space<hbm>>) target(%arg18 : memref<8x128xf32, #tpu.memory_space<vmem>>) target_semaphore(%run_scoped3A : memref<!tpu.dma_semaphore, #tpu.memory_space<semaphore_mem>>)
      tpu.wait_dma2 semaphore(%run_scoped3A : memref<!tpu.dma_semaphore, #tpu.memory_space<semaphore_mem>>) src(%arg5 : memref<8x128xf32, #tpu.memory_space<hbm>>) dst(%arg18 : memref<8x128xf32, #tpu.memory_space<vmem>>)
      tpu.yield
    }) : () -> ()
    "tpu.region"() ({
      %run_scoped3A = tpu.sem_alloc : memref<!tpu.dma_semaphore, #tpu.memory_space<semaphore_mem>>
      tpu.enqueue_dma source(%arg6 : memref<1536xf32, #tpu.memory_space<hbm>>) target(%arg19 : memref<1536xf32, #tpu.memory_space<vmem>>) target_semaphore(%run_scoped3A : memref<!tpu.dma_semaphore, #tpu.memory_space<semaphore_mem>>)
      tpu.wait_dma2 semaphore(%run_scoped3A : memref<!tpu.dma_semaphore, #tpu.memory_space<semaphore_mem>>) src(%arg6 : memref<1536xf32, #tpu.memory_space<hbm>>) dst(%arg19 : memref<1536xf32, #tpu.memory_space<vmem>>)
      tpu.yield
    }) : () -> ()
    "tpu.region"() ({
      %run_scoped3A = tpu.sem_alloc : memref<!tpu.dma_semaphore, #tpu.memory_space<semaphore_mem>>
      tpu.enqueue_dma source(%arg7 : memref<19328xf32, #tpu.memory_space<hbm>>) target(%arg20 : memref<19328xf32, #tpu.memory_space<vmem>>) target_semaphore(%run_scoped3A : memref<!tpu.dma_semaphore, #tpu.memory_space<semaphore_mem>>)
      tpu.wait_dma2 semaphore(%run_scoped3A : memref<!tpu.dma_semaphore, #tpu.memory_space<semaphore_mem>>) src(%arg7 : memref<19328xf32, #tpu.memory_space<hbm>>) dst(%arg20 : memref<19328xf32, #tpu.memory_space<vmem>>)
      tpu.yield
    }) : () -> ()
    "tpu.region"() ({
      %run_scoped3A = tpu.sem_alloc : memref<!tpu.dma_semaphore, #tpu.memory_space<semaphore_mem>>
      tpu.enqueue_dma source(%arg8 : memref<12928xf32, #tpu.memory_space<hbm>>) target(%arg21 : memref<12928xf32, #tpu.memory_space<vmem>>) target_semaphore(%run_scoped3A : memref<!tpu.dma_semaphore, #tpu.memory_space<semaphore_mem>>)
      tpu.wait_dma2 semaphore(%run_scoped3A : memref<!tpu.dma_semaphore, #tpu.memory_space<semaphore_mem>>) src(%arg8 : memref<12928xf32, #tpu.memory_space<hbm>>) dst(%arg21 : memref<12928xf32, #tpu.memory_space<vmem>>)
      tpu.yield
    }) : () -> ()
    "tpu.region"() ({
      %run_scoped3A = tpu.sem_alloc : memref<!tpu.dma_semaphore, #tpu.memory_space<semaphore_mem>>
      tpu.enqueue_dma source(%arg9 : memref<2688xf32, #tpu.memory_space<hbm>>) target(%arg22 : memref<2688xf32, #tpu.memory_space<vmem>>) target_semaphore(%run_scoped3A : memref<!tpu.dma_semaphore, #tpu.memory_space<semaphore_mem>>)
      tpu.wait_dma2 semaphore(%run_scoped3A : memref<!tpu.dma_semaphore, #tpu.memory_space<semaphore_mem>>) src(%arg9 : memref<2688xf32, #tpu.memory_space<hbm>>) dst(%arg22 : memref<2688xf32, #tpu.memory_space<vmem>>)
      tpu.yield
    }) : () -> ()
    "tpu.region"() ({
      %run_scoped3A = tpu.sem_alloc : memref<!tpu.dma_semaphore, #tpu.memory_space<semaphore_mem>>
      tpu.enqueue_dma source(%arg10 : memref<640xf32, #tpu.memory_space<hbm>>) target(%arg23 : memref<640xf32, #tpu.memory_space<vmem>>) target_semaphore(%run_scoped3A : memref<!tpu.dma_semaphore, #tpu.memory_space<semaphore_mem>>)
      tpu.wait_dma2 semaphore(%run_scoped3A : memref<!tpu.dma_semaphore, #tpu.memory_space<semaphore_mem>>) src(%arg10 : memref<640xf32, #tpu.memory_space<hbm>>) dst(%arg23 : memref<640xf32, #tpu.memory_space<vmem>>)
      tpu.yield
    }) : () -> ()
    "tpu.region"() ({
      %run_scoped3A = tpu.sem_alloc : memref<!tpu.dma_semaphore, #tpu.memory_space<semaphore_mem>>
      tpu.enqueue_dma source(%arg11 : memref<512xf32, #tpu.memory_space<hbm>>) target(%arg24 : memref<512xf32, #tpu.memory_space<vmem>>) target_semaphore(%run_scoped3A : memref<!tpu.dma_semaphore, #tpu.memory_space<semaphore_mem>>)
      tpu.wait_dma2 semaphore(%run_scoped3A : memref<!tpu.dma_semaphore, #tpu.memory_space<semaphore_mem>>) src(%arg11 : memref<512xf32, #tpu.memory_space<hbm>>) dst(%arg24 : memref<512xf32, #tpu.memory_space<vmem>>)
      tpu.yield
    }) : () -> ()
    "tpu.region"() ({
      %run_scoped3A = tpu.sem_alloc : memref<!tpu.dma_semaphore, #tpu.memory_space<semaphore_mem>>
      tpu.enqueue_dma source(%arg12 : memref<1920xf32, #tpu.memory_space<hbm>>) target(%arg25 : memref<1920xf32, #tpu.memory_space<vmem>>) target_semaphore(%run_scoped3A : memref<!tpu.dma_semaphore, #tpu.memory_space<semaphore_mem>>)
      tpu.wait_dma2 semaphore(%run_scoped3A : memref<!tpu.dma_semaphore, #tpu.memory_space<semaphore_mem>>) src(%arg12 : memref<1920xf32, #tpu.memory_space<hbm>>) dst(%arg25 : memref<1920xf32, #tpu.memory_space<vmem>>)
      tpu.yield
    }) : () -> ()
    %scan3A = arith.constant 0 : i32
    %scan3A_3 = arith.constant 0 : i32
    %scan3A_4 = arith.constant 64 : i32
    %scan3A_5 = arith.addi %scan3A_3, %scan3A_4 : i32
    %scan3A_6 = arith.constant 1 : i32
    %scan3A_7 = scf.for %scan3A_42 = %scan3A_3 to %scan3A_5 step %scan3A_6 iter_args(%scan3A_43 = %scan3A) -> (i32)  : i32 {
      %jit3A = arith.constant 2 : i32
      %eq3A = arith.constant 0 : i32
      %eq3A_44 = arith.cmpi eq, %jit3A, %eq3A : i32
      %jit3A_45 = arith.constant 1 : i32
      %select_n3A = arith.select %eq3A_44, %jit3A_45, %jit3A : i32
      %rem3A = arith.remsi %scan3A_42, %select_n3A : i32
      %ne3A = arith.constant 0 : i32
      %ne3A_46 = arith.cmpi ne, %rem3A, %ne3A : i32
      %lt3A = arith.constant 0 : i32
      %lt3A_47 = arith.cmpi slt, %rem3A, %lt3A : i32
      %lt3A_48 = arith.constant 0 : i32
      %lt3A_49 = arith.cmpi slt, %select_n3A, %lt3A_48 : i32
      %ne3A_50 = arith.xori %lt3A_47, %lt3A_49 : i1
      %and3A = arith.andi %ne3A_50, %ne3A_46 : i1
      %add3A_51 = arith.addi %rem3A, %select_n3A : i32
      %select_n3A_52 = arith.select %and3A, %add3A_51, %rem3A : i32
      %ge3A = arith.constant 2 : i32
      %ge3A_53 = arith.cmpi sge, %scan3A_42, %ge3A : i32
      %convert_element_type3A = arith.extui %ge3A_53 : i1 to i32
      %cond3A = arith.constant 0 : i32
      %cond3A_54 = arith.cmpi ne, %convert_element_type3A, %cond3A : i32
      scf.if %cond3A_54 {
        %dma_wait3A_715 = arith.constant 0 : i32
        %dma_wait3A_716 = arith.constant 0 : i32
        %dma_wait3A_717 = arith.constant 0 : i32
        %dma_wait3A_718 = arith.constant 0 : i32
        %dma_wait3A_719 = tpu.memref_slice %arg14[%dma_wait3A_715, %dma_wait3A_716, %dma_wait3A_717, %dma_wait3A_718] : memref<2x8x20x128xf32, #tpu.memory_space<vmem>> -> memref<1x8x20x128xf32, #tpu.memory_space<vmem>>
        %dma_wait3A_720 = tpu.memref_squeeze %dma_wait3A_719 : memref<1x8x20x128xf32, #tpu.memory_space<vmem>> -> memref<8x20x128xf32, #tpu.memory_space<vmem>>
        %dma_wait3A_721 = arith.constant 0 : i32
        %dma_wait3A_722 = arith.constant 0 : i32
        %dma_wait3A_723 = tpu.memref_slice %arg13[%mul3A_2, %dma_wait3A_721, %dma_wait3A_722] : memref<16384x20x128xf32, #tpu.memory_space<hbm>> -> memref<8x20x128xf32, #tpu.memory_space<hbm>>
        %dma_wait3A_724 = arith.constant 0 : i32
        %dma_wait3A_725 = arith.constant 0 : i32
        %dma_wait3A_726 = tpu.memref_slice %arg13[%mul3A_2, %dma_wait3A_724, %dma_wait3A_725] : memref<16384x20x128xf32, #tpu.memory_space<hbm>> -> memref<8x20x128xf32, #tpu.memory_space<hbm>>
        %dma_wait3A_727 = arith.constant 0 : i32
        %dma_wait3A_728 = arith.constant 0 : i32
        %dma_wait3A_729 = arith.constant 0 : i32
        %dma_wait3A_730 = tpu.memref_slice %arg14[%dma_wait3A_715, %dma_wait3A_727, %dma_wait3A_728, %dma_wait3A_729] : memref<2x8x20x128xf32, #tpu.memory_space<vmem>> -> memref<1x8x20x128xf32, #tpu.memory_space<vmem>>
        %dma_wait3A_731 = tpu.memref_squeeze %dma_wait3A_730 : memref<1x8x20x128xf32, #tpu.memory_space<vmem>> -> memref<8x20x128xf32, #tpu.memory_space<vmem>>
        tpu.wait_dma2 semaphore(%arg26 : memref<!tpu.dma_semaphore, #tpu.memory_space<semaphore_mem>>) src(%dma_wait3A_731 : memref<8x20x128xf32, #tpu.memory_space<vmem>>) dst(%dma_wait3A_726 : memref<8x20x128xf32, #tpu.memory_space<hbm>>)
      } else {
      }
      %get3A = arith.constant 0 : i32
      %get3A_55 = arith.index_cast %get3A : i32 to index
      %get3A_56 = arith.constant 0 : index
      %get3A_57 = tpu.vector_load %arg17[%get3A_55, %get3A_56] {strides = array<i32>} : memref<8x128xf32, #tpu.memory_space<vmem>>, vector<1x16xf32>,
      %get3A_58 = vector.shape_cast %get3A_57 : vector<1x16xf32> to vector<16xf32>
      %get3A_59 = arith.constant 0 : i32
      %get3A_60 = arith.index_cast %get3A_59 : i32 to index
      %get3A_61 = arith.constant 16 : index
      %get3A_62 = tpu.vector_load %arg17[%get3A_60, %get3A_61] {strides = array<i32>} : memref<8x128xf32, #tpu.memory_space<vmem>>, vector<1x16xf32>,
      %get3A_63 = vector.shape_cast %get3A_62 : vector<1x16xf32> to vector<16xf32>
      %get3A_64 = arith.constant 0 : i32
      %get3A_65 = arith.index_cast %get3A_64 : i32 to index
      %get3A_66 = arith.constant 32 : index
      %get3A_67 = tpu.vector_load %arg17[%get3A_65, %get3A_66] {strides = array<i32>} : memref<8x128xf32, #tpu.memory_space<vmem>>, vector<1x16xf32>,
      %get3A_68 = vector.shape_cast %get3A_67 : vector<1x16xf32> to vector<16xf32>
      %get3A_69 = arith.constant 0 : i32
      %get3A_70 = arith.index_cast %get3A_69 : i32 to index
      %get3A_71 = arith.constant 48 : index
      %get3A_72 = tpu.vector_load %arg17[%get3A_70, %get3A_71] {strides = array<i32>} : memref<8x128xf32, #tpu.memory_space<vmem>>, vector<1x16xf32>,
      %get3A_73 = vector.shape_cast %get3A_72 : vector<1x16xf32> to vector<16xf32>
      %get3A_74 = arith.constant 0 : i32
      %get3A_75 = arith.index_cast %get3A_74 : i32 to index
      %get3A_76 = arith.constant 64 : index
      %get3A_77 = tpu.vector_load %arg17[%get3A_75, %get3A_76] {strides = array<i32>} : memref<8x128xf32, #tpu.memory_space<vmem>>, vector<1x16xf32>,
      %get3A_78 = vector.shape_cast %get3A_77 : vector<1x16xf32> to vector<16xf32>
      %get3A_79 = arith.constant 0 : i32
      %get3A_80 = arith.index_cast %get3A_79 : i32 to index
      %get3A_81 = arith.constant 80 : index
      %get3A_82 = tpu.vector_load %arg17[%get3A_80, %get3A_81] {strides = array<i32>} : memref<8x128xf32, #tpu.memory_space<vmem>>, vector<1x16xf32>,
      %get3A_83 = vector.shape_cast %get3A_82 : vector<1x16xf32> to vector<16xf32>
      %get3A_84 = arith.constant 0 : i32
      %get3A_85 = arith.index_cast %get3A_84 : i32 to index
      %get3A_86 = arith.constant 96 : index
      %get3A_87 = tpu.vector_load %arg17[%get3A_85, %get3A_86] {strides = array<i32>} : memref<8x128xf32, #tpu.memory_space<vmem>>, vector<1x16xf32>,
      %get3A_88 = vector.shape_cast %get3A_87 : vector<1x16xf32> to vector<16xf32>
      %get3A_89 = arith.constant 0 : i32
      %get3A_90 = arith.index_cast %get3A_89 : i32 to index
      %get3A_91 = arith.constant 112 : index
      %get3A_92 = tpu.vector_load %arg17[%get3A_90, %get3A_91] {strides = array<i32>} : memref<8x128xf32, #tpu.memory_space<vmem>>, vector<1x16xf32>,
      %get3A_93 = vector.shape_cast %get3A_92 : vector<1x16xf32> to vector<16xf32>
      %get3A_94 = arith.constant 1 : i32
      %get3A_95 = arith.index_cast %get3A_94 : i32 to index
      %get3A_96 = arith.constant 0 : index
      %get3A_97 = tpu.vector_load %arg17[%get3A_95, %get3A_96] {strides = array<i32>} : memref<8x128xf32, #tpu.memory_space<vmem>>, vector<1x16xf32>,
      %get3A_98 = vector.shape_cast %get3A_97 : vector<1x16xf32> to vector<16xf32>
      %get3A_99 = arith.constant 1 : i32
      %get3A_100 = arith.index_cast %get3A_99 : i32 to index
      %get3A_101 = arith.constant 16 : index
      %get3A_102 = tpu.vector_load %arg17[%get3A_100, %get3A_101] {strides = array<i32>} : memref<8x128xf32, #tpu.memory_space<vmem>>, vector<1x16xf32>,
      %get3A_103 = vector.shape_cast %get3A_102 : vector<1x16xf32> to vector<16xf32>
      %get3A_104 = arith.constant 1 : i32
      %get3A_105 = arith.index_cast %get3A_104 : i32 to index
      %get3A_106 = arith.constant 32 : index
      %get3A_107 = tpu.vector_load %arg17[%get3A_105, %get3A_106] {strides = array<i32>} : memref<8x128xf32, #tpu.memory_space<vmem>>, vector<1x16xf32>,
      %get3A_108 = vector.shape_cast %get3A_107 : vector<1x16xf32> to vector<16xf32>
      %get3A_109 = arith.constant 1 : i32
      %get3A_110 = arith.index_cast %get3A_109 : i32 to index
      %get3A_111 = arith.constant 48 : index
      %get3A_112 = tpu.vector_load %arg17[%get3A_110, %get3A_111] {strides = array<i32>} : memref<8x128xf32, #tpu.memory_space<vmem>>, vector<1x16xf32>,
      %get3A_113 = vector.shape_cast %get3A_112 : vector<1x16xf32> to vector<16xf32>
      %get3A_114 = arith.constant 1 : i32
      %get3A_115 = arith.index_cast %get3A_114 : i32 to index
      %get3A_116 = arith.constant 64 : index
      %get3A_117 = tpu.vector_load %arg17[%get3A_115, %get3A_116] {strides = array<i32>} : memref<8x128xf32, #tpu.memory_space<vmem>>, vector<1x16xf32>,
      %get3A_118 = vector.shape_cast %get3A_117 : vector<1x16xf32> to vector<16xf32>
      %get3A_119 = arith.constant 1 : i32
      %get3A_120 = arith.index_cast %get3A_119 : i32 to index
      %get3A_121 = arith.constant 80 : index
      %get3A_122 = tpu.vector_load %arg17[%get3A_120, %get3A_121] {strides = array<i32>} : memref<8x128xf32, #tpu.memory_space<vmem>>, vector<1x16xf32>,
      %get3A_123 = vector.shape_cast %get3A_122 : vector<1x16xf32> to vector<16xf32>
      %get3A_124 = arith.constant 1 : i32
      %get3A_125 = arith.index_cast %get3A_124 : i32 to index
      %get3A_126 = arith.constant 96 : index
      %get3A_127 = tpu.vector_load %arg17[%get3A_125, %get3A_126] {strides = array<i32>} : memref<8x128xf32, #tpu.memory_space<vmem>>, vector<1x16xf32>,
      %get3A_128 = vector.shape_cast %get3A_127 : vector<1x16xf32> to vector<16xf32>
      %get3A_129 = arith.constant 1 : i32
      %get3A_130 = arith.index_cast %get3A_129 : i32 to index
      %get3A_131 = arith.constant 112 : index
      %get3A_132 = tpu.vector_load %arg17[%get3A_130, %get3A_131] {strides = array<i32>} : memref<8x128xf32, #tpu.memory_space<vmem>>, vector<1x16xf32>,
      %get3A_133 = vector.shape_cast %get3A_132 : vector<1x16xf32> to vector<16xf32>
      %get3A_134 = arith.constant 2 : i32
      %get3A_135 = arith.index_cast %get3A_134 : i32 to index
      %get3A_136 = arith.constant 0 : index
      %get3A_137 = tpu.vector_load %arg17[%get3A_135, %get3A_136] {strides = array<i32>} : memref<8x128xf32, #tpu.memory_space<vmem>>, vector<1x16xf32>,
      %get3A_138 = vector.shape_cast %get3A_137 : vector<1x16xf32> to vector<16xf32>
      %get3A_139 = arith.constant 2 : i32
      %get3A_140 = arith.index_cast %get3A_139 : i32 to index
      %get3A_141 = arith.constant 16 : index
      %get3A_142 = tpu.vector_load %arg17[%get3A_140, %get3A_141] {strides = array<i32>} : memref<8x128xf32, #tpu.memory_space<vmem>>, vector<1x16xf32>,
      %get3A_143 = vector.shape_cast %get3A_142 : vector<1x16xf32> to vector<16xf32>
      %get3A_144 = arith.constant 2 : i32
      %get3A_145 = arith.index_cast %get3A_144 : i32 to index
      %get3A_146 = arith.constant 32 : index
      %get3A_147 = tpu.vector_load %arg17[%get3A_145, %get3A_146] {strides = array<i32>} : memref<8x128xf32, #tpu.memory_space<vmem>>, vector<1x16xf32>,
      %get3A_148 = vector.shape_cast %get3A_147 : vector<1x16xf32> to vector<16xf32>
      %get3A_149 = arith.constant 2 : i32
      %get3A_150 = arith.index_cast %get3A_149 : i32 to index
      %get3A_151 = arith.constant 48 : index
      %get3A_152 = tpu.vector_load %arg17[%get3A_150, %get3A_151] {strides = array<i32>} : memref<8x128xf32, #tpu.memory_space<vmem>>, vector<1x16xf32>,
      %get3A_153 = vector.shape_cast %get3A_152 : vector<1x16xf32> to vector<16xf32>
      %get3A_154 = arith.constant 2 : i32
      %get3A_155 = arith.index_cast %get3A_154 : i32 to index
      %get3A_156 = arith.constant 64 : index
      %get3A_157 = tpu.vector_load %arg17[%get3A_155, %get3A_156] {strides = array<i32>} : memref<8x128xf32, #tpu.memory_space<vmem>>, vector<1x16xf32>,
      %get3A_158 = vector.shape_cast %get3A_157 : vector<1x16xf32> to vector<16xf32>
      %get3A_159 = arith.constant 2 : i32
      %get3A_160 = arith.index_cast %get3A_159 : i32 to index
      %get3A_161 = arith.constant 80 : index
      %get3A_162 = tpu.vector_load %arg17[%get3A_160, %get3A_161] {strides = array<i32>} : memref<8x128xf32, #tpu.memory_space<vmem>>, vector<1x16xf32>,
      %get3A_163 = vector.shape_cast %get3A_162 : vector<1x16xf32> to vector<16xf32>
      %get3A_164 = arith.constant 2 : i32
      %get3A_165 = arith.index_cast %get3A_164 : i32 to index
      %get3A_166 = arith.constant 96 : index
      %get3A_167 = tpu.vector_load %arg17[%get3A_165, %get3A_166] {strides = array<i32>} : memref<8x128xf32, #tpu.memory_space<vmem>>, vector<1x16xf32>,
      %get3A_168 = vector.shape_cast %get3A_167 : vector<1x16xf32> to vector<16xf32>
      %get3A_169 = arith.constant 2 : i32
      %get3A_170 = arith.index_cast %get3A_169 : i32 to index
      %get3A_171 = arith.constant 112 : index
      %get3A_172 = tpu.vector_load %arg17[%get3A_170, %get3A_171] {strides = array<i32>} : memref<8x128xf32, #tpu.memory_space<vmem>>, vector<1x16xf32>,
      %get3A_173 = vector.shape_cast %get3A_172 : vector<1x16xf32> to vector<16xf32>
      %get3A_174 = arith.constant 3 : i32
      %get3A_175 = arith.index_cast %get3A_174 : i32 to index
      %get3A_176 = arith.constant 0 : index
      %get3A_177 = tpu.vector_load %arg17[%get3A_175, %get3A_176] {strides = array<i32>} : memref<8x128xf32, #tpu.memory_space<vmem>>, vector<1x16xf32>,
      %get3A_178 = vector.shape_cast %get3A_177 : vector<1x16xf32> to vector<16xf32>
      %get3A_179 = arith.constant 3 : i32
      %get3A_180 = arith.index_cast %get3A_179 : i32 to index
      %get3A_181 = arith.constant 16 : index
      %get3A_182 = tpu.vector_load %arg17[%get3A_180, %get3A_181] {strides = array<i32>} : memref<8x128xf32, #tpu.memory_space<vmem>>, vector<1x16xf32>,
      %get3A_183 = vector.shape_cast %get3A_182 : vector<1x16xf32> to vector<16xf32>
      %get3A_184 = arith.constant 3 : i32
      %get3A_185 = arith.index_cast %get3A_184 : i32 to index
      %get3A_186 = arith.constant 32 : index
      %get3A_187 = tpu.vector_load %arg17[%get3A_185, %get3A_186] {strides = array<i32>} : memref<8x128xf32, #tpu.memory_space<vmem>>, vector<1x16xf32>,
      %get3A_188 = vector.shape_cast %get3A_187 : vector<1x16xf32> to vector<16xf32>
      %get3A_189 = arith.constant 3 : i32
      %get3A_190 = arith.index_cast %get3A_189 : i32 to index
      %get3A_191 = arith.constant 48 : index
      %get3A_192 = tpu.vector_load %arg17[%get3A_190, %get3A_191] {strides = array<i32>} : memref<8x128xf32, #tpu.memory_space<vmem>>, vector<1x16xf32>,
      %get3A_193 = vector.shape_cast %get3A_192 : vector<1x16xf32> to vector<16xf32>
      %get3A_194 = arith.constant 3 : i32
      %get3A_195 = arith.index_cast %get3A_194 : i32 to index
      %get3A_196 = arith.constant 64 : index
      %get3A_197 = tpu.vector_load %arg17[%get3A_195, %get3A_196] {strides = array<i32>} : memref<8x128xf32, #tpu.memory_space<vmem>>, vector<1x16xf32>,
      %get3A_198 = vector.shape_cast %get3A_197 : vector<1x16xf32> to vector<16xf32>
      %get3A_199 = arith.constant 3 : i32
      %get3A_200 = arith.index_cast %get3A_199 : i32 to index
      %get3A_201 = arith.constant 80 : index
      %get3A_202 = tpu.vector_load %arg17[%get3A_200, %get3A_201] {strides = array<i32>} : memref<8x128xf32, #tpu.memory_space<vmem>>, vector<1x16xf32>,
      %get3A_203 = vector.shape_cast %get3A_202 : vector<1x16xf32> to vector<16xf32>
      %get3A_204 = arith.constant 3 : i32
      %get3A_205 = arith.index_cast %get3A_204 : i32 to index
      %get3A_206 = arith.constant 96 : index
      %get3A_207 = tpu.vector_load %arg17[%get3A_205, %get3A_206] {strides = array<i32>} : memref<8x128xf32, #tpu.memory_space<vmem>>, vector<1x16xf32>,
      %get3A_208 = vector.shape_cast %get3A_207 : vector<1x16xf32> to vector<16xf32>
      %get3A_209 = arith.constant 3 : i32
      %get3A_210 = arith.index_cast %get3A_209 : i32 to index
      %get3A_211 = arith.constant 112 : index
      %get3A_212 = tpu.vector_load %arg17[%get3A_210, %get3A_211] {strides = array<i32>} : memref<8x128xf32, #tpu.memory_space<vmem>>, vector<1x16xf32>,
      %get3A_213 = vector.shape_cast %get3A_212 : vector<1x16xf32> to vector<16xf32>
      %get3A_214 = arith.constant 4 : i32
      %get3A_215 = arith.index_cast %get3A_214 : i32 to index
      %get3A_216 = arith.constant 0 : index
      %get3A_217 = tpu.vector_load %arg17[%get3A_215, %get3A_216] {strides = array<i32>} : memref<8x128xf32, #tpu.memory_space<vmem>>, vector<1x16xf32>,
      %get3A_218 = vector.shape_cast %get3A_217 : vector<1x16xf32> to vector<16xf32>
      %get3A_219 = arith.constant 4 : i32
      %get3A_220 = arith.index_cast %get3A_219 : i32 to index
      %get3A_221 = arith.constant 16 : index
      %get3A_222 = tpu.vector_load %arg17[%get3A_220, %get3A_221] {strides = array<i32>} : memref<8x128xf32, #tpu.memory_space<vmem>>, vector<1x16xf32>,
      %get3A_223 = vector.shape_cast %get3A_222 : vector<1x16xf32> to vector<16xf32>
      %get3A_224 = arith.constant 4 : i32
      %get3A_225 = arith.index_cast %get3A_224 : i32 to index
      %get3A_226 = arith.constant 32 : index
      %get3A_227 = tpu.vector_load %arg17[%get3A_225, %get3A_226] {strides = array<i32>} : memref<8x128xf32, #tpu.memory_space<vmem>>, vector<1x16xf32>,
      %get3A_228 = vector.shape_cast %get3A_227 : vector<1x16xf32> to vector<16xf32>
      %get3A_229 = arith.constant 4 : i32
      %get3A_230 = arith.index_cast %get3A_229 : i32 to index
      %get3A_231 = arith.constant 48 : index
      %get3A_232 = tpu.vector_load %arg17[%get3A_230, %get3A_231] {strides = array<i32>} : memref<8x128xf32, #tpu.memory_space<vmem>>, vector<1x16xf32>,
      %get3A_233 = vector.shape_cast %get3A_232 : vector<1x16xf32> to vector<16xf32>
      %get3A_234 = arith.constant 4 : i32
      %get3A_235 = arith.index_cast %get3A_234 : i32 to index
      %get3A_236 = arith.constant 64 : index
      %get3A_237 = tpu.vector_load %arg17[%get3A_235, %get3A_236] {strides = array<i32>} : memref<8x128xf32, #tpu.memory_space<vmem>>, vector<1x16xf32>,
      %get3A_238 = vector.shape_cast %get3A_237 : vector<1x16xf32> to vector<16xf32>
      %get3A_239 = arith.constant 4 : i32
      %get3A_240 = arith.index_cast %get3A_239 : i32 to index
      %get3A_241 = arith.constant 80 : index
      %get3A_242 = tpu.vector_load %arg17[%get3A_240, %get3A_241] {strides = array<i32>} : memref<8x128xf32, #tpu.memory_space<vmem>>, vector<1x16xf32>,
      %get3A_243 = vector.shape_cast %get3A_242 : vector<1x16xf32> to vector<16xf32>
      %get3A_244 = arith.constant 4 : i32
      %get3A_245 = arith.index_cast %get3A_244 : i32 to index
      %get3A_246 = arith.constant 96 : index
      %get3A_247 = tpu.vector_load %arg17[%get3A_245, %get3A_246] {strides = array<i32>} : memref<8x128xf32, #tpu.memory_space<vmem>>, vector<1x16xf32>,
      %get3A_248 = vector.shape_cast %get3A_247 : vector<1x16xf32> to vector<16xf32>
      %get3A_249 = arith.constant 4 : i32
      %get3A_250 = arith.index_cast %get3A_249 : i32 to index
      %get3A_251 = arith.constant 112 : index
      %get3A_252 = tpu.vector_load %arg17[%get3A_250, %get3A_251] {strides = array<i32>} : memref<8x128xf32, #tpu.memory_space<vmem>>, vector<1x16xf32>,
      %get3A_253 = vector.shape_cast %get3A_252 : vector<1x16xf32> to vector<16xf32>
      %get3A_254 = arith.constant 5 : i32
      %get3A_255 = arith.index_cast %get3A_254 : i32 to index
      %get3A_256 = arith.constant 0 : index
      %get3A_257 = tpu.vector_load %arg17[%get3A_255, %get3A_256] {strides = array<i32>} : memref<8x128xf32, #tpu.memory_space<vmem>>, vector<1x16xf32>,
      %get3A_258 = vector.shape_cast %get3A_257 : vector<1x16xf32> to vector<16xf32>
      %get3A_259 = arith.constant 5 : i32
      %get3A_260 = arith.index_cast %get3A_259 : i32 to index
      %get3A_261 = arith.constant 16 : index
      %get3A_262 = tpu.vector_load %arg17[%get3A_260, %get3A_261] {strides = array<i32>} : memref<8x128xf32, #tpu.memory_space<vmem>>, vector<1x16xf32>,
      %get3A_263 = vector.shape_cast %get3A_262 : vector<1x16xf32> to vector<16xf32>
      %get3A_264 = arith.constant 5 : i32
      %get3A_265 = arith.index_cast %get3A_264 : i32 to index
      %get3A_266 = arith.constant 32 : index
      %get3A_267 = tpu.vector_load %arg17[%get3A_265, %get3A_266] {strides = array<i32>} : memref<8x128xf32, #tpu.memory_space<vmem>>, vector<1x16xf32>,
      %get3A_268 = vector.shape_cast %get3A_267 : vector<1x16xf32> to vector<16xf32>
      %get3A_269 = arith.constant 5 : i32
      %get3A_270 = arith.index_cast %get3A_269 : i32 to index
      %get3A_271 = arith.constant 48 : index
      %get3A_272 = tpu.vector_load %arg17[%get3A_270, %get3A_271] {strides = array<i32>} : memref<8x128xf32, #tpu.memory_space<vmem>>, vector<1x16xf32>,
      %get3A_273 = vector.shape_cast %get3A_272 : vector<1x16xf32> to vector<16xf32>
      %get3A_274 = arith.constant 5 : i32
      %get3A_275 = arith.index_cast %get3A_274 : i32 to index
      %get3A_276 = arith.constant 64 : index
      %get3A_277 = tpu.vector_load %arg17[%get3A_275, %get3A_276] {strides = array<i32>} : memref<8x128xf32, #tpu.memory_space<vmem>>, vector<1x16xf32>,
      %get3A_278 = vector.shape_cast %get3A_277 : vector<1x16xf32> to vector<16xf32>
      %get3A_279 = arith.constant 5 : i32
      %get3A_280 = arith.index_cast %get3A_279 : i32 to index
      %get3A_281 = arith.constant 80 : index
      %get3A_282 = tpu.vector_load %arg17[%get3A_280, %get3A_281] {strides = array<i32>} : memref<8x128xf32, #tpu.memory_space<vmem>>, vector<1x16xf32>,
      %get3A_283 = vector.shape_cast %get3A_282 : vector<1x16xf32> to vector<16xf32>
      %get3A_284 = arith.constant 5 : i32
      %get3A_285 = arith.index_cast %get3A_284 : i32 to index
      %get3A_286 = arith.constant 96 : index
      %get3A_287 = tpu.vector_load %arg17[%get3A_285, %get3A_286] {strides = array<i32>} : memref<8x128xf32, #tpu.memory_space<vmem>>, vector<1x16xf32>,
      %get3A_288 = vector.shape_cast %get3A_287 : vector<1x16xf32> to vector<16xf32>
      %get3A_289 = arith.constant 5 : i32
      %get3A_290 = arith.index_cast %get3A_289 : i32 to index
      %get3A_291 = arith.constant 112 : index
      %get3A_292 = tpu.vector_load %arg17[%get3A_290, %get3A_291] {strides = array<i32>} : memref<8x128xf32, #tpu.memory_space<vmem>>, vector<1x16xf32>,
      %get3A_293 = vector.shape_cast %get3A_292 : vector<1x16xf32> to vector<16xf32>
      %get3A_294 = arith.constant 6 : i32
      %get3A_295 = arith.index_cast %get3A_294 : i32 to index
      %get3A_296 = arith.constant 0 : index
      %get3A_297 = tpu.vector_load %arg17[%get3A_295, %get3A_296] {strides = array<i32>} : memref<8x128xf32, #tpu.memory_space<vmem>>, vector<1x16xf32>,
      %get3A_298 = vector.shape_cast %get3A_297 : vector<1x16xf32> to vector<16xf32>
      %get3A_299 = arith.constant 6 : i32
      %get3A_300 = arith.index_cast %get3A_299 : i32 to index
      %get3A_301 = arith.constant 16 : index
      %get3A_302 = tpu.vector_load %arg17[%get3A_300, %get3A_301] {strides = array<i32>} : memref<8x128xf32, #tpu.memory_space<vmem>>, vector<1x16xf32>,
      %get3A_303 = vector.shape_cast %get3A_302 : vector<1x16xf32> to vector<16xf32>
      %get3A_304 = arith.constant 6 : i32
      %get3A_305 = arith.index_cast %get3A_304 : i32 to index
      %get3A_306 = arith.constant 32 : index
      %get3A_307 = tpu.vector_load %arg17[%get3A_305, %get3A_306] {strides = array<i32>} : memref<8x128xf32, #tpu.memory_space<vmem>>, vector<1x16xf32>,
      %get3A_308 = vector.shape_cast %get3A_307 : vector<1x16xf32> to vector<16xf32>
      %get3A_309 = arith.constant 6 : i32
      %get3A_310 = arith.index_cast %get3A_309 : i32 to index
      %get3A_311 = arith.constant 48 : index
      %get3A_312 = tpu.vector_load %arg17[%get3A_310, %get3A_311] {strides = array<i32>} : memref<8x128xf32, #tpu.memory_space<vmem>>, vector<1x16xf32>,
      %get3A_313 = vector.shape_cast %get3A_312 : vector<1x16xf32> to vector<16xf32>
      %get3A_314 = arith.constant 6 : i32
      %get3A_315 = arith.index_cast %get3A_314 : i32 to index
      %get3A_316 = arith.constant 64 : index
      %get3A_317 = tpu.vector_load %arg17[%get3A_315, %get3A_316] {strides = array<i32>} : memref<8x128xf32, #tpu.memory_space<vmem>>, vector<1x16xf32>,
      %get3A_318 = vector.shape_cast %get3A_317 : vector<1x16xf32> to vector<16xf32>
      %get3A_319 = arith.constant 6 : i32
      %get3A_320 = arith.index_cast %get3A_319 : i32 to index
      %get3A_321 = arith.constant 80 : index
      %get3A_322 = tpu.vector_load %arg17[%get3A_320, %get3A_321] {strides = array<i32>} : memref<8x128xf32, #tpu.memory_space<vmem>>, vector<1x16xf32>,
      %get3A_323 = vector.shape_cast %get3A_322 : vector<1x16xf32> to vector<16xf32>
      %get3A_324 = arith.constant 6 : i32
      %get3A_325 = arith.index_cast %get3A_324 : i32 to index
      %get3A_326 = arith.constant 96 : index
      %get3A_327 = tpu.vector_load %arg17[%get3A_325, %get3A_326] {strides = array<i32>} : memref<8x128xf32, #tpu.memory_space<vmem>>, vector<1x16xf32>,
      %get3A_328 = vector.shape_cast %get3A_327 : vector<1x16xf32> to vector<16xf32>
      %get3A_329 = arith.constant 6 : i32
      %get3A_330 = arith.index_cast %get3A_329 : i32 to index
      %get3A_331 = arith.constant 112 : index
      %get3A_332 = tpu.vector_load %arg17[%get3A_330, %get3A_331] {strides = array<i32>} : memref<8x128xf32, #tpu.memory_space<vmem>>, vector<1x16xf32>,
      %get3A_333 = vector.shape_cast %get3A_332 : vector<1x16xf32> to vector<16xf32>
      %get3A_334 = arith.constant 7 : i32
      %get3A_335 = arith.index_cast %get3A_334 : i32 to index
      %get3A_336 = arith.constant 0 : index
      %get3A_337 = tpu.vector_load %arg17[%get3A_335, %get3A_336] {strides = array<i32>} : memref<8x128xf32, #tpu.memory_space<vmem>>, vector<1x16xf32>,
      %get3A_338 = vector.shape_cast %get3A_337 : vector<1x16xf32> to vector<16xf32>
      %get3A_339 = arith.constant 7 : i32
      %get3A_340 = arith.index_cast %get3A_339 : i32 to index
      %get3A_341 = arith.constant 16 : index
      %get3A_342 = tpu.vector_load %arg17[%get3A_340, %get3A_341] {strides = array<i32>} : memref<8x128xf32, #tpu.memory_space<vmem>>, vector<1x16xf32>,
      %get3A_343 = vector.shape_cast %get3A_342 : vector<1x16xf32> to vector<16xf32>
      %get3A_344 = arith.constant 7 : i32
      %get3A_345 = arith.index_cast %get3A_344 : i32 to index
      %get3A_346 = arith.constant 32 : index
      %get3A_347 = tpu.vector_load %arg17[%get3A_345, %get3A_346] {strides = array<i32>} : memref<8x128xf32, #tpu.memory_space<vmem>>, vector<1x16xf32>,
      %get3A_348 = vector.shape_cast %get3A_347 : vector<1x16xf32> to vector<16xf32>
      %get3A_349 = arith.constant 7 : i32
      %get3A_350 = arith.index_cast %get3A_349 : i32 to index
      %get3A_351 = arith.constant 48 : index
      %get3A_352 = tpu.vector_load %arg17[%get3A_350, %get3A_351] {strides = array<i32>} : memref<8x128xf32, #tpu.memory_space<vmem>>, vector<1x16xf32>,
      %get3A_353 = vector.shape_cast %get3A_352 : vector<1x16xf32> to vector<16xf32>
      %get3A_354 = arith.constant 7 : i32
      %get3A_355 = arith.index_cast %get3A_354 : i32 to index
      %get3A_356 = arith.constant 64 : index
      %get3A_357 = tpu.vector_load %arg17[%get3A_355, %get3A_356] {strides = array<i32>} : memref<8x128xf32, #tpu.memory_space<vmem>>, vector<1x16xf32>,
      %get3A_358 = vector.shape_cast %get3A_357 : vector<1x16xf32> to vector<16xf32>
      %get3A_359 = arith.constant 7 : i32
      %get3A_360 = arith.index_cast %get3A_359 : i32 to index
      %get3A_361 = arith.constant 80 : index
      %get3A_362 = tpu.vector_load %arg17[%get3A_360, %get3A_361] {strides = array<i32>} : memref<8x128xf32, #tpu.memory_space<vmem>>, vector<1x16xf32>,
      %get3A_363 = vector.shape_cast %get3A_362 : vector<1x16xf32> to vector<16xf32>
      %get3A_364 = arith.constant 7 : i32
      %get3A_365 = arith.index_cast %get3A_364 : i32 to index
      %get3A_366 = arith.constant 96 : index
      %get3A_367 = tpu.vector_load %arg17[%get3A_365, %get3A_366] {strides = array<i32>} : memref<8x128xf32, #tpu.memory_space<vmem>>, vector<1x16xf32>,
      %get3A_368 = vector.shape_cast %get3A_367 : vector<1x16xf32> to vector<16xf32>
      %get3A_369 = arith.constant 7 : i32
      %get3A_370 = arith.index_cast %get3A_369 : i32 to index
      %get3A_371 = arith.constant 112 : index
      %get3A_372 = tpu.vector_load %arg17[%get3A_370, %get3A_371] {strides = array<i32>} : memref<8x128xf32, #tpu.memory_space<vmem>>, vector<1x16xf32>,
      %get3A_373 = vector.shape_cast %get3A_372 : vector<1x16xf32> to vector<16xf32>
      %get3A_374 = arith.constant 0 : i32
      %get3A_375 = arith.index_cast %get3A_374 : i32 to index
      %get3A_376 = arith.constant 0 : index
      %get3A_377 = tpu.vector_load %arg18[%get3A_375, %get3A_376] {strides = array<i32>} : memref<8x128xf32, #tpu.memory_space<vmem>>, vector<1x16xf32>,
      %get3A_378 = vector.shape_cast %get3A_377 : vector<1x16xf32> to vector<16xf32>
      %get3A_379 = arith.constant 0 : i32
      %get3A_380 = arith.index_cast %get3A_379 : i32 to index
      %get3A_381 = arith.constant 16 : index
      %get3A_382 = tpu.vector_load %arg18[%get3A_380, %get3A_381] {strides = array<i32>} : memref<8x128xf32, #tpu.memory_space<vmem>>, vector<1x16xf32>,
      %get3A_383 = vector.shape_cast %get3A_382 : vector<1x16xf32> to vector<16xf32>
      %get3A_384 = arith.constant 0 : i32
      %get3A_385 = arith.index_cast %get3A_384 : i32 to index
      %get3A_386 = arith.constant 32 : index
      %get3A_387 = tpu.vector_load %arg18[%get3A_385, %get3A_386] {strides = array<i32>} : memref<8x128xf32, #tpu.memory_space<vmem>>, vector<1x16xf32>,
      %get3A_388 = vector.shape_cast %get3A_387 : vector<1x16xf32> to vector<16xf32>
      %get3A_389 = arith.constant 0 : i32
      %get3A_390 = arith.index_cast %get3A_389 : i32 to index
      %get3A_391 = arith.constant 48 : index
      %get3A_392 = tpu.vector_load %arg18[%get3A_390, %get3A_391] {strides = array<i32>} : memref<8x128xf32, #tpu.memory_space<vmem>>, vector<1x16xf32>,
      %get3A_393 = vector.shape_cast %get3A_392 : vector<1x16xf32> to vector<16xf32>
      %get3A_394 = arith.constant 0 : i32
      %get3A_395 = arith.index_cast %get3A_394 : i32 to index
      %get3A_396 = arith.constant 64 : index
      %get3A_397 = tpu.vector_load %arg18[%get3A_395, %get3A_396] {strides = array<i32>} : memref<8x128xf32, #tpu.memory_space<vmem>>, vector<1x16xf32>,
      %get3A_398 = vector.shape_cast %get3A_397 : vector<1x16xf32> to vector<16xf32>
      %get3A_399 = arith.constant 0 : i32
      %get3A_400 = arith.index_cast %get3A_399 : i32 to index
      %get3A_401 = arith.constant 80 : index
      %get3A_402 = tpu.vector_load %arg18[%get3A_400, %get3A_401] {strides = array<i32>} : memref<8x128xf32, #tpu.memory_space<vmem>>, vector<1x16xf32>,
      %get3A_403 = vector.shape_cast %get3A_402 : vector<1x16xf32> to vector<16xf32>
      %get3A_404 = arith.constant 0 : i32
      %get3A_405 = arith.index_cast %get3A_404 : i32 to index
      %get3A_406 = arith.constant 96 : index
      %get3A_407 = tpu.vector_load %arg18[%get3A_405, %get3A_406] {strides = array<i32>} : memref<8x128xf32, #tpu.memory_space<vmem>>, vector<1x16xf32>,
      %get3A_408 = vector.shape_cast %get3A_407 : vector<1x16xf32> to vector<16xf32>
      %get3A_409 = arith.constant 0 : i32
      %get3A_410 = arith.index_cast %get3A_409 : i32 to index
      %get3A_411 = arith.constant 112 : index
      %get3A_412 = tpu.vector_load %arg18[%get3A_410, %get3A_411] {strides = array<i32>} : memref<8x128xf32, #tpu.memory_space<vmem>>, vector<1x16xf32>,
      %get3A_413 = vector.shape_cast %get3A_412 : vector<1x16xf32> to vector<16xf32>
      %get3A_414 = arith.constant 1 : i32
      %get3A_415 = arith.index_cast %get3A_414 : i32 to index
      %get3A_416 = arith.constant 0 : index
      %get3A_417 = tpu.vector_load %arg18[%get3A_415, %get3A_416] {strides = array<i32>} : memref<8x128xf32, #tpu.memory_space<vmem>>, vector<1x16xf32>,
      %get3A_418 = vector.shape_cast %get3A_417 : vector<1x16xf32> to vector<16xf32>
      %get3A_419 = arith.constant 1 : i32
      %get3A_420 = arith.index_cast %get3A_419 : i32 to index
      %get3A_421 = arith.constant 16 : index
      %get3A_422 = tpu.vector_load %arg18[%get3A_420, %get3A_421] {strides = array<i32>} : memref<8x128xf32, #tpu.memory_space<vmem>>, vector<1x16xf32>,
      %get3A_423 = vector.shape_cast %get3A_422 : vector<1x16xf32> to vector<16xf32>
      %get3A_424 = arith.constant 1 : i32
      %get3A_425 = arith.index_cast %get3A_424 : i32 to index
      %get3A_426 = arith.constant 32 : index
      %get3A_427 = tpu.vector_load %arg18[%get3A_425, %get3A_426] {strides = array<i32>} : memref<8x128xf32, #tpu.memory_space<vmem>>, vector<1x16xf32>,
      %get3A_428 = vector.shape_cast %get3A_427 : vector<1x16xf32> to vector<16xf32>
      %get3A_429 = arith.constant 1 : i32
      %get3A_430 = arith.index_cast %get3A_429 : i32 to index
      %get3A_431 = arith.constant 48 : index
      %get3A_432 = tpu.vector_load %arg18[%get3A_430, %get3A_431] {strides = array<i32>} : memref<8x128xf32, #tpu.memory_space<vmem>>, vector<1x16xf32>,
      %get3A_433 = vector.shape_cast %get3A_432 : vector<1x16xf32> to vector<16xf32>
      %get3A_434 = arith.constant 1 : i32
      %get3A_435 = arith.index_cast %get3A_434 : i32 to index
      %get3A_436 = arith.constant 64 : index
      %get3A_437 = tpu.vector_load %arg18[%get3A_435, %get3A_436] {strides = array<i32>} : memref<8x128xf32, #tpu.memory_space<vmem>>, vector<1x16xf32>,
      %get3A_438 = vector.shape_cast %get3A_437 : vector<1x16xf32> to vector<16xf32>
      %get3A_439 = arith.constant 1 : i32
      %get3A_440 = arith.index_cast %get3A_439 : i32 to index
      %get3A_441 = arith.constant 80 : index
      %get3A_442 = tpu.vector_load %arg18[%get3A_440, %get3A_441] {strides = array<i32>} : memref<8x128xf32, #tpu.memory_space<vmem>>, vector<1x16xf32>,
      %get3A_443 = vector.shape_cast %get3A_442 : vector<1x16xf32> to vector<16xf32>
      %get3A_444 = arith.constant 1 : i32
      %get3A_445 = arith.index_cast %get3A_444 : i32 to index
      %get3A_446 = arith.constant 96 : index
      %get3A_447 = tpu.vector_load %arg18[%get3A_445, %get3A_446] {strides = array<i32>} : memref<8x128xf32, #tpu.memory_space<vmem>>, vector<1x16xf32>,
      %get3A_448 = vector.shape_cast %get3A_447 : vector<1x16xf32> to vector<16xf32>
      %get3A_449 = arith.constant 1 : i32
      %get3A_450 = arith.index_cast %get3A_449 : i32 to index
      %get3A_451 = arith.constant 112 : index
      %get3A_452 = tpu.vector_load %arg18[%get3A_450, %get3A_451] {strides = array<i32>} : memref<8x128xf32, #tpu.memory_space<vmem>>, vector<1x16xf32>,
      %get3A_453 = vector.shape_cast %get3A_452 : vector<1x16xf32> to vector<16xf32>
      %get3A_454 = arith.constant 2 : i32
      %get3A_455 = arith.index_cast %get3A_454 : i32 to index
      %get3A_456 = arith.constant 0 : index
      %get3A_457 = tpu.vector_load %arg18[%get3A_455, %get3A_456] {strides = array<i32>} : memref<8x128xf32, #tpu.memory_space<vmem>>, vector<1x16xf32>,
      %get3A_458 = vector.shape_cast %get3A_457 : vector<1x16xf32> to vector<16xf32>
      %get3A_459 = arith.constant 2 : i32
      %get3A_460 = arith.index_cast %get3A_459 : i32 to index
      %get3A_461 = arith.constant 16 : index
      %get3A_462 = tpu.vector_load %arg18[%get3A_460, %get3A_461] {strides = array<i32>} : memref<8x128xf32, #tpu.memory_space<vmem>>, vector<1x16xf32>,
      %get3A_463 = vector.shape_cast %get3A_462 : vector<1x16xf32> to vector<16xf32>
      %get3A_464 = arith.constant 2 : i32
      %get3A_465 = arith.index_cast %get3A_464 : i32 to index
      %get3A_466 = arith.constant 32 : index
      %get3A_467 = tpu.vector_load %arg18[%get3A_465, %get3A_466] {strides = array<i32>} : memref<8x128xf32, #tpu.memory_space<vmem>>, vector<1x16xf32>,
      %get3A_468 = vector.shape_cast %get3A_467 : vector<1x16xf32> to vector<16xf32>
      %get3A_469 = arith.constant 2 : i32
      %get3A_470 = arith.index_cast %get3A_469 : i32 to index
      %get3A_471 = arith.constant 48 : index
      %get3A_472 = tpu.vector_load %arg18[%get3A_470, %get3A_471] {strides = array<i32>} : memref<8x128xf32, #tpu.memory_space<vmem>>, vector<1x16xf32>,
      %get3A_473 = vector.shape_cast %get3A_472 : vector<1x16xf32> to vector<16xf32>
      %get3A_474 = arith.constant 2 : i32
      %get3A_475 = arith.index_cast %get3A_474 : i32 to index
      %get3A_476 = arith.constant 64 : index
      %get3A_477 = tpu.vector_load %arg18[%get3A_475, %get3A_476] {strides = array<i32>} : memref<8x128xf32, #tpu.memory_space<vmem>>, vector<1x16xf32>,
      %get3A_478 = vector.shape_cast %get3A_477 : vector<1x16xf32> to vector<16xf32>
      %get3A_479 = arith.constant 2 : i32
      %get3A_480 = arith.index_cast %get3A_479 : i32 to index
      %get3A_481 = arith.constant 80 : index
      %get3A_482 = tpu.vector_load %arg18[%get3A_480, %get3A_481] {strides = array<i32>} : memref<8x128xf32, #tpu.memory_space<vmem>>, vector<1x16xf32>,
      %get3A_483 = vector.shape_cast %get3A_482 : vector<1x16xf32> to vector<16xf32>
      %get3A_484 = arith.constant 2 : i32
      %get3A_485 = arith.index_cast %get3A_484 : i32 to index
      %get3A_486 = arith.constant 96 : index
      %get3A_487 = tpu.vector_load %arg18[%get3A_485, %get3A_486] {strides = array<i32>} : memref<8x128xf32, #tpu.memory_space<vmem>>, vector<1x16xf32>,
      %get3A_488 = vector.shape_cast %get3A_487 : vector<1x16xf32> to vector<16xf32>
      %get3A_489 = arith.constant 2 : i32
      %get3A_490 = arith.index_cast %get3A_489 : i32 to index
      %get3A_491 = arith.constant 112 : index
      %get3A_492 = tpu.vector_load %arg18[%get3A_490, %get3A_491] {strides = array<i32>} : memref<8x128xf32, #tpu.memory_space<vmem>>, vector<1x16xf32>,
      %get3A_493 = vector.shape_cast %get3A_492 : vector<1x16xf32> to vector<16xf32>
      %get3A_494 = arith.constant 3 : i32
      %get3A_495 = arith.index_cast %get3A_494 : i32 to index
      %get3A_496 = arith.constant 0 : index
      %get3A_497 = tpu.vector_load %arg18[%get3A_495, %get3A_496] {strides = array<i32>} : memref<8x128xf32, #tpu.memory_space<vmem>>, vector<1x16xf32>,
      %get3A_498 = vector.shape_cast %get3A_497 : vector<1x16xf32> to vector<16xf32>
      %get3A_499 = arith.constant 3 : i32
      %get3A_500 = arith.index_cast %get3A_499 : i32 to index
      %get3A_501 = arith.constant 16 : index
      %get3A_502 = tpu.vector_load %arg18[%get3A_500, %get3A_501] {strides = array<i32>} : memref<8x128xf32, #tpu.memory_space<vmem>>, vector<1x16xf32>,
      %get3A_503 = vector.shape_cast %get3A_502 : vector<1x16xf32> to vector<16xf32>
      %get3A_504 = arith.constant 3 : i32
      %get3A_505 = arith.index_cast %get3A_504 : i32 to index
      %get3A_506 = arith.constant 32 : index
      %get3A_507 = tpu.vector_load %arg18[%get3A_505, %get3A_506] {strides = array<i32>} : memref<8x128xf32, #tpu.memory_space<vmem>>, vector<1x16xf32>,
      %get3A_508 = vector.shape_cast %get3A_507 : vector<1x16xf32> to vector<16xf32>
      %get3A_509 = arith.constant 3 : i32
      %get3A_510 = arith.index_cast %get3A_509 : i32 to index
      %get3A_511 = arith.constant 48 : index
      %get3A_512 = tpu.vector_load %arg18[%get3A_510, %get3A_511] {strides = array<i32>} : memref<8x128xf32, #tpu.memory_space<vmem>>, vector<1x16xf32>,
      %get3A_513 = vector.shape_cast %get3A_512 : vector<1x16xf32> to vector<16xf32>
      %get3A_514 = arith.constant 3 : i32
      %get3A_515 = arith.index_cast %get3A_514 : i32 to index
      %get3A_516 = arith.constant 64 : index
      %get3A_517 = tpu.vector_load %arg18[%get3A_515, %get3A_516] {strides = array<i32>} : memref<8x128xf32, #tpu.memory_space<vmem>>, vector<1x16xf32>,
      %get3A_518 = vector.shape_cast %get3A_517 : vector<1x16xf32> to vector<16xf32>
      %get3A_519 = arith.constant 3 : i32
      %get3A_520 = arith.index_cast %get3A_519 : i32 to index
      %get3A_521 = arith.constant 80 : index
      %get3A_522 = tpu.vector_load %arg18[%get3A_520, %get3A_521] {strides = array<i32>} : memref<8x128xf32, #tpu.memory_space<vmem>>, vector<1x16xf32>,
      %get3A_523 = vector.shape_cast %get3A_522 : vector<1x16xf32> to vector<16xf32>
      %get3A_524 = arith.constant 3 : i32
      %get3A_525 = arith.index_cast %get3A_524 : i32 to index
      %get3A_526 = arith.constant 96 : index
      %get3A_527 = tpu.vector_load %arg18[%get3A_525, %get3A_526] {strides = array<i32>} : memref<8x128xf32, #tpu.memory_space<vmem>>, vector<1x16xf32>,
      %get3A_528 = vector.shape_cast %get3A_527 : vector<1x16xf32> to vector<16xf32>
      %get3A_529 = arith.constant 3 : i32
      %get3A_530 = arith.index_cast %get3A_529 : i32 to index
      %get3A_531 = arith.constant 112 : index
      %get3A_532 = tpu.vector_load %arg18[%get3A_530, %get3A_531] {strides = array<i32>} : memref<8x128xf32, #tpu.memory_space<vmem>>, vector<1x16xf32>,
      %get3A_533 = vector.shape_cast %get3A_532 : vector<1x16xf32> to vector<16xf32>
      %get3A_534 = arith.constant 4 : i32
      %get3A_535 = arith.index_cast %get3A_534 : i32 to index
      %get3A_536 = arith.constant 0 : index
      %get3A_537 = tpu.vector_load %arg18[%get3A_535, %get3A_536] {strides = array<i32>} : memref<8x128xf32, #tpu.memory_space<vmem>>, vector<1x16xf32>,
      %get3A_538 = vector.shape_cast %get3A_537 : vector<1x16xf32> to vector<16xf32>
      %get3A_539 = arith.constant 4 : i32
      %get3A_540 = arith.index_cast %get3A_539 : i32 to index
      %get3A_541 = arith.constant 16 : index
      %get3A_542 = tpu.vector_load %arg18[%get3A_540, %get3A_541] {strides = array<i32>} : memref<8x128xf32, #tpu.memory_space<vmem>>, vector<1x16xf32>,
      %get3A_543 = vector.shape_cast %get3A_542 : vector<1x16xf32> to vector<16xf32>
      %get3A_544 = arith.constant 4 : i32
      %get3A_545 = arith.index_cast %get3A_544 : i32 to index
      %get3A_546 = arith.constant 32 : index
      %get3A_547 = tpu.vector_load %arg18[%get3A_545, %get3A_546] {strides = array<i32>} : memref<8x128xf32, #tpu.memory_space<vmem>>, vector<1x16xf32>,
      %get3A_548 = vector.shape_cast %get3A_547 : vector<1x16xf32> to vector<16xf32>
      %get3A_549 = arith.constant 4 : i32
      %get3A_550 = arith.index_cast %get3A_549 : i32 to index
      %get3A_551 = arith.constant 48 : index
      %get3A_552 = tpu.vector_load %arg18[%get3A_550, %get3A_551] {strides = array<i32>} : memref<8x128xf32, #tpu.memory_space<vmem>>, vector<1x16xf32>,
      %get3A_553 = vector.shape_cast %get3A_552 : vector<1x16xf32> to vector<16xf32>
      %get3A_554 = arith.constant 4 : i32
      %get3A_555 = arith.index_cast %get3A_554 : i32 to index
      %get3A_556 = arith.constant 64 : index
      %get3A_557 = tpu.vector_load %arg18[%get3A_555, %get3A_556] {strides = array<i32>} : memref<8x128xf32, #tpu.memory_space<vmem>>, vector<1x16xf32>,
      %get3A_558 = vector.shape_cast %get3A_557 : vector<1x16xf32> to vector<16xf32>
      %get3A_559 = arith.constant 4 : i32
      %get3A_560 = arith.index_cast %get3A_559 : i32 to index
      %get3A_561 = arith.constant 80 : index
      %get3A_562 = tpu.vector_load %arg18[%get3A_560, %get3A_561] {strides = array<i32>} : memref<8x128xf32, #tpu.memory_space<vmem>>, vector<1x16xf32>,
      %get3A_563 = vector.shape_cast %get3A_562 : vector<1x16xf32> to vector<16xf32>
      %get3A_564 = arith.constant 4 : i32
      %get3A_565 = arith.index_cast %get3A_564 : i32 to index
      %get3A_566 = arith.constant 96 : index
      %get3A_567 = tpu.vector_load %arg18[%get3A_565, %get3A_566] {strides = array<i32>} : memref<8x128xf32, #tpu.memory_space<vmem>>, vector<1x16xf32>,
      %get3A_568 = vector.shape_cast %get3A_567 : vector<1x16xf32> to vector<16xf32>
      %get3A_569 = arith.constant 4 : i32
      %get3A_570 = arith.index_cast %get3A_569 : i32 to index
      %get3A_571 = arith.constant 112 : index
      %get3A_572 = tpu.vector_load %arg18[%get3A_570, %get3A_571] {strides = array<i32>} : memref<8x128xf32, #tpu.memory_space<vmem>>, vector<1x16xf32>,
      %get3A_573 = vector.shape_cast %get3A_572 : vector<1x16xf32> to vector<16xf32>
      %get3A_574 = arith.constant 5 : i32
      %get3A_575 = arith.index_cast %get3A_574 : i32 to index
      %get3A_576 = arith.constant 0 : index
      %get3A_577 = tpu.vector_load %arg18[%get3A_575, %get3A_576] {strides = array<i32>} : memref<8x128xf32, #tpu.memory_space<vmem>>, vector<1x16xf32>,
      %get3A_578 = vector.shape_cast %get3A_577 : vector<1x16xf32> to vector<16xf32>
      %get3A_579 = arith.constant 5 : i32
      %get3A_580 = arith.index_cast %get3A_579 : i32 to index
      %get3A_581 = arith.constant 16 : index
      %get3A_582 = tpu.vector_load %arg18[%get3A_580, %get3A_581] {strides = array<i32>} : memref<8x128xf32, #tpu.memory_space<vmem>>, vector<1x16xf32>,
      %get3A_583 = vector.shape_cast %get3A_582 : vector<1x16xf32> to vector<16xf32>
      %get3A_584 = arith.constant 5 : i32
      %get3A_585 = arith.index_cast %get3A_584 : i32 to index
      %get3A_586 = arith.constant 32 : index
      %get3A_587 = tpu.vector_load %arg18[%get3A_585, %get3A_586] {strides = array<i32>} : memref<8x128xf32, #tpu.memory_space<vmem>>, vector<1x16xf32>,
      %get3A_588 = vector.shape_cast %get3A_587 : vector<1x16xf32> to vector<16xf32>
      %get3A_589 = arith.constant 5 : i32
      %get3A_590 = arith.index_cast %get3A_589 : i32 to index
      %get3A_591 = arith.constant 48 : index
      %get3A_592 = tpu.vector_load %arg18[%get3A_590, %get3A_591] {strides = array<i32>} : memref<8x128xf32, #tpu.memory_space<vmem>>, vector<1x16xf32>,
      %get3A_593 = vector.shape_cast %get3A_592 : vector<1x16xf32> to vector<16xf32>
      %get3A_594 = arith.constant 5 : i32
      %get3A_595 = arith.index_cast %get3A_594 : i32 to index
      %get3A_596 = arith.constant 64 : index
      %get3A_597 = tpu.vector_load %arg18[%get3A_595, %get3A_596] {strides = array<i32>} : memref<8x128xf32, #tpu.memory_space<vmem>>, vector<1x16xf32>,
      %get3A_598 = vector.shape_cast %get3A_597 : vector<1x16xf32> to vector<16xf32>
      %get3A_599 = arith.constant 5 : i32
      %get3A_600 = arith.index_cast %get3A_599 : i32 to index
      %get3A_601 = arith.constant 80 : index
      %get3A_602 = tpu.vector_load %arg18[%get3A_600, %get3A_601] {strides = array<i32>} : memref<8x128xf32, #tpu.memory_space<vmem>>, vector<1x16xf32>,
      %get3A_603 = vector.shape_cast %get3A_602 : vector<1x16xf32> to vector<16xf32>
      %get3A_604 = arith.constant 5 : i32
      %get3A_605 = arith.index_cast %get3A_604 : i32 to index
      %get3A_606 = arith.constant 96 : index
      %get3A_607 = tpu.vector_load %arg18[%get3A_605, %get3A_606] {strides = array<i32>} : memref<8x128xf32, #tpu.memory_space<vmem>>, vector<1x16xf32>,
      %get3A_608 = vector.shape_cast %get3A_607 : vector<1x16xf32> to vector<16xf32>
      %get3A_609 = arith.constant 5 : i32
      %get3A_610 = arith.index_cast %get3A_609 : i32 to index
      %get3A_611 = arith.constant 112 : index
      %get3A_612 = tpu.vector_load %arg18[%get3A_610, %get3A_611] {strides = array<i32>} : memref<8x128xf32, #tpu.memory_space<vmem>>, vector<1x16xf32>,
      %get3A_613 = vector.shape_cast %get3A_612 : vector<1x16xf32> to vector<16xf32>
      %get3A_614 = arith.constant 6 : i32
      %get3A_615 = arith.index_cast %get3A_614 : i32 to index
      %get3A_616 = arith.constant 0 : index
      %get3A_617 = tpu.vector_load %arg18[%get3A_615, %get3A_616] {strides = array<i32>} : memref<8x128xf32, #tpu.memory_space<vmem>>, vector<1x16xf32>,
      %get3A_618 = vector.shape_cast %get3A_617 : vector<1x16xf32> to vector<16xf32>
      %get3A_619 = arith.constant 6 : i32
      %get3A_620 = arith.index_cast %get3A_619 : i32 to index
      %get3A_621 = arith.constant 16 : index
      %get3A_622 = tpu.vector_load %arg18[%get3A_620, %get3A_621] {strides = array<i32>} : memref<8x128xf32, #tpu.memory_space<vmem>>, vector<1x16xf32>,
      %get3A_623 = vector.shape_cast %get3A_622 : vector<1x16xf32> to vector<16xf32>
      %get3A_624 = arith.constant 6 : i32
      %get3A_625 = arith.index_cast %get3A_624 : i32 to index
      %get3A_626 = arith.constant 32 : index
      %get3A_627 = tpu.vector_load %arg18[%get3A_625, %get3A_626] {strides = array<i32>} : memref<8x128xf32, #tpu.memory_space<vmem>>, vector<1x16xf32>,
      %get3A_628 = vector.shape_cast %get3A_627 : vector<1x16xf32> to vector<16xf32>
      %get3A_629 = arith.constant 6 : i32
      %get3A_630 = arith.index_cast %get3A_629 : i32 to index
      %get3A_631 = arith.constant 48 : index
      %get3A_632 = tpu.vector_load %arg18[%get3A_630, %get3A_631] {strides = array<i32>} : memref<8x128xf32, #tpu.memory_space<vmem>>, vector<1x16xf32>,
      %get3A_633 = vector.shape_cast %get3A_632 : vector<1x16xf32> to vector<16xf32>
      %get3A_634 = arith.constant 6 : i32
      %get3A_635 = arith.index_cast %get3A_634 : i32 to index
      %get3A_636 = arith.constant 64 : index
      %get3A_637 = tpu.vector_load %arg18[%get3A_635, %get3A_636] {strides = array<i32>} : memref<8x128xf32, #tpu.memory_space<vmem>>, vector<1x16xf32>,
      %get3A_638 = vector.shape_cast %get3A_637 : vector<1x16xf32> to vector<16xf32>
      %get3A_639 = arith.constant 6 : i32
      %get3A_640 = arith.index_cast %get3A_639 : i32 to index
      %get3A_641 = arith.constant 80 : index
      %get3A_642 = tpu.vector_load %arg18[%get3A_640, %get3A_641] {strides = array<i32>} : memref<8x128xf32, #tpu.memory_space<vmem>>, vector<1x16xf32>,
      %get3A_643 = vector.shape_cast %get3A_642 : vector<1x16xf32> to vector<16xf32>
      %get3A_644 = arith.constant 6 : i32
      %get3A_645 = arith.index_cast %get3A_644 : i32 to index
      %get3A_646 = arith.constant 96 : index
      %get3A_647 = tpu.vector_load %arg18[%get3A_645, %get3A_646] {strides = array<i32>} : memref<8x128xf32, #tpu.memory_space<vmem>>, vector<1x16xf32>,
      %get3A_648 = vector.shape_cast %get3A_647 : vector<1x16xf32> to vector<16xf32>
      %get3A_649 = arith.constant 6 : i32
      %get3A_650 = arith.index_cast %get3A_649 : i32 to index
      %get3A_651 = arith.constant 112 : index
      %get3A_652 = tpu.vector_load %arg18[%get3A_650, %get3A_651] {strides = array<i32>} : memref<8x128xf32, #tpu.memory_space<vmem>>, vector<1x16xf32>,
      %get3A_653 = vector.shape_cast %get3A_652 : vector<1x16xf32> to vector<16xf32>
      %get3A_654 = arith.constant 7 : i32
      %get3A_655 = arith.index_cast %get3A_654 : i32 to index
      %get3A_656 = arith.constant 0 : index
      %get3A_657 = tpu.vector_load %arg18[%get3A_655, %get3A_656] {strides = array<i32>} : memref<8x128xf32, #tpu.memory_space<vmem>>, vector<1x16xf32>,
      %get3A_658 = vector.shape_cast %get3A_657 : vector<1x16xf32> to vector<16xf32>
      %get3A_659 = arith.constant 7 : i32
      %get3A_660 = arith.index_cast %get3A_659 : i32 to index
      %get3A_661 = arith.constant 16 : index
      %get3A_662 = tpu.vector_load %arg18[%get3A_660, %get3A_661] {strides = array<i32>} : memref<8x128xf32, #tpu.memory_space<vmem>>, vector<1x16xf32>,
      %get3A_663 = vector.shape_cast %get3A_662 : vector<1x16xf32> to vector<16xf32>
      %get3A_664 = arith.constant 7 : i32
      %get3A_665 = arith.index_cast %get3A_664 : i32 to index
      %get3A_666 = arith.constant 32 : index
      %get3A_667 = tpu.vector_load %arg18[%get3A_665, %get3A_666] {strides = array<i32>} : memref<8x128xf32, #tpu.memory_space<vmem>>, vector<1x16xf32>,
      %get3A_668 = vector.shape_cast %get3A_667 : vector<1x16xf32> to vector<16xf32>
      %get3A_669 = arith.constant 7 : i32
      %get3A_670 = arith.index_cast %get3A_669 : i32 to index
      %get3A_671 = arith.constant 48 : index
      %get3A_672 = tpu.vector_load %arg18[%get3A_670, %get3A_671] {strides = array<i32>} : memref<8x128xf32, #tpu.memory_space<vmem>>, vector<1x16xf32>,
      %get3A_673 = vector.shape_cast %get3A_672 : vector<1x16xf32> to vector<16xf32>
      %get3A_674 = arith.constant 7 : i32
      %get3A_675 = arith.index_cast %get3A_674 : i32 to index
      %get3A_676 = arith.constant 64 : index
      %get3A_677 = tpu.vector_load %arg18[%get3A_675, %get3A_676] {strides = array<i32>} : memref<8x128xf32, #tpu.memory_space<vmem>>, vector<1x16xf32>,
      %get3A_678 = vector.shape_cast %get3A_677 : vector<1x16xf32> to vector<16xf32>
      %get3A_679 = arith.constant 7 : i32
      %get3A_680 = arith.index_cast %get3A_679 : i32 to index
      %get3A_681 = arith.constant 80 : index
      %get3A_682 = tpu.vector_load %arg18[%get3A_680, %get3A_681] {strides = array<i32>} : memref<8x128xf32, #tpu.memory_space<vmem>>, vector<1x16xf32>,
      %get3A_683 = vector.shape_cast %get3A_682 : vector<1x16xf32> to vector<16xf32>
      %get3A_684 = arith.constant 7 : i32
      %get3A_685 = arith.index_cast %get3A_684 : i32 to index
      %get3A_686 = arith.constant 96 : index
      %get3A_687 = tpu.vector_load %arg18[%get3A_685, %get3A_686] {strides = array<i32>} : memref<8x128xf32, #tpu.memory_space<vmem>>, vector<1x16xf32>,
      %get3A_688 = vector.shape_cast %get3A_687 : vector<1x16xf32> to vector<16xf32>
      %get3A_689 = arith.constant 7 : i32
      %get3A_690 = arith.index_cast %get3A_689 : i32 to index
      %get3A_691 = arith.constant 112 : index
      %get3A_692 = tpu.vector_load %arg18[%get3A_690, %get3A_691] {strides = array<i32>} : memref<8x128xf32, #tpu.memory_space<vmem>>, vector<1x16xf32>,
      %get3A_693 = vector.shape_cast %get3A_692 : vector<1x16xf32> to vector<16xf32>
      %parallel_loop3A = arith.constant 0 : i32
      %parallel_loop3A_694 = arith.constant 8 : i32
      %parallel_loop3A_695 = arith.constant 1 : i32
      scf.for %parallel_loop3A_715 = %parallel_loop3A to %parallel_loop3A_694 step %parallel_loop3A_695  : i32 {
        %parallel_loop3A_716 = arith.constant 128 : i32
        %parallel_loop3A_717 = arith.muli %scan3A_42, %parallel_loop3A_716 : i32
        %parallel_loop3A_718 = arith.constant 16 : i32
        %parallel_loop3A_719 = arith.muli %parallel_loop3A_715, %parallel_loop3A_718 : i32
        %parallel_loop3A_720 = arith.addi %parallel_loop3A_717, %parallel_loop3A_719 : i32
        %parallel_loop3A_721 = arith.index_cast %parallel_loop3A_720 : i32 to index
        %parallel_loop3A_722 = tpu.vector_load %arg16[%parallel_loop3A_721] {strides = array<i32>} : memref<8192xi32, #tpu.memory_space<vmem>>, vector<16xi32>,
        %parallel_loop3A_723 = vector.shape_cast %parallel_loop3A_722 : vector<16xi32> to vector<16xi32>
        %parallel_loop3A_724 = arith.constant 128 : i32
        %parallel_loop3A_725 = arith.muli %scan3A_42, %parallel_loop3A_724 : i32
        %parallel_loop3A_726 = arith.constant 16 : i32
        %parallel_loop3A_727 = arith.muli %parallel_loop3A_715, %parallel_loop3A_726 : i32
        %parallel_loop3A_728 = arith.addi %parallel_loop3A_725, %parallel_loop3A_727 : i32
        %parallel_loop3A_729 = arith.index_cast %parallel_loop3A_728 : i32 to index
        %parallel_loop3A_730 = tpu.vector_load %arg15[%parallel_loop3A_729] {strides = array<i32>} : memref<8192xf32, #tpu.memory_space<vmem>>, vector<16xf32>,
        %parallel_loop3A_731 = vector.shape_cast %parallel_loop3A_730 : vector<16xf32> to vector<16xf32>
        %parallel_loop3A_732 = vector.extract_strided_slice %parallel_loop3A_731 {offsets = [0], sizes = [1], strides = [1]} : vector<16xf32> to vector<1xf32>
        %parallel_loop3A_733 = vector.extract %parallel_loop3A_732[0] : f32 from vector<1xf32>
        %parallel_loop3A_734 = vector.broadcast %parallel_loop3A_733 : f32 to vector<16xf32>
        %parallel_loop3A_735 = arith.mulf %parallel_loop3A_734, %get3A_58 : vector<16xf32>
        %parallel_loop3A_736 = arith.addf %parallel_loop3A_735, %get3A_378 : vector<16xf32>
        %parallel_loop3A_737 = arith.constant 0 : i32
        %parallel_loop3A_738 = arith.constant 0 : i32
        %parallel_loop3A_739 = arith.constant 0 : i32
        %parallel_loop3A_740 = arith.constant 0 : i32
        %parallel_loop3A_741 = tpu.memref_slice %arg14[%select_n3A_52, %parallel_loop3A_738, %parallel_loop3A_739, %parallel_loop3A_740] : memref<2x8x20x128xf32, #tpu.memory_space<vmem>> -> memref<1x8x20x128xf32, #tpu.memory_space<vmem>>
        %parallel_loop3A_742 = tpu.memref_squeeze %parallel_loop3A_741 : memref<1x8x20x128xf32, #tpu.memory_space<vmem>> -> memref<8x20x128xf32, #tpu.memory_space<vmem>>
        %parallel_loop3A_743 = arith.index_cast %parallel_loop3A_715 : i32 to index
        %parallel_loop3A_744 = arith.index_cast %parallel_loop3A_737 : i32 to index
        %parallel_loop3A_745 = arith.constant 0 : index
        %parallel_loop3A_746 = tpu.vector_load %parallel_loop3A_742[%parallel_loop3A_743, %parallel_loop3A_744, %parallel_loop3A_745] {strides = array<i32>} : memref<8x20x128xf32, #tpu.memory_space<vmem>>, vector<1x1x16xf32>,
        %parallel_loop3A_747 = vector.shape_cast %parallel_loop3A_746 : vector<1x1x16xf32> to vector<16xf32>
        %parallel_loop3A_748 = vector.shape_cast %parallel_loop3A_736 : vector<16xf32> to vector<1x1x16xf32>
        tpu.vector_store %parallel_loop3A_742[%parallel_loop3A_743, %parallel_loop3A_744, %parallel_loop3A_745], %parallel_loop3A_748 {strides = array<i32>} : memref<8x20x128xf32, #tpu.memory_space<vmem>>, vector<1x1x16xf32>,
        %parallel_loop3A_749 = arith.mulf %parallel_loop3A_734, %get3A_63 : vector<16xf32>
        %parallel_loop3A_750 = arith.addf %parallel_loop3A_749, %get3A_383 : vector<16xf32>
        %parallel_loop3A_751 = arith.constant 0 : i32
        %parallel_loop3A_752 = arith.constant 0 : i32
        %parallel_loop3A_753 = arith.constant 0 : i32
        %parallel_loop3A_754 = arith.constant 0 : i32
        %parallel_loop3A_755 = tpu.memref_slice %arg14[%select_n3A_52, %parallel_loop3A_752, %parallel_loop3A_753, %parallel_loop3A_754] : memref<2x8x20x128xf32, #tpu.memory_space<vmem>> -> memref<1x8x20x128xf32, #tpu.memory_space<vmem>>
        %parallel_loop3A_756 = tpu.memref_squeeze %parallel_loop3A_755 : memref<1x8x20x128xf32, #tpu.memory_space<vmem>> -> memref<8x20x128xf32, #tpu.memory_space<vmem>>
        %parallel_loop3A_757 = arith.index_cast %parallel_loop3A_715 : i32 to index
        %parallel_loop3A_758 = arith.index_cast %parallel_loop3A_751 : i32 to index
        %parallel_loop3A_759 = arith.constant 16 : index
        %parallel_loop3A_760 = tpu.vector_load %parallel_loop3A_756[%parallel_loop3A_757, %parallel_loop3A_758, %parallel_loop3A_759] {strides = array<i32>} : memref<8x20x128xf32, #tpu.memory_space<vmem>>, vector<1x1x16xf32>,
        %parallel_loop3A_761 = vector.shape_cast %parallel_loop3A_760 : vector<1x1x16xf32> to vector<16xf32>
        %parallel_loop3A_762 = vector.shape_cast %parallel_loop3A_750 : vector<16xf32> to vector<1x1x16xf32>
        tpu.vector_store %parallel_loop3A_756[%parallel_loop3A_757, %parallel_loop3A_758, %parallel_loop3A_759], %parallel_loop3A_762 {strides = array<i32>} : memref<8x20x128xf32, #tpu.memory_space<vmem>>, vector<1x1x16xf32>,
        %parallel_loop3A_763 = arith.mulf %parallel_loop3A_734, %get3A_68 : vector<16xf32>
        %parallel_loop3A_764 = arith.addf %parallel_loop3A_763, %get3A_388 : vector<16xf32>
        %parallel_loop3A_765 = arith.constant 0 : i32
        %parallel_loop3A_766 = arith.constant 0 : i32
        %parallel_loop3A_767 = arith.constant 0 : i32
        %parallel_loop3A_768 = arith.constant 0 : i32
        %parallel_loop3A_769 = tpu.memref_slice %arg14[%select_n3A_52, %parallel_loop3A_766, %parallel_loop3A_767, %parallel_loop3A_768] : memref<2x8x20x128xf32, #tpu.memory_space<vmem>> -> memref<1x8x20x128xf32, #tpu.memory_space<vmem>>
        %parallel_loop3A_770 = tpu.memref_squeeze %parallel_loop3A_769 : memref<1x8x20x128xf32, #tpu.memory_space<vmem>> -> memref<8x20x128xf32, #tpu.memory_space<vmem>>
        %parallel_loop3A_771 = arith.index_cast %parallel_loop3A_715 : i32 to index
        %parallel_loop3A_772 = arith.index_cast %parallel_loop3A_765 : i32 to index
        %parallel_loop3A_773 = arith.constant 32 : index
        %parallel_loop3A_774 = tpu.vector_load %parallel_loop3A_770[%parallel_loop3A_771, %parallel_loop3A_772, %parallel_loop3A_773] {strides = array<i32>} : memref<8x20x128xf32, #tpu.memory_space<vmem>>, vector<1x1x16xf32>,
        %parallel_loop3A_775 = vector.shape_cast %parallel_loop3A_774 : vector<1x1x16xf32> to vector<16xf32>
        %parallel_loop3A_776 = vector.shape_cast %parallel_loop3A_764 : vector<16xf32> to vector<1x1x16xf32>
        tpu.vector_store %parallel_loop3A_770[%parallel_loop3A_771, %parallel_loop3A_772, %parallel_loop3A_773], %parallel_loop3A_776 {strides = array<i32>} : memref<8x20x128xf32, #tpu.memory_space<vmem>>, vector<1x1x16xf32>,
        %parallel_loop3A_777 = arith.mulf %parallel_loop3A_734, %get3A_73 : vector<16xf32>
        %parallel_loop3A_778 = arith.addf %parallel_loop3A_777, %get3A_393 : vector<16xf32>
        %parallel_loop3A_779 = arith.constant 0 : i32
        %parallel_loop3A_780 = arith.constant 0 : i32
        %parallel_loop3A_781 = arith.constant 0 : i32
        %parallel_loop3A_782 = arith.constant 0 : i32
        %parallel_loop3A_783 = tpu.memref_slice %arg14[%select_n3A_52, %parallel_loop3A_780, %parallel_loop3A_781, %parallel_loop3A_782] : memref<2x8x20x128xf32, #tpu.memory_space<vmem>> -> memref<1x8x20x128xf32, #tpu.memory_space<vmem>>
        %parallel_loop3A_784 = tpu.memref_squeeze %parallel_loop3A_783 : memref<1x8x20x128xf32, #tpu.memory_space<vmem>> -> memref<8x20x128xf32, #tpu.memory_space<vmem>>
        %parallel_loop3A_785 = arith.index_cast %parallel_loop3A_715 : i32 to index
        %parallel_loop3A_786 = arith.index_cast %parallel_loop3A_779 : i32 to index
        %parallel_loop3A_787 = arith.constant 48 : index
        %parallel_loop3A_788 = tpu.vector_load %parallel_loop3A_784[%parallel_loop3A_785, %parallel_loop3A_786, %parallel_loop3A_787] {strides = array<i32>} : memref<8x20x128xf32, #tpu.memory_space<vmem>>, vector<1x1x16xf32>,
        %parallel_loop3A_789 = vector.shape_cast %parallel_loop3A_788 : vector<1x1x16xf32> to vector<16xf32>
        %parallel_loop3A_790 = vector.shape_cast %parallel_loop3A_778 : vector<16xf32> to vector<1x1x16xf32>
        tpu.vector_store %parallel_loop3A_784[%parallel_loop3A_785, %parallel_loop3A_786, %parallel_loop3A_787], %parallel_loop3A_790 {strides = array<i32>} : memref<8x20x128xf32, #tpu.memory_space<vmem>>, vector<1x1x16xf32>,
        %parallel_loop3A_791 = arith.mulf %parallel_loop3A_734, %get3A_78 : vector<16xf32>
        %parallel_loop3A_792 = arith.addf %parallel_loop3A_791, %get3A_398 : vector<16xf32>
        %parallel_loop3A_793 = arith.constant 0 : i32
        %parallel_loop3A_794 = arith.constant 0 : i32
        %parallel_loop3A_795 = arith.constant 0 : i32
        %parallel_loop3A_796 = arith.constant 0 : i32
        %parallel_loop3A_797 = tpu.memref_slice %arg14[%select_n3A_52, %parallel_loop3A_794, %parallel_loop3A_795, %parallel_loop3A_796] : memref<2x8x20x128xf32, #tpu.memory_space<vmem>> -> memref<1x8x20x128xf32, #tpu.memory_space<vmem>>
        %parallel_loop3A_798 = tpu.memref_squeeze %parallel_loop3A_797 : memref<1x8x20x128xf32, #tpu.memory_space<vmem>> -> memref<8x20x128xf32, #tpu.memory_space<vmem>>
        %parallel_loop3A_799 = arith.index_cast %parallel_loop3A_715 : i32 to index
        %parallel_loop3A_800 = arith.index_cast %parallel_loop3A_793 : i32 to index
        %parallel_loop3A_801 = arith.constant 64 : index
        %parallel_loop3A_802 = tpu.vector_load %parallel_loop3A_798[%parallel_loop3A_799, %parallel_loop3A_800, %parallel_loop3A_801] {strides = array<i32>} : memref<8x20x128xf32, #tpu.memory_space<vmem>>, vector<1x1x16xf32>,
        %parallel_loop3A_803 = vector.shape_cast %parallel_loop3A_802 : vector<1x1x16xf32> to vector<16xf32>
        %parallel_loop3A_804 = vector.shape_cast %parallel_loop3A_792 : vector<16xf32> to vector<1x1x16xf32>
        tpu.vector_store %parallel_loop3A_798[%parallel_loop3A_799, %parallel_loop3A_800, %parallel_loop3A_801], %parallel_loop3A_804 {strides = array<i32>} : memref<8x20x128xf32, #tpu.memory_space<vmem>>, vector<1x1x16xf32>,
        %parallel_loop3A_805 = arith.mulf %parallel_loop3A_734, %get3A_83 : vector<16xf32>
        %parallel_loop3A_806 = arith.addf %parallel_loop3A_805, %get3A_403 : vector<16xf32>
        %parallel_loop3A_807 = arith.constant 0 : i32
        %parallel_loop3A_808 = arith.constant 0 : i32
        %parallel_loop3A_809 = arith.constant 0 : i32
        %parallel_loop3A_810 = arith.constant 0 : i32
        %parallel_loop3A_811 = tpu.memref_slice %arg14[%select_n3A_52, %parallel_loop3A_808, %parallel_loop3A_809, %parallel_loop3A_810] : memref<2x8x20x128xf32, #tpu.memory_space<vmem>> -> memref<1x8x20x128xf32, #tpu.memory_space<vmem>>
        %parallel_loop3A_812 = tpu.memref_squeeze %parallel_loop3A_811 : memref<1x8x20x128xf32, #tpu.memory_space<vmem>> -> memref<8x20x128xf32, #tpu.memory_space<vmem>>
        %parallel_loop3A_813 = arith.index_cast %parallel_loop3A_715 : i32 to index
        %parallel_loop3A_814 = arith.index_cast %parallel_loop3A_807 : i32 to index
        %parallel_loop3A_815 = arith.constant 80 : index
        %parallel_loop3A_816 = tpu.vector_load %parallel_loop3A_812[%parallel_loop3A_813, %parallel_loop3A_814, %parallel_loop3A_815] {strides = array<i32>} : memref<8x20x128xf32, #tpu.memory_space<vmem>>, vector<1x1x16xf32>,
        %parallel_loop3A_817 = vector.shape_cast %parallel_loop3A_816 : vector<1x1x16xf32> to vector<16xf32>
        %parallel_loop3A_818 = vector.shape_cast %parallel_loop3A_806 : vector<16xf32> to vector<1x1x16xf32>
        tpu.vector_store %parallel_loop3A_812[%parallel_loop3A_813, %parallel_loop3A_814, %parallel_loop3A_815], %parallel_loop3A_818 {strides = array<i32>} : memref<8x20x128xf32, #tpu.memory_space<vmem>>, vector<1x1x16xf32>,
        %parallel_loop3A_819 = arith.mulf %parallel_loop3A_734, %get3A_88 : vector<16xf32>
        %parallel_loop3A_820 = arith.addf %parallel_loop3A_819, %get3A_408 : vector<16xf32>
        %parallel_loop3A_821 = arith.constant 0 : i32
        %parallel_loop3A_822 = arith.constant 0 : i32
        %parallel_loop3A_823 = arith.constant 0 : i32
        %parallel_loop3A_824 = arith.constant 0 : i32
        %parallel_loop3A_825 = tpu.memref_slice %arg14[%select_n3A_52, %parallel_loop3A_822, %parallel_loop3A_823, %parallel_loop3A_824] : memref<2x8x20x128xf32, #tpu.memory_space<vmem>> -> memref<1x8x20x128xf32, #tpu.memory_space<vmem>>
        %parallel_loop3A_826 = tpu.memref_squeeze %parallel_loop3A_825 : memref<1x8x20x128xf32, #tpu.memory_space<vmem>> -> memref<8x20x128xf32, #tpu.memory_space<vmem>>
        %parallel_loop3A_827 = arith.index_cast %parallel_loop3A_715 : i32 to index
        %parallel_loop3A_828 = arith.index_cast %parallel_loop3A_821 : i32 to index
        %parallel_loop3A_829 = arith.constant 96 : index
        %parallel_loop3A_830 = tpu.vector_load %parallel_loop3A_826[%parallel_loop3A_827, %parallel_loop3A_828, %parallel_loop3A_829] {strides = array<i32>} : memref<8x20x128xf32, #tpu.memory_space<vmem>>, vector<1x1x16xf32>,
        %parallel_loop3A_831 = vector.shape_cast %parallel_loop3A_830 : vector<1x1x16xf32> to vector<16xf32>
        %parallel_loop3A_832 = vector.shape_cast %parallel_loop3A_820 : vector<16xf32> to vector<1x1x16xf32>
        tpu.vector_store %parallel_loop3A_826[%parallel_loop3A_827, %parallel_loop3A_828, %parallel_loop3A_829], %parallel_loop3A_832 {strides = array<i32>} : memref<8x20x128xf32, #tpu.memory_space<vmem>>, vector<1x1x16xf32>,
        %parallel_loop3A_833 = arith.mulf %parallel_loop3A_734, %get3A_93 : vector<16xf32>
        %parallel_loop3A_834 = arith.addf %parallel_loop3A_833, %get3A_413 : vector<16xf32>
        %parallel_loop3A_835 = arith.constant 0 : i32
        %parallel_loop3A_836 = arith.constant 0 : i32
        %parallel_loop3A_837 = arith.constant 0 : i32
        %parallel_loop3A_838 = arith.constant 0 : i32
        %parallel_loop3A_839 = tpu.memref_slice %arg14[%select_n3A_52, %parallel_loop3A_836, %parallel_loop3A_837, %parallel_loop3A_838] : memref<2x8x20x128xf32, #tpu.memory_space<vmem>> -> memref<1x8x20x128xf32, #tpu.memory_space<vmem>>
        %parallel_loop3A_840 = tpu.memref_squeeze %parallel_loop3A_839 : memref<1x8x20x128xf32, #tpu.memory_space<vmem>> -> memref<8x20x128xf32, #tpu.memory_space<vmem>>
        %parallel_loop3A_841 = arith.index_cast %parallel_loop3A_715 : i32 to index
        %parallel_loop3A_842 = arith.index_cast %parallel_loop3A_835 : i32 to index
        %parallel_loop3A_843 = arith.constant 112 : index
        %parallel_loop3A_844 = tpu.vector_load %parallel_loop3A_840[%parallel_loop3A_841, %parallel_loop3A_842, %parallel_loop3A_843] {strides = array<i32>} : memref<8x20x128xf32, #tpu.memory_space<vmem>>, vector<1x1x16xf32>,
        %parallel_loop3A_845 = vector.shape_cast %parallel_loop3A_844 : vector<1x1x16xf32> to vector<16xf32>
        %parallel_loop3A_846 = vector.shape_cast %parallel_loop3A_834 : vector<16xf32> to vector<1x1x16xf32>
        tpu.vector_store %parallel_loop3A_840[%parallel_loop3A_841, %parallel_loop3A_842, %parallel_loop3A_843], %parallel_loop3A_846 {strides = array<i32>} : memref<8x20x128xf32, #tpu.memory_space<vmem>>, vector<1x1x16xf32>,
        %parallel_loop3A_847 = vector.extract_strided_slice %parallel_loop3A_731 {offsets = [1], sizes = [1], strides = [1]} : vector<16xf32> to vector<1xf32>
        %parallel_loop3A_848 = vector.extract %parallel_loop3A_847[0] : f32 from vector<1xf32>
        %parallel_loop3A_849 = vector.broadcast %parallel_loop3A_848 : f32 to vector<16xf32>
        %parallel_loop3A_850 = arith.mulf %parallel_loop3A_849, %get3A_98 : vector<16xf32>
        %parallel_loop3A_851 = arith.addf %parallel_loop3A_850, %get3A_418 : vector<16xf32>
        %parallel_loop3A_852 = arith.constant 1 : i32
        %parallel_loop3A_853 = arith.constant 0 : i32
        %parallel_loop3A_854 = arith.constant 0 : i32
        %parallel_loop3A_855 = arith.constant 0 : i32
        %parallel_loop3A_856 = tpu.memref_slice %arg14[%select_n3A_52, %parallel_loop3A_853, %parallel_loop3A_854, %parallel_loop3A_855] : memref<2x8x20x128xf32, #tpu.memory_space<vmem>> -> memref<1x8x20x128xf32, #tpu.memory_space<vmem>>
        %parallel_loop3A_857 = tpu.memref_squeeze %parallel_loop3A_856 : memref<1x8x20x128xf32, #tpu.memory_space<vmem>> -> memref<8x20x128xf32, #tpu.memory_space<vmem>>
        %parallel_loop3A_858 = arith.index_cast %parallel_loop3A_715 : i32 to index
        %parallel_loop3A_859 = arith.index_cast %parallel_loop3A_852 : i32 to index
        %parallel_loop3A_860 = arith.constant 0 : index
        %parallel_loop3A_861 = tpu.vector_load %parallel_loop3A_857[%parallel_loop3A_858, %parallel_loop3A_859, %parallel_loop3A_860] {strides = array<i32>} : memref<8x20x128xf32, #tpu.memory_space<vmem>>, vector<1x1x16xf32>,
        %parallel_loop3A_862 = vector.shape_cast %parallel_loop3A_861 : vector<1x1x16xf32> to vector<16xf32>
        %parallel_loop3A_863 = vector.shape_cast %parallel_loop3A_851 : vector<16xf32> to vector<1x1x16xf32>
        tpu.vector_store %parallel_loop3A_857[%parallel_loop3A_858, %parallel_loop3A_859, %parallel_loop3A_860], %parallel_loop3A_863 {strides = array<i32>} : memref<8x20x128xf32, #tpu.memory_space<vmem>>, vector<1x1x16xf32>,
        %parallel_loop3A_864 = arith.mulf %parallel_loop3A_849, %get3A_103 : vector<16xf32>
        %parallel_loop3A_865 = arith.addf %parallel_loop3A_864, %get3A_423 : vector<16xf32>
        %parallel_loop3A_866 = arith.constant 1 : i32
        %parallel_loop3A_867 = arith.constant 0 : i32
        %parallel_loop3A_868 = arith.constant 0 : i32
        %parallel_loop3A_869 = arith.constant 0 : i32
        %parallel_loop3A_870 = tpu.memref_slice %arg14[%select_n3A_52, %parallel_loop3A_867, %parallel_loop3A_868, %parallel_loop3A_869] : memref<2x8x20x128xf32, #tpu.memory_space<vmem>> -> memref<1x8x20x128xf32, #tpu.memory_space<vmem>>
        %parallel_loop3A_871 = tpu.memref_squeeze %parallel_loop3A_870 : memref<1x8x20x128xf32, #tpu.memory_space<vmem>> -> memref<8x20x128xf32, #tpu.memory_space<vmem>>
        %parallel_loop3A_872 = arith.index_cast %parallel_loop3A_715 : i32 to index
        %parallel_loop3A_873 = arith.index_cast %parallel_loop3A_866 : i32 to index
        %parallel_loop3A_874 = arith.constant 16 : index
        %parallel_loop3A_875 = tpu.vector_load %parallel_loop3A_871[%parallel_loop3A_872, %parallel_loop3A_873, %parallel_loop3A_874] {strides = array<i32>} : memref<8x20x128xf32, #tpu.memory_space<vmem>>, vector<1x1x16xf32>,
        %parallel_loop3A_876 = vector.shape_cast %parallel_loop3A_875 : vector<1x1x16xf32> to vector<16xf32>
        %parallel_loop3A_877 = vector.shape_cast %parallel_loop3A_865 : vector<16xf32> to vector<1x1x16xf32>
        tpu.vector_store %parallel_loop3A_871[%parallel_loop3A_872, %parallel_loop3A_873, %parallel_loop3A_874], %parallel_loop3A_877 {strides = array<i32>} : memref<8x20x128xf32, #tpu.memory_space<vmem>>, vector<1x1x16xf32>,
        %parallel_loop3A_878 = arith.mulf %parallel_loop3A_849, %get3A_108 : vector<16xf32>
        %parallel_loop3A_879 = arith.addf %parallel_loop3A_878, %get3A_428 : vector<16xf32>
        %parallel_loop3A_880 = arith.constant 1 : i32
        %parallel_loop3A_881 = arith.constant 0 : i32
        %parallel_loop3A_882 = arith.constant 0 : i32
        %parallel_loop3A_883 = arith.constant 0 : i32
        %parallel_loop3A_884 = tpu.memref_slice %arg14[%select_n3A_52, %parallel_loop3A_881, %parallel_loop3A_882, %parallel_loop3A_883] : memref<2x8x20x128xf32, #tpu.memory_space<vmem>> -> memref<1x8x20x128xf32, #tpu.memory_space<vmem>>
        %parallel_loop3A_885 = tpu.memref_squeeze %parallel_loop3A_884 : memref<1x8x20x128xf32, #tpu.memory_space<vmem>> -> memref<8x20x128xf32, #tpu.memory_space<vmem>>
        %parallel_loop3A_886 = arith.index_cast %parallel_loop3A_715 : i32 to index
        %parallel_loop3A_887 = arith.index_cast %parallel_loop3A_880 : i32 to index
        %parallel_loop3A_888 = arith.constant 32 : index
        %parallel_loop3A_889 = tpu.vector_load %parallel_loop3A_885[%parallel_loop3A_886, %parallel_loop3A_887, %parallel_loop3A_888] {strides = array<i32>} : memref<8x20x128xf32, #tpu.memory_space<vmem>>, vector<1x1x16xf32>,
        %parallel_loop3A_890 = vector.shape_cast %parallel_loop3A_889 : vector<1x1x16xf32> to vector<16xf32>
        %parallel_loop3A_891 = vector.shape_cast %parallel_loop3A_879 : vector<16xf32> to vector<1x1x16xf32>
        tpu.vector_store %parallel_loop3A_885[%parallel_loop3A_886, %parallel_loop3A_887, %parallel_loop3A_888], %parallel_loop3A_891 {strides = array<i32>} : memref<8x20x128xf32, #tpu.memory_space<vmem>>, vector<1x1x16xf32>,
        %parallel_loop3A_892 = arith.mulf %parallel_loop3A_849, %get3A_113 : vector<16xf32>
        %parallel_loop3A_893 = arith.addf %parallel_loop3A_892, %get3A_433 : vector<16xf32>
        %parallel_loop3A_894 = arith.constant 1 : i32
        %parallel_loop3A_895 = arith.constant 0 : i32
        %parallel_loop3A_896 = arith.constant 0 : i32
        %parallel_loop3A_897 = arith.constant 0 : i32
        %parallel_loop3A_898 = tpu.memref_slice %arg14[%select_n3A_52, %parallel_loop3A_895, %parallel_loop3A_896, %parallel_loop3A_897] : memref<2x8x20x128xf32, #tpu.memory_space<vmem>> -> memref<1x8x20x128xf32, #tpu.memory_space<vmem>>
        %parallel_loop3A_899 = tpu.memref_squeeze %parallel_loop3A_898 : memref<1x8x20x128xf32, #tpu.memory_space<vmem>> -> memref<8x20x128xf32, #tpu.memory_space<vmem>>
        %parallel_loop3A_900 = arith.index_cast %parallel_loop3A_715 : i32 to index
        %parallel_loop3A_901 = arith.index_cast %parallel_loop3A_894 : i32 to index
        %parallel_loop3A_902 = arith.constant 48 : index
        %parallel_loop3A_903 = tpu.vector_load %parallel_loop3A_899[%parallel_loop3A_900, %parallel_loop3A_901, %parallel_loop3A_902] {strides = array<i32>} : memref<8x20x128xf32, #tpu.memory_space<vmem>>, vector<1x1x16xf32>,
        %parallel_loop3A_904 = vector.shape_cast %parallel_loop3A_903 : vector<1x1x16xf32> to vector<16xf32>
        %parallel_loop3A_905 = vector.shape_cast %parallel_loop3A_893 : vector<16xf32> to vector<1x1x16xf32>
        tpu.vector_store %parallel_loop3A_899[%parallel_loop3A_900, %parallel_loop3A_901, %parallel_loop3A_902], %parallel_loop3A_905 {strides = array<i32>} : memref<8x20x128xf32, #tpu.memory_space<vmem>>, vector<1x1x16xf32>,
        %parallel_loop3A_906 = arith.mulf %parallel_loop3A_849, %get3A_118 : vector<16xf32>
        %parallel_loop3A_907 = arith.addf %parallel_loop3A_906, %get3A_438 : vector<16xf32>
        %parallel_loop3A_908 = arith.constant 1 : i32
        %parallel_loop3A_909 = arith.constant 0 : i32
        %parallel_loop3A_910 = arith.constant 0 : i32
        %parallel_loop3A_911 = arith.constant 0 : i32
        %parallel_loop3A_912 = tpu.memref_slice %arg14[%select_n3A_52, %parallel_loop3A_909, %parallel_loop3A_910, %parallel_loop3A_911] : memref<2x8x20x128xf32, #tpu.memory_space<vmem>> -> memref<1x8x20x128xf32, #tpu.memory_space<vmem>>
        %parallel_loop3A_913 = tpu.memref_squeeze %parallel_loop3A_912 : memref<1x8x20x128xf32, #tpu.memory_space<vmem>> -> memref<8x20x128xf32, #tpu.memory_space<vmem>>
        %parallel_loop3A_914 = arith.index_cast %parallel_loop3A_715 : i32 to index
        %parallel_loop3A_915 = arith.index_cast %parallel_loop3A_908 : i32 to index
        %parallel_loop3A_916 = arith.constant 64 : index
        %parallel_loop3A_917 = tpu.vector_load %parallel_loop3A_913[%parallel_loop3A_914, %parallel_loop3A_915, %parallel_loop3A_916] {strides = array<i32>} : memref<8x20x128xf32, #tpu.memory_space<vmem>>, vector<1x1x16xf32>,
        %parallel_loop3A_918 = vector.shape_cast %parallel_loop3A_917 : vector<1x1x16xf32> to vector<16xf32>
        %parallel_loop3A_919 = vector.shape_cast %parallel_loop3A_907 : vector<16xf32> to vector<1x1x16xf32>
        tpu.vector_store %parallel_loop3A_913[%parallel_loop3A_914, %parallel_loop3A_915, %parallel_loop3A_916], %parallel_loop3A_919 {strides = array<i32>} : memref<8x20x128xf32, #tpu.memory_space<vmem>>, vector<1x1x16xf32>,
        %parallel_loop3A_920 = arith.mulf %parallel_loop3A_849, %get3A_123 : vector<16xf32>
        %parallel_loop3A_921 = arith.addf %parallel_loop3A_920, %get3A_443 : vector<16xf32>
        %parallel_loop3A_922 = arith.constant 1 : i32
        %parallel_loop3A_923 = arith.constant 0 : i32
        %parallel_loop3A_924 = arith.constant 0 : i32
        %parallel_loop3A_925 = arith.constant 0 : i32
        %parallel_loop3A_926 = tpu.memref_slice %arg14[%select_n3A_52, %parallel_loop3A_923, %parallel_loop3A_924, %parallel_loop3A_925] : memref<2x8x20x128xf32, #tpu.memory_space<vmem>> -> memref<1x8x20x128xf32, #tpu.memory_space<vmem>>
        %parallel_loop3A_927 = tpu.memref_squeeze %parallel_loop3A_926 : memref<1x8x20x128xf32, #tpu.memory_space<vmem>> -> memref<8x20x128xf32, #tpu.memory_space<vmem>>
        %parallel_loop3A_928 = arith.index_cast %parallel_loop3A_715 : i32 to index
        %parallel_loop3A_929 = arith.index_cast %parallel_loop3A_922 : i32 to index
        %parallel_loop3A_930 = arith.constant 80 : index
        %parallel_loop3A_931 = tpu.vector_load %parallel_loop3A_927[%parallel_loop3A_928, %parallel_loop3A_929, %parallel_loop3A_930] {strides = array<i32>} : memref<8x20x128xf32, #tpu.memory_space<vmem>>, vector<1x1x16xf32>,
        %parallel_loop3A_932 = vector.shape_cast %parallel_loop3A_931 : vector<1x1x16xf32> to vector<16xf32>
        %parallel_loop3A_933 = vector.shape_cast %parallel_loop3A_921 : vector<16xf32> to vector<1x1x16xf32>
        tpu.vector_store %parallel_loop3A_927[%parallel_loop3A_928, %parallel_loop3A_929, %parallel_loop3A_930], %parallel_loop3A_933 {strides = array<i32>} : memref<8x20x128xf32, #tpu.memory_space<vmem>>, vector<1x1x16xf32>,
        %parallel_loop3A_934 = arith.mulf %parallel_loop3A_849, %get3A_128 : vector<16xf32>
        %parallel_loop3A_935 = arith.addf %parallel_loop3A_934, %get3A_448 : vector<16xf32>
        %parallel_loop3A_936 = arith.constant 1 : i32
        %parallel_loop3A_937 = arith.constant 0 : i32
        %parallel_loop3A_938 = arith.constant 0 : i32
        %parallel_loop3A_939 = arith.constant 0 : i32
        %parallel_loop3A_940 = tpu.memref_slice %arg14[%select_n3A_52, %parallel_loop3A_937, %parallel_loop3A_938, %parallel_loop3A_939] : memref<2x8x20x128xf32, #tpu.memory_space<vmem>> -> memref<1x8x20x128xf32, #tpu.memory_space<vmem>>
        %parallel_loop3A_941 = tpu.memref_squeeze %parallel_loop3A_940 : memref<1x8x20x128xf32, #tpu.memory_space<vmem>> -> memref<8x20x128xf32, #tpu.memory_space<vmem>>
        %parallel_loop3A_942 = arith.index_cast %parallel_loop3A_715 : i32 to index
        %parallel_loop3A_943 = arith.index_cast %parallel_loop3A_936 : i32 to index
        %parallel_loop3A_944 = arith.constant 96 : index
        %parallel_loop3A_945 = tpu.vector_load %parallel_loop3A_941[%parallel_loop3A_942, %parallel_loop3A_943, %parallel_loop3A_944] {strides = array<i32>} : memref<8x20x128xf32, #tpu.memory_space<vmem>>, vector<1x1x16xf32>,
        %parallel_loop3A_946 = vector.shape_cast %parallel_loop3A_945 : vector<1x1x16xf32> to vector<16xf32>
        %parallel_loop3A_947 = vector.shape_cast %parallel_loop3A_935 : vector<16xf32> to vector<1x1x16xf32>
        tpu.vector_store %parallel_loop3A_941[%parallel_loop3A_942, %parallel_loop3A_943, %parallel_loop3A_944], %parallel_loop3A_947 {strides = array<i32>} : memref<8x20x128xf32, #tpu.memory_space<vmem>>, vector<1x1x16xf32>,
        %parallel_loop3A_948 = arith.mulf %parallel_loop3A_849, %get3A_133 : vector<16xf32>
        %parallel_loop3A_949 = arith.addf %parallel_loop3A_948, %get3A_453 : vector<16xf32>
        %parallel_loop3A_950 = arith.constant 1 : i32
        %parallel_loop3A_951 = arith.constant 0 : i32
        %parallel_loop3A_952 = arith.constant 0 : i32
        %parallel_loop3A_953 = arith.constant 0 : i32
        %parallel_loop3A_954 = tpu.memref_slice %arg14[%select_n3A_52, %parallel_loop3A_951, %parallel_loop3A_952, %parallel_loop3A_953] : memref<2x8x20x128xf32, #tpu.memory_space<vmem>> -> memref<1x8x20x128xf32, #tpu.memory_space<vmem>>
        %parallel_loop3A_955 = tpu.memref_squeeze %parallel_loop3A_954 : memref<1x8x20x128xf32, #tpu.memory_space<vmem>> -> memref<8x20x128xf32, #tpu.memory_space<vmem>>
        %parallel_loop3A_956 = arith.index_cast %parallel_loop3A_715 : i32 to index
        %parallel_loop3A_957 = arith.index_cast %parallel_loop3A_950 : i32 to index
        %parallel_loop3A_958 = arith.constant 112 : index
        %parallel_loop3A_959 = tpu.vector_load %parallel_loop3A_955[%parallel_loop3A_956, %parallel_loop3A_957, %parallel_loop3A_958] {strides = array<i32>} : memref<8x20x128xf32, #tpu.memory_space<vmem>>, vector<1x1x16xf32>,
        %parallel_loop3A_960 = vector.shape_cast %parallel_loop3A_959 : vector<1x1x16xf32> to vector<16xf32>
        %parallel_loop3A_961 = vector.shape_cast %parallel_loop3A_949 : vector<16xf32> to vector<1x1x16xf32>
        tpu.vector_store %parallel_loop3A_955[%parallel_loop3A_956, %parallel_loop3A_957, %parallel_loop3A_958], %parallel_loop3A_961 {strides = array<i32>} : memref<8x20x128xf32, #tpu.memory_space<vmem>>, vector<1x1x16xf32>,
        %parallel_loop3A_962 = vector.extract_strided_slice %parallel_loop3A_731 {offsets = [2], sizes = [1], strides = [1]} : vector<16xf32> to vector<1xf32>
        %parallel_loop3A_963 = vector.extract %parallel_loop3A_962[0] : f32 from vector<1xf32>
        %parallel_loop3A_964 = vector.broadcast %parallel_loop3A_963 : f32 to vector<16xf32>
        %parallel_loop3A_965 = arith.mulf %parallel_loop3A_964, %get3A_138 : vector<16xf32>
        %parallel_loop3A_966 = arith.addf %parallel_loop3A_965, %get3A_458 : vector<16xf32>
        %parallel_loop3A_967 = arith.constant 2 : i32
        %parallel_loop3A_968 = arith.constant 0 : i32
        %parallel_loop3A_969 = arith.constant 0 : i32
        %parallel_loop3A_970 = arith.constant 0 : i32
        %parallel_loop3A_971 = tpu.memref_slice %arg14[%select_n3A_52, %parallel_loop3A_968, %parallel_loop3A_969, %parallel_loop3A_970] : memref<2x8x20x128xf32, #tpu.memory_space<vmem>> -> memref<1x8x20x128xf32, #tpu.memory_space<vmem>>
        %parallel_loop3A_972 = tpu.memref_squeeze %parallel_loop3A_971 : memref<1x8x20x128xf32, #tpu.memory_space<vmem>> -> memref<8x20x128xf32, #tpu.memory_space<vmem>>
        %parallel_loop3A_973 = arith.index_cast %parallel_loop3A_715 : i32 to index
        %parallel_loop3A_974 = arith.index_cast %parallel_loop3A_967 : i32 to index
        %parallel_loop3A_975 = arith.constant 0 : index
        %parallel_loop3A_976 = tpu.vector_load %parallel_loop3A_972[%parallel_loop3A_973, %parallel_loop3A_974, %parallel_loop3A_975] {strides = array<i32>} : memref<8x20x128xf32, #tpu.memory_space<vmem>>, vector<1x1x16xf32>,
        %parallel_loop3A_977 = vector.shape_cast %parallel_loop3A_976 : vector<1x1x16xf32> to vector<16xf32>
        %parallel_loop3A_978 = vector.shape_cast %parallel_loop3A_966 : vector<16xf32> to vector<1x1x16xf32>
        tpu.vector_store %parallel_loop3A_972[%parallel_loop3A_973, %parallel_loop3A_974, %parallel_loop3A_975], %parallel_loop3A_978 {strides = array<i32>} : memref<8x20x128xf32, #tpu.memory_space<vmem>>, vector<1x1x16xf32>,
        %parallel_loop3A_979 = arith.mulf %parallel_loop3A_964, %get3A_143 : vector<16xf32>
        %parallel_loop3A_980 = arith.addf %parallel_loop3A_979, %get3A_463 : vector<16xf32>
        %parallel_loop3A_981 = arith.constant 2 : i32
        %parallel_loop3A_982 = arith.constant 0 : i32
        %parallel_loop3A_983 = arith.constant 0 : i32
        %parallel_loop3A_984 = arith.constant 0 : i32
        %parallel_loop3A_985 = tpu.memref_slice %arg14[%select_n3A_52, %parallel_loop3A_982, %parallel_loop3A_983, %parallel_loop3A_984] : memref<2x8x20x128xf32, #tpu.memory_space<vmem>> -> memref<1x8x20x128xf32, #tpu.memory_space<vmem>>
        %parallel_loop3A_986 = tpu.memref_squeeze %parallel_loop3A_985 : memref<1x8x20x128xf32, #tpu.memory_space<vmem>> -> memref<8x20x128xf32, #tpu.memory_space<vmem>>
        %parallel_loop3A_987 = arith.index_cast %parallel_loop3A_715 : i32 to index
        %parallel_loop3A_988 = arith.index_cast %parallel_loop3A_981 : i32 to index
        %parallel_loop3A_989 = arith.constant 16 : index
        %parallel_loop3A_990 = tpu.vector_load %parallel_loop3A_986[%parallel_loop3A_987, %parallel_loop3A_988, %parallel_loop3A_989] {strides = array<i32>} : memref<8x20x128xf32, #tpu.memory_space<vmem>>, vector<1x1x16xf32>,
        %parallel_loop3A_991 = vector.shape_cast %parallel_loop3A_990 : vector<1x1x16xf32> to vector<16xf32>
        %parallel_loop3A_992 = vector.shape_cast %parallel_loop3A_980 : vector<16xf32> to vector<1x1x16xf32>
        tpu.vector_store %parallel_loop3A_986[%parallel_loop3A_987, %parallel_loop3A_988, %parallel_loop3A_989], %parallel_loop3A_992 {strides = array<i32>} : memref<8x20x128xf32, #tpu.memory_space<vmem>>, vector<1x1x16xf32>,
        %parallel_loop3A_993 = arith.mulf %parallel_loop3A_964, %get3A_148 : vector<16xf32>
        %parallel_loop3A_994 = arith.addf %parallel_loop3A_993, %get3A_468 : vector<16xf32>
        %parallel_loop3A_995 = arith.constant 2 : i32
        %parallel_loop3A_996 = arith.constant 0 : i32
        %parallel_loop3A_997 = arith.constant 0 : i32
        %parallel_loop3A_998 = arith.constant 0 : i32
        %parallel_loop3A_999 = tpu.memref_slice %arg14[%select_n3A_52, %parallel_loop3A_996, %parallel_loop3A_997, %parallel_loop3A_998] : memref<2x8x20x128xf32, #tpu.memory_space<vmem>> -> memref<1x8x20x128xf32, #tpu.memory_space<vmem>>
        %parallel_loop3A_1000 = tpu.memref_squeeze %parallel_loop3A_999 : memref<1x8x20x128xf32, #tpu.memory_space<vmem>> -> memref<8x20x128xf32, #tpu.memory_space<vmem>>
        %parallel_loop3A_1001 = arith.index_cast %parallel_loop3A_715 : i32 to index
        %parallel_loop3A_1002 = arith.index_cast %parallel_loop3A_995 : i32 to index
        %parallel_loop3A_1003 = arith.constant 32 : index
        %parallel_loop3A_1004 = tpu.vector_load %parallel_loop3A_1000[%parallel_loop3A_1001, %parallel_loop3A_1002, %parallel_loop3A_1003] {strides = array<i32>} : memref<8x20x128xf32, #tpu.memory_space<vmem>>, vector<1x1x16xf32>,
        %parallel_loop3A_1005 = vector.shape_cast %parallel_loop3A_1004 : vector<1x1x16xf32> to vector<16xf32>
        %parallel_loop3A_1006 = vector.shape_cast %parallel_loop3A_994 : vector<16xf32> to vector<1x1x16xf32>
        tpu.vector_store %parallel_loop3A_1000[%parallel_loop3A_1001, %parallel_loop3A_1002, %parallel_loop3A_1003], %parallel_loop3A_1006 {strides = array<i32>} : memref<8x20x128xf32, #tpu.memory_space<vmem>>, vector<1x1x16xf32>,
        %parallel_loop3A_1007 = arith.mulf %parallel_loop3A_964, %get3A_153 : vector<16xf32>
        %parallel_loop3A_1008 = arith.addf %parallel_loop3A_1007, %get3A_473 : vector<16xf32>
        %parallel_loop3A_1009 = arith.constant 2 : i32
        %parallel_loop3A_1010 = arith.constant 0 : i32
        %parallel_loop3A_1011 = arith.constant 0 : i32
        %parallel_loop3A_1012 = arith.constant 0 : i32
        %parallel_loop3A_1013 = tpu.memref_slice %arg14[%select_n3A_52, %parallel_loop3A_1010, %parallel_loop3A_1011, %parallel_loop3A_1012] : memref<2x8x20x128xf32, #tpu.memory_space<vmem>> -> memref<1x8x20x128xf32, #tpu.memory_space<vmem>>
        %parallel_loop3A_1014 = tpu.memref_squeeze %parallel_loop3A_1013 : memref<1x8x20x128xf32, #tpu.memory_space<vmem>> -> memref<8x20x128xf32, #tpu.memory_space<vmem>>
        %parallel_loop3A_1015 = arith.index_cast %parallel_loop3A_715 : i32 to index
        %parallel_loop3A_1016 = arith.index_cast %parallel_loop3A_1009 : i32 to index
        %parallel_loop3A_1017 = arith.constant 48 : index
        %parallel_loop3A_1018 = tpu.vector_load %parallel_loop3A_1014[%parallel_loop3A_1015, %parallel_loop3A_1016, %parallel_loop3A_1017] {strides = array<i32>} : memref<8x20x128xf32, #tpu.memory_space<vmem>>, vector<1x1x16xf32>,
        %parallel_loop3A_1019 = vector.shape_cast %parallel_loop3A_1018 : vector<1x1x16xf32> to vector<16xf32>
        %parallel_loop3A_1020 = vector.shape_cast %parallel_loop3A_1008 : vector<16xf32> to vector<1x1x16xf32>
        tpu.vector_store %parallel_loop3A_1014[%parallel_loop3A_1015, %parallel_loop3A_1016, %parallel_loop3A_1017], %parallel_loop3A_1020 {strides = array<i32>} : memref<8x20x128xf32, #tpu.memory_space<vmem>>, vector<1x1x16xf32>,
        %parallel_loop3A_1021 = arith.mulf %parallel_loop3A_964, %get3A_158 : vector<16xf32>
        %parallel_loop3A_1022 = arith.addf %parallel_loop3A_1021, %get3A_478 : vector<16xf32>
        %parallel_loop3A_1023 = arith.constant 2 : i32
        %parallel_loop3A_1024 = arith.constant 0 : i32
        %parallel_loop3A_1025 = arith.constant 0 : i32
        %parallel_loop3A_1026 = arith.constant 0 : i32
        %parallel_loop3A_1027 = tpu.memref_slice %arg14[%select_n3A_52, %parallel_loop3A_1024, %parallel_loop3A_1025, %parallel_loop3A_1026] : memref<2x8x20x128xf32, #tpu.memory_space<vmem>> -> memref<1x8x20x128xf32, #tpu.memory_space<vmem>>
        %parallel_loop3A_1028 = tpu.memref_squeeze %parallel_loop3A_1027 : memref<1x8x20x128xf32, #tpu.memory_space<vmem>> -> memref<8x20x128xf32, #tpu.memory_space<vmem>>
        %parallel_loop3A_1029 = arith.index_cast %parallel_loop3A_715 : i32 to index
        %parallel_loop3A_1030 = arith.index_cast %parallel_loop3A_1023 : i32 to index
        %parallel_loop3A_1031 = arith.constant 64 : index
        %parallel_loop3A_1032 = tpu.vector_load %parallel_loop3A_1028[%parallel_loop3A_1029, %parallel_loop3A_1030, %parallel_loop3A_1031] {strides = array<i32>} : memref<8x20x128xf32, #tpu.memory_space<vmem>>, vector<1x1x16xf32>,
        %parallel_loop3A_1033 = vector.shape_cast %parallel_loop3A_1032 : vector<1x1x16xf32> to vector<16xf32>
        %parallel_loop3A_1034 = vector.shape_cast %parallel_loop3A_1022 : vector<16xf32> to vector<1x1x16xf32>
        tpu.vector_store %parallel_loop3A_1028[%parallel_loop3A_1029, %parallel_loop3A_1030, %parallel_loop3A_1031], %parallel_loop3A_1034 {strides = array<i32>} : memref<8x20x128xf32, #tpu.memory_space<vmem>>, vector<1x1x16xf32>,
        %parallel_loop3A_1035 = arith.mulf %parallel_loop3A_964, %get3A_163 : vector<16xf32>
        %parallel_loop3A_1036 = arith.addf %parallel_loop3A_1035, %get3A_483 : vector<16xf32>
        %parallel_loop3A_1037 = arith.constant 2 : i32
        %parallel_loop3A_1038 = arith.constant 0 : i32
        %parallel_loop3A_1039 = arith.constant 0 : i32
        %parallel_loop3A_1040 = arith.constant 0 : i32
        %parallel_loop3A_1041 = tpu.memref_slice %arg14[%select_n3A_52, %parallel_loop3A_1038, %parallel_loop3A_1039, %parallel_loop3A_1040] : memref<2x8x20x128xf32, #tpu.memory_space<vmem>> -> memref<1x8x20x128xf32, #tpu.memory_space<vmem>>
        %parallel_loop3A_1042 = tpu.memref_squeeze %parallel_loop3A_1041 : memref<1x8x20x128xf32, #tpu.memory_space<vmem>> -> memref<8x20x128xf32, #tpu.memory_space<vmem>>
        %parallel_loop3A_1043 = arith.index_cast %parallel_loop3A_715 : i32 to index
        %parallel_loop3A_1044 = arith.index_cast %parallel_loop3A_1037 : i32 to index
        %parallel_loop3A_1045 = arith.constant 80 : index
        %parallel_loop3A_1046 = tpu.vector_load %parallel_loop3A_1042[%parallel_loop3A_1043, %parallel_loop3A_1044, %parallel_loop3A_1045] {strides = array<i32>} : memref<8x20x128xf32, #tpu.memory_space<vmem>>, vector<1x1x16xf32>,
        %parallel_loop3A_1047 = vector.shape_cast %parallel_loop3A_1046 : vector<1x1x16xf32> to vector<16xf32>
        %parallel_loop3A_1048 = vector.shape_cast %parallel_loop3A_1036 : vector<16xf32> to vector<1x1x16xf32>
        tpu.vector_store %parallel_loop3A_1042[%parallel_loop3A_1043, %parallel_loop3A_1044, %parallel_loop3A_1045], %parallel_loop3A_1048 {strides = array<i32>} : memref<8x20x128xf32, #tpu.memory_space<vmem>>, vector<1x1x16xf32>,
        %parallel_loop3A_1049 = arith.mulf %parallel_loop3A_964, %get3A_168 : vector<16xf32>
        %parallel_loop3A_1050 = arith.addf %parallel_loop3A_1049, %get3A_488 : vector<16xf32>
        %parallel_loop3A_1051 = arith.constant 2 : i32
        %parallel_loop3A_1052 = arith.constant 0 : i32
        %parallel_loop3A_1053 = arith.constant 0 : i32
        %parallel_loop3A_1054 = arith.constant 0 : i32
        %parallel_loop3A_1055 = tpu.memref_slice %arg14[%select_n3A_52, %parallel_loop3A_1052, %parallel_loop3A_1053, %parallel_loop3A_1054] : memref<2x8x20x128xf32, #tpu.memory_space<vmem>> -> memref<1x8x20x128xf32, #tpu.memory_space<vmem>>
        %parallel_loop3A_1056 = tpu.memref_squeeze %parallel_loop3A_1055 : memref<1x8x20x128xf32, #tpu.memory_space<vmem>> -> memref<8x20x128xf32, #tpu.memory_space<vmem>>
        %parallel_loop3A_1057 = arith.index_cast %parallel_loop3A_715 : i32 to index
        %parallel_loop3A_1058 = arith.index_cast %parallel_loop3A_1051 : i32 to index
        %parallel_loop3A_1059 = arith.constant 96 : index
        %parallel_loop3A_1060 = tpu.vector_load %parallel_loop3A_1056[%parallel_loop3A_1057, %parallel_loop3A_1058, %parallel_loop3A_1059] {strides = array<i32>} : memref<8x20x128xf32, #tpu.memory_space<vmem>>, vector<1x1x16xf32>,
        %parallel_loop3A_1061 = vector.shape_cast %parallel_loop3A_1060 : vector<1x1x16xf32> to vector<16xf32>
        %parallel_loop3A_1062 = vector.shape_cast %parallel_loop3A_1050 : vector<16xf32> to vector<1x1x16xf32>
        tpu.vector_store %parallel_loop3A_1056[%parallel_loop3A_1057, %parallel_loop3A_1058, %parallel_loop3A_1059], %parallel_loop3A_1062 {strides = array<i32>} : memref<8x20x128xf32, #tpu.memory_space<vmem>>, vector<1x1x16xf32>,
        %parallel_loop3A_1063 = arith.mulf %parallel_loop3A_964, %get3A_173 : vector<16xf32>
        %parallel_loop3A_1064 = arith.addf %parallel_loop3A_1063, %get3A_493 : vector<16xf32>
        %parallel_loop3A_1065 = arith.constant 2 : i32
        %parallel_loop3A_1066 = arith.constant 0 : i32
        %parallel_loop3A_1067 = arith.constant 0 : i32
        %parallel_loop3A_1068 = arith.constant 0 : i32
        %parallel_loop3A_1069 = tpu.memref_slice %arg14[%select_n3A_52, %parallel_loop3A_1066, %parallel_loop3A_1067, %parallel_loop3A_1068] : memref<2x8x20x128xf32, #tpu.memory_space<vmem>> -> memref<1x8x20x128xf32, #tpu.memory_space<vmem>>
        %parallel_loop3A_1070 = tpu.memref_squeeze %parallel_loop3A_1069 : memref<1x8x20x128xf32, #tpu.memory_space<vmem>> -> memref<8x20x128xf32, #tpu.memory_space<vmem>>
        %parallel_loop3A_1071 = arith.index_cast %parallel_loop3A_715 : i32 to index
        %parallel_loop3A_1072 = arith.index_cast %parallel_loop3A_1065 : i32 to index
        %parallel_loop3A_1073 = arith.constant 112 : index
        %parallel_loop3A_1074 = tpu.vector_load %parallel_loop3A_1070[%parallel_loop3A_1071, %parallel_loop3A_1072, %parallel_loop3A_1073] {strides = array<i32>} : memref<8x20x128xf32, #tpu.memory_space<vmem>>, vector<1x1x16xf32>,
        %parallel_loop3A_1075 = vector.shape_cast %parallel_loop3A_1074 : vector<1x1x16xf32> to vector<16xf32>
        %parallel_loop3A_1076 = vector.shape_cast %parallel_loop3A_1064 : vector<16xf32> to vector<1x1x16xf32>
        tpu.vector_store %parallel_loop3A_1070[%parallel_loop3A_1071, %parallel_loop3A_1072, %parallel_loop3A_1073], %parallel_loop3A_1076 {strides = array<i32>} : memref<8x20x128xf32, #tpu.memory_space<vmem>>, vector<1x1x16xf32>,
        %parallel_loop3A_1077 = vector.extract_strided_slice %parallel_loop3A_731 {offsets = [3], sizes = [1], strides = [1]} : vector<16xf32> to vector<1xf32>
        %parallel_loop3A_1078 = vector.extract %parallel_loop3A_1077[0] : f32 from vector<1xf32>
        %parallel_loop3A_1079 = vector.broadcast %parallel_loop3A_1078 : f32 to vector<16xf32>
        %parallel_loop3A_1080 = arith.mulf %parallel_loop3A_1079, %get3A_178 : vector<16xf32>
        %parallel_loop3A_1081 = arith.addf %parallel_loop3A_1080, %get3A_498 : vector<16xf32>
        %parallel_loop3A_1082 = arith.constant 3 : i32
        %parallel_loop3A_1083 = arith.constant 0 : i32
        %parallel_loop3A_1084 = arith.constant 0 : i32
        %parallel_loop3A_1085 = arith.constant 0 : i32
        %parallel_loop3A_1086 = tpu.memref_slice %arg14[%select_n3A_52, %parallel_loop3A_1083, %parallel_loop3A_1084, %parallel_loop3A_1085] : memref<2x8x20x128xf32, #tpu.memory_space<vmem>> -> memref<1x8x20x128xf32, #tpu.memory_space<vmem>>
        %parallel_loop3A_1087 = tpu.memref_squeeze %parallel_loop3A_1086 : memref<1x8x20x128xf32, #tpu.memory_space<vmem>> -> memref<8x20x128xf32, #tpu.memory_space<vmem>>
        %parallel_loop3A_1088 = arith.index_cast %parallel_loop3A_715 : i32 to index
        %parallel_loop3A_1089 = arith.index_cast %parallel_loop3A_1082 : i32 to index
        %parallel_loop3A_1090 = arith.constant 0 : index
        %parallel_loop3A_1091 = tpu.vector_load %parallel_loop3A_1087[%parallel_loop3A_1088, %parallel_loop3A_1089, %parallel_loop3A_1090] {strides = array<i32>} : memref<8x20x128xf32, #tpu.memory_space<vmem>>, vector<1x1x16xf32>,
        %parallel_loop3A_1092 = vector.shape_cast %parallel_loop3A_1091 : vector<1x1x16xf32> to vector<16xf32>
        %parallel_loop3A_1093 = vector.shape_cast %parallel_loop3A_1081 : vector<16xf32> to vector<1x1x16xf32>
        tpu.vector_store %parallel_loop3A_1087[%parallel_loop3A_1088, %parallel_loop3A_1089, %parallel_loop3A_1090], %parallel_loop3A_1093 {strides = array<i32>} : memref<8x20x128xf32, #tpu.memory_space<vmem>>, vector<1x1x16xf32>,
        %parallel_loop3A_1094 = arith.mulf %parallel_loop3A_1079, %get3A_183 : vector<16xf32>
        %parallel_loop3A_1095 = arith.addf %parallel_loop3A_1094, %get3A_503 : vector<16xf32>
        %parallel_loop3A_1096 = arith.constant 3 : i32
        %parallel_loop3A_1097 = arith.constant 0 : i32
        %parallel_loop3A_1098 = arith.constant 0 : i32
        %parallel_loop3A_1099 = arith.constant 0 : i32
        %parallel_loop3A_1100 = tpu.memref_slice %arg14[%select_n3A_52, %parallel_loop3A_1097, %parallel_loop3A_1098, %parallel_loop3A_1099] : memref<2x8x20x128xf32, #tpu.memory_space<vmem>> -> memref<1x8x20x128xf32, #tpu.memory_space<vmem>>
        %parallel_loop3A_1101 = tpu.memref_squeeze %parallel_loop3A_1100 : memref<1x8x20x128xf32, #tpu.memory_space<vmem>> -> memref<8x20x128xf32, #tpu.memory_space<vmem>>
        %parallel_loop3A_1102 = arith.index_cast %parallel_loop3A_715 : i32 to index
        %parallel_loop3A_1103 = arith.index_cast %parallel_loop3A_1096 : i32 to index
        %parallel_loop3A_1104 = arith.constant 16 : index
        %parallel_loop3A_1105 = tpu.vector_load %parallel_loop3A_1101[%parallel_loop3A_1102, %parallel_loop3A_1103, %parallel_loop3A_1104] {strides = array<i32>} : memref<8x20x128xf32, #tpu.memory_space<vmem>>, vector<1x1x16xf32>,
        %parallel_loop3A_1106 = vector.shape_cast %parallel_loop3A_1105 : vector<1x1x16xf32> to vector<16xf32>
        %parallel_loop3A_1107 = vector.shape_cast %parallel_loop3A_1095 : vector<16xf32> to vector<1x1x16xf32>
        tpu.vector_store %parallel_loop3A_1101[%parallel_loop3A_1102, %parallel_loop3A_1103, %parallel_loop3A_1104], %parallel_loop3A_1107 {strides = array<i32>} : memref<8x20x128xf32, #tpu.memory_space<vmem>>, vector<1x1x16xf32>,
        %parallel_loop3A_1108 = arith.mulf %parallel_loop3A_1079, %get3A_188 : vector<16xf32>
        %parallel_loop3A_1109 = arith.addf %parallel_loop3A_1108, %get3A_508 : vector<16xf32>
        %parallel_loop3A_1110 = arith.constant 3 : i32
        %parallel_loop3A_1111 = arith.constant 0 : i32
        %parallel_loop3A_1112 = arith.constant 0 : i32
        %parallel_loop3A_1113 = arith.constant 0 : i32
        %parallel_loop3A_1114 = tpu.memref_slice %arg14[%select_n3A_52, %parallel_loop3A_1111, %parallel_loop3A_1112, %parallel_loop3A_1113] : memref<2x8x20x128xf32, #tpu.memory_space<vmem>> -> memref<1x8x20x128xf32, #tpu.memory_space<vmem>>
        %parallel_loop3A_1115 = tpu.memref_squeeze %parallel_loop3A_1114 : memref<1x8x20x128xf32, #tpu.memory_space<vmem>> -> memref<8x20x128xf32, #tpu.memory_space<vmem>>
        %parallel_loop3A_1116 = arith.index_cast %parallel_loop3A_715 : i32 to index
        %parallel_loop3A_1117 = arith.index_cast %parallel_loop3A_1110 : i32 to index
        %parallel_loop3A_1118 = arith.constant 32 : index
        %parallel_loop3A_1119 = tpu.vector_load %parallel_loop3A_1115[%parallel_loop3A_1116, %parallel_loop3A_1117, %parallel_loop3A_1118] {strides = array<i32>} : memref<8x20x128xf32, #tpu.memory_space<vmem>>, vector<1x1x16xf32>,
        %parallel_loop3A_1120 = vector.shape_cast %parallel_loop3A_1119 : vector<1x1x16xf32> to vector<16xf32>
        %parallel_loop3A_1121 = vector.shape_cast %parallel_loop3A_1109 : vector<16xf32> to vector<1x1x16xf32>
        tpu.vector_store %parallel_loop3A_1115[%parallel_loop3A_1116, %parallel_loop3A_1117, %parallel_loop3A_1118], %parallel_loop3A_1121 {strides = array<i32>} : memref<8x20x128xf32, #tpu.memory_space<vmem>>, vector<1x1x16xf32>,
        %parallel_loop3A_1122 = arith.mulf %parallel_loop3A_1079, %get3A_193 : vector<16xf32>
        %parallel_loop3A_1123 = arith.addf %parallel_loop3A_1122, %get3A_513 : vector<16xf32>
        %parallel_loop3A_1124 = arith.constant 3 : i32
        %parallel_loop3A_1125 = arith.constant 0 : i32
        %parallel_loop3A_1126 = arith.constant 0 : i32
        %parallel_loop3A_1127 = arith.constant 0 : i32
        %parallel_loop3A_1128 = tpu.memref_slice %arg14[%select_n3A_52, %parallel_loop3A_1125, %parallel_loop3A_1126, %parallel_loop3A_1127] : memref<2x8x20x128xf32, #tpu.memory_space<vmem>> -> memref<1x8x20x128xf32, #tpu.memory_space<vmem>>
        %parallel_loop3A_1129 = tpu.memref_squeeze %parallel_loop3A_1128 : memref<1x8x20x128xf32, #tpu.memory_space<vmem>> -> memref<8x20x128xf32, #tpu.memory_space<vmem>>
        %parallel_loop3A_1130 = arith.index_cast %parallel_loop3A_715 : i32 to index
        %parallel_loop3A_1131 = arith.index_cast %parallel_loop3A_1124 : i32 to index
        %parallel_loop3A_1132 = arith.constant 48 : index
        %parallel_loop3A_1133 = tpu.vector_load %parallel_loop3A_1129[%parallel_loop3A_1130, %parallel_loop3A_1131, %parallel_loop3A_1132] {strides = array<i32>} : memref<8x20x128xf32, #tpu.memory_space<vmem>>, vector<1x1x16xf32>,
        %parallel_loop3A_1134 = vector.shape_cast %parallel_loop3A_1133 : vector<1x1x16xf32> to vector<16xf32>
        %parallel_loop3A_1135 = vector.shape_cast %parallel_loop3A_1123 : vector<16xf32> to vector<1x1x16xf32>
        tpu.vector_store %parallel_loop3A_1129[%parallel_loop3A_1130, %parallel_loop3A_1131, %parallel_loop3A_1132], %parallel_loop3A_1135 {strides = array<i32>} : memref<8x20x128xf32, #tpu.memory_space<vmem>>, vector<1x1x16xf32>,
        %parallel_loop3A_1136 = arith.mulf %parallel_loop3A_1079, %get3A_198 : vector<16xf32>
        %parallel_loop3A_1137 = arith.addf %parallel_loop3A_1136, %get3A_518 : vector<16xf32>
        %parallel_loop3A_1138 = arith.constant 3 : i32
        %parallel_loop3A_1139 = arith.constant 0 : i32
        %parallel_loop3A_1140 = arith.constant 0 : i32
        %parallel_loop3A_1141 = arith.constant 0 : i32
        %parallel_loop3A_1142 = tpu.memref_slice %arg14[%select_n3A_52, %parallel_loop3A_1139, %parallel_loop3A_1140, %parallel_loop3A_1141] : memref<2x8x20x128xf32, #tpu.memory_space<vmem>> -> memref<1x8x20x128xf32, #tpu.memory_space<vmem>>
        %parallel_loop3A_1143 = tpu.memref_squeeze %parallel_loop3A_1142 : memref<1x8x20x128xf32, #tpu.memory_space<vmem>> -> memref<8x20x128xf32, #tpu.memory_space<vmem>>
        %parallel_loop3A_1144 = arith.index_cast %parallel_loop3A_715 : i32 to index
        %parallel_loop3A_1145 = arith.index_cast %parallel_loop3A_1138 : i32 to index
        %parallel_loop3A_1146 = arith.constant 64 : index
        %parallel_loop3A_1147 = tpu.vector_load %parallel_loop3A_1143[%parallel_loop3A_1144, %parallel_loop3A_1145, %parallel_loop3A_1146] {strides = array<i32>} : memref<8x20x128xf32, #tpu.memory_space<vmem>>, vector<1x1x16xf32>,
        %parallel_loop3A_1148 = vector.shape_cast %parallel_loop3A_1147 : vector<1x1x16xf32> to vector<16xf32>
        %parallel_loop3A_1149 = vector.shape_cast %parallel_loop3A_1137 : vector<16xf32> to vector<1x1x16xf32>
        tpu.vector_store %parallel_loop3A_1143[%parallel_loop3A_1144, %parallel_loop3A_1145, %parallel_loop3A_1146], %parallel_loop3A_1149 {strides = array<i32>} : memref<8x20x128xf32, #tpu.memory_space<vmem>>, vector<1x1x16xf32>,
        %parallel_loop3A_1150 = arith.mulf %parallel_loop3A_1079, %get3A_203 : vector<16xf32>
        %parallel_loop3A_1151 = arith.addf %parallel_loop3A_1150, %get3A_523 : vector<16xf32>
        %parallel_loop3A_1152 = arith.constant 3 : i32
        %parallel_loop3A_1153 = arith.constant 0 : i32
        %parallel_loop3A_1154 = arith.constant 0 : i32
        %parallel_loop3A_1155 = arith.constant 0 : i32
        %parallel_loop3A_1156 = tpu.memref_slice %arg14[%select_n3A_52, %parallel_loop3A_1153, %parallel_loop3A_1154, %parallel_loop3A_1155] : memref<2x8x20x128xf32, #tpu.memory_space<vmem>> -> memref<1x8x20x128xf32, #tpu.memory_space<vmem>>
        %parallel_loop3A_1157 = tpu.memref_squeeze %parallel_loop3A_1156 : memref<1x8x20x128xf32, #tpu.memory_space<vmem>> -> memref<8x20x128xf32, #tpu.memory_space<vmem>>
        %parallel_loop3A_1158 = arith.index_cast %parallel_loop3A_715 : i32 to index
        %parallel_loop3A_1159 = arith.index_cast %parallel_loop3A_1152 : i32 to index
        %parallel_loop3A_1160 = arith.constant 80 : index
        %parallel_loop3A_1161 = tpu.vector_load %parallel_loop3A_1157[%parallel_loop3A_1158, %parallel_loop3A_1159, %parallel_loop3A_1160] {strides = array<i32>} : memref<8x20x128xf32, #tpu.memory_space<vmem>>, vector<1x1x16xf32>,
        %parallel_loop3A_1162 = vector.shape_cast %parallel_loop3A_1161 : vector<1x1x16xf32> to vector<16xf32>
        %parallel_loop3A_1163 = vector.shape_cast %parallel_loop3A_1151 : vector<16xf32> to vector<1x1x16xf32>
        tpu.vector_store %parallel_loop3A_1157[%parallel_loop3A_1158, %parallel_loop3A_1159, %parallel_loop3A_1160], %parallel_loop3A_1163 {strides = array<i32>} : memref<8x20x128xf32, #tpu.memory_space<vmem>>, vector<1x1x16xf32>,
        %parallel_loop3A_1164 = arith.mulf %parallel_loop3A_1079, %get3A_208 : vector<16xf32>
        %parallel_loop3A_1165 = arith.addf %parallel_loop3A_1164, %get3A_528 : vector<16xf32>
        %parallel_loop3A_1166 = arith.constant 3 : i32
        %parallel_loop3A_1167 = arith.constant 0 : i32
        %parallel_loop3A_1168 = arith.constant 0 : i32
        %parallel_loop3A_1169 = arith.constant 0 : i32
        %parallel_loop3A_1170 = tpu.memref_slice %arg14[%select_n3A_52, %parallel_loop3A_1167, %parallel_loop3A_1168, %parallel_loop3A_1169] : memref<2x8x20x128xf32, #tpu.memory_space<vmem>> -> memref<1x8x20x128xf32, #tpu.memory_space<vmem>>
        %parallel_loop3A_1171 = tpu.memref_squeeze %parallel_loop3A_1170 : memref<1x8x20x128xf32, #tpu.memory_space<vmem>> -> memref<8x20x128xf32, #tpu.memory_space<vmem>>
        %parallel_loop3A_1172 = arith.index_cast %parallel_loop3A_715 : i32 to index
        %parallel_loop3A_1173 = arith.index_cast %parallel_loop3A_1166 : i32 to index
        %parallel_loop3A_1174 = arith.constant 96 : index
        %parallel_loop3A_1175 = tpu.vector_load %parallel_loop3A_1171[%parallel_loop3A_1172, %parallel_loop3A_1173, %parallel_loop3A_1174] {strides = array<i32>} : memref<8x20x128xf32, #tpu.memory_space<vmem>>, vector<1x1x16xf32>,
        %parallel_loop3A_1176 = vector.shape_cast %parallel_loop3A_1175 : vector<1x1x16xf32> to vector<16xf32>
        %parallel_loop3A_1177 = vector.shape_cast %parallel_loop3A_1165 : vector<16xf32> to vector<1x1x16xf32>
        tpu.vector_store %parallel_loop3A_1171[%parallel_loop3A_1172, %parallel_loop3A_1173, %parallel_loop3A_1174], %parallel_loop3A_1177 {strides = array<i32>} : memref<8x20x128xf32, #tpu.memory_space<vmem>>, vector<1x1x16xf32>,
        %parallel_loop3A_1178 = arith.mulf %parallel_loop3A_1079, %get3A_213 : vector<16xf32>
        %parallel_loop3A_1179 = arith.addf %parallel_loop3A_1178, %get3A_533 : vector<16xf32>
        %parallel_loop3A_1180 = arith.constant 3 : i32
        %parallel_loop3A_1181 = arith.constant 0 : i32
        %parallel_loop3A_1182 = arith.constant 0 : i32
        %parallel_loop3A_1183 = arith.constant 0 : i32
        %parallel_loop3A_1184 = tpu.memref_slice %arg14[%select_n3A_52, %parallel_loop3A_1181, %parallel_loop3A_1182, %parallel_loop3A_1183] : memref<2x8x20x128xf32, #tpu.memory_space<vmem>> -> memref<1x8x20x128xf32, #tpu.memory_space<vmem>>
        %parallel_loop3A_1185 = tpu.memref_squeeze %parallel_loop3A_1184 : memref<1x8x20x128xf32, #tpu.memory_space<vmem>> -> memref<8x20x128xf32, #tpu.memory_space<vmem>>
        %parallel_loop3A_1186 = arith.index_cast %parallel_loop3A_715 : i32 to index
        %parallel_loop3A_1187 = arith.index_cast %parallel_loop3A_1180 : i32 to index
        %parallel_loop3A_1188 = arith.constant 112 : index
        %parallel_loop3A_1189 = tpu.vector_load %parallel_loop3A_1185[%parallel_loop3A_1186, %parallel_loop3A_1187, %parallel_loop3A_1188] {strides = array<i32>} : memref<8x20x128xf32, #tpu.memory_space<vmem>>, vector<1x1x16xf32>,
        %parallel_loop3A_1190 = vector.shape_cast %parallel_loop3A_1189 : vector<1x1x16xf32> to vector<16xf32>
        %parallel_loop3A_1191 = vector.shape_cast %parallel_loop3A_1179 : vector<16xf32> to vector<1x1x16xf32>
        tpu.vector_store %parallel_loop3A_1185[%parallel_loop3A_1186, %parallel_loop3A_1187, %parallel_loop3A_1188], %parallel_loop3A_1191 {strides = array<i32>} : memref<8x20x128xf32, #tpu.memory_space<vmem>>, vector<1x1x16xf32>,
        %parallel_loop3A_1192 = vector.extract_strided_slice %parallel_loop3A_731 {offsets = [4], sizes = [1], strides = [1]} : vector<16xf32> to vector<1xf32>
        %parallel_loop3A_1193 = vector.extract %parallel_loop3A_1192[0] : f32 from vector<1xf32>
        %parallel_loop3A_1194 = vector.broadcast %parallel_loop3A_1193 : f32 to vector<16xf32>
        %parallel_loop3A_1195 = arith.mulf %parallel_loop3A_1194, %get3A_218 : vector<16xf32>
        %parallel_loop3A_1196 = arith.addf %parallel_loop3A_1195, %get3A_538 : vector<16xf32>
        %parallel_loop3A_1197 = arith.constant 4 : i32
        %parallel_loop3A_1198 = arith.constant 0 : i32
        %parallel_loop3A_1199 = arith.constant 0 : i32
        %parallel_loop3A_1200 = arith.constant 0 : i32
        %parallel_loop3A_1201 = tpu.memref_slice %arg14[%select_n3A_52, %parallel_loop3A_1198, %parallel_loop3A_1199, %parallel_loop3A_1200] : memref<2x8x20x128xf32, #tpu.memory_space<vmem>> -> memref<1x8x20x128xf32, #tpu.memory_space<vmem>>
        %parallel_loop3A_1202 = tpu.memref_squeeze %parallel_loop3A_1201 : memref<1x8x20x128xf32, #tpu.memory_space<vmem>> -> memref<8x20x128xf32, #tpu.memory_space<vmem>>
        %parallel_loop3A_1203 = arith.index_cast %parallel_loop3A_715 : i32 to index
        %parallel_loop3A_1204 = arith.index_cast %parallel_loop3A_1197 : i32 to index
        %parallel_loop3A_1205 = arith.constant 0 : index
        %parallel_loop3A_1206 = tpu.vector_load %parallel_loop3A_1202[%parallel_loop3A_1203, %parallel_loop3A_1204, %parallel_loop3A_1205] {strides = array<i32>} : memref<8x20x128xf32, #tpu.memory_space<vmem>>, vector<1x1x16xf32>,
        %parallel_loop3A_1207 = vector.shape_cast %parallel_loop3A_1206 : vector<1x1x16xf32> to vector<16xf32>
        %parallel_loop3A_1208 = vector.shape_cast %parallel_loop3A_1196 : vector<16xf32> to vector<1x1x16xf32>
        tpu.vector_store %parallel_loop3A_1202[%parallel_loop3A_1203, %parallel_loop3A_1204, %parallel_loop3A_1205], %parallel_loop3A_1208 {strides = array<i32>} : memref<8x20x128xf32, #tpu.memory_space<vmem>>, vector<1x1x16xf32>,
        %parallel_loop3A_1209 = arith.mulf %parallel_loop3A_1194, %get3A_223 : vector<16xf32>
        %parallel_loop3A_1210 = arith.addf %parallel_loop3A_1209, %get3A_543 : vector<16xf32>
        %parallel_loop3A_1211 = arith.constant 4 : i32
        %parallel_loop3A_1212 = arith.constant 0 : i32
        %parallel_loop3A_1213 = arith.constant 0 : i32
        %parallel_loop3A_1214 = arith.constant 0 : i32
        %parallel_loop3A_1215 = tpu.memref_slice %arg14[%select_n3A_52, %parallel_loop3A_1212, %parallel_loop3A_1213, %parallel_loop3A_1214] : memref<2x8x20x128xf32, #tpu.memory_space<vmem>> -> memref<1x8x20x128xf32, #tpu.memory_space<vmem>>
        %parallel_loop3A_1216 = tpu.memref_squeeze %parallel_loop3A_1215 : memref<1x8x20x128xf32, #tpu.memory_space<vmem>> -> memref<8x20x128xf32, #tpu.memory_space<vmem>>
        %parallel_loop3A_1217 = arith.index_cast %parallel_loop3A_715 : i32 to index
        %parallel_loop3A_1218 = arith.index_cast %parallel_loop3A_1211 : i32 to index
        %parallel_loop3A_1219 = arith.constant 16 : index
        %parallel_loop3A_1220 = tpu.vector_load %parallel_loop3A_1216[%parallel_loop3A_1217, %parallel_loop3A_1218, %parallel_loop3A_1219] {strides = array<i32>} : memref<8x20x128xf32, #tpu.memory_space<vmem>>, vector<1x1x16xf32>,
        %parallel_loop3A_1221 = vector.shape_cast %parallel_loop3A_1220 : vector<1x1x16xf32> to vector<16xf32>
        %parallel_loop3A_1222 = vector.shape_cast %parallel_loop3A_1210 : vector<16xf32> to vector<1x1x16xf32>
        tpu.vector_store %parallel_loop3A_1216[%parallel_loop3A_1217, %parallel_loop3A_1218, %parallel_loop3A_1219], %parallel_loop3A_1222 {strides = array<i32>} : memref<8x20x128xf32, #tpu.memory_space<vmem>>, vector<1x1x16xf32>,
        %parallel_loop3A_1223 = arith.mulf %parallel_loop3A_1194, %get3A_228 : vector<16xf32>
        %parallel_loop3A_1224 = arith.addf %parallel_loop3A_1223, %get3A_548 : vector<16xf32>
        %parallel_loop3A_1225 = arith.constant 4 : i32
        %parallel_loop3A_1226 = arith.constant 0 : i32
        %parallel_loop3A_1227 = arith.constant 0 : i32
        %parallel_loop3A_1228 = arith.constant 0 : i32
        %parallel_loop3A_1229 = tpu.memref_slice %arg14[%select_n3A_52, %parallel_loop3A_1226, %parallel_loop3A_1227, %parallel_loop3A_1228] : memref<2x8x20x128xf32, #tpu.memory_space<vmem>> -> memref<1x8x20x128xf32, #tpu.memory_space<vmem>>
        %parallel_loop3A_1230 = tpu.memref_squeeze %parallel_loop3A_1229 : memref<1x8x20x128xf32, #tpu.memory_space<vmem>> -> memref<8x20x128xf32, #tpu.memory_space<vmem>>
        %parallel_loop3A_1231 = arith.index_cast %parallel_loop3A_715 : i32 to index
        %parallel_loop3A_1232 = arith.index_cast %parallel_loop3A_1225 : i32 to index
        %parallel_loop3A_1233 = arith.constant 32 : index
        %parallel_loop3A_1234 = tpu.vector_load %parallel_loop3A_1230[%parallel_loop3A_1231, %parallel_loop3A_1232, %parallel_loop3A_1233] {strides = array<i32>} : memref<8x20x128xf32, #tpu.memory_space<vmem>>, vector<1x1x16xf32>,
        %parallel_loop3A_1235 = vector.shape_cast %parallel_loop3A_1234 : vector<1x1x16xf32> to vector<16xf32>
        %parallel_loop3A_1236 = vector.shape_cast %parallel_loop3A_1224 : vector<16xf32> to vector<1x1x16xf32>
        tpu.vector_store %parallel_loop3A_1230[%parallel_loop3A_1231, %parallel_loop3A_1232, %parallel_loop3A_1233], %parallel_loop3A_1236 {strides = array<i32>} : memref<8x20x128xf32, #tpu.memory_space<vmem>>, vector<1x1x16xf32>,
        %parallel_loop3A_1237 = arith.mulf %parallel_loop3A_1194, %get3A_233 : vector<16xf32>
        %parallel_loop3A_1238 = arith.addf %parallel_loop3A_1237, %get3A_553 : vector<16xf32>
        %parallel_loop3A_1239 = arith.constant 4 : i32
        %parallel_loop3A_1240 = arith.constant 0 : i32
        %parallel_loop3A_1241 = arith.constant 0 : i32
        %parallel_loop3A_1242 = arith.constant 0 : i32
        %parallel_loop3A_1243 = tpu.memref_slice %arg14[%select_n3A_52, %parallel_loop3A_1240, %parallel_loop3A_1241, %parallel_loop3A_1242] : memref<2x8x20x128xf32, #tpu.memory_space<vmem>> -> memref<1x8x20x128xf32, #tpu.memory_space<vmem>>
        %parallel_loop3A_1244 = tpu.memref_squeeze %parallel_loop3A_1243 : memref<1x8x20x128xf32, #tpu.memory_space<vmem>> -> memref<8x20x128xf32, #tpu.memory_space<vmem>>
        %parallel_loop3A_1245 = arith.index_cast %parallel_loop3A_715 : i32 to index
        %parallel_loop3A_1246 = arith.index_cast %parallel_loop3A_1239 : i32 to index
        %parallel_loop3A_1247 = arith.constant 48 : index
        %parallel_loop3A_1248 = tpu.vector_load %parallel_loop3A_1244[%parallel_loop3A_1245, %parallel_loop3A_1246, %parallel_loop3A_1247] {strides = array<i32>} : memref<8x20x128xf32, #tpu.memory_space<vmem>>, vector<1x1x16xf32>,
        %parallel_loop3A_1249 = vector.shape_cast %parallel_loop3A_1248 : vector<1x1x16xf32> to vector<16xf32>
        %parallel_loop3A_1250 = vector.shape_cast %parallel_loop3A_1238 : vector<16xf32> to vector<1x1x16xf32>
        tpu.vector_store %parallel_loop3A_1244[%parallel_loop3A_1245, %parallel_loop3A_1246, %parallel_loop3A_1247], %parallel_loop3A_1250 {strides = array<i32>} : memref<8x20x128xf32, #tpu.memory_space<vmem>>, vector<1x1x16xf32>,
        %parallel_loop3A_1251 = arith.mulf %parallel_loop3A_1194, %get3A_238 : vector<16xf32>
        %parallel_loop3A_1252 = arith.addf %parallel_loop3A_1251, %get3A_558 : vector<16xf32>
        %parallel_loop3A_1253 = arith.constant 4 : i32
        %parallel_loop3A_1254 = arith.constant 0 : i32
        %parallel_loop3A_1255 = arith.constant 0 : i32
        %parallel_loop3A_1256 = arith.constant 0 : i32
        %parallel_loop3A_1257 = tpu.memref_slice %arg14[%select_n3A_52, %parallel_loop3A_1254, %parallel_loop3A_1255, %parallel_loop3A_1256] : memref<2x8x20x128xf32, #tpu.memory_space<vmem>> -> memref<1x8x20x128xf32, #tpu.memory_space<vmem>>
        %parallel_loop3A_1258 = tpu.memref_squeeze %parallel_loop3A_1257 : memref<1x8x20x128xf32, #tpu.memory_space<vmem>> -> memref<8x20x128xf32, #tpu.memory_space<vmem>>
        %parallel_loop3A_1259 = arith.index_cast %parallel_loop3A_715 : i32 to index
        %parallel_loop3A_1260 = arith.index_cast %parallel_loop3A_1253 : i32 to index
        %parallel_loop3A_1261 = arith.constant 64 : index
        %parallel_loop3A_1262 = tpu.vector_load %parallel_loop3A_1258[%parallel_loop3A_1259, %parallel_loop3A_1260, %parallel_loop3A_1261] {strides = array<i32>} : memref<8x20x128xf32, #tpu.memory_space<vmem>>, vector<1x1x16xf32>,
        %parallel_loop3A_1263 = vector.shape_cast %parallel_loop3A_1262 : vector<1x1x16xf32> to vector<16xf32>
        %parallel_loop3A_1264 = vector.shape_cast %parallel_loop3A_1252 : vector<16xf32> to vector<1x1x16xf32>
        tpu.vector_store %parallel_loop3A_1258[%parallel_loop3A_1259, %parallel_loop3A_1260, %parallel_loop3A_1261], %parallel_loop3A_1264 {strides = array<i32>} : memref<8x20x128xf32, #tpu.memory_space<vmem>>, vector<1x1x16xf32>,
        %parallel_loop3A_1265 = arith.mulf %parallel_loop3A_1194, %get3A_243 : vector<16xf32>
        %parallel_loop3A_1266 = arith.addf %parallel_loop3A_1265, %get3A_563 : vector<16xf32>
        %parallel_loop3A_1267 = arith.constant 4 : i32
        %parallel_loop3A_1268 = arith.constant 0 : i32
        %parallel_loop3A_1269 = arith.constant 0 : i32
        %parallel_loop3A_1270 = arith.constant 0 : i32
        %parallel_loop3A_1271 = tpu.memref_slice %arg14[%select_n3A_52, %parallel_loop3A_1268, %parallel_loop3A_1269, %parallel_loop3A_1270] : memref<2x8x20x128xf32, #tpu.memory_space<vmem>> -> memref<1x8x20x128xf32, #tpu.memory_space<vmem>>
        %parallel_loop3A_1272 = tpu.memref_squeeze %parallel_loop3A_1271 : memref<1x8x20x128xf32, #tpu.memory_space<vmem>> -> memref<8x20x128xf32, #tpu.memory_space<vmem>>
        %parallel_loop3A_1273 = arith.index_cast %parallel_loop3A_715 : i32 to index
        %parallel_loop3A_1274 = arith.index_cast %parallel_loop3A_1267 : i32 to index
        %parallel_loop3A_1275 = arith.constant 80 : index
        %parallel_loop3A_1276 = tpu.vector_load %parallel_loop3A_1272[%parallel_loop3A_1273, %parallel_loop3A_1274, %parallel_loop3A_1275] {strides = array<i32>} : memref<8x20x128xf32, #tpu.memory_space<vmem>>, vector<1x1x16xf32>,
        %parallel_loop3A_1277 = vector.shape_cast %parallel_loop3A_1276 : vector<1x1x16xf32> to vector<16xf32>
        %parallel_loop3A_1278 = vector.shape_cast %parallel_loop3A_1266 : vector<16xf32> to vector<1x1x16xf32>
        tpu.vector_store %parallel_loop3A_1272[%parallel_loop3A_1273, %parallel_loop3A_1274, %parallel_loop3A_1275], %parallel_loop3A_1278 {strides = array<i32>} : memref<8x20x128xf32, #tpu.memory_space<vmem>>, vector<1x1x16xf32>,
        %parallel_loop3A_1279 = arith.mulf %parallel_loop3A_1194, %get3A_248 : vector<16xf32>
        %parallel_loop3A_1280 = arith.addf %parallel_loop3A_1279, %get3A_568 : vector<16xf32>
        %parallel_loop3A_1281 = arith.constant 4 : i32
        %parallel_loop3A_1282 = arith.constant 0 : i32
        %parallel_loop3A_1283 = arith.constant 0 : i32
        %parallel_loop3A_1284 = arith.constant 0 : i32
        %parallel_loop3A_1285 = tpu.memref_slice %arg14[%select_n3A_52, %parallel_loop3A_1282, %parallel_loop3A_1283, %parallel_loop3A_1284] : memref<2x8x20x128xf32, #tpu.memory_space<vmem>> -> memref<1x8x20x128xf32, #tpu.memory_space<vmem>>
        %parallel_loop3A_1286 = tpu.memref_squeeze %parallel_loop3A_1285 : memref<1x8x20x128xf32, #tpu.memory_space<vmem>> -> memref<8x20x128xf32, #tpu.memory_space<vmem>>
        %parallel_loop3A_1287 = arith.index_cast %parallel_loop3A_715 : i32 to index
        %parallel_loop3A_1288 = arith.index_cast %parallel_loop3A_1281 : i32 to index
        %parallel_loop3A_1289 = arith.constant 96 : index
        %parallel_loop3A_1290 = tpu.vector_load %parallel_loop3A_1286[%parallel_loop3A_1287, %parallel_loop3A_1288, %parallel_loop3A_1289] {strides = array<i32>} : memref<8x20x128xf32, #tpu.memory_space<vmem>>, vector<1x1x16xf32>,
        %parallel_loop3A_1291 = vector.shape_cast %parallel_loop3A_1290 : vector<1x1x16xf32> to vector<16xf32>
        %parallel_loop3A_1292 = vector.shape_cast %parallel_loop3A_1280 : vector<16xf32> to vector<1x1x16xf32>
        tpu.vector_store %parallel_loop3A_1286[%parallel_loop3A_1287, %parallel_loop3A_1288, %parallel_loop3A_1289], %parallel_loop3A_1292 {strides = array<i32>} : memref<8x20x128xf32, #tpu.memory_space<vmem>>, vector<1x1x16xf32>,
        %parallel_loop3A_1293 = arith.mulf %parallel_loop3A_1194, %get3A_253 : vector<16xf32>
        %parallel_loop3A_1294 = arith.addf %parallel_loop3A_1293, %get3A_573 : vector<16xf32>
        %parallel_loop3A_1295 = arith.constant 4 : i32
        %parallel_loop3A_1296 = arith.constant 0 : i32
        %parallel_loop3A_1297 = arith.constant 0 : i32
        %parallel_loop3A_1298 = arith.constant 0 : i32
        %parallel_loop3A_1299 = tpu.memref_slice %arg14[%select_n3A_52, %parallel_loop3A_1296, %parallel_loop3A_1297, %parallel_loop3A_1298] : memref<2x8x20x128xf32, #tpu.memory_space<vmem>> -> memref<1x8x20x128xf32, #tpu.memory_space<vmem>>
        %parallel_loop3A_1300 = tpu.memref_squeeze %parallel_loop3A_1299 : memref<1x8x20x128xf32, #tpu.memory_space<vmem>> -> memref<8x20x128xf32, #tpu.memory_space<vmem>>
        %parallel_loop3A_1301 = arith.index_cast %parallel_loop3A_715 : i32 to index
        %parallel_loop3A_1302 = arith.index_cast %parallel_loop3A_1295 : i32 to index
        %parallel_loop3A_1303 = arith.constant 112 : index
        %parallel_loop3A_1304 = tpu.vector_load %parallel_loop3A_1300[%parallel_loop3A_1301, %parallel_loop3A_1302, %parallel_loop3A_1303] {strides = array<i32>} : memref<8x20x128xf32, #tpu.memory_space<vmem>>, vector<1x1x16xf32>,
        %parallel_loop3A_1305 = vector.shape_cast %parallel_loop3A_1304 : vector<1x1x16xf32> to vector<16xf32>
        %parallel_loop3A_1306 = vector.shape_cast %parallel_loop3A_1294 : vector<16xf32> to vector<1x1x16xf32>
        tpu.vector_store %parallel_loop3A_1300[%parallel_loop3A_1301, %parallel_loop3A_1302, %parallel_loop3A_1303], %parallel_loop3A_1306 {strides = array<i32>} : memref<8x20x128xf32, #tpu.memory_space<vmem>>, vector<1x1x16xf32>,
        %parallel_loop3A_1307 = vector.extract_strided_slice %parallel_loop3A_731 {offsets = [5], sizes = [1], strides = [1]} : vector<16xf32> to vector<1xf32>
        %parallel_loop3A_1308 = vector.extract %parallel_loop3A_1307[0] : f32 from vector<1xf32>
        %parallel_loop3A_1309 = vector.broadcast %parallel_loop3A_1308 : f32 to vector<16xf32>
        %parallel_loop3A_1310 = arith.mulf %parallel_loop3A_1309, %get3A_258 : vector<16xf32>
        %parallel_loop3A_1311 = arith.addf %parallel_loop3A_1310, %get3A_578 : vector<16xf32>
        %parallel_loop3A_1312 = arith.constant 5 : i32
        %parallel_loop3A_1313 = arith.constant 0 : i32
        %parallel_loop3A_1314 = arith.constant 0 : i32
        %parallel_loop3A_1315 = arith.constant 0 : i32
        %parallel_loop3A_1316 = tpu.memref_slice %arg14[%select_n3A_52, %parallel_loop3A_1313, %parallel_loop3A_1314, %parallel_loop3A_1315] : memref<2x8x20x128xf32, #tpu.memory_space<vmem>> -> memref<1x8x20x128xf32, #tpu.memory_space<vmem>>
        %parallel_loop3A_1317 = tpu.memref_squeeze %parallel_loop3A_1316 : memref<1x8x20x128xf32, #tpu.memory_space<vmem>> -> memref<8x20x128xf32, #tpu.memory_space<vmem>>
        %parallel_loop3A_1318 = arith.index_cast %parallel_loop3A_715 : i32 to index
        %parallel_loop3A_1319 = arith.index_cast %parallel_loop3A_1312 : i32 to index
        %parallel_loop3A_1320 = arith.constant 0 : index
        %parallel_loop3A_1321 = tpu.vector_load %parallel_loop3A_1317[%parallel_loop3A_1318, %parallel_loop3A_1319, %parallel_loop3A_1320] {strides = array<i32>} : memref<8x20x128xf32, #tpu.memory_space<vmem>>, vector<1x1x16xf32>,
        %parallel_loop3A_1322 = vector.shape_cast %parallel_loop3A_1321 : vector<1x1x16xf32> to vector<16xf32>
        %parallel_loop3A_1323 = vector.shape_cast %parallel_loop3A_1311 : vector<16xf32> to vector<1x1x16xf32>
        tpu.vector_store %parallel_loop3A_1317[%parallel_loop3A_1318, %parallel_loop3A_1319, %parallel_loop3A_1320], %parallel_loop3A_1323 {strides = array<i32>} : memref<8x20x128xf32, #tpu.memory_space<vmem>>, vector<1x1x16xf32>,
        %parallel_loop3A_1324 = arith.mulf %parallel_loop3A_1309, %get3A_263 : vector<16xf32>
        %parallel_loop3A_1325 = arith.addf %parallel_loop3A_1324, %get3A_583 : vector<16xf32>
        %parallel_loop3A_1326 = arith.constant 5 : i32
        %parallel_loop3A_1327 = arith.constant 0 : i32
        %parallel_loop3A_1328 = arith.constant 0 : i32
        %parallel_loop3A_1329 = arith.constant 0 : i32
        %parallel_loop3A_1330 = tpu.memref_slice %arg14[%select_n3A_52, %parallel_loop3A_1327, %parallel_loop3A_1328, %parallel_loop3A_1329] : memref<2x8x20x128xf32, #tpu.memory_space<vmem>> -> memref<1x8x20x128xf32, #tpu.memory_space<vmem>>
        %parallel_loop3A_1331 = tpu.memref_squeeze %parallel_loop3A_1330 : memref<1x8x20x128xf32, #tpu.memory_space<vmem>> -> memref<8x20x128xf32, #tpu.memory_space<vmem>>
        %parallel_loop3A_1332 = arith.index_cast %parallel_loop3A_715 : i32 to index
        %parallel_loop3A_1333 = arith.index_cast %parallel_loop3A_1326 : i32 to index
        %parallel_loop3A_1334 = arith.constant 16 : index
        %parallel_loop3A_1335 = tpu.vector_load %parallel_loop3A_1331[%parallel_loop3A_1332, %parallel_loop3A_1333, %parallel_loop3A_1334] {strides = array<i32>} : memref<8x20x128xf32, #tpu.memory_space<vmem>>, vector<1x1x16xf32>,
        %parallel_loop3A_1336 = vector.shape_cast %parallel_loop3A_1335 : vector<1x1x16xf32> to vector<16xf32>
        %parallel_loop3A_1337 = vector.shape_cast %parallel_loop3A_1325 : vector<16xf32> to vector<1x1x16xf32>
        tpu.vector_store %parallel_loop3A_1331[%parallel_loop3A_1332, %parallel_loop3A_1333, %parallel_loop3A_1334], %parallel_loop3A_1337 {strides = array<i32>} : memref<8x20x128xf32, #tpu.memory_space<vmem>>, vector<1x1x16xf32>,
        %parallel_loop3A_1338 = arith.mulf %parallel_loop3A_1309, %get3A_268 : vector<16xf32>
        %parallel_loop3A_1339 = arith.addf %parallel_loop3A_1338, %get3A_588 : vector<16xf32>
        %parallel_loop3A_1340 = arith.constant 5 : i32
        %parallel_loop3A_1341 = arith.constant 0 : i32
        %parallel_loop3A_1342 = arith.constant 0 : i32
        %parallel_loop3A_1343 = arith.constant 0 : i32
        %parallel_loop3A_1344 = tpu.memref_slice %arg14[%select_n3A_52, %parallel_loop3A_1341, %parallel_loop3A_1342, %parallel_loop3A_1343] : memref<2x8x20x128xf32, #tpu.memory_space<vmem>> -> memref<1x8x20x128xf32, #tpu.memory_space<vmem>>
        %parallel_loop3A_1345 = tpu.memref_squeeze %parallel_loop3A_1344 : memref<1x8x20x128xf32, #tpu.memory_space<vmem>> -> memref<8x20x128xf32, #tpu.memory_space<vmem>>
        %parallel_loop3A_1346 = arith.index_cast %parallel_loop3A_715 : i32 to index
        %parallel_loop3A_1347 = arith.index_cast %parallel_loop3A_1340 : i32 to index
        %parallel_loop3A_1348 = arith.constant 32 : index
        %parallel_loop3A_1349 = tpu.vector_load %parallel_loop3A_1345[%parallel_loop3A_1346, %parallel_loop3A_1347, %parallel_loop3A_1348] {strides = array<i32>} : memref<8x20x128xf32, #tpu.memory_space<vmem>>, vector<1x1x16xf32>,
        %parallel_loop3A_1350 = vector.shape_cast %parallel_loop3A_1349 : vector<1x1x16xf32> to vector<16xf32>
        %parallel_loop3A_1351 = vector.shape_cast %parallel_loop3A_1339 : vector<16xf32> to vector<1x1x16xf32>
        tpu.vector_store %parallel_loop3A_1345[%parallel_loop3A_1346, %parallel_loop3A_1347, %parallel_loop3A_1348], %parallel_loop3A_1351 {strides = array<i32>} : memref<8x20x128xf32, #tpu.memory_space<vmem>>, vector<1x1x16xf32>,
        %parallel_loop3A_1352 = arith.mulf %parallel_loop3A_1309, %get3A_273 : vector<16xf32>
        %parallel_loop3A_1353 = arith.addf %parallel_loop3A_1352, %get3A_593 : vector<16xf32>
        %parallel_loop3A_1354 = arith.constant 5 : i32
        %parallel_loop3A_1355 = arith.constant 0 : i32
        %parallel_loop3A_1356 = arith.constant 0 : i32
        %parallel_loop3A_1357 = arith.constant 0 : i32
        %parallel_loop3A_1358 = tpu.memref_slice %arg14[%select_n3A_52, %parallel_loop3A_1355, %parallel_loop3A_1356, %parallel_loop3A_1357] : memref<2x8x20x128xf32, #tpu.memory_space<vmem>> -> memref<1x8x20x128xf32, #tpu.memory_space<vmem>>
        %parallel_loop3A_1359 = tpu.memref_squeeze %parallel_loop3A_1358 : memref<1x8x20x128xf32, #tpu.memory_space<vmem>> -> memref<8x20x128xf32, #tpu.memory_space<vmem>>
        %parallel_loop3A_1360 = arith.index_cast %parallel_loop3A_715 : i32 to index
        %parallel_loop3A_1361 = arith.index_cast %parallel_loop3A_1354 : i32 to index
        %parallel_loop3A_1362 = arith.constant 48 : index
        %parallel_loop3A_1363 = tpu.vector_load %parallel_loop3A_1359[%parallel_loop3A_1360, %parallel_loop3A_1361, %parallel_loop3A_1362] {strides = array<i32>} : memref<8x20x128xf32, #tpu.memory_space<vmem>>, vector<1x1x16xf32>,
        %parallel_loop3A_1364 = vector.shape_cast %parallel_loop3A_1363 : vector<1x1x16xf32> to vector<16xf32>
        %parallel_loop3A_1365 = vector.shape_cast %parallel_loop3A_1353 : vector<16xf32> to vector<1x1x16xf32>
        tpu.vector_store %parallel_loop3A_1359[%parallel_loop3A_1360, %parallel_loop3A_1361, %parallel_loop3A_1362], %parallel_loop3A_1365 {strides = array<i32>} : memref<8x20x128xf32, #tpu.memory_space<vmem>>, vector<1x1x16xf32>,
        %parallel_loop3A_1366 = arith.mulf %parallel_loop3A_1309, %get3A_278 : vector<16xf32>
        %parallel_loop3A_1367 = arith.addf %parallel_loop3A_1366, %get3A_598 : vector<16xf32>
        %parallel_loop3A_1368 = arith.constant 5 : i32
        %parallel_loop3A_1369 = arith.constant 0 : i32
        %parallel_loop3A_1370 = arith.constant 0 : i32
        %parallel_loop3A_1371 = arith.constant 0 : i32
        %parallel_loop3A_1372 = tpu.memref_slice %arg14[%select_n3A_52, %parallel_loop3A_1369, %parallel_loop3A_1370, %parallel_loop3A_1371] : memref<2x8x20x128xf32, #tpu.memory_space<vmem>> -> memref<1x8x20x128xf32, #tpu.memory_space<vmem>>
        %parallel_loop3A_1373 = tpu.memref_squeeze %parallel_loop3A_1372 : memref<1x8x20x128xf32, #tpu.memory_space<vmem>> -> memref<8x20x128xf32, #tpu.memory_space<vmem>>
        %parallel_loop3A_1374 = arith.index_cast %parallel_loop3A_715 : i32 to index
        %parallel_loop3A_1375 = arith.index_cast %parallel_loop3A_1368 : i32 to index
        %parallel_loop3A_1376 = arith.constant 64 : index
        %parallel_loop3A_1377 = tpu.vector_load %parallel_loop3A_1373[%parallel_loop3A_1374, %parallel_loop3A_1375, %parallel_loop3A_1376] {strides = array<i32>} : memref<8x20x128xf32, #tpu.memory_space<vmem>>, vector<1x1x16xf32>,
        %parallel_loop3A_1378 = vector.shape_cast %parallel_loop3A_1377 : vector<1x1x16xf32> to vector<16xf32>
        %parallel_loop3A_1379 = vector.shape_cast %parallel_loop3A_1367 : vector<16xf32> to vector<1x1x16xf32>
        tpu.vector_store %parallel_loop3A_1373[%parallel_loop3A_1374, %parallel_loop3A_1375, %parallel_loop3A_1376], %parallel_loop3A_1379 {strides = array<i32>} : memref<8x20x128xf32, #tpu.memory_space<vmem>>, vector<1x1x16xf32>,
        %parallel_loop3A_1380 = arith.mulf %parallel_loop3A_1309, %get3A_283 : vector<16xf32>
        %parallel_loop3A_1381 = arith.addf %parallel_loop3A_1380, %get3A_603 : vector<16xf32>
        %parallel_loop3A_1382 = arith.constant 5 : i32
        %parallel_loop3A_1383 = arith.constant 0 : i32
        %parallel_loop3A_1384 = arith.constant 0 : i32
        %parallel_loop3A_1385 = arith.constant 0 : i32
        %parallel_loop3A_1386 = tpu.memref_slice %arg14[%select_n3A_52, %parallel_loop3A_1383, %parallel_loop3A_1384, %parallel_loop3A_1385] : memref<2x8x20x128xf32, #tpu.memory_space<vmem>> -> memref<1x8x20x128xf32, #tpu.memory_space<vmem>>
        %parallel_loop3A_1387 = tpu.memref_squeeze %parallel_loop3A_1386 : memref<1x8x20x128xf32, #tpu.memory_space<vmem>> -> memref<8x20x128xf32, #tpu.memory_space<vmem>>
        %parallel_loop3A_1388 = arith.index_cast %parallel_loop3A_715 : i32 to index
        %parallel_loop3A_1389 = arith.index_cast %parallel_loop3A_1382 : i32 to index
        %parallel_loop3A_1390 = arith.constant 80 : index
        %parallel_loop3A_1391 = tpu.vector_load %parallel_loop3A_1387[%parallel_loop3A_1388, %parallel_loop3A_1389, %parallel_loop3A_1390] {strides = array<i32>} : memref<8x20x128xf32, #tpu.memory_space<vmem>>, vector<1x1x16xf32>,
        %parallel_loop3A_1392 = vector.shape_cast %parallel_loop3A_1391 : vector<1x1x16xf32> to vector<16xf32>
        %parallel_loop3A_1393 = vector.shape_cast %parallel_loop3A_1381 : vector<16xf32> to vector<1x1x16xf32>
        tpu.vector_store %parallel_loop3A_1387[%parallel_loop3A_1388, %parallel_loop3A_1389, %parallel_loop3A_1390], %parallel_loop3A_1393 {strides = array<i32>} : memref<8x20x128xf32, #tpu.memory_space<vmem>>, vector<1x1x16xf32>,
        %parallel_loop3A_1394 = arith.mulf %parallel_loop3A_1309, %get3A_288 : vector<16xf32>
        %parallel_loop3A_1395 = arith.addf %parallel_loop3A_1394, %get3A_608 : vector<16xf32>
        %parallel_loop3A_1396 = arith.constant 5 : i32
        %parallel_loop3A_1397 = arith.constant 0 : i32
        %parallel_loop3A_1398 = arith.constant 0 : i32
        %parallel_loop3A_1399 = arith.constant 0 : i32
        %parallel_loop3A_1400 = tpu.memref_slice %arg14[%select_n3A_52, %parallel_loop3A_1397, %parallel_loop3A_1398, %parallel_loop3A_1399] : memref<2x8x20x128xf32, #tpu.memory_space<vmem>> -> memref<1x8x20x128xf32, #tpu.memory_space<vmem>>
        %parallel_loop3A_1401 = tpu.memref_squeeze %parallel_loop3A_1400 : memref<1x8x20x128xf32, #tpu.memory_space<vmem>> -> memref<8x20x128xf32, #tpu.memory_space<vmem>>
        %parallel_loop3A_1402 = arith.index_cast %parallel_loop3A_715 : i32 to index
        %parallel_loop3A_1403 = arith.index_cast %parallel_loop3A_1396 : i32 to index
        %parallel_loop3A_1404 = arith.constant 96 : index
        %parallel_loop3A_1405 = tpu.vector_load %parallel_loop3A_1401[%parallel_loop3A_1402, %parallel_loop3A_1403, %parallel_loop3A_1404] {strides = array<i32>} : memref<8x20x128xf32, #tpu.memory_space<vmem>>, vector<1x1x16xf32>,
        %parallel_loop3A_1406 = vector.shape_cast %parallel_loop3A_1405 : vector<1x1x16xf32> to vector<16xf32>
        %parallel_loop3A_1407 = vector.shape_cast %parallel_loop3A_1395 : vector<16xf32> to vector<1x1x16xf32>
        tpu.vector_store %parallel_loop3A_1401[%parallel_loop3A_1402, %parallel_loop3A_1403, %parallel_loop3A_1404], %parallel_loop3A_1407 {strides = array<i32>} : memref<8x20x128xf32, #tpu.memory_space<vmem>>, vector<1x1x16xf32>,
        %parallel_loop3A_1408 = arith.mulf %parallel_loop3A_1309, %get3A_293 : vector<16xf32>
        %parallel_loop3A_1409 = arith.addf %parallel_loop3A_1408, %get3A_613 : vector<16xf32>
        %parallel_loop3A_1410 = arith.constant 5 : i32
        %parallel_loop3A_1411 = arith.constant 0 : i32
        %parallel_loop3A_1412 = arith.constant 0 : i32
        %parallel_loop3A_1413 = arith.constant 0 : i32
        %parallel_loop3A_1414 = tpu.memref_slice %arg14[%select_n3A_52, %parallel_loop3A_1411, %parallel_loop3A_1412, %parallel_loop3A_1413] : memref<2x8x20x128xf32, #tpu.memory_space<vmem>> -> memref<1x8x20x128xf32, #tpu.memory_space<vmem>>
        %parallel_loop3A_1415 = tpu.memref_squeeze %parallel_loop3A_1414 : memref<1x8x20x128xf32, #tpu.memory_space<vmem>> -> memref<8x20x128xf32, #tpu.memory_space<vmem>>
        %parallel_loop3A_1416 = arith.index_cast %parallel_loop3A_715 : i32 to index
        %parallel_loop3A_1417 = arith.index_cast %parallel_loop3A_1410 : i32 to index
        %parallel_loop3A_1418 = arith.constant 112 : index
        %parallel_loop3A_1419 = tpu.vector_load %parallel_loop3A_1415[%parallel_loop3A_1416, %parallel_loop3A_1417, %parallel_loop3A_1418] {strides = array<i32>} : memref<8x20x128xf32, #tpu.memory_space<vmem>>, vector<1x1x16xf32>,
        %parallel_loop3A_1420 = vector.shape_cast %parallel_loop3A_1419 : vector<1x1x16xf32> to vector<16xf32>
        %parallel_loop3A_1421 = vector.shape_cast %parallel_loop3A_1409 : vector<16xf32> to vector<1x1x16xf32>
        tpu.vector_store %parallel_loop3A_1415[%parallel_loop3A_1416, %parallel_loop3A_1417, %parallel_loop3A_1418], %parallel_loop3A_1421 {strides = array<i32>} : memref<8x20x128xf32, #tpu.memory_space<vmem>>, vector<1x1x16xf32>,
        %parallel_loop3A_1422 = vector.extract_strided_slice %parallel_loop3A_731 {offsets = [6], sizes = [1], strides = [1]} : vector<16xf32> to vector<1xf32>
        %parallel_loop3A_1423 = vector.extract %parallel_loop3A_1422[0] : f32 from vector<1xf32>
        %parallel_loop3A_1424 = vector.broadcast %parallel_loop3A_1423 : f32 to vector<16xf32>
        %parallel_loop3A_1425 = arith.mulf %parallel_loop3A_1424, %get3A_298 : vector<16xf32>
        %parallel_loop3A_1426 = arith.addf %parallel_loop3A_1425, %get3A_618 : vector<16xf32>
        %parallel_loop3A_1427 = arith.constant 6 : i32
        %parallel_loop3A_1428 = arith.constant 0 : i32
        %parallel_loop3A_1429 = arith.constant 0 : i32
        %parallel_loop3A_1430 = arith.constant 0 : i32
        %parallel_loop3A_1431 = tpu.memref_slice %arg14[%select_n3A_52, %parallel_loop3A_1428, %parallel_loop3A_1429, %parallel_loop3A_1430] : memref<2x8x20x128xf32, #tpu.memory_space<vmem>> -> memref<1x8x20x128xf32, #tpu.memory_space<vmem>>
        %parallel_loop3A_1432 = tpu.memref_squeeze %parallel_loop3A_1431 : memref<1x8x20x128xf32, #tpu.memory_space<vmem>> -> memref<8x20x128xf32, #tpu.memory_space<vmem>>
        %parallel_loop3A_1433 = arith.index_cast %parallel_loop3A_715 : i32 to index
        %parallel_loop3A_1434 = arith.index_cast %parallel_loop3A_1427 : i32 to index
        %parallel_loop3A_1435 = arith.constant 0 : index
        %parallel_loop3A_1436 = tpu.vector_load %parallel_loop3A_1432[%parallel_loop3A_1433, %parallel_loop3A_1434, %parallel_loop3A_1435] {strides = array<i32>} : memref<8x20x128xf32, #tpu.memory_space<vmem>>, vector<1x1x16xf32>,
        %parallel_loop3A_1437 = vector.shape_cast %parallel_loop3A_1436 : vector<1x1x16xf32> to vector<16xf32>
        %parallel_loop3A_1438 = vector.shape_cast %parallel_loop3A_1426 : vector<16xf32> to vector<1x1x16xf32>
        tpu.vector_store %parallel_loop3A_1432[%parallel_loop3A_1433, %parallel_loop3A_1434, %parallel_loop3A_1435], %parallel_loop3A_1438 {strides = array<i32>} : memref<8x20x128xf32, #tpu.memory_space<vmem>>, vector<1x1x16xf32>,
        %parallel_loop3A_1439 = arith.mulf %parallel_loop3A_1424, %get3A_303 : vector<16xf32>
        %parallel_loop3A_1440 = arith.addf %parallel_loop3A_1439, %get3A_623 : vector<16xf32>
        %parallel_loop3A_1441 = arith.constant 6 : i32
        %parallel_loop3A_1442 = arith.constant 0 : i32
        %parallel_loop3A_1443 = arith.constant 0 : i32
        %parallel_loop3A_1444 = arith.constant 0 : i32
        %parallel_loop3A_1445 = tpu.memref_slice %arg14[%select_n3A_52, %parallel_loop3A_1442, %parallel_loop3A_1443, %parallel_loop3A_1444] : memref<2x8x20x128xf32, #tpu.memory_space<vmem>> -> memref<1x8x20x128xf32, #tpu.memory_space<vmem>>
        %parallel_loop3A_1446 = tpu.memref_squeeze %parallel_loop3A_1445 : memref<1x8x20x128xf32, #tpu.memory_space<vmem>> -> memref<8x20x128xf32, #tpu.memory_space<vmem>>
        %parallel_loop3A_1447 = arith.index_cast %parallel_loop3A_715 : i32 to index
        %parallel_loop3A_1448 = arith.index_cast %parallel_loop3A_1441 : i32 to index
        %parallel_loop3A_1449 = arith.constant 16 : index
        %parallel_loop3A_1450 = tpu.vector_load %parallel_loop3A_1446[%parallel_loop3A_1447, %parallel_loop3A_1448, %parallel_loop3A_1449] {strides = array<i32>} : memref<8x20x128xf32, #tpu.memory_space<vmem>>, vector<1x1x16xf32>,
        %parallel_loop3A_1451 = vector.shape_cast %parallel_loop3A_1450 : vector<1x1x16xf32> to vector<16xf32>
        %parallel_loop3A_1452 = vector.shape_cast %parallel_loop3A_1440 : vector<16xf32> to vector<1x1x16xf32>
        tpu.vector_store %parallel_loop3A_1446[%parallel_loop3A_1447, %parallel_loop3A_1448, %parallel_loop3A_1449], %parallel_loop3A_1452 {strides = array<i32>} : memref<8x20x128xf32, #tpu.memory_space<vmem>>, vector<1x1x16xf32>,
        %parallel_loop3A_1453 = arith.mulf %parallel_loop3A_1424, %get3A_308 : vector<16xf32>
        %parallel_loop3A_1454 = arith.addf %parallel_loop3A_1453, %get3A_628 : vector<16xf32>
        %parallel_loop3A_1455 = arith.constant 6 : i32
        %parallel_loop3A_1456 = arith.constant 0 : i32
        %parallel_loop3A_1457 = arith.constant 0 : i32
        %parallel_loop3A_1458 = arith.constant 0 : i32
        %parallel_loop3A_1459 = tpu.memref_slice %arg14[%select_n3A_52, %parallel_loop3A_1456, %parallel_loop3A_1457, %parallel_loop3A_1458] : memref<2x8x20x128xf32, #tpu.memory_space<vmem>> -> memref<1x8x20x128xf32, #tpu.memory_space<vmem>>
        %parallel_loop3A_1460 = tpu.memref_squeeze %parallel_loop3A_1459 : memref<1x8x20x128xf32, #tpu.memory_space<vmem>> -> memref<8x20x128xf32, #tpu.memory_space<vmem>>
        %parallel_loop3A_1461 = arith.index_cast %parallel_loop3A_715 : i32 to index
        %parallel_loop3A_1462 = arith.index_cast %parallel_loop3A_1455 : i32 to index
        %parallel_loop3A_1463 = arith.constant 32 : index
        %parallel_loop3A_1464 = tpu.vector_load %parallel_loop3A_1460[%parallel_loop3A_1461, %parallel_loop3A_1462, %parallel_loop3A_1463] {strides = array<i32>} : memref<8x20x128xf32, #tpu.memory_space<vmem>>, vector<1x1x16xf32>,
        %parallel_loop3A_1465 = vector.shape_cast %parallel_loop3A_1464 : vector<1x1x16xf32> to vector<16xf32>
        %parallel_loop3A_1466 = vector.shape_cast %parallel_loop3A_1454 : vector<16xf32> to vector<1x1x16xf32>
        tpu.vector_store %parallel_loop3A_1460[%parallel_loop3A_1461, %parallel_loop3A_1462, %parallel_loop3A_1463], %parallel_loop3A_1466 {strides = array<i32>} : memref<8x20x128xf32, #tpu.memory_space<vmem>>, vector<1x1x16xf32>,
        %parallel_loop3A_1467 = arith.mulf %parallel_loop3A_1424, %get3A_313 : vector<16xf32>
        %parallel_loop3A_1468 = arith.addf %parallel_loop3A_1467, %get3A_633 : vector<16xf32>
        %parallel_loop3A_1469 = arith.constant 6 : i32
        %parallel_loop3A_1470 = arith.constant 0 : i32
        %parallel_loop3A_1471 = arith.constant 0 : i32
        %parallel_loop3A_1472 = arith.constant 0 : i32
        %parallel_loop3A_1473 = tpu.memref_slice %arg14[%select_n3A_52, %parallel_loop3A_1470, %parallel_loop3A_1471, %parallel_loop3A_1472] : memref<2x8x20x128xf32, #tpu.memory_space<vmem>> -> memref<1x8x20x128xf32, #tpu.memory_space<vmem>>
        %parallel_loop3A_1474 = tpu.memref_squeeze %parallel_loop3A_1473 : memref<1x8x20x128xf32, #tpu.memory_space<vmem>> -> memref<8x20x128xf32, #tpu.memory_space<vmem>>
        %parallel_loop3A_1475 = arith.index_cast %parallel_loop3A_715 : i32 to index
        %parallel_loop3A_1476 = arith.index_cast %parallel_loop3A_1469 : i32 to index
        %parallel_loop3A_1477 = arith.constant 48 : index
        %parallel_loop3A_1478 = tpu.vector_load %parallel_loop3A_1474[%parallel_loop3A_1475, %parallel_loop3A_1476, %parallel_loop3A_1477] {strides = array<i32>} : memref<8x20x128xf32, #tpu.memory_space<vmem>>, vector<1x1x16xf32>,
        %parallel_loop3A_1479 = vector.shape_cast %parallel_loop3A_1478 : vector<1x1x16xf32> to vector<16xf32>
        %parallel_loop3A_1480 = vector.shape_cast %parallel_loop3A_1468 : vector<16xf32> to vector<1x1x16xf32>
        tpu.vector_store %parallel_loop3A_1474[%parallel_loop3A_1475, %parallel_loop3A_1476, %parallel_loop3A_1477], %parallel_loop3A_1480 {strides = array<i32>} : memref<8x20x128xf32, #tpu.memory_space<vmem>>, vector<1x1x16xf32>,
        %parallel_loop3A_1481 = arith.mulf %parallel_loop3A_1424, %get3A_318 : vector<16xf32>
        %parallel_loop3A_1482 = arith.addf %parallel_loop3A_1481, %get3A_638 : vector<16xf32>
        %parallel_loop3A_1483 = arith.constant 6 : i32
        %parallel_loop3A_1484 = arith.constant 0 : i32
        %parallel_loop3A_1485 = arith.constant 0 : i32
        %parallel_loop3A_1486 = arith.constant 0 : i32
        %parallel_loop3A_1487 = tpu.memref_slice %arg14[%select_n3A_52, %parallel_loop3A_1484, %parallel_loop3A_1485, %parallel_loop3A_1486] : memref<2x8x20x128xf32, #tpu.memory_space<vmem>> -> memref<1x8x20x128xf32, #tpu.memory_space<vmem>>
        %parallel_loop3A_1488 = tpu.memref_squeeze %parallel_loop3A_1487 : memref<1x8x20x128xf32, #tpu.memory_space<vmem>> -> memref<8x20x128xf32, #tpu.memory_space<vmem>>
        %parallel_loop3A_1489 = arith.index_cast %parallel_loop3A_715 : i32 to index
        %parallel_loop3A_1490 = arith.index_cast %parallel_loop3A_1483 : i32 to index
        %parallel_loop3A_1491 = arith.constant 64 : index
        %parallel_loop3A_1492 = tpu.vector_load %parallel_loop3A_1488[%parallel_loop3A_1489, %parallel_loop3A_1490, %parallel_loop3A_1491] {strides = array<i32>} : memref<8x20x128xf32, #tpu.memory_space<vmem>>, vector<1x1x16xf32>,
        %parallel_loop3A_1493 = vector.shape_cast %parallel_loop3A_1492 : vector<1x1x16xf32> to vector<16xf32>
        %parallel_loop3A_1494 = vector.shape_cast %parallel_loop3A_1482 : vector<16xf32> to vector<1x1x16xf32>
        tpu.vector_store %parallel_loop3A_1488[%parallel_loop3A_1489, %parallel_loop3A_1490, %parallel_loop3A_1491], %parallel_loop3A_1494 {strides = array<i32>} : memref<8x20x128xf32, #tpu.memory_space<vmem>>, vector<1x1x16xf32>,
        %parallel_loop3A_1495 = arith.mulf %parallel_loop3A_1424, %get3A_323 : vector<16xf32>
        %parallel_loop3A_1496 = arith.addf %parallel_loop3A_1495, %get3A_643 : vector<16xf32>
        %parallel_loop3A_1497 = arith.constant 6 : i32
        %parallel_loop3A_1498 = arith.constant 0 : i32
        %parallel_loop3A_1499 = arith.constant 0 : i32
        %parallel_loop3A_1500 = arith.constant 0 : i32
        %parallel_loop3A_1501 = tpu.memref_slice %arg14[%select_n3A_52, %parallel_loop3A_1498, %parallel_loop3A_1499, %parallel_loop3A_1500] : memref<2x8x20x128xf32, #tpu.memory_space<vmem>> -> memref<1x8x20x128xf32, #tpu.memory_space<vmem>>
        %parallel_loop3A_1502 = tpu.memref_squeeze %parallel_loop3A_1501 : memref<1x8x20x128xf32, #tpu.memory_space<vmem>> -> memref<8x20x128xf32, #tpu.memory_space<vmem>>
        %parallel_loop3A_1503 = arith.index_cast %parallel_loop3A_715 : i32 to index
        %parallel_loop3A_1504 = arith.index_cast %parallel_loop3A_1497 : i32 to index
        %parallel_loop3A_1505 = arith.constant 80 : index
        %parallel_loop3A_1506 = tpu.vector_load %parallel_loop3A_1502[%parallel_loop3A_1503, %parallel_loop3A_1504, %parallel_loop3A_1505] {strides = array<i32>} : memref<8x20x128xf32, #tpu.memory_space<vmem>>, vector<1x1x16xf32>,
        %parallel_loop3A_1507 = vector.shape_cast %parallel_loop3A_1506 : vector<1x1x16xf32> to vector<16xf32>
        %parallel_loop3A_1508 = vector.shape_cast %parallel_loop3A_1496 : vector<16xf32> to vector<1x1x16xf32>
        tpu.vector_store %parallel_loop3A_1502[%parallel_loop3A_1503, %parallel_loop3A_1504, %parallel_loop3A_1505], %parallel_loop3A_1508 {strides = array<i32>} : memref<8x20x128xf32, #tpu.memory_space<vmem>>, vector<1x1x16xf32>,
        %parallel_loop3A_1509 = arith.mulf %parallel_loop3A_1424, %get3A_328 : vector<16xf32>
        %parallel_loop3A_1510 = arith.addf %parallel_loop3A_1509, %get3A_648 : vector<16xf32>
        %parallel_loop3A_1511 = arith.constant 6 : i32
        %parallel_loop3A_1512 = arith.constant 0 : i32
        %parallel_loop3A_1513 = arith.constant 0 : i32
        %parallel_loop3A_1514 = arith.constant 0 : i32
        %parallel_loop3A_1515 = tpu.memref_slice %arg14[%select_n3A_52, %parallel_loop3A_1512, %parallel_loop3A_1513, %parallel_loop3A_1514] : memref<2x8x20x128xf32, #tpu.memory_space<vmem>> -> memref<1x8x20x128xf32, #tpu.memory_space<vmem>>
        %parallel_loop3A_1516 = tpu.memref_squeeze %parallel_loop3A_1515 : memref<1x8x20x128xf32, #tpu.memory_space<vmem>> -> memref<8x20x128xf32, #tpu.memory_space<vmem>>
        %parallel_loop3A_1517 = arith.index_cast %parallel_loop3A_715 : i32 to index
        %parallel_loop3A_1518 = arith.index_cast %parallel_loop3A_1511 : i32 to index
        %parallel_loop3A_1519 = arith.constant 96 : index
        %parallel_loop3A_1520 = tpu.vector_load %parallel_loop3A_1516[%parallel_loop3A_1517, %parallel_loop3A_1518, %parallel_loop3A_1519] {strides = array<i32>} : memref<8x20x128xf32, #tpu.memory_space<vmem>>, vector<1x1x16xf32>,
        %parallel_loop3A_1521 = vector.shape_cast %parallel_loop3A_1520 : vector<1x1x16xf32> to vector<16xf32>
        %parallel_loop3A_1522 = vector.shape_cast %parallel_loop3A_1510 : vector<16xf32> to vector<1x1x16xf32>
        tpu.vector_store %parallel_loop3A_1516[%parallel_loop3A_1517, %parallel_loop3A_1518, %parallel_loop3A_1519], %parallel_loop3A_1522 {strides = array<i32>} : memref<8x20x128xf32, #tpu.memory_space<vmem>>, vector<1x1x16xf32>,
        %parallel_loop3A_1523 = arith.mulf %parallel_loop3A_1424, %get3A_333 : vector<16xf32>
        %parallel_loop3A_1524 = arith.addf %parallel_loop3A_1523, %get3A_653 : vector<16xf32>
        %parallel_loop3A_1525 = arith.constant 6 : i32
        %parallel_loop3A_1526 = arith.constant 0 : i32
        %parallel_loop3A_1527 = arith.constant 0 : i32
        %parallel_loop3A_1528 = arith.constant 0 : i32
        %parallel_loop3A_1529 = tpu.memref_slice %arg14[%select_n3A_52, %parallel_loop3A_1526, %parallel_loop3A_1527, %parallel_loop3A_1528] : memref<2x8x20x128xf32, #tpu.memory_space<vmem>> -> memref<1x8x20x128xf32, #tpu.memory_space<vmem>>
        %parallel_loop3A_1530 = tpu.memref_squeeze %parallel_loop3A_1529 : memref<1x8x20x128xf32, #tpu.memory_space<vmem>> -> memref<8x20x128xf32, #tpu.memory_space<vmem>>
        %parallel_loop3A_1531 = arith.index_cast %parallel_loop3A_715 : i32 to index
        %parallel_loop3A_1532 = arith.index_cast %parallel_loop3A_1525 : i32 to index
        %parallel_loop3A_1533 = arith.constant 112 : index
        %parallel_loop3A_1534 = tpu.vector_load %parallel_loop3A_1530[%parallel_loop3A_1531, %parallel_loop3A_1532, %parallel_loop3A_1533] {strides = array<i32>} : memref<8x20x128xf32, #tpu.memory_space<vmem>>, vector<1x1x16xf32>,
        %parallel_loop3A_1535 = vector.shape_cast %parallel_loop3A_1534 : vector<1x1x16xf32> to vector<16xf32>
        %parallel_loop3A_1536 = vector.shape_cast %parallel_loop3A_1524 : vector<16xf32> to vector<1x1x16xf32>
        tpu.vector_store %parallel_loop3A_1530[%parallel_loop3A_1531, %parallel_loop3A_1532, %parallel_loop3A_1533], %parallel_loop3A_1536 {strides = array<i32>} : memref<8x20x128xf32, #tpu.memory_space<vmem>>, vector<1x1x16xf32>,
        %parallel_loop3A_1537 = vector.extract_strided_slice %parallel_loop3A_731 {offsets = [7], sizes = [1], strides = [1]} : vector<16xf32> to vector<1xf32>
        %parallel_loop3A_1538 = vector.extract %parallel_loop3A_1537[0] : f32 from vector<1xf32>
        %parallel_loop3A_1539 = vector.broadcast %parallel_loop3A_1538 : f32 to vector<16xf32>
        %parallel_loop3A_1540 = arith.mulf %parallel_loop3A_1539, %get3A_338 : vector<16xf32>
        %parallel_loop3A_1541 = arith.addf %parallel_loop3A_1540, %get3A_658 : vector<16xf32>
        %parallel_loop3A_1542 = arith.constant 7 : i32
        %parallel_loop3A_1543 = arith.constant 0 : i32
        %parallel_loop3A_1544 = arith.constant 0 : i32
        %parallel_loop3A_1545 = arith.constant 0 : i32
        %parallel_loop3A_1546 = tpu.memref_slice %arg14[%select_n3A_52, %parallel_loop3A_1543, %parallel_loop3A_1544, %parallel_loop3A_1545] : memref<2x8x20x128xf32, #tpu.memory_space<vmem>> -> memref<1x8x20x128xf32, #tpu.memory_space<vmem>>
        %parallel_loop3A_1547 = tpu.memref_squeeze %parallel_loop3A_1546 : memref<1x8x20x128xf32, #tpu.memory_space<vmem>> -> memref<8x20x128xf32, #tpu.memory_space<vmem>>
        %parallel_loop3A_1548 = arith.index_cast %parallel_loop3A_715 : i32 to index
        %parallel_loop3A_1549 = arith.index_cast %parallel_loop3A_1542 : i32 to index
        %parallel_loop3A_1550 = arith.constant 0 : index
        %parallel_loop3A_1551 = tpu.vector_load %parallel_loop3A_1547[%parallel_loop3A_1548, %parallel_loop3A_1549, %parallel_loop3A_1550] {strides = array<i32>} : memref<8x20x128xf32, #tpu.memory_space<vmem>>, vector<1x1x16xf32>,
        %parallel_loop3A_1552 = vector.shape_cast %parallel_loop3A_1551 : vector<1x1x16xf32> to vector<16xf32>
        %parallel_loop3A_1553 = vector.shape_cast %parallel_loop3A_1541 : vector<16xf32> to vector<1x1x16xf32>
        tpu.vector_store %parallel_loop3A_1547[%parallel_loop3A_1548, %parallel_loop3A_1549, %parallel_loop3A_1550], %parallel_loop3A_1553 {strides = array<i32>} : memref<8x20x128xf32, #tpu.memory_space<vmem>>, vector<1x1x16xf32>,
        %parallel_loop3A_1554 = arith.mulf %parallel_loop3A_1539, %get3A_343 : vector<16xf32>
        %parallel_loop3A_1555 = arith.addf %parallel_loop3A_1554, %get3A_663 : vector<16xf32>
        %parallel_loop3A_1556 = arith.constant 7 : i32
        %parallel_loop3A_1557 = arith.constant 0 : i32
        %parallel_loop3A_1558 = arith.constant 0 : i32
        %parallel_loop3A_1559 = arith.constant 0 : i32
        %parallel_loop3A_1560 = tpu.memref_slice %arg14[%select_n3A_52, %parallel_loop3A_1557, %parallel_loop3A_1558, %parallel_loop3A_1559] : memref<2x8x20x128xf32, #tpu.memory_space<vmem>> -> memref<1x8x20x128xf32, #tpu.memory_space<vmem>>
        %parallel_loop3A_1561 = tpu.memref_squeeze %parallel_loop3A_1560 : memref<1x8x20x128xf32, #tpu.memory_space<vmem>> -> memref<8x20x128xf32, #tpu.memory_space<vmem>>
        %parallel_loop3A_1562 = arith.index_cast %parallel_loop3A_715 : i32 to index
        %parallel_loop3A_1563 = arith.index_cast %parallel_loop3A_1556 : i32 to index
        %parallel_loop3A_1564 = arith.constant 16 : index
        %parallel_loop3A_1565 = tpu.vector_load %parallel_loop3A_1561[%parallel_loop3A_1562, %parallel_loop3A_1563, %parallel_loop3A_1564] {strides = array<i32>} : memref<8x20x128xf32, #tpu.memory_space<vmem>>, vector<1x1x16xf32>,
        %parallel_loop3A_1566 = vector.shape_cast %parallel_loop3A_1565 : vector<1x1x16xf32> to vector<16xf32>
        %parallel_loop3A_1567 = vector.shape_cast %parallel_loop3A_1555 : vector<16xf32> to vector<1x1x16xf32>
        tpu.vector_store %parallel_loop3A_1561[%parallel_loop3A_1562, %parallel_loop3A_1563, %parallel_loop3A_1564], %parallel_loop3A_1567 {strides = array<i32>} : memref<8x20x128xf32, #tpu.memory_space<vmem>>, vector<1x1x16xf32>,
        %parallel_loop3A_1568 = arith.mulf %parallel_loop3A_1539, %get3A_348 : vector<16xf32>
        %parallel_loop3A_1569 = arith.addf %parallel_loop3A_1568, %get3A_668 : vector<16xf32>
        %parallel_loop3A_1570 = arith.constant 7 : i32
        %parallel_loop3A_1571 = arith.constant 0 : i32
        %parallel_loop3A_1572 = arith.constant 0 : i32
        %parallel_loop3A_1573 = arith.constant 0 : i32
        %parallel_loop3A_1574 = tpu.memref_slice %arg14[%select_n3A_52, %parallel_loop3A_1571, %parallel_loop3A_1572, %parallel_loop3A_1573] : memref<2x8x20x128xf32, #tpu.memory_space<vmem>> -> memref<1x8x20x128xf32, #tpu.memory_space<vmem>>
        %parallel_loop3A_1575 = tpu.memref_squeeze %parallel_loop3A_1574 : memref<1x8x20x128xf32, #tpu.memory_space<vmem>> -> memref<8x20x128xf32, #tpu.memory_space<vmem>>
        %parallel_loop3A_1576 = arith.index_cast %parallel_loop3A_715 : i32 to index
        %parallel_loop3A_1577 = arith.index_cast %parallel_loop3A_1570 : i32 to index
        %parallel_loop3A_1578 = arith.constant 32 : index
        %parallel_loop3A_1579 = tpu.vector_load %parallel_loop3A_1575[%parallel_loop3A_1576, %parallel_loop3A_1577, %parallel_loop3A_1578] {strides = array<i32>} : memref<8x20x128xf32, #tpu.memory_space<vmem>>, vector<1x1x16xf32>,
        %parallel_loop3A_1580 = vector.shape_cast %parallel_loop3A_1579 : vector<1x1x16xf32> to vector<16xf32>
        %parallel_loop3A_1581 = vector.shape_cast %parallel_loop3A_1569 : vector<16xf32> to vector<1x1x16xf32>
        tpu.vector_store %parallel_loop3A_1575[%parallel_loop3A_1576, %parallel_loop3A_1577, %parallel_loop3A_1578], %parallel_loop3A_1581 {strides = array<i32>} : memref<8x20x128xf32, #tpu.memory_space<vmem>>, vector<1x1x16xf32>,
        %parallel_loop3A_1582 = arith.mulf %parallel_loop3A_1539, %get3A_353 : vector<16xf32>
        %parallel_loop3A_1583 = arith.addf %parallel_loop3A_1582, %get3A_673 : vector<16xf32>
        %parallel_loop3A_1584 = arith.constant 7 : i32
        %parallel_loop3A_1585 = arith.constant 0 : i32
        %parallel_loop3A_1586 = arith.constant 0 : i32
        %parallel_loop3A_1587 = arith.constant 0 : i32
        %parallel_loop3A_1588 = tpu.memref_slice %arg14[%select_n3A_52, %parallel_loop3A_1585, %parallel_loop3A_1586, %parallel_loop3A_1587] : memref<2x8x20x128xf32, #tpu.memory_space<vmem>> -> memref<1x8x20x128xf32, #tpu.memory_space<vmem>>
        %parallel_loop3A_1589 = tpu.memref_squeeze %parallel_loop3A_1588 : memref<1x8x20x128xf32, #tpu.memory_space<vmem>> -> memref<8x20x128xf32, #tpu.memory_space<vmem>>
        %parallel_loop3A_1590 = arith.index_cast %parallel_loop3A_715 : i32 to index
        %parallel_loop3A_1591 = arith.index_cast %parallel_loop3A_1584 : i32 to index
        %parallel_loop3A_1592 = arith.constant 48 : index
        %parallel_loop3A_1593 = tpu.vector_load %parallel_loop3A_1589[%parallel_loop3A_1590, %parallel_loop3A_1591, %parallel_loop3A_1592] {strides = array<i32>} : memref<8x20x128xf32, #tpu.memory_space<vmem>>, vector<1x1x16xf32>,
        %parallel_loop3A_1594 = vector.shape_cast %parallel_loop3A_1593 : vector<1x1x16xf32> to vector<16xf32>
        %parallel_loop3A_1595 = vector.shape_cast %parallel_loop3A_1583 : vector<16xf32> to vector<1x1x16xf32>
        tpu.vector_store %parallel_loop3A_1589[%parallel_loop3A_1590, %parallel_loop3A_1591, %parallel_loop3A_1592], %parallel_loop3A_1595 {strides = array<i32>} : memref<8x20x128xf32, #tpu.memory_space<vmem>>, vector<1x1x16xf32>,
        %parallel_loop3A_1596 = arith.mulf %parallel_loop3A_1539, %get3A_358 : vector<16xf32>
        %parallel_loop3A_1597 = arith.addf %parallel_loop3A_1596, %get3A_678 : vector<16xf32>
        %parallel_loop3A_1598 = arith.constant 7 : i32
        %parallel_loop3A_1599 = arith.constant 0 : i32
        %parallel_loop3A_1600 = arith.constant 0 : i32
        %parallel_loop3A_1601 = arith.constant 0 : i32
        %parallel_loop3A_1602 = tpu.memref_slice %arg14[%select_n3A_52, %parallel_loop3A_1599, %parallel_loop3A_1600, %parallel_loop3A_1601] : memref<2x8x20x128xf32, #tpu.memory_space<vmem>> -> memref<1x8x20x128xf32, #tpu.memory_space<vmem>>
        %parallel_loop3A_1603 = tpu.memref_squeeze %parallel_loop3A_1602 : memref<1x8x20x128xf32, #tpu.memory_space<vmem>> -> memref<8x20x128xf32, #tpu.memory_space<vmem>>
        %parallel_loop3A_1604 = arith.index_cast %parallel_loop3A_715 : i32 to index
        %parallel_loop3A_1605 = arith.index_cast %parallel_loop3A_1598 : i32 to index
        %parallel_loop3A_1606 = arith.constant 64 : index
        %parallel_loop3A_1607 = tpu.vector_load %parallel_loop3A_1603[%parallel_loop3A_1604, %parallel_loop3A_1605, %parallel_loop3A_1606] {strides = array<i32>} : memref<8x20x128xf32, #tpu.memory_space<vmem>>, vector<1x1x16xf32>,
        %parallel_loop3A_1608 = vector.shape_cast %parallel_loop3A_1607 : vector<1x1x16xf32> to vector<16xf32>
        %parallel_loop3A_1609 = vector.shape_cast %parallel_loop3A_1597 : vector<16xf32> to vector<1x1x16xf32>
        tpu.vector_store %parallel_loop3A_1603[%parallel_loop3A_1604, %parallel_loop3A_1605, %parallel_loop3A_1606], %parallel_loop3A_1609 {strides = array<i32>} : memref<8x20x128xf32, #tpu.memory_space<vmem>>, vector<1x1x16xf32>,
        %parallel_loop3A_1610 = arith.mulf %parallel_loop3A_1539, %get3A_363 : vector<16xf32>
        %parallel_loop3A_1611 = arith.addf %parallel_loop3A_1610, %get3A_683 : vector<16xf32>
        %parallel_loop3A_1612 = arith.constant 7 : i32
        %parallel_loop3A_1613 = arith.constant 0 : i32
        %parallel_loop3A_1614 = arith.constant 0 : i32
        %parallel_loop3A_1615 = arith.constant 0 : i32
        %parallel_loop3A_1616 = tpu.memref_slice %arg14[%select_n3A_52, %parallel_loop3A_1613, %parallel_loop3A_1614, %parallel_loop3A_1615] : memref<2x8x20x128xf32, #tpu.memory_space<vmem>> -> memref<1x8x20x128xf32, #tpu.memory_space<vmem>>
        %parallel_loop3A_1617 = tpu.memref_squeeze %parallel_loop3A_1616 : memref<1x8x20x128xf32, #tpu.memory_space<vmem>> -> memref<8x20x128xf32, #tpu.memory_space<vmem>>
        %parallel_loop3A_1618 = arith.index_cast %parallel_loop3A_715 : i32 to index
        %parallel_loop3A_1619 = arith.index_cast %parallel_loop3A_1612 : i32 to index
        %parallel_loop3A_1620 = arith.constant 80 : index
        %parallel_loop3A_1621 = tpu.vector_load %parallel_loop3A_1617[%parallel_loop3A_1618, %parallel_loop3A_1619, %parallel_loop3A_1620] {strides = array<i32>} : memref<8x20x128xf32, #tpu.memory_space<vmem>>, vector<1x1x16xf32>,
        %parallel_loop3A_1622 = vector.shape_cast %parallel_loop3A_1621 : vector<1x1x16xf32> to vector<16xf32>
        %parallel_loop3A_1623 = vector.shape_cast %parallel_loop3A_1611 : vector<16xf32> to vector<1x1x16xf32>
        tpu.vector_store %parallel_loop3A_1617[%parallel_loop3A_1618, %parallel_loop3A_1619, %parallel_loop3A_1620], %parallel_loop3A_1623 {strides = array<i32>} : memref<8x20x128xf32, #tpu.memory_space<vmem>>, vector<1x1x16xf32>,
        %parallel_loop3A_1624 = arith.mulf %parallel_loop3A_1539, %get3A_368 : vector<16xf32>
        %parallel_loop3A_1625 = arith.addf %parallel_loop3A_1624, %get3A_688 : vector<16xf32>
        %parallel_loop3A_1626 = arith.constant 7 : i32
        %parallel_loop3A_1627 = arith.constant 0 : i32
        %parallel_loop3A_1628 = arith.constant 0 : i32
        %parallel_loop3A_1629 = arith.constant 0 : i32
        %parallel_loop3A_1630 = tpu.memref_slice %arg14[%select_n3A_52, %parallel_loop3A_1627, %parallel_loop3A_1628, %parallel_loop3A_1629] : memref<2x8x20x128xf32, #tpu.memory_space<vmem>> -> memref<1x8x20x128xf32, #tpu.memory_space<vmem>>
        %parallel_loop3A_1631 = tpu.memref_squeeze %parallel_loop3A_1630 : memref<1x8x20x128xf32, #tpu.memory_space<vmem>> -> memref<8x20x128xf32, #tpu.memory_space<vmem>>
        %parallel_loop3A_1632 = arith.index_cast %parallel_loop3A_715 : i32 to index
        %parallel_loop3A_1633 = arith.index_cast %parallel_loop3A_1626 : i32 to index
        %parallel_loop3A_1634 = arith.constant 96 : index
        %parallel_loop3A_1635 = tpu.vector_load %parallel_loop3A_1631[%parallel_loop3A_1632, %parallel_loop3A_1633, %parallel_loop3A_1634] {strides = array<i32>} : memref<8x20x128xf32, #tpu.memory_space<vmem>>, vector<1x1x16xf32>,
        %parallel_loop3A_1636 = vector.shape_cast %parallel_loop3A_1635 : vector<1x1x16xf32> to vector<16xf32>
        %parallel_loop3A_1637 = vector.shape_cast %parallel_loop3A_1625 : vector<16xf32> to vector<1x1x16xf32>
        tpu.vector_store %parallel_loop3A_1631[%parallel_loop3A_1632, %parallel_loop3A_1633, %parallel_loop3A_1634], %parallel_loop3A_1637 {strides = array<i32>} : memref<8x20x128xf32, #tpu.memory_space<vmem>>, vector<1x1x16xf32>,
        %parallel_loop3A_1638 = arith.mulf %parallel_loop3A_1539, %get3A_373 : vector<16xf32>
        %parallel_loop3A_1639 = arith.addf %parallel_loop3A_1638, %get3A_693 : vector<16xf32>
        %parallel_loop3A_1640 = arith.constant 7 : i32
        %parallel_loop3A_1641 = arith.constant 0 : i32
        %parallel_loop3A_1642 = arith.constant 0 : i32
        %parallel_loop3A_1643 = arith.constant 0 : i32
        %parallel_loop3A_1644 = tpu.memref_slice %arg14[%select_n3A_52, %parallel_loop3A_1641, %parallel_loop3A_1642, %parallel_loop3A_1643] : memref<2x8x20x128xf32, #tpu.memory_space<vmem>> -> memref<1x8x20x128xf32, #tpu.memory_space<vmem>>
        %parallel_loop3A_1645 = tpu.memref_squeeze %parallel_loop3A_1644 : memref<1x8x20x128xf32, #tpu.memory_space<vmem>> -> memref<8x20x128xf32, #tpu.memory_space<vmem>>
        %parallel_loop3A_1646 = arith.index_cast %parallel_loop3A_715 : i32 to index
        %parallel_loop3A_1647 = arith.index_cast %parallel_loop3A_1640 : i32 to index
        %parallel_loop3A_1648 = arith.constant 112 : index
        %parallel_loop3A_1649 = tpu.vector_load %parallel_loop3A_1645[%parallel_loop3A_1646, %parallel_loop3A_1647, %parallel_loop3A_1648] {strides = array<i32>} : memref<8x20x128xf32, #tpu.memory_space<vmem>>, vector<1x1x16xf32>,
        %parallel_loop3A_1650 = vector.shape_cast %parallel_loop3A_1649 : vector<1x1x16xf32> to vector<16xf32>
        %parallel_loop3A_1651 = vector.shape_cast %parallel_loop3A_1639 : vector<16xf32> to vector<1x1x16xf32>
        tpu.vector_store %parallel_loop3A_1645[%parallel_loop3A_1646, %parallel_loop3A_1647, %parallel_loop3A_1648], %parallel_loop3A_1651 {strides = array<i32>} : memref<8x20x128xf32, #tpu.memory_space<vmem>>, vector<1x1x16xf32>,
        %parallel_loop3A_1652 = vector.extract_strided_slice %parallel_loop3A_723 {offsets = [0], sizes = [1], strides = [1]} : vector<16xi32> to vector<1xi32>
        %parallel_loop3A_1653 = vector.extract %parallel_loop3A_1652[0] : i32 from vector<1xi32>
        %parallel_loop3A_1654 = arith.constant 0 : i32
        %parallel_loop3A_1655 = arith.addi %parallel_loop3A_1653, %parallel_loop3A_1654 : i32
        %parallel_loop3A_1656 = arith.index_cast %parallel_loop3A_1655 : i32 to index
        %parallel_loop3A_1657 = tpu.vector_load %arg20[%parallel_loop3A_1656] {strides = array<i32>} : memref<19328xf32, #tpu.memory_space<vmem>>, vector<16xf32>,
        %parallel_loop3A_1658 = vector.shape_cast %parallel_loop3A_1657 : vector<16xf32> to vector<16xf32>
        %parallel_loop3A_1659 = arith.constant 8 : i32
        %parallel_loop3A_1660 = arith.constant 0 : i32
        %parallel_loop3A_1661 = arith.constant 0 : i32
        %parallel_loop3A_1662 = arith.constant 0 : i32
        %parallel_loop3A_1663 = tpu.memref_slice %arg14[%select_n3A_52, %parallel_loop3A_1660, %parallel_loop3A_1661, %parallel_loop3A_1662] : memref<2x8x20x128xf32, #tpu.memory_space<vmem>> -> memref<1x8x20x128xf32, #tpu.memory_space<vmem>>
        %parallel_loop3A_1664 = tpu.memref_squeeze %parallel_loop3A_1663 : memref<1x8x20x128xf32, #tpu.memory_space<vmem>> -> memref<8x20x128xf32, #tpu.memory_space<vmem>>
        %parallel_loop3A_1665 = arith.index_cast %parallel_loop3A_715 : i32 to index
        %parallel_loop3A_1666 = arith.index_cast %parallel_loop3A_1659 : i32 to index
        %parallel_loop3A_1667 = arith.constant 0 : index
        %parallel_loop3A_1668 = tpu.vector_load %parallel_loop3A_1664[%parallel_loop3A_1665, %parallel_loop3A_1666, %parallel_loop3A_1667] {strides = array<i32>} : memref<8x20x128xf32, #tpu.memory_space<vmem>>, vector<1x1x16xf32>,
        %parallel_loop3A_1669 = vector.shape_cast %parallel_loop3A_1668 : vector<1x1x16xf32> to vector<16xf32>
        %parallel_loop3A_1670 = vector.shape_cast %parallel_loop3A_1658 : vector<16xf32> to vector<1x1x16xf32>
        tpu.vector_store %parallel_loop3A_1664[%parallel_loop3A_1665, %parallel_loop3A_1666, %parallel_loop3A_1667], %parallel_loop3A_1670 {strides = array<i32>} : memref<8x20x128xf32, #tpu.memory_space<vmem>>, vector<1x1x16xf32>,
        %parallel_loop3A_1671 = arith.constant 16 : i32
        %parallel_loop3A_1672 = arith.addi %parallel_loop3A_1653, %parallel_loop3A_1671 : i32
        %parallel_loop3A_1673 = arith.index_cast %parallel_loop3A_1672 : i32 to index
        %parallel_loop3A_1674 = tpu.vector_load %arg20[%parallel_loop3A_1673] {strides = array<i32>} : memref<19328xf32, #tpu.memory_space<vmem>>, vector<16xf32>,
        %parallel_loop3A_1675 = vector.shape_cast %parallel_loop3A_1674 : vector<16xf32> to vector<16xf32>
        %parallel_loop3A_1676 = arith.constant 8 : i32
        %parallel_loop3A_1677 = arith.constant 0 : i32
        %parallel_loop3A_1678 = arith.constant 0 : i32
        %parallel_loop3A_1679 = arith.constant 0 : i32
        %parallel_loop3A_1680 = tpu.memref_slice %arg14[%select_n3A_52, %parallel_loop3A_1677, %parallel_loop3A_1678, %parallel_loop3A_1679] : memref<2x8x20x128xf32, #tpu.memory_space<vmem>> -> memref<1x8x20x128xf32, #tpu.memory_space<vmem>>
        %parallel_loop3A_1681 = tpu.memref_squeeze %parallel_loop3A_1680 : memref<1x8x20x128xf32, #tpu.memory_space<vmem>> -> memref<8x20x128xf32, #tpu.memory_space<vmem>>
        %parallel_loop3A_1682 = arith.index_cast %parallel_loop3A_715 : i32 to index
        %parallel_loop3A_1683 = arith.index_cast %parallel_loop3A_1676 : i32 to index
        %parallel_loop3A_1684 = arith.constant 16 : index
        %parallel_loop3A_1685 = tpu.vector_load %parallel_loop3A_1681[%parallel_loop3A_1682, %parallel_loop3A_1683, %parallel_loop3A_1684] {strides = array<i32>} : memref<8x20x128xf32, #tpu.memory_space<vmem>>, vector<1x1x16xf32>,
        %parallel_loop3A_1686 = vector.shape_cast %parallel_loop3A_1685 : vector<1x1x16xf32> to vector<16xf32>
        %parallel_loop3A_1687 = vector.shape_cast %parallel_loop3A_1675 : vector<16xf32> to vector<1x1x16xf32>
        tpu.vector_store %parallel_loop3A_1681[%parallel_loop3A_1682, %parallel_loop3A_1683, %parallel_loop3A_1684], %parallel_loop3A_1687 {strides = array<i32>} : memref<8x20x128xf32, #tpu.memory_space<vmem>>, vector<1x1x16xf32>,
        %parallel_loop3A_1688 = arith.constant 32 : i32
        %parallel_loop3A_1689 = arith.addi %parallel_loop3A_1653, %parallel_loop3A_1688 : i32
        %parallel_loop3A_1690 = arith.index_cast %parallel_loop3A_1689 : i32 to index
        %parallel_loop3A_1691 = tpu.vector_load %arg20[%parallel_loop3A_1690] {strides = array<i32>} : memref<19328xf32, #tpu.memory_space<vmem>>, vector<16xf32>,
        %parallel_loop3A_1692 = vector.shape_cast %parallel_loop3A_1691 : vector<16xf32> to vector<16xf32>
        %parallel_loop3A_1693 = arith.constant 8 : i32
        %parallel_loop3A_1694 = arith.constant 0 : i32
        %parallel_loop3A_1695 = arith.constant 0 : i32
        %parallel_loop3A_1696 = arith.constant 0 : i32
        %parallel_loop3A_1697 = tpu.memref_slice %arg14[%select_n3A_52, %parallel_loop3A_1694, %parallel_loop3A_1695, %parallel_loop3A_1696] : memref<2x8x20x128xf32, #tpu.memory_space<vmem>> -> memref<1x8x20x128xf32, #tpu.memory_space<vmem>>
        %parallel_loop3A_1698 = tpu.memref_squeeze %parallel_loop3A_1697 : memref<1x8x20x128xf32, #tpu.memory_space<vmem>> -> memref<8x20x128xf32, #tpu.memory_space<vmem>>
        %parallel_loop3A_1699 = arith.index_cast %parallel_loop3A_715 : i32 to index
        %parallel_loop3A_1700 = arith.index_cast %parallel_loop3A_1693 : i32 to index
        %parallel_loop3A_1701 = arith.constant 32 : index
        %parallel_loop3A_1702 = tpu.vector_load %parallel_loop3A_1698[%parallel_loop3A_1699, %parallel_loop3A_1700, %parallel_loop3A_1701] {strides = array<i32>} : memref<8x20x128xf32, #tpu.memory_space<vmem>>, vector<1x1x16xf32>,
        %parallel_loop3A_1703 = vector.shape_cast %parallel_loop3A_1702 : vector<1x1x16xf32> to vector<16xf32>
        %parallel_loop3A_1704 = vector.shape_cast %parallel_loop3A_1692 : vector<16xf32> to vector<1x1x16xf32>
        tpu.vector_store %parallel_loop3A_1698[%parallel_loop3A_1699, %parallel_loop3A_1700, %parallel_loop3A_1701], %parallel_loop3A_1704 {strides = array<i32>} : memref<8x20x128xf32, #tpu.memory_space<vmem>>, vector<1x1x16xf32>,
        %parallel_loop3A_1705 = arith.constant 48 : i32
        %parallel_loop3A_1706 = arith.addi %parallel_loop3A_1653, %parallel_loop3A_1705 : i32
        %parallel_loop3A_1707 = arith.index_cast %parallel_loop3A_1706 : i32 to index
        %parallel_loop3A_1708 = tpu.vector_load %arg20[%parallel_loop3A_1707] {strides = array<i32>} : memref<19328xf32, #tpu.memory_space<vmem>>, vector<16xf32>,
        %parallel_loop3A_1709 = vector.shape_cast %parallel_loop3A_1708 : vector<16xf32> to vector<16xf32>
        %parallel_loop3A_1710 = arith.constant 8 : i32
        %parallel_loop3A_1711 = arith.constant 0 : i32
        %parallel_loop3A_1712 = arith.constant 0 : i32
        %parallel_loop3A_1713 = arith.constant 0 : i32
        %parallel_loop3A_1714 = tpu.memref_slice %arg14[%select_n3A_52, %parallel_loop3A_1711, %parallel_loop3A_1712, %parallel_loop3A_1713] : memref<2x8x20x128xf32, #tpu.memory_space<vmem>> -> memref<1x8x20x128xf32, #tpu.memory_space<vmem>>
        %parallel_loop3A_1715 = tpu.memref_squeeze %parallel_loop3A_1714 : memref<1x8x20x128xf32, #tpu.memory_space<vmem>> -> memref<8x20x128xf32, #tpu.memory_space<vmem>>
        %parallel_loop3A_1716 = arith.index_cast %parallel_loop3A_715 : i32 to index
        %parallel_loop3A_1717 = arith.index_cast %parallel_loop3A_1710 : i32 to index
        %parallel_loop3A_1718 = arith.constant 48 : index
        %parallel_loop3A_1719 = tpu.vector_load %parallel_loop3A_1715[%parallel_loop3A_1716, %parallel_loop3A_1717, %parallel_loop3A_1718] {strides = array<i32>} : memref<8x20x128xf32, #tpu.memory_space<vmem>>, vector<1x1x16xf32>,
        %parallel_loop3A_1720 = vector.shape_cast %parallel_loop3A_1719 : vector<1x1x16xf32> to vector<16xf32>
        %parallel_loop3A_1721 = vector.shape_cast %parallel_loop3A_1709 : vector<16xf32> to vector<1x1x16xf32>
        tpu.vector_store %parallel_loop3A_1715[%parallel_loop3A_1716, %parallel_loop3A_1717, %parallel_loop3A_1718], %parallel_loop3A_1721 {strides = array<i32>} : memref<8x20x128xf32, #tpu.memory_space<vmem>>, vector<1x1x16xf32>,
        %parallel_loop3A_1722 = arith.constant 64 : i32
        %parallel_loop3A_1723 = arith.addi %parallel_loop3A_1653, %parallel_loop3A_1722 : i32
        %parallel_loop3A_1724 = arith.index_cast %parallel_loop3A_1723 : i32 to index
        %parallel_loop3A_1725 = tpu.vector_load %arg20[%parallel_loop3A_1724] {strides = array<i32>} : memref<19328xf32, #tpu.memory_space<vmem>>, vector<16xf32>,
        %parallel_loop3A_1726 = vector.shape_cast %parallel_loop3A_1725 : vector<16xf32> to vector<16xf32>
        %parallel_loop3A_1727 = arith.constant 8 : i32
        %parallel_loop3A_1728 = arith.constant 0 : i32
        %parallel_loop3A_1729 = arith.constant 0 : i32
        %parallel_loop3A_1730 = arith.constant 0 : i32
        %parallel_loop3A_1731 = tpu.memref_slice %arg14[%select_n3A_52, %parallel_loop3A_1728, %parallel_loop3A_1729, %parallel_loop3A_1730] : memref<2x8x20x128xf32, #tpu.memory_space<vmem>> -> memref<1x8x20x128xf32, #tpu.memory_space<vmem>>
        %parallel_loop3A_1732 = tpu.memref_squeeze %parallel_loop3A_1731 : memref<1x8x20x128xf32, #tpu.memory_space<vmem>> -> memref<8x20x128xf32, #tpu.memory_space<vmem>>
        %parallel_loop3A_1733 = arith.index_cast %parallel_loop3A_715 : i32 to index
        %parallel_loop3A_1734 = arith.index_cast %parallel_loop3A_1727 : i32 to index
        %parallel_loop3A_1735 = arith.constant 64 : index
        %parallel_loop3A_1736 = tpu.vector_load %parallel_loop3A_1732[%parallel_loop3A_1733, %parallel_loop3A_1734, %parallel_loop3A_1735] {strides = array<i32>} : memref<8x20x128xf32, #tpu.memory_space<vmem>>, vector<1x1x16xf32>,
        %parallel_loop3A_1737 = vector.shape_cast %parallel_loop3A_1736 : vector<1x1x16xf32> to vector<16xf32>
        %parallel_loop3A_1738 = vector.shape_cast %parallel_loop3A_1726 : vector<16xf32> to vector<1x1x16xf32>
        tpu.vector_store %parallel_loop3A_1732[%parallel_loop3A_1733, %parallel_loop3A_1734, %parallel_loop3A_1735], %parallel_loop3A_1738 {strides = array<i32>} : memref<8x20x128xf32, #tpu.memory_space<vmem>>, vector<1x1x16xf32>,
        %parallel_loop3A_1739 = arith.constant 80 : i32
        %parallel_loop3A_1740 = arith.addi %parallel_loop3A_1653, %parallel_loop3A_1739 : i32
        %parallel_loop3A_1741 = arith.index_cast %parallel_loop3A_1740 : i32 to index
        %parallel_loop3A_1742 = tpu.vector_load %arg20[%parallel_loop3A_1741] {strides = array<i32>} : memref<19328xf32, #tpu.memory_space<vmem>>, vector<16xf32>,
        %parallel_loop3A_1743 = vector.shape_cast %parallel_loop3A_1742 : vector<16xf32> to vector<16xf32>
        %parallel_loop3A_1744 = arith.constant 8 : i32
        %parallel_loop3A_1745 = arith.constant 0 : i32
        %parallel_loop3A_1746 = arith.constant 0 : i32
        %parallel_loop3A_1747 = arith.constant 0 : i32
        %parallel_loop3A_1748 = tpu.memref_slice %arg14[%select_n3A_52, %parallel_loop3A_1745, %parallel_loop3A_1746, %parallel_loop3A_1747] : memref<2x8x20x128xf32, #tpu.memory_space<vmem>> -> memref<1x8x20x128xf32, #tpu.memory_space<vmem>>
        %parallel_loop3A_1749 = tpu.memref_squeeze %parallel_loop3A_1748 : memref<1x8x20x128xf32, #tpu.memory_space<vmem>> -> memref<8x20x128xf32, #tpu.memory_space<vmem>>
        %parallel_loop3A_1750 = arith.index_cast %parallel_loop3A_715 : i32 to index
        %parallel_loop3A_1751 = arith.index_cast %parallel_loop3A_1744 : i32 to index
        %parallel_loop3A_1752 = arith.constant 80 : index
        %parallel_loop3A_1753 = tpu.vector_load %parallel_loop3A_1749[%parallel_loop3A_1750, %parallel_loop3A_1751, %parallel_loop3A_1752] {strides = array<i32>} : memref<8x20x128xf32, #tpu.memory_space<vmem>>, vector<1x1x16xf32>,
        %parallel_loop3A_1754 = vector.shape_cast %parallel_loop3A_1753 : vector<1x1x16xf32> to vector<16xf32>
        %parallel_loop3A_1755 = vector.shape_cast %parallel_loop3A_1743 : vector<16xf32> to vector<1x1x16xf32>
        tpu.vector_store %parallel_loop3A_1749[%parallel_loop3A_1750, %parallel_loop3A_1751, %parallel_loop3A_1752], %parallel_loop3A_1755 {strides = array<i32>} : memref<8x20x128xf32, #tpu.memory_space<vmem>>, vector<1x1x16xf32>,
        %parallel_loop3A_1756 = arith.constant 96 : i32
        %parallel_loop3A_1757 = arith.addi %parallel_loop3A_1653, %parallel_loop3A_1756 : i32
        %parallel_loop3A_1758 = arith.index_cast %parallel_loop3A_1757 : i32 to index
        %parallel_loop3A_1759 = tpu.vector_load %arg20[%parallel_loop3A_1758] {strides = array<i32>} : memref<19328xf32, #tpu.memory_space<vmem>>, vector<16xf32>,
        %parallel_loop3A_1760 = vector.shape_cast %parallel_loop3A_1759 : vector<16xf32> to vector<16xf32>
        %parallel_loop3A_1761 = arith.constant 8 : i32
        %parallel_loop3A_1762 = arith.constant 0 : i32
        %parallel_loop3A_1763 = arith.constant 0 : i32
        %parallel_loop3A_1764 = arith.constant 0 : i32
        %parallel_loop3A_1765 = tpu.memref_slice %arg14[%select_n3A_52, %parallel_loop3A_1762, %parallel_loop3A_1763, %parallel_loop3A_1764] : memref<2x8x20x128xf32, #tpu.memory_space<vmem>> -> memref<1x8x20x128xf32, #tpu.memory_space<vmem>>
        %parallel_loop3A_1766 = tpu.memref_squeeze %parallel_loop3A_1765 : memref<1x8x20x128xf32, #tpu.memory_space<vmem>> -> memref<8x20x128xf32, #tpu.memory_space<vmem>>
        %parallel_loop3A_1767 = arith.index_cast %parallel_loop3A_715 : i32 to index
        %parallel_loop3A_1768 = arith.index_cast %parallel_loop3A_1761 : i32 to index
        %parallel_loop3A_1769 = arith.constant 96 : index
        %parallel_loop3A_1770 = tpu.vector_load %parallel_loop3A_1766[%parallel_loop3A_1767, %parallel_loop3A_1768, %parallel_loop3A_1769] {strides = array<i32>} : memref<8x20x128xf32, #tpu.memory_space<vmem>>, vector<1x1x16xf32>,
        %parallel_loop3A_1771 = vector.shape_cast %parallel_loop3A_1770 : vector<1x1x16xf32> to vector<16xf32>
        %parallel_loop3A_1772 = vector.shape_cast %parallel_loop3A_1760 : vector<16xf32> to vector<1x1x16xf32>
        tpu.vector_store %parallel_loop3A_1766[%parallel_loop3A_1767, %parallel_loop3A_1768, %parallel_loop3A_1769], %parallel_loop3A_1772 {strides = array<i32>} : memref<8x20x128xf32, #tpu.memory_space<vmem>>, vector<1x1x16xf32>,
        %parallel_loop3A_1773 = arith.constant 112 : i32
        %parallel_loop3A_1774 = arith.addi %parallel_loop3A_1653, %parallel_loop3A_1773 : i32
        %parallel_loop3A_1775 = arith.index_cast %parallel_loop3A_1774 : i32 to index
        %parallel_loop3A_1776 = tpu.vector_load %arg20[%parallel_loop3A_1775] {strides = array<i32>} : memref<19328xf32, #tpu.memory_space<vmem>>, vector<16xf32>,
        %parallel_loop3A_1777 = vector.shape_cast %parallel_loop3A_1776 : vector<16xf32> to vector<16xf32>
        %parallel_loop3A_1778 = arith.constant 8 : i32
        %parallel_loop3A_1779 = arith.constant 0 : i32
        %parallel_loop3A_1780 = arith.constant 0 : i32
        %parallel_loop3A_1781 = arith.constant 0 : i32
        %parallel_loop3A_1782 = tpu.memref_slice %arg14[%select_n3A_52, %parallel_loop3A_1779, %parallel_loop3A_1780, %parallel_loop3A_1781] : memref<2x8x20x128xf32, #tpu.memory_space<vmem>> -> memref<1x8x20x128xf32, #tpu.memory_space<vmem>>
        %parallel_loop3A_1783 = tpu.memref_squeeze %parallel_loop3A_1782 : memref<1x8x20x128xf32, #tpu.memory_space<vmem>> -> memref<8x20x128xf32, #tpu.memory_space<vmem>>
        %parallel_loop3A_1784 = arith.index_cast %parallel_loop3A_715 : i32 to index
        %parallel_loop3A_1785 = arith.index_cast %parallel_loop3A_1778 : i32 to index
        %parallel_loop3A_1786 = arith.constant 112 : index
        %parallel_loop3A_1787 = tpu.vector_load %parallel_loop3A_1783[%parallel_loop3A_1784, %parallel_loop3A_1785, %parallel_loop3A_1786] {strides = array<i32>} : memref<8x20x128xf32, #tpu.memory_space<vmem>>, vector<1x1x16xf32>,
        %parallel_loop3A_1788 = vector.shape_cast %parallel_loop3A_1787 : vector<1x1x16xf32> to vector<16xf32>
        %parallel_loop3A_1789 = vector.shape_cast %parallel_loop3A_1777 : vector<16xf32> to vector<1x1x16xf32>
        tpu.vector_store %parallel_loop3A_1783[%parallel_loop3A_1784, %parallel_loop3A_1785, %parallel_loop3A_1786], %parallel_loop3A_1789 {strides = array<i32>} : memref<8x20x128xf32, #tpu.memory_space<vmem>>, vector<1x1x16xf32>,
        %parallel_loop3A_1790 = vector.extract_strided_slice %parallel_loop3A_723 {offsets = [1], sizes = [1], strides = [1]} : vector<16xi32> to vector<1xi32>
        %parallel_loop3A_1791 = vector.extract %parallel_loop3A_1790[0] : i32 from vector<1xi32>
        %parallel_loop3A_1792 = arith.constant 0 : i32
        %parallel_loop3A_1793 = arith.addi %parallel_loop3A_1791, %parallel_loop3A_1792 : i32
        %parallel_loop3A_1794 = arith.index_cast %parallel_loop3A_1793 : i32 to index
        %parallel_loop3A_1795 = tpu.vector_load %arg21[%parallel_loop3A_1794] {strides = array<i32>} : memref<12928xf32, #tpu.memory_space<vmem>>, vector<16xf32>,
        %parallel_loop3A_1796 = vector.shape_cast %parallel_loop3A_1795 : vector<16xf32> to vector<16xf32>
        %parallel_loop3A_1797 = arith.constant 9 : i32
        %parallel_loop3A_1798 = arith.constant 0 : i32
        %parallel_loop3A_1799 = arith.constant 0 : i32
        %parallel_loop3A_1800 = arith.constant 0 : i32
        %parallel_loop3A_1801 = tpu.memref_slice %arg14[%select_n3A_52, %parallel_loop3A_1798, %parallel_loop3A_1799, %parallel_loop3A_1800] : memref<2x8x20x128xf32, #tpu.memory_space<vmem>> -> memref<1x8x20x128xf32, #tpu.memory_space<vmem>>
        %parallel_loop3A_1802 = tpu.memref_squeeze %parallel_loop3A_1801 : memref<1x8x20x128xf32, #tpu.memory_space<vmem>> -> memref<8x20x128xf32, #tpu.memory_space<vmem>>
        %parallel_loop3A_1803 = arith.index_cast %parallel_loop3A_715 : i32 to index
        %parallel_loop3A_1804 = arith.index_cast %parallel_loop3A_1797 : i32 to index
        %parallel_loop3A_1805 = arith.constant 0 : index
        %parallel_loop3A_1806 = tpu.vector_load %parallel_loop3A_1802[%parallel_loop3A_1803, %parallel_loop3A_1804, %parallel_loop3A_1805] {strides = array<i32>} : memref<8x20x128xf32, #tpu.memory_space<vmem>>, vector<1x1x16xf32>,
        %parallel_loop3A_1807 = vector.shape_cast %parallel_loop3A_1806 : vector<1x1x16xf32> to vector<16xf32>
        %parallel_loop3A_1808 = vector.shape_cast %parallel_loop3A_1796 : vector<16xf32> to vector<1x1x16xf32>
        tpu.vector_store %parallel_loop3A_1802[%parallel_loop3A_1803, %parallel_loop3A_1804, %parallel_loop3A_1805], %parallel_loop3A_1808 {strides = array<i32>} : memref<8x20x128xf32, #tpu.memory_space<vmem>>, vector<1x1x16xf32>,
        %parallel_loop3A_1809 = arith.constant 16 : i32
        %parallel_loop3A_1810 = arith.addi %parallel_loop3A_1791, %parallel_loop3A_1809 : i32
        %parallel_loop3A_1811 = arith.index_cast %parallel_loop3A_1810 : i32 to index
        %parallel_loop3A_1812 = tpu.vector_load %arg21[%parallel_loop3A_1811] {strides = array<i32>} : memref<12928xf32, #tpu.memory_space<vmem>>, vector<16xf32>,
        %parallel_loop3A_1813 = vector.shape_cast %parallel_loop3A_1812 : vector<16xf32> to vector<16xf32>
        %parallel_loop3A_1814 = arith.constant 9 : i32
        %parallel_loop3A_1815 = arith.constant 0 : i32
        %parallel_loop3A_1816 = arith.constant 0 : i32
        %parallel_loop3A_1817 = arith.constant 0 : i32
        %parallel_loop3A_1818 = tpu.memref_slice %arg14[%select_n3A_52, %parallel_loop3A_1815, %parallel_loop3A_1816, %parallel_loop3A_1817] : memref<2x8x20x128xf32, #tpu.memory_space<vmem>> -> memref<1x8x20x128xf32, #tpu.memory_space<vmem>>
        %parallel_loop3A_1819 = tpu.memref_squeeze %parallel_loop3A_1818 : memref<1x8x20x128xf32, #tpu.memory_space<vmem>> -> memref<8x20x128xf32, #tpu.memory_space<vmem>>
        %parallel_loop3A_1820 = arith.index_cast %parallel_loop3A_715 : i32 to index
        %parallel_loop3A_1821 = arith.index_cast %parallel_loop3A_1814 : i32 to index
        %parallel_loop3A_1822 = arith.constant 16 : index
        %parallel_loop3A_1823 = tpu.vector_load %parallel_loop3A_1819[%parallel_loop3A_1820, %parallel_loop3A_1821, %parallel_loop3A_1822] {strides = array<i32>} : memref<8x20x128xf32, #tpu.memory_space<vmem>>, vector<1x1x16xf32>,
        %parallel_loop3A_1824 = vector.shape_cast %parallel_loop3A_1823 : vector<1x1x16xf32> to vector<16xf32>
        %parallel_loop3A_1825 = vector.shape_cast %parallel_loop3A_1813 : vector<16xf32> to vector<1x1x16xf32>
        tpu.vector_store %parallel_loop3A_1819[%parallel_loop3A_1820, %parallel_loop3A_1821, %parallel_loop3A_1822], %parallel_loop3A_1825 {strides = array<i32>} : memref<8x20x128xf32, #tpu.memory_space<vmem>>, vector<1x1x16xf32>,
        %parallel_loop3A_1826 = arith.constant 32 : i32
        %parallel_loop3A_1827 = arith.addi %parallel_loop3A_1791, %parallel_loop3A_1826 : i32
        %parallel_loop3A_1828 = arith.index_cast %parallel_loop3A_1827 : i32 to index
        %parallel_loop3A_1829 = tpu.vector_load %arg21[%parallel_loop3A_1828] {strides = array<i32>} : memref<12928xf32, #tpu.memory_space<vmem>>, vector<16xf32>,
        %parallel_loop3A_1830 = vector.shape_cast %parallel_loop3A_1829 : vector<16xf32> to vector<16xf32>
        %parallel_loop3A_1831 = arith.constant 9 : i32
        %parallel_loop3A_1832 = arith.constant 0 : i32
        %parallel_loop3A_1833 = arith.constant 0 : i32
        %parallel_loop3A_1834 = arith.constant 0 : i32
        %parallel_loop3A_1835 = tpu.memref_slice %arg14[%select_n3A_52, %parallel_loop3A_1832, %parallel_loop3A_1833, %parallel_loop3A_1834] : memref<2x8x20x128xf32, #tpu.memory_space<vmem>> -> memref<1x8x20x128xf32, #tpu.memory_space<vmem>>
        %parallel_loop3A_1836 = tpu.memref_squeeze %parallel_loop3A_1835 : memref<1x8x20x128xf32, #tpu.memory_space<vmem>> -> memref<8x20x128xf32, #tpu.memory_space<vmem>>
        %parallel_loop3A_1837 = arith.index_cast %parallel_loop3A_715 : i32 to index
        %parallel_loop3A_1838 = arith.index_cast %parallel_loop3A_1831 : i32 to index
        %parallel_loop3A_1839 = arith.constant 32 : index
        %parallel_loop3A_1840 = tpu.vector_load %parallel_loop3A_1836[%parallel_loop3A_1837, %parallel_loop3A_1838, %parallel_loop3A_1839] {strides = array<i32>} : memref<8x20x128xf32, #tpu.memory_space<vmem>>, vector<1x1x16xf32>,
        %parallel_loop3A_1841 = vector.shape_cast %parallel_loop3A_1840 : vector<1x1x16xf32> to vector<16xf32>
        %parallel_loop3A_1842 = vector.shape_cast %parallel_loop3A_1830 : vector<16xf32> to vector<1x1x16xf32>
        tpu.vector_store %parallel_loop3A_1836[%parallel_loop3A_1837, %parallel_loop3A_1838, %parallel_loop3A_1839], %parallel_loop3A_1842 {strides = array<i32>} : memref<8x20x128xf32, #tpu.memory_space<vmem>>, vector<1x1x16xf32>,
        %parallel_loop3A_1843 = arith.constant 48 : i32
        %parallel_loop3A_1844 = arith.addi %parallel_loop3A_1791, %parallel_loop3A_1843 : i32
        %parallel_loop3A_1845 = arith.index_cast %parallel_loop3A_1844 : i32 to index
        %parallel_loop3A_1846 = tpu.vector_load %arg21[%parallel_loop3A_1845] {strides = array<i32>} : memref<12928xf32, #tpu.memory_space<vmem>>, vector<16xf32>,
        %parallel_loop3A_1847 = vector.shape_cast %parallel_loop3A_1846 : vector<16xf32> to vector<16xf32>
        %parallel_loop3A_1848 = arith.constant 9 : i32
        %parallel_loop3A_1849 = arith.constant 0 : i32
        %parallel_loop3A_1850 = arith.constant 0 : i32
        %parallel_loop3A_1851 = arith.constant 0 : i32
        %parallel_loop3A_1852 = tpu.memref_slice %arg14[%select_n3A_52, %parallel_loop3A_1849, %parallel_loop3A_1850, %parallel_loop3A_1851] : memref<2x8x20x128xf32, #tpu.memory_space<vmem>> -> memref<1x8x20x128xf32, #tpu.memory_space<vmem>>
        %parallel_loop3A_1853 = tpu.memref_squeeze %parallel_loop3A_1852 : memref<1x8x20x128xf32, #tpu.memory_space<vmem>> -> memref<8x20x128xf32, #tpu.memory_space<vmem>>
        %parallel_loop3A_1854 = arith.index_cast %parallel_loop3A_715 : i32 to index
        %parallel_loop3A_1855 = arith.index_cast %parallel_loop3A_1848 : i32 to index
        %parallel_loop3A_1856 = arith.constant 48 : index
        %parallel_loop3A_1857 = tpu.vector_load %parallel_loop3A_1853[%parallel_loop3A_1854, %parallel_loop3A_1855, %parallel_loop3A_1856] {strides = array<i32>} : memref<8x20x128xf32, #tpu.memory_space<vmem>>, vector<1x1x16xf32>,
        %parallel_loop3A_1858 = vector.shape_cast %parallel_loop3A_1857 : vector<1x1x16xf32> to vector<16xf32>
        %parallel_loop3A_1859 = vector.shape_cast %parallel_loop3A_1847 : vector<16xf32> to vector<1x1x16xf32>
        tpu.vector_store %parallel_loop3A_1853[%parallel_loop3A_1854, %parallel_loop3A_1855, %parallel_loop3A_1856], %parallel_loop3A_1859 {strides = array<i32>} : memref<8x20x128xf32, #tpu.memory_space<vmem>>, vector<1x1x16xf32>,
        %parallel_loop3A_1860 = arith.constant 64 : i32
        %parallel_loop3A_1861 = arith.addi %parallel_loop3A_1791, %parallel_loop3A_1860 : i32
        %parallel_loop3A_1862 = arith.index_cast %parallel_loop3A_1861 : i32 to index
        %parallel_loop3A_1863 = tpu.vector_load %arg21[%parallel_loop3A_1862] {strides = array<i32>} : memref<12928xf32, #tpu.memory_space<vmem>>, vector<16xf32>,
        %parallel_loop3A_1864 = vector.shape_cast %parallel_loop3A_1863 : vector<16xf32> to vector<16xf32>
        %parallel_loop3A_1865 = arith.constant 9 : i32
        %parallel_loop3A_1866 = arith.constant 0 : i32
        %parallel_loop3A_1867 = arith.constant 0 : i32
        %parallel_loop3A_1868 = arith.constant 0 : i32
        %parallel_loop3A_1869 = tpu.memref_slice %arg14[%select_n3A_52, %parallel_loop3A_1866, %parallel_loop3A_1867, %parallel_loop3A_1868] : memref<2x8x20x128xf32, #tpu.memory_space<vmem>> -> memref<1x8x20x128xf32, #tpu.memory_space<vmem>>
        %parallel_loop3A_1870 = tpu.memref_squeeze %parallel_loop3A_1869 : memref<1x8x20x128xf32, #tpu.memory_space<vmem>> -> memref<8x20x128xf32, #tpu.memory_space<vmem>>
        %parallel_loop3A_1871 = arith.index_cast %parallel_loop3A_715 : i32 to index
        %parallel_loop3A_1872 = arith.index_cast %parallel_loop3A_1865 : i32 to index
        %parallel_loop3A_1873 = arith.constant 64 : index
        %parallel_loop3A_1874 = tpu.vector_load %parallel_loop3A_1870[%parallel_loop3A_1871, %parallel_loop3A_1872, %parallel_loop3A_1873] {strides = array<i32>} : memref<8x20x128xf32, #tpu.memory_space<vmem>>, vector<1x1x16xf32>,
        %parallel_loop3A_1875 = vector.shape_cast %parallel_loop3A_1874 : vector<1x1x16xf32> to vector<16xf32>
        %parallel_loop3A_1876 = vector.shape_cast %parallel_loop3A_1864 : vector<16xf32> to vector<1x1x16xf32>
        tpu.vector_store %parallel_loop3A_1870[%parallel_loop3A_1871, %parallel_loop3A_1872, %parallel_loop3A_1873], %parallel_loop3A_1876 {strides = array<i32>} : memref<8x20x128xf32, #tpu.memory_space<vmem>>, vector<1x1x16xf32>,
        %parallel_loop3A_1877 = arith.constant 80 : i32
        %parallel_loop3A_1878 = arith.addi %parallel_loop3A_1791, %parallel_loop3A_1877 : i32
        %parallel_loop3A_1879 = arith.index_cast %parallel_loop3A_1878 : i32 to index
        %parallel_loop3A_1880 = tpu.vector_load %arg21[%parallel_loop3A_1879] {strides = array<i32>} : memref<12928xf32, #tpu.memory_space<vmem>>, vector<16xf32>,
        %parallel_loop3A_1881 = vector.shape_cast %parallel_loop3A_1880 : vector<16xf32> to vector<16xf32>
        %parallel_loop3A_1882 = arith.constant 9 : i32
        %parallel_loop3A_1883 = arith.constant 0 : i32
        %parallel_loop3A_1884 = arith.constant 0 : i32
        %parallel_loop3A_1885 = arith.constant 0 : i32
        %parallel_loop3A_1886 = tpu.memref_slice %arg14[%select_n3A_52, %parallel_loop3A_1883, %parallel_loop3A_1884, %parallel_loop3A_1885] : memref<2x8x20x128xf32, #tpu.memory_space<vmem>> -> memref<1x8x20x128xf32, #tpu.memory_space<vmem>>
        %parallel_loop3A_1887 = tpu.memref_squeeze %parallel_loop3A_1886 : memref<1x8x20x128xf32, #tpu.memory_space<vmem>> -> memref<8x20x128xf32, #tpu.memory_space<vmem>>
        %parallel_loop3A_1888 = arith.index_cast %parallel_loop3A_715 : i32 to index
        %parallel_loop3A_1889 = arith.index_cast %parallel_loop3A_1882 : i32 to index
        %parallel_loop3A_1890 = arith.constant 80 : index
        %parallel_loop3A_1891 = tpu.vector_load %parallel_loop3A_1887[%parallel_loop3A_1888, %parallel_loop3A_1889, %parallel_loop3A_1890] {strides = array<i32>} : memref<8x20x128xf32, #tpu.memory_space<vmem>>, vector<1x1x16xf32>,
        %parallel_loop3A_1892 = vector.shape_cast %parallel_loop3A_1891 : vector<1x1x16xf32> to vector<16xf32>
        %parallel_loop3A_1893 = vector.shape_cast %parallel_loop3A_1881 : vector<16xf32> to vector<1x1x16xf32>
        tpu.vector_store %parallel_loop3A_1887[%parallel_loop3A_1888, %parallel_loop3A_1889, %parallel_loop3A_1890], %parallel_loop3A_1893 {strides = array<i32>} : memref<8x20x128xf32, #tpu.memory_space<vmem>>, vector<1x1x16xf32>,
        %parallel_loop3A_1894 = arith.constant 96 : i32
        %parallel_loop3A_1895 = arith.addi %parallel_loop3A_1791, %parallel_loop3A_1894 : i32
        %parallel_loop3A_1896 = arith.index_cast %parallel_loop3A_1895 : i32 to index
        %parallel_loop3A_1897 = tpu.vector_load %arg21[%parallel_loop3A_1896] {strides = array<i32>} : memref<12928xf32, #tpu.memory_space<vmem>>, vector<16xf32>,
        %parallel_loop3A_1898 = vector.shape_cast %parallel_loop3A_1897 : vector<16xf32> to vector<16xf32>
        %parallel_loop3A_1899 = arith.constant 9 : i32
        %parallel_loop3A_1900 = arith.constant 0 : i32
        %parallel_loop3A_1901 = arith.constant 0 : i32
        %parallel_loop3A_1902 = arith.constant 0 : i32
        %parallel_loop3A_1903 = tpu.memref_slice %arg14[%select_n3A_52, %parallel_loop3A_1900, %parallel_loop3A_1901, %parallel_loop3A_1902] : memref<2x8x20x128xf32, #tpu.memory_space<vmem>> -> memref<1x8x20x128xf32, #tpu.memory_space<vmem>>
        %parallel_loop3A_1904 = tpu.memref_squeeze %parallel_loop3A_1903 : memref<1x8x20x128xf32, #tpu.memory_space<vmem>> -> memref<8x20x128xf32, #tpu.memory_space<vmem>>
        %parallel_loop3A_1905 = arith.index_cast %parallel_loop3A_715 : i32 to index
        %parallel_loop3A_1906 = arith.index_cast %parallel_loop3A_1899 : i32 to index
        %parallel_loop3A_1907 = arith.constant 96 : index
        %parallel_loop3A_1908 = tpu.vector_load %parallel_loop3A_1904[%parallel_loop3A_1905, %parallel_loop3A_1906, %parallel_loop3A_1907] {strides = array<i32>} : memref<8x20x128xf32, #tpu.memory_space<vmem>>, vector<1x1x16xf32>,
        %parallel_loop3A_1909 = vector.shape_cast %parallel_loop3A_1908 : vector<1x1x16xf32> to vector<16xf32>
        %parallel_loop3A_1910 = vector.shape_cast %parallel_loop3A_1898 : vector<16xf32> to vector<1x1x16xf32>
        tpu.vector_store %parallel_loop3A_1904[%parallel_loop3A_1905, %parallel_loop3A_1906, %parallel_loop3A_1907], %parallel_loop3A_1910 {strides = array<i32>} : memref<8x20x128xf32, #tpu.memory_space<vmem>>, vector<1x1x16xf32>,
        %parallel_loop3A_1911 = arith.constant 112 : i32
        %parallel_loop3A_1912 = arith.addi %parallel_loop3A_1791, %parallel_loop3A_1911 : i32
        %parallel_loop3A_1913 = arith.index_cast %parallel_loop3A_1912 : i32 to index
        %parallel_loop3A_1914 = tpu.vector_load %arg21[%parallel_loop3A_1913] {strides = array<i32>} : memref<12928xf32, #tpu.memory_space<vmem>>, vector<16xf32>,
        %parallel_loop3A_1915 = vector.shape_cast %parallel_loop3A_1914 : vector<16xf32> to vector<16xf32>
        %parallel_loop3A_1916 = arith.constant 9 : i32
        %parallel_loop3A_1917 = arith.constant 0 : i32
        %parallel_loop3A_1918 = arith.constant 0 : i32
        %parallel_loop3A_1919 = arith.constant 0 : i32
        %parallel_loop3A_1920 = tpu.memref_slice %arg14[%select_n3A_52, %parallel_loop3A_1917, %parallel_loop3A_1918, %parallel_loop3A_1919] : memref<2x8x20x128xf32, #tpu.memory_space<vmem>> -> memref<1x8x20x128xf32, #tpu.memory_space<vmem>>
        %parallel_loop3A_1921 = tpu.memref_squeeze %parallel_loop3A_1920 : memref<1x8x20x128xf32, #tpu.memory_space<vmem>> -> memref<8x20x128xf32, #tpu.memory_space<vmem>>
        %parallel_loop3A_1922 = arith.index_cast %parallel_loop3A_715 : i32 to index
        %parallel_loop3A_1923 = arith.index_cast %parallel_loop3A_1916 : i32 to index
        %parallel_loop3A_1924 = arith.constant 112 : index
        %parallel_loop3A_1925 = tpu.vector_load %parallel_loop3A_1921[%parallel_loop3A_1922, %parallel_loop3A_1923, %parallel_loop3A_1924] {strides = array<i32>} : memref<8x20x128xf32, #tpu.memory_space<vmem>>, vector<1x1x16xf32>,
        %parallel_loop3A_1926 = vector.shape_cast %parallel_loop3A_1925 : vector<1x1x16xf32> to vector<16xf32>
        %parallel_loop3A_1927 = vector.shape_cast %parallel_loop3A_1915 : vector<16xf32> to vector<1x1x16xf32>
        tpu.vector_store %parallel_loop3A_1921[%parallel_loop3A_1922, %parallel_loop3A_1923, %parallel_loop3A_1924], %parallel_loop3A_1927 {strides = array<i32>} : memref<8x20x128xf32, #tpu.memory_space<vmem>>, vector<1x1x16xf32>,
        %parallel_loop3A_1928 = vector.extract_strided_slice %parallel_loop3A_723 {offsets = [2], sizes = [1], strides = [1]} : vector<16xi32> to vector<1xi32>
        %parallel_loop3A_1929 = vector.extract %parallel_loop3A_1928[0] : i32 from vector<1xi32>
        %parallel_loop3A_1930 = arith.constant 0 : i32
        %parallel_loop3A_1931 = arith.addi %parallel_loop3A_1929, %parallel_loop3A_1930 : i32
        %parallel_loop3A_1932 = arith.index_cast %parallel_loop3A_1931 : i32 to index
        %parallel_loop3A_1933 = tpu.vector_load %arg22[%parallel_loop3A_1932] {strides = array<i32>} : memref<2688xf32, #tpu.memory_space<vmem>>, vector<16xf32>,
        %parallel_loop3A_1934 = vector.shape_cast %parallel_loop3A_1933 : vector<16xf32> to vector<16xf32>
        %parallel_loop3A_1935 = arith.constant 10 : i32
        %parallel_loop3A_1936 = arith.constant 0 : i32
        %parallel_loop3A_1937 = arith.constant 0 : i32
        %parallel_loop3A_1938 = arith.constant 0 : i32
        %parallel_loop3A_1939 = tpu.memref_slice %arg14[%select_n3A_52, %parallel_loop3A_1936, %parallel_loop3A_1937, %parallel_loop3A_1938] : memref<2x8x20x128xf32, #tpu.memory_space<vmem>> -> memref<1x8x20x128xf32, #tpu.memory_space<vmem>>
        %parallel_loop3A_1940 = tpu.memref_squeeze %parallel_loop3A_1939 : memref<1x8x20x128xf32, #tpu.memory_space<vmem>> -> memref<8x20x128xf32, #tpu.memory_space<vmem>>
        %parallel_loop3A_1941 = arith.index_cast %parallel_loop3A_715 : i32 to index
        %parallel_loop3A_1942 = arith.index_cast %parallel_loop3A_1935 : i32 to index
        %parallel_loop3A_1943 = arith.constant 0 : index
        %parallel_loop3A_1944 = tpu.vector_load %parallel_loop3A_1940[%parallel_loop3A_1941, %parallel_loop3A_1942, %parallel_loop3A_1943] {strides = array<i32>} : memref<8x20x128xf32, #tpu.memory_space<vmem>>, vector<1x1x16xf32>,
        %parallel_loop3A_1945 = vector.shape_cast %parallel_loop3A_1944 : vector<1x1x16xf32> to vector<16xf32>
        %parallel_loop3A_1946 = vector.shape_cast %parallel_loop3A_1934 : vector<16xf32> to vector<1x1x16xf32>
        tpu.vector_store %parallel_loop3A_1940[%parallel_loop3A_1941, %parallel_loop3A_1942, %parallel_loop3A_1943], %parallel_loop3A_1946 {strides = array<i32>} : memref<8x20x128xf32, #tpu.memory_space<vmem>>, vector<1x1x16xf32>,
        %parallel_loop3A_1947 = arith.constant 16 : i32
        %parallel_loop3A_1948 = arith.addi %parallel_loop3A_1929, %parallel_loop3A_1947 : i32
        %parallel_loop3A_1949 = arith.index_cast %parallel_loop3A_1948 : i32 to index
        %parallel_loop3A_1950 = tpu.vector_load %arg22[%parallel_loop3A_1949] {strides = array<i32>} : memref<2688xf32, #tpu.memory_space<vmem>>, vector<16xf32>,
        %parallel_loop3A_1951 = vector.shape_cast %parallel_loop3A_1950 : vector<16xf32> to vector<16xf32>
        %parallel_loop3A_1952 = arith.constant 10 : i32
        %parallel_loop3A_1953 = arith.constant 0 : i32
        %parallel_loop3A_1954 = arith.constant 0 : i32
        %parallel_loop3A_1955 = arith.constant 0 : i32
        %parallel_loop3A_1956 = tpu.memref_slice %arg14[%select_n3A_52, %parallel_loop3A_1953, %parallel_loop3A_1954, %parallel_loop3A_1955] : memref<2x8x20x128xf32, #tpu.memory_space<vmem>> -> memref<1x8x20x128xf32, #tpu.memory_space<vmem>>
        %parallel_loop3A_1957 = tpu.memref_squeeze %parallel_loop3A_1956 : memref<1x8x20x128xf32, #tpu.memory_space<vmem>> -> memref<8x20x128xf32, #tpu.memory_space<vmem>>
        %parallel_loop3A_1958 = arith.index_cast %parallel_loop3A_715 : i32 to index
        %parallel_loop3A_1959 = arith.index_cast %parallel_loop3A_1952 : i32 to index
        %parallel_loop3A_1960 = arith.constant 16 : index
        %parallel_loop3A_1961 = tpu.vector_load %parallel_loop3A_1957[%parallel_loop3A_1958, %parallel_loop3A_1959, %parallel_loop3A_1960] {strides = array<i32>} : memref<8x20x128xf32, #tpu.memory_space<vmem>>, vector<1x1x16xf32>,
        %parallel_loop3A_1962 = vector.shape_cast %parallel_loop3A_1961 : vector<1x1x16xf32> to vector<16xf32>
        %parallel_loop3A_1963 = vector.shape_cast %parallel_loop3A_1951 : vector<16xf32> to vector<1x1x16xf32>
        tpu.vector_store %parallel_loop3A_1957[%parallel_loop3A_1958, %parallel_loop3A_1959, %parallel_loop3A_1960], %parallel_loop3A_1963 {strides = array<i32>} : memref<8x20x128xf32, #tpu.memory_space<vmem>>, vector<1x1x16xf32>,
        %parallel_loop3A_1964 = arith.constant 32 : i32
        %parallel_loop3A_1965 = arith.addi %parallel_loop3A_1929, %parallel_loop3A_1964 : i32
        %parallel_loop3A_1966 = arith.index_cast %parallel_loop3A_1965 : i32 to index
        %parallel_loop3A_1967 = tpu.vector_load %arg22[%parallel_loop3A_1966] {strides = array<i32>} : memref<2688xf32, #tpu.memory_space<vmem>>, vector<16xf32>,
        %parallel_loop3A_1968 = vector.shape_cast %parallel_loop3A_1967 : vector<16xf32> to vector<16xf32>
        %parallel_loop3A_1969 = arith.constant 10 : i32
        %parallel_loop3A_1970 = arith.constant 0 : i32
        %parallel_loop3A_1971 = arith.constant 0 : i32
        %parallel_loop3A_1972 = arith.constant 0 : i32
        %parallel_loop3A_1973 = tpu.memref_slice %arg14[%select_n3A_52, %parallel_loop3A_1970, %parallel_loop3A_1971, %parallel_loop3A_1972] : memref<2x8x20x128xf32, #tpu.memory_space<vmem>> -> memref<1x8x20x128xf32, #tpu.memory_space<vmem>>
        %parallel_loop3A_1974 = tpu.memref_squeeze %parallel_loop3A_1973 : memref<1x8x20x128xf32, #tpu.memory_space<vmem>> -> memref<8x20x128xf32, #tpu.memory_space<vmem>>
        %parallel_loop3A_1975 = arith.index_cast %parallel_loop3A_715 : i32 to index
        %parallel_loop3A_1976 = arith.index_cast %parallel_loop3A_1969 : i32 to index
        %parallel_loop3A_1977 = arith.constant 32 : index
        %parallel_loop3A_1978 = tpu.vector_load %parallel_loop3A_1974[%parallel_loop3A_1975, %parallel_loop3A_1976, %parallel_loop3A_1977] {strides = array<i32>} : memref<8x20x128xf32, #tpu.memory_space<vmem>>, vector<1x1x16xf32>,
        %parallel_loop3A_1979 = vector.shape_cast %parallel_loop3A_1978 : vector<1x1x16xf32> to vector<16xf32>
        %parallel_loop3A_1980 = vector.shape_cast %parallel_loop3A_1968 : vector<16xf32> to vector<1x1x16xf32>
        tpu.vector_store %parallel_loop3A_1974[%parallel_loop3A_1975, %parallel_loop3A_1976, %parallel_loop3A_1977], %parallel_loop3A_1980 {strides = array<i32>} : memref<8x20x128xf32, #tpu.memory_space<vmem>>, vector<1x1x16xf32>,
        %parallel_loop3A_1981 = arith.constant 48 : i32
        %parallel_loop3A_1982 = arith.addi %parallel_loop3A_1929, %parallel_loop3A_1981 : i32
        %parallel_loop3A_1983 = arith.index_cast %parallel_loop3A_1982 : i32 to index
        %parallel_loop3A_1984 = tpu.vector_load %arg22[%parallel_loop3A_1983] {strides = array<i32>} : memref<2688xf32, #tpu.memory_space<vmem>>, vector<16xf32>,
        %parallel_loop3A_1985 = vector.shape_cast %parallel_loop3A_1984 : vector<16xf32> to vector<16xf32>
        %parallel_loop3A_1986 = arith.constant 10 : i32
        %parallel_loop3A_1987 = arith.constant 0 : i32
        %parallel_loop3A_1988 = arith.constant 0 : i32
        %parallel_loop3A_1989 = arith.constant 0 : i32
        %parallel_loop3A_1990 = tpu.memref_slice %arg14[%select_n3A_52, %parallel_loop3A_1987, %parallel_loop3A_1988, %parallel_loop3A_1989] : memref<2x8x20x128xf32, #tpu.memory_space<vmem>> -> memref<1x8x20x128xf32, #tpu.memory_space<vmem>>
        %parallel_loop3A_1991 = tpu.memref_squeeze %parallel_loop3A_1990 : memref<1x8x20x128xf32, #tpu.memory_space<vmem>> -> memref<8x20x128xf32, #tpu.memory_space<vmem>>
        %parallel_loop3A_1992 = arith.index_cast %parallel_loop3A_715 : i32 to index
        %parallel_loop3A_1993 = arith.index_cast %parallel_loop3A_1986 : i32 to index
        %parallel_loop3A_1994 = arith.constant 48 : index
        %parallel_loop3A_1995 = tpu.vector_load %parallel_loop3A_1991[%parallel_loop3A_1992, %parallel_loop3A_1993, %parallel_loop3A_1994] {strides = array<i32>} : memref<8x20x128xf32, #tpu.memory_space<vmem>>, vector<1x1x16xf32>,
        %parallel_loop3A_1996 = vector.shape_cast %parallel_loop3A_1995 : vector<1x1x16xf32> to vector<16xf32>
        %parallel_loop3A_1997 = vector.shape_cast %parallel_loop3A_1985 : vector<16xf32> to vector<1x1x16xf32>
        tpu.vector_store %parallel_loop3A_1991[%parallel_loop3A_1992, %parallel_loop3A_1993, %parallel_loop3A_1994], %parallel_loop3A_1997 {strides = array<i32>} : memref<8x20x128xf32, #tpu.memory_space<vmem>>, vector<1x1x16xf32>,
        %parallel_loop3A_1998 = arith.constant 64 : i32
        %parallel_loop3A_1999 = arith.addi %parallel_loop3A_1929, %parallel_loop3A_1998 : i32
        %parallel_loop3A_2000 = arith.index_cast %parallel_loop3A_1999 : i32 to index
        %parallel_loop3A_2001 = tpu.vector_load %arg22[%parallel_loop3A_2000] {strides = array<i32>} : memref<2688xf32, #tpu.memory_space<vmem>>, vector<16xf32>,
        %parallel_loop3A_2002 = vector.shape_cast %parallel_loop3A_2001 : vector<16xf32> to vector<16xf32>
        %parallel_loop3A_2003 = arith.constant 10 : i32
        %parallel_loop3A_2004 = arith.constant 0 : i32
        %parallel_loop3A_2005 = arith.constant 0 : i32
        %parallel_loop3A_2006 = arith.constant 0 : i32
        %parallel_loop3A_2007 = tpu.memref_slice %arg14[%select_n3A_52, %parallel_loop3A_2004, %parallel_loop3A_2005, %parallel_loop3A_2006] : memref<2x8x20x128xf32, #tpu.memory_space<vmem>> -> memref<1x8x20x128xf32, #tpu.memory_space<vmem>>
        %parallel_loop3A_2008 = tpu.memref_squeeze %parallel_loop3A_2007 : memref<1x8x20x128xf32, #tpu.memory_space<vmem>> -> memref<8x20x128xf32, #tpu.memory_space<vmem>>
        %parallel_loop3A_2009 = arith.index_cast %parallel_loop3A_715 : i32 to index
        %parallel_loop3A_2010 = arith.index_cast %parallel_loop3A_2003 : i32 to index
        %parallel_loop3A_2011 = arith.constant 64 : index
        %parallel_loop3A_2012 = tpu.vector_load %parallel_loop3A_2008[%parallel_loop3A_2009, %parallel_loop3A_2010, %parallel_loop3A_2011] {strides = array<i32>} : memref<8x20x128xf32, #tpu.memory_space<vmem>>, vector<1x1x16xf32>,
        %parallel_loop3A_2013 = vector.shape_cast %parallel_loop3A_2012 : vector<1x1x16xf32> to vector<16xf32>
        %parallel_loop3A_2014 = vector.shape_cast %parallel_loop3A_2002 : vector<16xf32> to vector<1x1x16xf32>
        tpu.vector_store %parallel_loop3A_2008[%parallel_loop3A_2009, %parallel_loop3A_2010, %parallel_loop3A_2011], %parallel_loop3A_2014 {strides = array<i32>} : memref<8x20x128xf32, #tpu.memory_space<vmem>>, vector<1x1x16xf32>,
        %parallel_loop3A_2015 = arith.constant 80 : i32
        %parallel_loop3A_2016 = arith.addi %parallel_loop3A_1929, %parallel_loop3A_2015 : i32
        %parallel_loop3A_2017 = arith.index_cast %parallel_loop3A_2016 : i32 to index
        %parallel_loop3A_2018 = tpu.vector_load %arg22[%parallel_loop3A_2017] {strides = array<i32>} : memref<2688xf32, #tpu.memory_space<vmem>>, vector<16xf32>,
        %parallel_loop3A_2019 = vector.shape_cast %parallel_loop3A_2018 : vector<16xf32> to vector<16xf32>
        %parallel_loop3A_2020 = arith.constant 10 : i32
        %parallel_loop3A_2021 = arith.constant 0 : i32
        %parallel_loop3A_2022 = arith.constant 0 : i32
        %parallel_loop3A_2023 = arith.constant 0 : i32
        %parallel_loop3A_2024 = tpu.memref_slice %arg14[%select_n3A_52, %parallel_loop3A_2021, %parallel_loop3A_2022, %parallel_loop3A_2023] : memref<2x8x20x128xf32, #tpu.memory_space<vmem>> -> memref<1x8x20x128xf32, #tpu.memory_space<vmem>>
        %parallel_loop3A_2025 = tpu.memref_squeeze %parallel_loop3A_2024 : memref<1x8x20x128xf32, #tpu.memory_space<vmem>> -> memref<8x20x128xf32, #tpu.memory_space<vmem>>
        %parallel_loop3A_2026 = arith.index_cast %parallel_loop3A_715 : i32 to index
        %parallel_loop3A_2027 = arith.index_cast %parallel_loop3A_2020 : i32 to index
        %parallel_loop3A_2028 = arith.constant 80 : index
        %parallel_loop3A_2029 = tpu.vector_load %parallel_loop3A_2025[%parallel_loop3A_2026, %parallel_loop3A_2027, %parallel_loop3A_2028] {strides = array<i32>} : memref<8x20x128xf32, #tpu.memory_space<vmem>>, vector<1x1x16xf32>,
        %parallel_loop3A_2030 = vector.shape_cast %parallel_loop3A_2029 : vector<1x1x16xf32> to vector<16xf32>
        %parallel_loop3A_2031 = vector.shape_cast %parallel_loop3A_2019 : vector<16xf32> to vector<1x1x16xf32>
        tpu.vector_store %parallel_loop3A_2025[%parallel_loop3A_2026, %parallel_loop3A_2027, %parallel_loop3A_2028], %parallel_loop3A_2031 {strides = array<i32>} : memref<8x20x128xf32, #tpu.memory_space<vmem>>, vector<1x1x16xf32>,
        %parallel_loop3A_2032 = arith.constant 96 : i32
        %parallel_loop3A_2033 = arith.addi %parallel_loop3A_1929, %parallel_loop3A_2032 : i32
        %parallel_loop3A_2034 = arith.index_cast %parallel_loop3A_2033 : i32 to index
        %parallel_loop3A_2035 = tpu.vector_load %arg22[%parallel_loop3A_2034] {strides = array<i32>} : memref<2688xf32, #tpu.memory_space<vmem>>, vector<16xf32>,
        %parallel_loop3A_2036 = vector.shape_cast %parallel_loop3A_2035 : vector<16xf32> to vector<16xf32>
        %parallel_loop3A_2037 = arith.constant 10 : i32
        %parallel_loop3A_2038 = arith.constant 0 : i32
        %parallel_loop3A_2039 = arith.constant 0 : i32
        %parallel_loop3A_2040 = arith.constant 0 : i32
        %parallel_loop3A_2041 = tpu.memref_slice %arg14[%select_n3A_52, %parallel_loop3A_2038, %parallel_loop3A_2039, %parallel_loop3A_2040] : memref<2x8x20x128xf32, #tpu.memory_space<vmem>> -> memref<1x8x20x128xf32, #tpu.memory_space<vmem>>
        %parallel_loop3A_2042 = tpu.memref_squeeze %parallel_loop3A_2041 : memref<1x8x20x128xf32, #tpu.memory_space<vmem>> -> memref<8x20x128xf32, #tpu.memory_space<vmem>>
        %parallel_loop3A_2043 = arith.index_cast %parallel_loop3A_715 : i32 to index
        %parallel_loop3A_2044 = arith.index_cast %parallel_loop3A_2037 : i32 to index
        %parallel_loop3A_2045 = arith.constant 96 : index
        %parallel_loop3A_2046 = tpu.vector_load %parallel_loop3A_2042[%parallel_loop3A_2043, %parallel_loop3A_2044, %parallel_loop3A_2045] {strides = array<i32>} : memref<8x20x128xf32, #tpu.memory_space<vmem>>, vector<1x1x16xf32>,
        %parallel_loop3A_2047 = vector.shape_cast %parallel_loop3A_2046 : vector<1x1x16xf32> to vector<16xf32>
        %parallel_loop3A_2048 = vector.shape_cast %parallel_loop3A_2036 : vector<16xf32> to vector<1x1x16xf32>
        tpu.vector_store %parallel_loop3A_2042[%parallel_loop3A_2043, %parallel_loop3A_2044, %parallel_loop3A_2045], %parallel_loop3A_2048 {strides = array<i32>} : memref<8x20x128xf32, #tpu.memory_space<vmem>>, vector<1x1x16xf32>,
        %parallel_loop3A_2049 = arith.constant 112 : i32
        %parallel_loop3A_2050 = arith.addi %parallel_loop3A_1929, %parallel_loop3A_2049 : i32
        %parallel_loop3A_2051 = arith.index_cast %parallel_loop3A_2050 : i32 to index
        %parallel_loop3A_2052 = tpu.vector_load %arg22[%parallel_loop3A_2051] {strides = array<i32>} : memref<2688xf32, #tpu.memory_space<vmem>>, vector<16xf32>,
        %parallel_loop3A_2053 = vector.shape_cast %parallel_loop3A_2052 : vector<16xf32> to vector<16xf32>
        %parallel_loop3A_2054 = arith.constant 10 : i32
        %parallel_loop3A_2055 = arith.constant 0 : i32
        %parallel_loop3A_2056 = arith.constant 0 : i32
        %parallel_loop3A_2057 = arith.constant 0 : i32
        %parallel_loop3A_2058 = tpu.memref_slice %arg14[%select_n3A_52, %parallel_loop3A_2055, %parallel_loop3A_2056, %parallel_loop3A_2057] : memref<2x8x20x128xf32, #tpu.memory_space<vmem>> -> memref<1x8x20x128xf32, #tpu.memory_space<vmem>>
        %parallel_loop3A_2059 = tpu.memref_squeeze %parallel_loop3A_2058 : memref<1x8x20x128xf32, #tpu.memory_space<vmem>> -> memref<8x20x128xf32, #tpu.memory_space<vmem>>
        %parallel_loop3A_2060 = arith.index_cast %parallel_loop3A_715 : i32 to index
        %parallel_loop3A_2061 = arith.index_cast %parallel_loop3A_2054 : i32 to index
        %parallel_loop3A_2062 = arith.constant 112 : index
        %parallel_loop3A_2063 = tpu.vector_load %parallel_loop3A_2059[%parallel_loop3A_2060, %parallel_loop3A_2061, %parallel_loop3A_2062] {strides = array<i32>} : memref<8x20x128xf32, #tpu.memory_space<vmem>>, vector<1x1x16xf32>,
        %parallel_loop3A_2064 = vector.shape_cast %parallel_loop3A_2063 : vector<1x1x16xf32> to vector<16xf32>
        %parallel_loop3A_2065 = vector.shape_cast %parallel_loop3A_2053 : vector<16xf32> to vector<1x1x16xf32>
        tpu.vector_store %parallel_loop3A_2059[%parallel_loop3A_2060, %parallel_loop3A_2061, %parallel_loop3A_2062], %parallel_loop3A_2065 {strides = array<i32>} : memref<8x20x128xf32, #tpu.memory_space<vmem>>, vector<1x1x16xf32>,
        %parallel_loop3A_2066 = vector.extract_strided_slice %parallel_loop3A_723 {offsets = [3], sizes = [1], strides = [1]} : vector<16xi32> to vector<1xi32>
        %parallel_loop3A_2067 = vector.extract %parallel_loop3A_2066[0] : i32 from vector<1xi32>
        %parallel_loop3A_2068 = arith.constant 0 : i32
        %parallel_loop3A_2069 = arith.addi %parallel_loop3A_2067, %parallel_loop3A_2068 : i32
        %parallel_loop3A_2070 = arith.index_cast %parallel_loop3A_2069 : i32 to index
        %parallel_loop3A_2071 = tpu.vector_load %arg23[%parallel_loop3A_2070] {strides = array<i32>} : memref<640xf32, #tpu.memory_space<vmem>>, vector<16xf32>,
        %parallel_loop3A_2072 = vector.shape_cast %parallel_loop3A_2071 : vector<16xf32> to vector<16xf32>
        %parallel_loop3A_2073 = arith.constant 11 : i32
        %parallel_loop3A_2074 = arith.constant 0 : i32
        %parallel_loop3A_2075 = arith.constant 0 : i32
        %parallel_loop3A_2076 = arith.constant 0 : i32
        %parallel_loop3A_2077 = tpu.memref_slice %arg14[%select_n3A_52, %parallel_loop3A_2074, %parallel_loop3A_2075, %parallel_loop3A_2076] : memref<2x8x20x128xf32, #tpu.memory_space<vmem>> -> memref<1x8x20x128xf32, #tpu.memory_space<vmem>>
        %parallel_loop3A_2078 = tpu.memref_squeeze %parallel_loop3A_2077 : memref<1x8x20x128xf32, #tpu.memory_space<vmem>> -> memref<8x20x128xf32, #tpu.memory_space<vmem>>
        %parallel_loop3A_2079 = arith.index_cast %parallel_loop3A_715 : i32 to index
        %parallel_loop3A_2080 = arith.index_cast %parallel_loop3A_2073 : i32 to index
        %parallel_loop3A_2081 = arith.constant 0 : index
        %parallel_loop3A_2082 = tpu.vector_load %parallel_loop3A_2078[%parallel_loop3A_2079, %parallel_loop3A_2080, %parallel_loop3A_2081] {strides = array<i32>} : memref<8x20x128xf32, #tpu.memory_space<vmem>>, vector<1x1x16xf32>,
        %parallel_loop3A_2083 = vector.shape_cast %parallel_loop3A_2082 : vector<1x1x16xf32> to vector<16xf32>
        %parallel_loop3A_2084 = vector.shape_cast %parallel_loop3A_2072 : vector<16xf32> to vector<1x1x16xf32>
        tpu.vector_store %parallel_loop3A_2078[%parallel_loop3A_2079, %parallel_loop3A_2080, %parallel_loop3A_2081], %parallel_loop3A_2084 {strides = array<i32>} : memref<8x20x128xf32, #tpu.memory_space<vmem>>, vector<1x1x16xf32>,
        %parallel_loop3A_2085 = arith.constant 16 : i32
        %parallel_loop3A_2086 = arith.addi %parallel_loop3A_2067, %parallel_loop3A_2085 : i32
        %parallel_loop3A_2087 = arith.index_cast %parallel_loop3A_2086 : i32 to index
        %parallel_loop3A_2088 = tpu.vector_load %arg23[%parallel_loop3A_2087] {strides = array<i32>} : memref<640xf32, #tpu.memory_space<vmem>>, vector<16xf32>,
        %parallel_loop3A_2089 = vector.shape_cast %parallel_loop3A_2088 : vector<16xf32> to vector<16xf32>
        %parallel_loop3A_2090 = arith.constant 11 : i32
        %parallel_loop3A_2091 = arith.constant 0 : i32
        %parallel_loop3A_2092 = arith.constant 0 : i32
        %parallel_loop3A_2093 = arith.constant 0 : i32
        %parallel_loop3A_2094 = tpu.memref_slice %arg14[%select_n3A_52, %parallel_loop3A_2091, %parallel_loop3A_2092, %parallel_loop3A_2093] : memref<2x8x20x128xf32, #tpu.memory_space<vmem>> -> memref<1x8x20x128xf32, #tpu.memory_space<vmem>>
        %parallel_loop3A_2095 = tpu.memref_squeeze %parallel_loop3A_2094 : memref<1x8x20x128xf32, #tpu.memory_space<vmem>> -> memref<8x20x128xf32, #tpu.memory_space<vmem>>
        %parallel_loop3A_2096 = arith.index_cast %parallel_loop3A_715 : i32 to index
        %parallel_loop3A_2097 = arith.index_cast %parallel_loop3A_2090 : i32 to index
        %parallel_loop3A_2098 = arith.constant 16 : index
        %parallel_loop3A_2099 = tpu.vector_load %parallel_loop3A_2095[%parallel_loop3A_2096, %parallel_loop3A_2097, %parallel_loop3A_2098] {strides = array<i32>} : memref<8x20x128xf32, #tpu.memory_space<vmem>>, vector<1x1x16xf32>,
        %parallel_loop3A_2100 = vector.shape_cast %parallel_loop3A_2099 : vector<1x1x16xf32> to vector<16xf32>
        %parallel_loop3A_2101 = vector.shape_cast %parallel_loop3A_2089 : vector<16xf32> to vector<1x1x16xf32>
        tpu.vector_store %parallel_loop3A_2095[%parallel_loop3A_2096, %parallel_loop3A_2097, %parallel_loop3A_2098], %parallel_loop3A_2101 {strides = array<i32>} : memref<8x20x128xf32, #tpu.memory_space<vmem>>, vector<1x1x16xf32>,
        %parallel_loop3A_2102 = arith.constant 32 : i32
        %parallel_loop3A_2103 = arith.addi %parallel_loop3A_2067, %parallel_loop3A_2102 : i32
        %parallel_loop3A_2104 = arith.index_cast %parallel_loop3A_2103 : i32 to index
        %parallel_loop3A_2105 = tpu.vector_load %arg23[%parallel_loop3A_2104] {strides = array<i32>} : memref<640xf32, #tpu.memory_space<vmem>>, vector<16xf32>,
        %parallel_loop3A_2106 = vector.shape_cast %parallel_loop3A_2105 : vector<16xf32> to vector<16xf32>
        %parallel_loop3A_2107 = arith.constant 11 : i32
        %parallel_loop3A_2108 = arith.constant 0 : i32
        %parallel_loop3A_2109 = arith.constant 0 : i32
        %parallel_loop3A_2110 = arith.constant 0 : i32
        %parallel_loop3A_2111 = tpu.memref_slice %arg14[%select_n3A_52, %parallel_loop3A_2108, %parallel_loop3A_2109, %parallel_loop3A_2110] : memref<2x8x20x128xf32, #tpu.memory_space<vmem>> -> memref<1x8x20x128xf32, #tpu.memory_space<vmem>>
        %parallel_loop3A_2112 = tpu.memref_squeeze %parallel_loop3A_2111 : memref<1x8x20x128xf32, #tpu.memory_space<vmem>> -> memref<8x20x128xf32, #tpu.memory_space<vmem>>
        %parallel_loop3A_2113 = arith.index_cast %parallel_loop3A_715 : i32 to index
        %parallel_loop3A_2114 = arith.index_cast %parallel_loop3A_2107 : i32 to index
        %parallel_loop3A_2115 = arith.constant 32 : index
        %parallel_loop3A_2116 = tpu.vector_load %parallel_loop3A_2112[%parallel_loop3A_2113, %parallel_loop3A_2114, %parallel_loop3A_2115] {strides = array<i32>} : memref<8x20x128xf32, #tpu.memory_space<vmem>>, vector<1x1x16xf32>,
        %parallel_loop3A_2117 = vector.shape_cast %parallel_loop3A_2116 : vector<1x1x16xf32> to vector<16xf32>
        %parallel_loop3A_2118 = vector.shape_cast %parallel_loop3A_2106 : vector<16xf32> to vector<1x1x16xf32>
        tpu.vector_store %parallel_loop3A_2112[%parallel_loop3A_2113, %parallel_loop3A_2114, %parallel_loop3A_2115], %parallel_loop3A_2118 {strides = array<i32>} : memref<8x20x128xf32, #tpu.memory_space<vmem>>, vector<1x1x16xf32>,
        %parallel_loop3A_2119 = arith.constant 48 : i32
        %parallel_loop3A_2120 = arith.addi %parallel_loop3A_2067, %parallel_loop3A_2119 : i32
        %parallel_loop3A_2121 = arith.index_cast %parallel_loop3A_2120 : i32 to index
        %parallel_loop3A_2122 = tpu.vector_load %arg23[%parallel_loop3A_2121] {strides = array<i32>} : memref<640xf32, #tpu.memory_space<vmem>>, vector<16xf32>,
        %parallel_loop3A_2123 = vector.shape_cast %parallel_loop3A_2122 : vector<16xf32> to vector<16xf32>
        %parallel_loop3A_2124 = arith.constant 11 : i32
        %parallel_loop3A_2125 = arith.constant 0 : i32
        %parallel_loop3A_2126 = arith.constant 0 : i32
        %parallel_loop3A_2127 = arith.constant 0 : i32
        %parallel_loop3A_2128 = tpu.memref_slice %arg14[%select_n3A_52, %parallel_loop3A_2125, %parallel_loop3A_2126, %parallel_loop3A_2127] : memref<2x8x20x128xf32, #tpu.memory_space<vmem>> -> memref<1x8x20x128xf32, #tpu.memory_space<vmem>>
        %parallel_loop3A_2129 = tpu.memref_squeeze %parallel_loop3A_2128 : memref<1x8x20x128xf32, #tpu.memory_space<vmem>> -> memref<8x20x128xf32, #tpu.memory_space<vmem>>
        %parallel_loop3A_2130 = arith.index_cast %parallel_loop3A_715 : i32 to index
        %parallel_loop3A_2131 = arith.index_cast %parallel_loop3A_2124 : i32 to index
        %parallel_loop3A_2132 = arith.constant 48 : index
        %parallel_loop3A_2133 = tpu.vector_load %parallel_loop3A_2129[%parallel_loop3A_2130, %parallel_loop3A_2131, %parallel_loop3A_2132] {strides = array<i32>} : memref<8x20x128xf32, #tpu.memory_space<vmem>>, vector<1x1x16xf32>,
        %parallel_loop3A_2134 = vector.shape_cast %parallel_loop3A_2133 : vector<1x1x16xf32> to vector<16xf32>
        %parallel_loop3A_2135 = vector.shape_cast %parallel_loop3A_2123 : vector<16xf32> to vector<1x1x16xf32>
        tpu.vector_store %parallel_loop3A_2129[%parallel_loop3A_2130, %parallel_loop3A_2131, %parallel_loop3A_2132], %parallel_loop3A_2135 {strides = array<i32>} : memref<8x20x128xf32, #tpu.memory_space<vmem>>, vector<1x1x16xf32>,
        %parallel_loop3A_2136 = arith.constant 64 : i32
        %parallel_loop3A_2137 = arith.addi %parallel_loop3A_2067, %parallel_loop3A_2136 : i32
        %parallel_loop3A_2138 = arith.index_cast %parallel_loop3A_2137 : i32 to index
        %parallel_loop3A_2139 = tpu.vector_load %arg23[%parallel_loop3A_2138] {strides = array<i32>} : memref<640xf32, #tpu.memory_space<vmem>>, vector<16xf32>,
        %parallel_loop3A_2140 = vector.shape_cast %parallel_loop3A_2139 : vector<16xf32> to vector<16xf32>
        %parallel_loop3A_2141 = arith.constant 11 : i32
        %parallel_loop3A_2142 = arith.constant 0 : i32
        %parallel_loop3A_2143 = arith.constant 0 : i32
        %parallel_loop3A_2144 = arith.constant 0 : i32
        %parallel_loop3A_2145 = tpu.memref_slice %arg14[%select_n3A_52, %parallel_loop3A_2142, %parallel_loop3A_2143, %parallel_loop3A_2144] : memref<2x8x20x128xf32, #tpu.memory_space<vmem>> -> memref<1x8x20x128xf32, #tpu.memory_space<vmem>>
        %parallel_loop3A_2146 = tpu.memref_squeeze %parallel_loop3A_2145 : memref<1x8x20x128xf32, #tpu.memory_space<vmem>> -> memref<8x20x128xf32, #tpu.memory_space<vmem>>
        %parallel_loop3A_2147 = arith.index_cast %parallel_loop3A_715 : i32 to index
        %parallel_loop3A_2148 = arith.index_cast %parallel_loop3A_2141 : i32 to index
        %parallel_loop3A_2149 = arith.constant 64 : index
        %parallel_loop3A_2150 = tpu.vector_load %parallel_loop3A_2146[%parallel_loop3A_2147, %parallel_loop3A_2148, %parallel_loop3A_2149] {strides = array<i32>} : memref<8x20x128xf32, #tpu.memory_space<vmem>>, vector<1x1x16xf32>,
        %parallel_loop3A_2151 = vector.shape_cast %parallel_loop3A_2150 : vector<1x1x16xf32> to vector<16xf32>
        %parallel_loop3A_2152 = vector.shape_cast %parallel_loop3A_2140 : vector<16xf32> to vector<1x1x16xf32>
        tpu.vector_store %parallel_loop3A_2146[%parallel_loop3A_2147, %parallel_loop3A_2148, %parallel_loop3A_2149], %parallel_loop3A_2152 {strides = array<i32>} : memref<8x20x128xf32, #tpu.memory_space<vmem>>, vector<1x1x16xf32>,
        %parallel_loop3A_2153 = arith.constant 80 : i32
        %parallel_loop3A_2154 = arith.addi %parallel_loop3A_2067, %parallel_loop3A_2153 : i32
        %parallel_loop3A_2155 = arith.index_cast %parallel_loop3A_2154 : i32 to index
        %parallel_loop3A_2156 = tpu.vector_load %arg23[%parallel_loop3A_2155] {strides = array<i32>} : memref<640xf32, #tpu.memory_space<vmem>>, vector<16xf32>,
        %parallel_loop3A_2157 = vector.shape_cast %parallel_loop3A_2156 : vector<16xf32> to vector<16xf32>
        %parallel_loop3A_2158 = arith.constant 11 : i32
        %parallel_loop3A_2159 = arith.constant 0 : i32
        %parallel_loop3A_2160 = arith.constant 0 : i32
        %parallel_loop3A_2161 = arith.constant 0 : i32
        %parallel_loop3A_2162 = tpu.memref_slice %arg14[%select_n3A_52, %parallel_loop3A_2159, %parallel_loop3A_2160, %parallel_loop3A_2161] : memref<2x8x20x128xf32, #tpu.memory_space<vmem>> -> memref<1x8x20x128xf32, #tpu.memory_space<vmem>>
        %parallel_loop3A_2163 = tpu.memref_squeeze %parallel_loop3A_2162 : memref<1x8x20x128xf32, #tpu.memory_space<vmem>> -> memref<8x20x128xf32, #tpu.memory_space<vmem>>
        %parallel_loop3A_2164 = arith.index_cast %parallel_loop3A_715 : i32 to index
        %parallel_loop3A_2165 = arith.index_cast %parallel_loop3A_2158 : i32 to index
        %parallel_loop3A_2166 = arith.constant 80 : index
        %parallel_loop3A_2167 = tpu.vector_load %parallel_loop3A_2163[%parallel_loop3A_2164, %parallel_loop3A_2165, %parallel_loop3A_2166] {strides = array<i32>} : memref<8x20x128xf32, #tpu.memory_space<vmem>>, vector<1x1x16xf32>,
        %parallel_loop3A_2168 = vector.shape_cast %parallel_loop3A_2167 : vector<1x1x16xf32> to vector<16xf32>
        %parallel_loop3A_2169 = vector.shape_cast %parallel_loop3A_2157 : vector<16xf32> to vector<1x1x16xf32>
        tpu.vector_store %parallel_loop3A_2163[%parallel_loop3A_2164, %parallel_loop3A_2165, %parallel_loop3A_2166], %parallel_loop3A_2169 {strides = array<i32>} : memref<8x20x128xf32, #tpu.memory_space<vmem>>, vector<1x1x16xf32>,
        %parallel_loop3A_2170 = arith.constant 96 : i32
        %parallel_loop3A_2171 = arith.addi %parallel_loop3A_2067, %parallel_loop3A_2170 : i32
        %parallel_loop3A_2172 = arith.index_cast %parallel_loop3A_2171 : i32 to index
        %parallel_loop3A_2173 = tpu.vector_load %arg23[%parallel_loop3A_2172] {strides = array<i32>} : memref<640xf32, #tpu.memory_space<vmem>>, vector<16xf32>,
        %parallel_loop3A_2174 = vector.shape_cast %parallel_loop3A_2173 : vector<16xf32> to vector<16xf32>
        %parallel_loop3A_2175 = arith.constant 11 : i32
        %parallel_loop3A_2176 = arith.constant 0 : i32
        %parallel_loop3A_2177 = arith.constant 0 : i32
        %parallel_loop3A_2178 = arith.constant 0 : i32
        %parallel_loop3A_2179 = tpu.memref_slice %arg14[%select_n3A_52, %parallel_loop3A_2176, %parallel_loop3A_2177, %parallel_loop3A_2178] : memref<2x8x20x128xf32, #tpu.memory_space<vmem>> -> memref<1x8x20x128xf32, #tpu.memory_space<vmem>>
        %parallel_loop3A_2180 = tpu.memref_squeeze %parallel_loop3A_2179 : memref<1x8x20x128xf32, #tpu.memory_space<vmem>> -> memref<8x20x128xf32, #tpu.memory_space<vmem>>
        %parallel_loop3A_2181 = arith.index_cast %parallel_loop3A_715 : i32 to index
        %parallel_loop3A_2182 = arith.index_cast %parallel_loop3A_2175 : i32 to index
        %parallel_loop3A_2183 = arith.constant 96 : index
        %parallel_loop3A_2184 = tpu.vector_load %parallel_loop3A_2180[%parallel_loop3A_2181, %parallel_loop3A_2182, %parallel_loop3A_2183] {strides = array<i32>} : memref<8x20x128xf32, #tpu.memory_space<vmem>>, vector<1x1x16xf32>,
        %parallel_loop3A_2185 = vector.shape_cast %parallel_loop3A_2184 : vector<1x1x16xf32> to vector<16xf32>
        %parallel_loop3A_2186 = vector.shape_cast %parallel_loop3A_2174 : vector<16xf32> to vector<1x1x16xf32>
        tpu.vector_store %parallel_loop3A_2180[%parallel_loop3A_2181, %parallel_loop3A_2182, %parallel_loop3A_2183], %parallel_loop3A_2186 {strides = array<i32>} : memref<8x20x128xf32, #tpu.memory_space<vmem>>, vector<1x1x16xf32>,
        %parallel_loop3A_2187 = arith.constant 112 : i32
        %parallel_loop3A_2188 = arith.addi %parallel_loop3A_2067, %parallel_loop3A_2187 : i32
        %parallel_loop3A_2189 = arith.index_cast %parallel_loop3A_2188 : i32 to index
        %parallel_loop3A_2190 = tpu.vector_load %arg23[%parallel_loop3A_2189] {strides = array<i32>} : memref<640xf32, #tpu.memory_space<vmem>>, vector<16xf32>,
        %parallel_loop3A_2191 = vector.shape_cast %parallel_loop3A_2190 : vector<16xf32> to vector<16xf32>
        %parallel_loop3A_2192 = arith.constant 11 : i32
        %parallel_loop3A_2193 = arith.constant 0 : i32
        %parallel_loop3A_2194 = arith.constant 0 : i32
        %parallel_loop3A_2195 = arith.constant 0 : i32
        %parallel_loop3A_2196 = tpu.memref_slice %arg14[%select_n3A_52, %parallel_loop3A_2193, %parallel_loop3A_2194, %parallel_loop3A_2195] : memref<2x8x20x128xf32, #tpu.memory_space<vmem>> -> memref<1x8x20x128xf32, #tpu.memory_space<vmem>>
        %parallel_loop3A_2197 = tpu.memref_squeeze %parallel_loop3A_2196 : memref<1x8x20x128xf32, #tpu.memory_space<vmem>> -> memref<8x20x128xf32, #tpu.memory_space<vmem>>
        %parallel_loop3A_2198 = arith.index_cast %parallel_loop3A_715 : i32 to index
        %parallel_loop3A_2199 = arith.index_cast %parallel_loop3A_2192 : i32 to index
        %parallel_loop3A_2200 = arith.constant 112 : index
        %parallel_loop3A_2201 = tpu.vector_load %parallel_loop3A_2197[%parallel_loop3A_2198, %parallel_loop3A_2199, %parallel_loop3A_2200] {strides = array<i32>} : memref<8x20x128xf32, #tpu.memory_space<vmem>>, vector<1x1x16xf32>,
        %parallel_loop3A_2202 = vector.shape_cast %parallel_loop3A_2201 : vector<1x1x16xf32> to vector<16xf32>
        %parallel_loop3A_2203 = vector.shape_cast %parallel_loop3A_2191 : vector<16xf32> to vector<1x1x16xf32>
        tpu.vector_store %parallel_loop3A_2197[%parallel_loop3A_2198, %parallel_loop3A_2199, %parallel_loop3A_2200], %parallel_loop3A_2203 {strides = array<i32>} : memref<8x20x128xf32, #tpu.memory_space<vmem>>, vector<1x1x16xf32>,
        %parallel_loop3A_2204 = vector.extract_strided_slice %parallel_loop3A_723 {offsets = [4], sizes = [1], strides = [1]} : vector<16xi32> to vector<1xi32>
        %parallel_loop3A_2205 = vector.extract %parallel_loop3A_2204[0] : i32 from vector<1xi32>
        %parallel_loop3A_2206 = arith.constant 0 : i32
        %parallel_loop3A_2207 = arith.addi %parallel_loop3A_2205, %parallel_loop3A_2206 : i32
        %parallel_loop3A_2208 = arith.index_cast %parallel_loop3A_2207 : i32 to index
        %parallel_loop3A_2209 = tpu.vector_load %arg24[%parallel_loop3A_2208] {strides = array<i32>} : memref<512xf32, #tpu.memory_space<vmem>>, vector<16xf32>,
        %parallel_loop3A_2210 = vector.shape_cast %parallel_loop3A_2209 : vector<16xf32> to vector<16xf32>
        %parallel_loop3A_2211 = arith.constant 12 : i32
        %parallel_loop3A_2212 = arith.constant 0 : i32
        %parallel_loop3A_2213 = arith.constant 0 : i32
        %parallel_loop3A_2214 = arith.constant 0 : i32
        %parallel_loop3A_2215 = tpu.memref_slice %arg14[%select_n3A_52, %parallel_loop3A_2212, %parallel_loop3A_2213, %parallel_loop3A_2214] : memref<2x8x20x128xf32, #tpu.memory_space<vmem>> -> memref<1x8x20x128xf32, #tpu.memory_space<vmem>>
        %parallel_loop3A_2216 = tpu.memref_squeeze %parallel_loop3A_2215 : memref<1x8x20x128xf32, #tpu.memory_space<vmem>> -> memref<8x20x128xf32, #tpu.memory_space<vmem>>
        %parallel_loop3A_2217 = arith.index_cast %parallel_loop3A_715 : i32 to index
        %parallel_loop3A_2218 = arith.index_cast %parallel_loop3A_2211 : i32 to index
        %parallel_loop3A_2219 = arith.constant 0 : index
        %parallel_loop3A_2220 = tpu.vector_load %parallel_loop3A_2216[%parallel_loop3A_2217, %parallel_loop3A_2218, %parallel_loop3A_2219] {strides = array<i32>} : memref<8x20x128xf32, #tpu.memory_space<vmem>>, vector<1x1x16xf32>,
        %parallel_loop3A_2221 = vector.shape_cast %parallel_loop3A_2220 : vector<1x1x16xf32> to vector<16xf32>
        %parallel_loop3A_2222 = vector.shape_cast %parallel_loop3A_2210 : vector<16xf32> to vector<1x1x16xf32>
        tpu.vector_store %parallel_loop3A_2216[%parallel_loop3A_2217, %parallel_loop3A_2218, %parallel_loop3A_2219], %parallel_loop3A_2222 {strides = array<i32>} : memref<8x20x128xf32, #tpu.memory_space<vmem>>, vector<1x1x16xf32>,
        %parallel_loop3A_2223 = arith.constant 16 : i32
        %parallel_loop3A_2224 = arith.addi %parallel_loop3A_2205, %parallel_loop3A_2223 : i32
        %parallel_loop3A_2225 = arith.index_cast %parallel_loop3A_2224 : i32 to index
        %parallel_loop3A_2226 = tpu.vector_load %arg24[%parallel_loop3A_2225] {strides = array<i32>} : memref<512xf32, #tpu.memory_space<vmem>>, vector<16xf32>,
        %parallel_loop3A_2227 = vector.shape_cast %parallel_loop3A_2226 : vector<16xf32> to vector<16xf32>
        %parallel_loop3A_2228 = arith.constant 12 : i32
        %parallel_loop3A_2229 = arith.constant 0 : i32
        %parallel_loop3A_2230 = arith.constant 0 : i32
        %parallel_loop3A_2231 = arith.constant 0 : i32
        %parallel_loop3A_2232 = tpu.memref_slice %arg14[%select_n3A_52, %parallel_loop3A_2229, %parallel_loop3A_2230, %parallel_loop3A_2231] : memref<2x8x20x128xf32, #tpu.memory_space<vmem>> -> memref<1x8x20x128xf32, #tpu.memory_space<vmem>>
        %parallel_loop3A_2233 = tpu.memref_squeeze %parallel_loop3A_2232 : memref<1x8x20x128xf32, #tpu.memory_space<vmem>> -> memref<8x20x128xf32, #tpu.memory_space<vmem>>
        %parallel_loop3A_2234 = arith.index_cast %parallel_loop3A_715 : i32 to index
        %parallel_loop3A_2235 = arith.index_cast %parallel_loop3A_2228 : i32 to index
        %parallel_loop3A_2236 = arith.constant 16 : index
        %parallel_loop3A_2237 = tpu.vector_load %parallel_loop3A_2233[%parallel_loop3A_2234, %parallel_loop3A_2235, %parallel_loop3A_2236] {strides = array<i32>} : memref<8x20x128xf32, #tpu.memory_space<vmem>>, vector<1x1x16xf32>,
        %parallel_loop3A_2238 = vector.shape_cast %parallel_loop3A_2237 : vector<1x1x16xf32> to vector<16xf32>
        %parallel_loop3A_2239 = vector.shape_cast %parallel_loop3A_2227 : vector<16xf32> to vector<1x1x16xf32>
        tpu.vector_store %parallel_loop3A_2233[%parallel_loop3A_2234, %parallel_loop3A_2235, %parallel_loop3A_2236], %parallel_loop3A_2239 {strides = array<i32>} : memref<8x20x128xf32, #tpu.memory_space<vmem>>, vector<1x1x16xf32>,
        %parallel_loop3A_2240 = arith.constant 32 : i32
        %parallel_loop3A_2241 = arith.addi %parallel_loop3A_2205, %parallel_loop3A_2240 : i32
        %parallel_loop3A_2242 = arith.index_cast %parallel_loop3A_2241 : i32 to index
        %parallel_loop3A_2243 = tpu.vector_load %arg24[%parallel_loop3A_2242] {strides = array<i32>} : memref<512xf32, #tpu.memory_space<vmem>>, vector<16xf32>,
        %parallel_loop3A_2244 = vector.shape_cast %parallel_loop3A_2243 : vector<16xf32> to vector<16xf32>
        %parallel_loop3A_2245 = arith.constant 12 : i32
        %parallel_loop3A_2246 = arith.constant 0 : i32
        %parallel_loop3A_2247 = arith.constant 0 : i32
        %parallel_loop3A_2248 = arith.constant 0 : i32
        %parallel_loop3A_2249 = tpu.memref_slice %arg14[%select_n3A_52, %parallel_loop3A_2246, %parallel_loop3A_2247, %parallel_loop3A_2248] : memref<2x8x20x128xf32, #tpu.memory_space<vmem>> -> memref<1x8x20x128xf32, #tpu.memory_space<vmem>>
        %parallel_loop3A_2250 = tpu.memref_squeeze %parallel_loop3A_2249 : memref<1x8x20x128xf32, #tpu.memory_space<vmem>> -> memref<8x20x128xf32, #tpu.memory_space<vmem>>
        %parallel_loop3A_2251 = arith.index_cast %parallel_loop3A_715 : i32 to index
        %parallel_loop3A_2252 = arith.index_cast %parallel_loop3A_2245 : i32 to index
        %parallel_loop3A_2253 = arith.constant 32 : index
        %parallel_loop3A_2254 = tpu.vector_load %parallel_loop3A_2250[%parallel_loop3A_2251, %parallel_loop3A_2252, %parallel_loop3A_2253] {strides = array<i32>} : memref<8x20x128xf32, #tpu.memory_space<vmem>>, vector<1x1x16xf32>,
        %parallel_loop3A_2255 = vector.shape_cast %parallel_loop3A_2254 : vector<1x1x16xf32> to vector<16xf32>
        %parallel_loop3A_2256 = vector.shape_cast %parallel_loop3A_2244 : vector<16xf32> to vector<1x1x16xf32>
        tpu.vector_store %parallel_loop3A_2250[%parallel_loop3A_2251, %parallel_loop3A_2252, %parallel_loop3A_2253], %parallel_loop3A_2256 {strides = array<i32>} : memref<8x20x128xf32, #tpu.memory_space<vmem>>, vector<1x1x16xf32>,
        %parallel_loop3A_2257 = arith.constant 48 : i32
        %parallel_loop3A_2258 = arith.addi %parallel_loop3A_2205, %parallel_loop3A_2257 : i32
        %parallel_loop3A_2259 = arith.index_cast %parallel_loop3A_2258 : i32 to index
        %parallel_loop3A_2260 = tpu.vector_load %arg24[%parallel_loop3A_2259] {strides = array<i32>} : memref<512xf32, #tpu.memory_space<vmem>>, vector<16xf32>,
        %parallel_loop3A_2261 = vector.shape_cast %parallel_loop3A_2260 : vector<16xf32> to vector<16xf32>
        %parallel_loop3A_2262 = arith.constant 12 : i32
        %parallel_loop3A_2263 = arith.constant 0 : i32
        %parallel_loop3A_2264 = arith.constant 0 : i32
        %parallel_loop3A_2265 = arith.constant 0 : i32
        %parallel_loop3A_2266 = tpu.memref_slice %arg14[%select_n3A_52, %parallel_loop3A_2263, %parallel_loop3A_2264, %parallel_loop3A_2265] : memref<2x8x20x128xf32, #tpu.memory_space<vmem>> -> memref<1x8x20x128xf32, #tpu.memory_space<vmem>>
        %parallel_loop3A_2267 = tpu.memref_squeeze %parallel_loop3A_2266 : memref<1x8x20x128xf32, #tpu.memory_space<vmem>> -> memref<8x20x128xf32, #tpu.memory_space<vmem>>
        %parallel_loop3A_2268 = arith.index_cast %parallel_loop3A_715 : i32 to index
        %parallel_loop3A_2269 = arith.index_cast %parallel_loop3A_2262 : i32 to index
        %parallel_loop3A_2270 = arith.constant 48 : index
        %parallel_loop3A_2271 = tpu.vector_load %parallel_loop3A_2267[%parallel_loop3A_2268, %parallel_loop3A_2269, %parallel_loop3A_2270] {strides = array<i32>} : memref<8x20x128xf32, #tpu.memory_space<vmem>>, vector<1x1x16xf32>,
        %parallel_loop3A_2272 = vector.shape_cast %parallel_loop3A_2271 : vector<1x1x16xf32> to vector<16xf32>
        %parallel_loop3A_2273 = vector.shape_cast %parallel_loop3A_2261 : vector<16xf32> to vector<1x1x16xf32>
        tpu.vector_store %parallel_loop3A_2267[%parallel_loop3A_2268, %parallel_loop3A_2269, %parallel_loop3A_2270], %parallel_loop3A_2273 {strides = array<i32>} : memref<8x20x128xf32, #tpu.memory_space<vmem>>, vector<1x1x16xf32>,
        %parallel_loop3A_2274 = arith.constant 64 : i32
        %parallel_loop3A_2275 = arith.addi %parallel_loop3A_2205, %parallel_loop3A_2274 : i32
        %parallel_loop3A_2276 = arith.index_cast %parallel_loop3A_2275 : i32 to index
        %parallel_loop3A_2277 = tpu.vector_load %arg24[%parallel_loop3A_2276] {strides = array<i32>} : memref<512xf32, #tpu.memory_space<vmem>>, vector<16xf32>,
        %parallel_loop3A_2278 = vector.shape_cast %parallel_loop3A_2277 : vector<16xf32> to vector<16xf32>
        %parallel_loop3A_2279 = arith.constant 12 : i32
        %parallel_loop3A_2280 = arith.constant 0 : i32
        %parallel_loop3A_2281 = arith.constant 0 : i32
        %parallel_loop3A_2282 = arith.constant 0 : i32
        %parallel_loop3A_2283 = tpu.memref_slice %arg14[%select_n3A_52, %parallel_loop3A_2280, %parallel_loop3A_2281, %parallel_loop3A_2282] : memref<2x8x20x128xf32, #tpu.memory_space<vmem>> -> memref<1x8x20x128xf32, #tpu.memory_space<vmem>>
        %parallel_loop3A_2284 = tpu.memref_squeeze %parallel_loop3A_2283 : memref<1x8x20x128xf32, #tpu.memory_space<vmem>> -> memref<8x20x128xf32, #tpu.memory_space<vmem>>
        %parallel_loop3A_2285 = arith.index_cast %parallel_loop3A_715 : i32 to index
        %parallel_loop3A_2286 = arith.index_cast %parallel_loop3A_2279 : i32 to index
        %parallel_loop3A_2287 = arith.constant 64 : index
        %parallel_loop3A_2288 = tpu.vector_load %parallel_loop3A_2284[%parallel_loop3A_2285, %parallel_loop3A_2286, %parallel_loop3A_2287] {strides = array<i32>} : memref<8x20x128xf32, #tpu.memory_space<vmem>>, vector<1x1x16xf32>,
        %parallel_loop3A_2289 = vector.shape_cast %parallel_loop3A_2288 : vector<1x1x16xf32> to vector<16xf32>
        %parallel_loop3A_2290 = vector.shape_cast %parallel_loop3A_2278 : vector<16xf32> to vector<1x1x16xf32>
        tpu.vector_store %parallel_loop3A_2284[%parallel_loop3A_2285, %parallel_loop3A_2286, %parallel_loop3A_2287], %parallel_loop3A_2290 {strides = array<i32>} : memref<8x20x128xf32, #tpu.memory_space<vmem>>, vector<1x1x16xf32>,
        %parallel_loop3A_2291 = arith.constant 80 : i32
        %parallel_loop3A_2292 = arith.addi %parallel_loop3A_2205, %parallel_loop3A_2291 : i32
        %parallel_loop3A_2293 = arith.index_cast %parallel_loop3A_2292 : i32 to index
        %parallel_loop3A_2294 = tpu.vector_load %arg24[%parallel_loop3A_2293] {strides = array<i32>} : memref<512xf32, #tpu.memory_space<vmem>>, vector<16xf32>,
        %parallel_loop3A_2295 = vector.shape_cast %parallel_loop3A_2294 : vector<16xf32> to vector<16xf32>
        %parallel_loop3A_2296 = arith.constant 12 : i32
        %parallel_loop3A_2297 = arith.constant 0 : i32
        %parallel_loop3A_2298 = arith.constant 0 : i32
        %parallel_loop3A_2299 = arith.constant 0 : i32
        %parallel_loop3A_2300 = tpu.memref_slice %arg14[%select_n3A_52, %parallel_loop3A_2297, %parallel_loop3A_2298, %parallel_loop3A_2299] : memref<2x8x20x128xf32, #tpu.memory_space<vmem>> -> memref<1x8x20x128xf32, #tpu.memory_space<vmem>>
        %parallel_loop3A_2301 = tpu.memref_squeeze %parallel_loop3A_2300 : memref<1x8x20x128xf32, #tpu.memory_space<vmem>> -> memref<8x20x128xf32, #tpu.memory_space<vmem>>
        %parallel_loop3A_2302 = arith.index_cast %parallel_loop3A_715 : i32 to index
        %parallel_loop3A_2303 = arith.index_cast %parallel_loop3A_2296 : i32 to index
        %parallel_loop3A_2304 = arith.constant 80 : index
        %parallel_loop3A_2305 = tpu.vector_load %parallel_loop3A_2301[%parallel_loop3A_2302, %parallel_loop3A_2303, %parallel_loop3A_2304] {strides = array<i32>} : memref<8x20x128xf32, #tpu.memory_space<vmem>>, vector<1x1x16xf32>,
        %parallel_loop3A_2306 = vector.shape_cast %parallel_loop3A_2305 : vector<1x1x16xf32> to vector<16xf32>
        %parallel_loop3A_2307 = vector.shape_cast %parallel_loop3A_2295 : vector<16xf32> to vector<1x1x16xf32>
        tpu.vector_store %parallel_loop3A_2301[%parallel_loop3A_2302, %parallel_loop3A_2303, %parallel_loop3A_2304], %parallel_loop3A_2307 {strides = array<i32>} : memref<8x20x128xf32, #tpu.memory_space<vmem>>, vector<1x1x16xf32>,
        %parallel_loop3A_2308 = arith.constant 96 : i32
        %parallel_loop3A_2309 = arith.addi %parallel_loop3A_2205, %parallel_loop3A_2308 : i32
        %parallel_loop3A_2310 = arith.index_cast %parallel_loop3A_2309 : i32 to index
        %parallel_loop3A_2311 = tpu.vector_load %arg24[%parallel_loop3A_2310] {strides = array<i32>} : memref<512xf32, #tpu.memory_space<vmem>>, vector<16xf32>,
        %parallel_loop3A_2312 = vector.shape_cast %parallel_loop3A_2311 : vector<16xf32> to vector<16xf32>
        %parallel_loop3A_2313 = arith.constant 12 : i32
        %parallel_loop3A_2314 = arith.constant 0 : i32
        %parallel_loop3A_2315 = arith.constant 0 : i32
        %parallel_loop3A_2316 = arith.constant 0 : i32
        %parallel_loop3A_2317 = tpu.memref_slice %arg14[%select_n3A_52, %parallel_loop3A_2314, %parallel_loop3A_2315, %parallel_loop3A_2316] : memref<2x8x20x128xf32, #tpu.memory_space<vmem>> -> memref<1x8x20x128xf32, #tpu.memory_space<vmem>>
        %parallel_loop3A_2318 = tpu.memref_squeeze %parallel_loop3A_2317 : memref<1x8x20x128xf32, #tpu.memory_space<vmem>> -> memref<8x20x128xf32, #tpu.memory_space<vmem>>
        %parallel_loop3A_2319 = arith.index_cast %parallel_loop3A_715 : i32 to index
        %parallel_loop3A_2320 = arith.index_cast %parallel_loop3A_2313 : i32 to index
        %parallel_loop3A_2321 = arith.constant 96 : index
        %parallel_loop3A_2322 = tpu.vector_load %parallel_loop3A_2318[%parallel_loop3A_2319, %parallel_loop3A_2320, %parallel_loop3A_2321] {strides = array<i32>} : memref<8x20x128xf32, #tpu.memory_space<vmem>>, vector<1x1x16xf32>,
        %parallel_loop3A_2323 = vector.shape_cast %parallel_loop3A_2322 : vector<1x1x16xf32> to vector<16xf32>
        %parallel_loop3A_2324 = vector.shape_cast %parallel_loop3A_2312 : vector<16xf32> to vector<1x1x16xf32>
        tpu.vector_store %parallel_loop3A_2318[%parallel_loop3A_2319, %parallel_loop3A_2320, %parallel_loop3A_2321], %parallel_loop3A_2324 {strides = array<i32>} : memref<8x20x128xf32, #tpu.memory_space<vmem>>, vector<1x1x16xf32>,
        %parallel_loop3A_2325 = arith.constant 112 : i32
        %parallel_loop3A_2326 = arith.addi %parallel_loop3A_2205, %parallel_loop3A_2325 : i32
        %parallel_loop3A_2327 = arith.index_cast %parallel_loop3A_2326 : i32 to index
        %parallel_loop3A_2328 = tpu.vector_load %arg24[%parallel_loop3A_2327] {strides = array<i32>} : memref<512xf32, #tpu.memory_space<vmem>>, vector<16xf32>,
        %parallel_loop3A_2329 = vector.shape_cast %parallel_loop3A_2328 : vector<16xf32> to vector<16xf32>
        %parallel_loop3A_2330 = arith.constant 12 : i32
        %parallel_loop3A_2331 = arith.constant 0 : i32
        %parallel_loop3A_2332 = arith.constant 0 : i32
        %parallel_loop3A_2333 = arith.constant 0 : i32
        %parallel_loop3A_2334 = tpu.memref_slice %arg14[%select_n3A_52, %parallel_loop3A_2331, %parallel_loop3A_2332, %parallel_loop3A_2333] : memref<2x8x20x128xf32, #tpu.memory_space<vmem>> -> memref<1x8x20x128xf32, #tpu.memory_space<vmem>>
        %parallel_loop3A_2335 = tpu.memref_squeeze %parallel_loop3A_2334 : memref<1x8x20x128xf32, #tpu.memory_space<vmem>> -> memref<8x20x128xf32, #tpu.memory_space<vmem>>
        %parallel_loop3A_2336 = arith.index_cast %parallel_loop3A_715 : i32 to index
        %parallel_loop3A_2337 = arith.index_cast %parallel_loop3A_2330 : i32 to index
        %parallel_loop3A_2338 = arith.constant 112 : index
        %parallel_loop3A_2339 = tpu.vector_load %parallel_loop3A_2335[%parallel_loop3A_2336, %parallel_loop3A_2337, %parallel_loop3A_2338] {strides = array<i32>} : memref<8x20x128xf32, #tpu.memory_space<vmem>>, vector<1x1x16xf32>,
        %parallel_loop3A_2340 = vector.shape_cast %parallel_loop3A_2339 : vector<1x1x16xf32> to vector<16xf32>
        %parallel_loop3A_2341 = vector.shape_cast %parallel_loop3A_2329 : vector<16xf32> to vector<1x1x16xf32>
        tpu.vector_store %parallel_loop3A_2335[%parallel_loop3A_2336, %parallel_loop3A_2337, %parallel_loop3A_2338], %parallel_loop3A_2341 {strides = array<i32>} : memref<8x20x128xf32, #tpu.memory_space<vmem>>, vector<1x1x16xf32>,
        %parallel_loop3A_2342 = vector.extract_strided_slice %parallel_loop3A_723 {offsets = [5], sizes = [1], strides = [1]} : vector<16xi32> to vector<1xi32>
        %parallel_loop3A_2343 = vector.extract %parallel_loop3A_2342[0] : i32 from vector<1xi32>
        %parallel_loop3A_2344 = arith.constant 0 : i32
        %parallel_loop3A_2345 = arith.addi %parallel_loop3A_2343, %parallel_loop3A_2344 : i32
        %parallel_loop3A_2346 = arith.index_cast %parallel_loop3A_2345 : i32 to index
        %parallel_loop3A_2347 = tpu.vector_load %arg25[%parallel_loop3A_2346] {strides = array<i32>} : memref<1920xf32, #tpu.memory_space<vmem>>, vector<16xf32>,
        %parallel_loop3A_2348 = vector.shape_cast %parallel_loop3A_2347 : vector<16xf32> to vector<16xf32>
        %parallel_loop3A_2349 = arith.constant 13 : i32
        %parallel_loop3A_2350 = arith.constant 0 : i32
        %parallel_loop3A_2351 = arith.constant 0 : i32
        %parallel_loop3A_2352 = arith.constant 0 : i32
        %parallel_loop3A_2353 = tpu.memref_slice %arg14[%select_n3A_52, %parallel_loop3A_2350, %parallel_loop3A_2351, %parallel_loop3A_2352] : memref<2x8x20x128xf32, #tpu.memory_space<vmem>> -> memref<1x8x20x128xf32, #tpu.memory_space<vmem>>
        %parallel_loop3A_2354 = tpu.memref_squeeze %parallel_loop3A_2353 : memref<1x8x20x128xf32, #tpu.memory_space<vmem>> -> memref<8x20x128xf32, #tpu.memory_space<vmem>>
        %parallel_loop3A_2355 = arith.index_cast %parallel_loop3A_715 : i32 to index
        %parallel_loop3A_2356 = arith.index_cast %parallel_loop3A_2349 : i32 to index
        %parallel_loop3A_2357 = arith.constant 0 : index
        %parallel_loop3A_2358 = tpu.vector_load %parallel_loop3A_2354[%parallel_loop3A_2355, %parallel_loop3A_2356, %parallel_loop3A_2357] {strides = array<i32>} : memref<8x20x128xf32, #tpu.memory_space<vmem>>, vector<1x1x16xf32>,
        %parallel_loop3A_2359 = vector.shape_cast %parallel_loop3A_2358 : vector<1x1x16xf32> to vector<16xf32>
        %parallel_loop3A_2360 = vector.shape_cast %parallel_loop3A_2348 : vector<16xf32> to vector<1x1x16xf32>
        tpu.vector_store %parallel_loop3A_2354[%parallel_loop3A_2355, %parallel_loop3A_2356, %parallel_loop3A_2357], %parallel_loop3A_2360 {strides = array<i32>} : memref<8x20x128xf32, #tpu.memory_space<vmem>>, vector<1x1x16xf32>,
        %parallel_loop3A_2361 = arith.constant 16 : i32
        %parallel_loop3A_2362 = arith.addi %parallel_loop3A_2343, %parallel_loop3A_2361 : i32
        %parallel_loop3A_2363 = arith.index_cast %parallel_loop3A_2362 : i32 to index
        %parallel_loop3A_2364 = tpu.vector_load %arg25[%parallel_loop3A_2363] {strides = array<i32>} : memref<1920xf32, #tpu.memory_space<vmem>>, vector<16xf32>,
        %parallel_loop3A_2365 = vector.shape_cast %parallel_loop3A_2364 : vector<16xf32> to vector<16xf32>
        %parallel_loop3A_2366 = arith.constant 13 : i32
        %parallel_loop3A_2367 = arith.constant 0 : i32
        %parallel_loop3A_2368 = arith.constant 0 : i32
        %parallel_loop3A_2369 = arith.constant 0 : i32
        %parallel_loop3A_2370 = tpu.memref_slice %arg14[%select_n3A_52, %parallel_loop3A_2367, %parallel_loop3A_2368, %parallel_loop3A_2369] : memref<2x8x20x128xf32, #tpu.memory_space<vmem>> -> memref<1x8x20x128xf32, #tpu.memory_space<vmem>>
        %parallel_loop3A_2371 = tpu.memref_squeeze %parallel_loop3A_2370 : memref<1x8x20x128xf32, #tpu.memory_space<vmem>> -> memref<8x20x128xf32, #tpu.memory_space<vmem>>
        %parallel_loop3A_2372 = arith.index_cast %parallel_loop3A_715 : i32 to index
        %parallel_loop3A_2373 = arith.index_cast %parallel_loop3A_2366 : i32 to index
        %parallel_loop3A_2374 = arith.constant 16 : index
        %parallel_loop3A_2375 = tpu.vector_load %parallel_loop3A_2371[%parallel_loop3A_2372, %parallel_loop3A_2373, %parallel_loop3A_2374] {strides = array<i32>} : memref<8x20x128xf32, #tpu.memory_space<vmem>>, vector<1x1x16xf32>,
        %parallel_loop3A_2376 = vector.shape_cast %parallel_loop3A_2375 : vector<1x1x16xf32> to vector<16xf32>
        %parallel_loop3A_2377 = vector.shape_cast %parallel_loop3A_2365 : vector<16xf32> to vector<1x1x16xf32>
        tpu.vector_store %parallel_loop3A_2371[%parallel_loop3A_2372, %parallel_loop3A_2373, %parallel_loop3A_2374], %parallel_loop3A_2377 {strides = array<i32>} : memref<8x20x128xf32, #tpu.memory_space<vmem>>, vector<1x1x16xf32>,
        %parallel_loop3A_2378 = arith.constant 32 : i32
        %parallel_loop3A_2379 = arith.addi %parallel_loop3A_2343, %parallel_loop3A_2378 : i32
        %parallel_loop3A_2380 = arith.index_cast %parallel_loop3A_2379 : i32 to index
        %parallel_loop3A_2381 = tpu.vector_load %arg25[%parallel_loop3A_2380] {strides = array<i32>} : memref<1920xf32, #tpu.memory_space<vmem>>, vector<16xf32>,
        %parallel_loop3A_2382 = vector.shape_cast %parallel_loop3A_2381 : vector<16xf32> to vector<16xf32>
        %parallel_loop3A_2383 = arith.constant 13 : i32
        %parallel_loop3A_2384 = arith.constant 0 : i32
        %parallel_loop3A_2385 = arith.constant 0 : i32
        %parallel_loop3A_2386 = arith.constant 0 : i32
        %parallel_loop3A_2387 = tpu.memref_slice %arg14[%select_n3A_52, %parallel_loop3A_2384, %parallel_loop3A_2385, %parallel_loop3A_2386] : memref<2x8x20x128xf32, #tpu.memory_space<vmem>> -> memref<1x8x20x128xf32, #tpu.memory_space<vmem>>
        %parallel_loop3A_2388 = tpu.memref_squeeze %parallel_loop3A_2387 : memref<1x8x20x128xf32, #tpu.memory_space<vmem>> -> memref<8x20x128xf32, #tpu.memory_space<vmem>>
        %parallel_loop3A_2389 = arith.index_cast %parallel_loop3A_715 : i32 to index
        %parallel_loop3A_2390 = arith.index_cast %parallel_loop3A_2383 : i32 to index
        %parallel_loop3A_2391 = arith.constant 32 : index
        %parallel_loop3A_2392 = tpu.vector_load %parallel_loop3A_2388[%parallel_loop3A_2389, %parallel_loop3A_2390, %parallel_loop3A_2391] {strides = array<i32>} : memref<8x20x128xf32, #tpu.memory_space<vmem>>, vector<1x1x16xf32>,
        %parallel_loop3A_2393 = vector.shape_cast %parallel_loop3A_2392 : vector<1x1x16xf32> to vector<16xf32>
        %parallel_loop3A_2394 = vector.shape_cast %parallel_loop3A_2382 : vector<16xf32> to vector<1x1x16xf32>
        tpu.vector_store %parallel_loop3A_2388[%parallel_loop3A_2389, %parallel_loop3A_2390, %parallel_loop3A_2391], %parallel_loop3A_2394 {strides = array<i32>} : memref<8x20x128xf32, #tpu.memory_space<vmem>>, vector<1x1x16xf32>,
        %parallel_loop3A_2395 = arith.constant 48 : i32
        %parallel_loop3A_2396 = arith.addi %parallel_loop3A_2343, %parallel_loop3A_2395 : i32
        %parallel_loop3A_2397 = arith.index_cast %parallel_loop3A_2396 : i32 to index
        %parallel_loop3A_2398 = tpu.vector_load %arg25[%parallel_loop3A_2397] {strides = array<i32>} : memref<1920xf32, #tpu.memory_space<vmem>>, vector<16xf32>,
        %parallel_loop3A_2399 = vector.shape_cast %parallel_loop3A_2398 : vector<16xf32> to vector<16xf32>
        %parallel_loop3A_2400 = arith.constant 13 : i32
        %parallel_loop3A_2401 = arith.constant 0 : i32
        %parallel_loop3A_2402 = arith.constant 0 : i32
        %parallel_loop3A_2403 = arith.constant 0 : i32
        %parallel_loop3A_2404 = tpu.memref_slice %arg14[%select_n3A_52, %parallel_loop3A_2401, %parallel_loop3A_2402, %parallel_loop3A_2403] : memref<2x8x20x128xf32, #tpu.memory_space<vmem>> -> memref<1x8x20x128xf32, #tpu.memory_space<vmem>>
        %parallel_loop3A_2405 = tpu.memref_squeeze %parallel_loop3A_2404 : memref<1x8x20x128xf32, #tpu.memory_space<vmem>> -> memref<8x20x128xf32, #tpu.memory_space<vmem>>
        %parallel_loop3A_2406 = arith.index_cast %parallel_loop3A_715 : i32 to index
        %parallel_loop3A_2407 = arith.index_cast %parallel_loop3A_2400 : i32 to index
        %parallel_loop3A_2408 = arith.constant 48 : index
        %parallel_loop3A_2409 = tpu.vector_load %parallel_loop3A_2405[%parallel_loop3A_2406, %parallel_loop3A_2407, %parallel_loop3A_2408] {strides = array<i32>} : memref<8x20x128xf32, #tpu.memory_space<vmem>>, vector<1x1x16xf32>,
        %parallel_loop3A_2410 = vector.shape_cast %parallel_loop3A_2409 : vector<1x1x16xf32> to vector<16xf32>
        %parallel_loop3A_2411 = vector.shape_cast %parallel_loop3A_2399 : vector<16xf32> to vector<1x1x16xf32>
        tpu.vector_store %parallel_loop3A_2405[%parallel_loop3A_2406, %parallel_loop3A_2407, %parallel_loop3A_2408], %parallel_loop3A_2411 {strides = array<i32>} : memref<8x20x128xf32, #tpu.memory_space<vmem>>, vector<1x1x16xf32>,
        %parallel_loop3A_2412 = arith.constant 64 : i32
        %parallel_loop3A_2413 = arith.addi %parallel_loop3A_2343, %parallel_loop3A_2412 : i32
        %parallel_loop3A_2414 = arith.index_cast %parallel_loop3A_2413 : i32 to index
        %parallel_loop3A_2415 = tpu.vector_load %arg25[%parallel_loop3A_2414] {strides = array<i32>} : memref<1920xf32, #tpu.memory_space<vmem>>, vector<16xf32>,
        %parallel_loop3A_2416 = vector.shape_cast %parallel_loop3A_2415 : vector<16xf32> to vector<16xf32>
        %parallel_loop3A_2417 = arith.constant 13 : i32
        %parallel_loop3A_2418 = arith.constant 0 : i32
        %parallel_loop3A_2419 = arith.constant 0 : i32
        %parallel_loop3A_2420 = arith.constant 0 : i32
        %parallel_loop3A_2421 = tpu.memref_slice %arg14[%select_n3A_52, %parallel_loop3A_2418, %parallel_loop3A_2419, %parallel_loop3A_2420] : memref<2x8x20x128xf32, #tpu.memory_space<vmem>> -> memref<1x8x20x128xf32, #tpu.memory_space<vmem>>
        %parallel_loop3A_2422 = tpu.memref_squeeze %parallel_loop3A_2421 : memref<1x8x20x128xf32, #tpu.memory_space<vmem>> -> memref<8x20x128xf32, #tpu.memory_space<vmem>>
        %parallel_loop3A_2423 = arith.index_cast %parallel_loop3A_715 : i32 to index
        %parallel_loop3A_2424 = arith.index_cast %parallel_loop3A_2417 : i32 to index
        %parallel_loop3A_2425 = arith.constant 64 : index
        %parallel_loop3A_2426 = tpu.vector_load %parallel_loop3A_2422[%parallel_loop3A_2423, %parallel_loop3A_2424, %parallel_loop3A_2425] {strides = array<i32>} : memref<8x20x128xf32, #tpu.memory_space<vmem>>, vector<1x1x16xf32>,
        %parallel_loop3A_2427 = vector.shape_cast %parallel_loop3A_2426 : vector<1x1x16xf32> to vector<16xf32>
        %parallel_loop3A_2428 = vector.shape_cast %parallel_loop3A_2416 : vector<16xf32> to vector<1x1x16xf32>
        tpu.vector_store %parallel_loop3A_2422[%parallel_loop3A_2423, %parallel_loop3A_2424, %parallel_loop3A_2425], %parallel_loop3A_2428 {strides = array<i32>} : memref<8x20x128xf32, #tpu.memory_space<vmem>>, vector<1x1x16xf32>,
        %parallel_loop3A_2429 = arith.constant 80 : i32
        %parallel_loop3A_2430 = arith.addi %parallel_loop3A_2343, %parallel_loop3A_2429 : i32
        %parallel_loop3A_2431 = arith.index_cast %parallel_loop3A_2430 : i32 to index
        %parallel_loop3A_2432 = tpu.vector_load %arg25[%parallel_loop3A_2431] {strides = array<i32>} : memref<1920xf32, #tpu.memory_space<vmem>>, vector<16xf32>,
        %parallel_loop3A_2433 = vector.shape_cast %parallel_loop3A_2432 : vector<16xf32> to vector<16xf32>
        %parallel_loop3A_2434 = arith.constant 13 : i32
        %parallel_loop3A_2435 = arith.constant 0 : i32
        %parallel_loop3A_2436 = arith.constant 0 : i32
        %parallel_loop3A_2437 = arith.constant 0 : i32
        %parallel_loop3A_2438 = tpu.memref_slice %arg14[%select_n3A_52, %parallel_loop3A_2435, %parallel_loop3A_2436, %parallel_loop3A_2437] : memref<2x8x20x128xf32, #tpu.memory_space<vmem>> -> memref<1x8x20x128xf32, #tpu.memory_space<vmem>>
        %parallel_loop3A_2439 = tpu.memref_squeeze %parallel_loop3A_2438 : memref<1x8x20x128xf32, #tpu.memory_space<vmem>> -> memref<8x20x128xf32, #tpu.memory_space<vmem>>
        %parallel_loop3A_2440 = arith.index_cast %parallel_loop3A_715 : i32 to index
        %parallel_loop3A_2441 = arith.index_cast %parallel_loop3A_2434 : i32 to index
        %parallel_loop3A_2442 = arith.constant 80 : index
        %parallel_loop3A_2443 = tpu.vector_load %parallel_loop3A_2439[%parallel_loop3A_2440, %parallel_loop3A_2441, %parallel_loop3A_2442] {strides = array<i32>} : memref<8x20x128xf32, #tpu.memory_space<vmem>>, vector<1x1x16xf32>,
        %parallel_loop3A_2444 = vector.shape_cast %parallel_loop3A_2443 : vector<1x1x16xf32> to vector<16xf32>
        %parallel_loop3A_2445 = vector.shape_cast %parallel_loop3A_2433 : vector<16xf32> to vector<1x1x16xf32>
        tpu.vector_store %parallel_loop3A_2439[%parallel_loop3A_2440, %parallel_loop3A_2441, %parallel_loop3A_2442], %parallel_loop3A_2445 {strides = array<i32>} : memref<8x20x128xf32, #tpu.memory_space<vmem>>, vector<1x1x16xf32>,
        %parallel_loop3A_2446 = arith.constant 96 : i32
        %parallel_loop3A_2447 = arith.addi %parallel_loop3A_2343, %parallel_loop3A_2446 : i32
        %parallel_loop3A_2448 = arith.index_cast %parallel_loop3A_2447 : i32 to index
        %parallel_loop3A_2449 = tpu.vector_load %arg25[%parallel_loop3A_2448] {strides = array<i32>} : memref<1920xf32, #tpu.memory_space<vmem>>, vector<16xf32>,
        %parallel_loop3A_2450 = vector.shape_cast %parallel_loop3A_2449 : vector<16xf32> to vector<16xf32>
        %parallel_loop3A_2451 = arith.constant 13 : i32
        %parallel_loop3A_2452 = arith.constant 0 : i32
        %parallel_loop3A_2453 = arith.constant 0 : i32
        %parallel_loop3A_2454 = arith.constant 0 : i32
        %parallel_loop3A_2455 = tpu.memref_slice %arg14[%select_n3A_52, %parallel_loop3A_2452, %parallel_loop3A_2453, %parallel_loop3A_2454] : memref<2x8x20x128xf32, #tpu.memory_space<vmem>> -> memref<1x8x20x128xf32, #tpu.memory_space<vmem>>
        %parallel_loop3A_2456 = tpu.memref_squeeze %parallel_loop3A_2455 : memref<1x8x20x128xf32, #tpu.memory_space<vmem>> -> memref<8x20x128xf32, #tpu.memory_space<vmem>>
        %parallel_loop3A_2457 = arith.index_cast %parallel_loop3A_715 : i32 to index
        %parallel_loop3A_2458 = arith.index_cast %parallel_loop3A_2451 : i32 to index
        %parallel_loop3A_2459 = arith.constant 96 : index
        %parallel_loop3A_2460 = tpu.vector_load %parallel_loop3A_2456[%parallel_loop3A_2457, %parallel_loop3A_2458, %parallel_loop3A_2459] {strides = array<i32>} : memref<8x20x128xf32, #tpu.memory_space<vmem>>, vector<1x1x16xf32>,
        %parallel_loop3A_2461 = vector.shape_cast %parallel_loop3A_2460 : vector<1x1x16xf32> to vector<16xf32>
        %parallel_loop3A_2462 = vector.shape_cast %parallel_loop3A_2450 : vector<16xf32> to vector<1x1x16xf32>
        tpu.vector_store %parallel_loop3A_2456[%parallel_loop3A_2457, %parallel_loop3A_2458, %parallel_loop3A_2459], %parallel_loop3A_2462 {strides = array<i32>} : memref<8x20x128xf32, #tpu.memory_space<vmem>>, vector<1x1x16xf32>,
        %parallel_loop3A_2463 = arith.constant 112 : i32
        %parallel_loop3A_2464 = arith.addi %parallel_loop3A_2343, %parallel_loop3A_2463 : i32
        %parallel_loop3A_2465 = arith.index_cast %parallel_loop3A_2464 : i32 to index
        %parallel_loop3A_2466 = tpu.vector_load %arg25[%parallel_loop3A_2465] {strides = array<i32>} : memref<1920xf32, #tpu.memory_space<vmem>>, vector<16xf32>,
        %parallel_loop3A_2467 = vector.shape_cast %parallel_loop3A_2466 : vector<16xf32> to vector<16xf32>
        %parallel_loop3A_2468 = arith.constant 13 : i32
        %parallel_loop3A_2469 = arith.constant 0 : i32
        %parallel_loop3A_2470 = arith.constant 0 : i32
        %parallel_loop3A_2471 = arith.constant 0 : i32
        %parallel_loop3A_2472 = tpu.memref_slice %arg14[%select_n3A_52, %parallel_loop3A_2469, %parallel_loop3A_2470, %parallel_loop3A_2471] : memref<2x8x20x128xf32, #tpu.memory_space<vmem>> -> memref<1x8x20x128xf32, #tpu.memory_space<vmem>>
        %parallel_loop3A_2473 = tpu.memref_squeeze %parallel_loop3A_2472 : memref<1x8x20x128xf32, #tpu.memory_space<vmem>> -> memref<8x20x128xf32, #tpu.memory_space<vmem>>
        %parallel_loop3A_2474 = arith.index_cast %parallel_loop3A_715 : i32 to index
        %parallel_loop3A_2475 = arith.index_cast %parallel_loop3A_2468 : i32 to index
        %parallel_loop3A_2476 = arith.constant 112 : index
        %parallel_loop3A_2477 = tpu.vector_load %parallel_loop3A_2473[%parallel_loop3A_2474, %parallel_loop3A_2475, %parallel_loop3A_2476] {strides = array<i32>} : memref<8x20x128xf32, #tpu.memory_space<vmem>>, vector<1x1x16xf32>,
        %parallel_loop3A_2478 = vector.shape_cast %parallel_loop3A_2477 : vector<1x1x16xf32> to vector<16xf32>
        %parallel_loop3A_2479 = vector.shape_cast %parallel_loop3A_2467 : vector<16xf32> to vector<1x1x16xf32>
        tpu.vector_store %parallel_loop3A_2473[%parallel_loop3A_2474, %parallel_loop3A_2475, %parallel_loop3A_2476], %parallel_loop3A_2479 {strides = array<i32>} : memref<8x20x128xf32, #tpu.memory_space<vmem>>, vector<1x1x16xf32>,
        %parallel_loop3A_2480 = vector.extract_strided_slice %parallel_loop3A_723 {offsets = [6], sizes = [1], strides = [1]} : vector<16xi32> to vector<1xi32>
        %parallel_loop3A_2481 = vector.extract %parallel_loop3A_2480[0] : i32 from vector<1xi32>
        %parallel_loop3A_2482 = arith.constant 0 : i32
        %parallel_loop3A_2483 = arith.addi %parallel_loop3A_2481, %parallel_loop3A_2482 : i32
        %parallel_loop3A_2484 = arith.index_cast %parallel_loop3A_2483 : i32 to index
        %parallel_loop3A_2485 = tpu.vector_load %arg19[%parallel_loop3A_2484] {strides = array<i32>} : memref<1536xf32, #tpu.memory_space<vmem>>, vector<16xf32>,
        %parallel_loop3A_2486 = vector.shape_cast %parallel_loop3A_2485 : vector<16xf32> to vector<16xf32>
        %parallel_loop3A_2487 = arith.constant 14 : i32
        %parallel_loop3A_2488 = arith.constant 0 : i32
        %parallel_loop3A_2489 = arith.constant 0 : i32
        %parallel_loop3A_2490 = arith.constant 0 : i32
        %parallel_loop3A_2491 = tpu.memref_slice %arg14[%select_n3A_52, %parallel_loop3A_2488, %parallel_loop3A_2489, %parallel_loop3A_2490] : memref<2x8x20x128xf32, #tpu.memory_space<vmem>> -> memref<1x8x20x128xf32, #tpu.memory_space<vmem>>
        %parallel_loop3A_2492 = tpu.memref_squeeze %parallel_loop3A_2491 : memref<1x8x20x128xf32, #tpu.memory_space<vmem>> -> memref<8x20x128xf32, #tpu.memory_space<vmem>>
        %parallel_loop3A_2493 = arith.index_cast %parallel_loop3A_715 : i32 to index
        %parallel_loop3A_2494 = arith.index_cast %parallel_loop3A_2487 : i32 to index
        %parallel_loop3A_2495 = arith.constant 0 : index
        %parallel_loop3A_2496 = tpu.vector_load %parallel_loop3A_2492[%parallel_loop3A_2493, %parallel_loop3A_2494, %parallel_loop3A_2495] {strides = array<i32>} : memref<8x20x128xf32, #tpu.memory_space<vmem>>, vector<1x1x16xf32>,
        %parallel_loop3A_2497 = vector.shape_cast %parallel_loop3A_2496 : vector<1x1x16xf32> to vector<16xf32>
        %parallel_loop3A_2498 = vector.shape_cast %parallel_loop3A_2486 : vector<16xf32> to vector<1x1x16xf32>
        tpu.vector_store %parallel_loop3A_2492[%parallel_loop3A_2493, %parallel_loop3A_2494, %parallel_loop3A_2495], %parallel_loop3A_2498 {strides = array<i32>} : memref<8x20x128xf32, #tpu.memory_space<vmem>>, vector<1x1x16xf32>,
        %parallel_loop3A_2499 = arith.constant 16 : i32
        %parallel_loop3A_2500 = arith.addi %parallel_loop3A_2481, %parallel_loop3A_2499 : i32
        %parallel_loop3A_2501 = arith.index_cast %parallel_loop3A_2500 : i32 to index
        %parallel_loop3A_2502 = tpu.vector_load %arg19[%parallel_loop3A_2501] {strides = array<i32>} : memref<1536xf32, #tpu.memory_space<vmem>>, vector<16xf32>,
        %parallel_loop3A_2503 = vector.shape_cast %parallel_loop3A_2502 : vector<16xf32> to vector<16xf32>
        %parallel_loop3A_2504 = arith.constant 14 : i32
        %parallel_loop3A_2505 = arith.constant 0 : i32
        %parallel_loop3A_2506 = arith.constant 0 : i32
        %parallel_loop3A_2507 = arith.constant 0 : i32
        %parallel_loop3A_2508 = tpu.memref_slice %arg14[%select_n3A_52, %parallel_loop3A_2505, %parallel_loop3A_2506, %parallel_loop3A_2507] : memref<2x8x20x128xf32, #tpu.memory_space<vmem>> -> memref<1x8x20x128xf32, #tpu.memory_space<vmem>>
        %parallel_loop3A_2509 = tpu.memref_squeeze %parallel_loop3A_2508 : memref<1x8x20x128xf32, #tpu.memory_space<vmem>> -> memref<8x20x128xf32, #tpu.memory_space<vmem>>
        %parallel_loop3A_2510 = arith.index_cast %parallel_loop3A_715 : i32 to index
        %parallel_loop3A_2511 = arith.index_cast %parallel_loop3A_2504 : i32 to index
        %parallel_loop3A_2512 = arith.constant 16 : index
        %parallel_loop3A_2513 = tpu.vector_load %parallel_loop3A_2509[%parallel_loop3A_2510, %parallel_loop3A_2511, %parallel_loop3A_2512] {strides = array<i32>} : memref<8x20x128xf32, #tpu.memory_space<vmem>>, vector<1x1x16xf32>,
        %parallel_loop3A_2514 = vector.shape_cast %parallel_loop3A_2513 : vector<1x1x16xf32> to vector<16xf32>
        %parallel_loop3A_2515 = vector.shape_cast %parallel_loop3A_2503 : vector<16xf32> to vector<1x1x16xf32>
        tpu.vector_store %parallel_loop3A_2509[%parallel_loop3A_2510, %parallel_loop3A_2511, %parallel_loop3A_2512], %parallel_loop3A_2515 {strides = array<i32>} : memref<8x20x128xf32, #tpu.memory_space<vmem>>, vector<1x1x16xf32>,
        %parallel_loop3A_2516 = arith.constant 32 : i32
        %parallel_loop3A_2517 = arith.addi %parallel_loop3A_2481, %parallel_loop3A_2516 : i32
        %parallel_loop3A_2518 = arith.index_cast %parallel_loop3A_2517 : i32 to index
        %parallel_loop3A_2519 = tpu.vector_load %arg19[%parallel_loop3A_2518] {strides = array<i32>} : memref<1536xf32, #tpu.memory_space<vmem>>, vector<16xf32>,
        %parallel_loop3A_2520 = vector.shape_cast %parallel_loop3A_2519 : vector<16xf32> to vector<16xf32>
        %parallel_loop3A_2521 = arith.constant 14 : i32
        %parallel_loop3A_2522 = arith.constant 0 : i32
        %parallel_loop3A_2523 = arith.constant 0 : i32
        %parallel_loop3A_2524 = arith.constant 0 : i32
        %parallel_loop3A_2525 = tpu.memref_slice %arg14[%select_n3A_52, %parallel_loop3A_2522, %parallel_loop3A_2523, %parallel_loop3A_2524] : memref<2x8x20x128xf32, #tpu.memory_space<vmem>> -> memref<1x8x20x128xf32, #tpu.memory_space<vmem>>
        %parallel_loop3A_2526 = tpu.memref_squeeze %parallel_loop3A_2525 : memref<1x8x20x128xf32, #tpu.memory_space<vmem>> -> memref<8x20x128xf32, #tpu.memory_space<vmem>>
        %parallel_loop3A_2527 = arith.index_cast %parallel_loop3A_715 : i32 to index
        %parallel_loop3A_2528 = arith.index_cast %parallel_loop3A_2521 : i32 to index
        %parallel_loop3A_2529 = arith.constant 32 : index
        %parallel_loop3A_2530 = tpu.vector_load %parallel_loop3A_2526[%parallel_loop3A_2527, %parallel_loop3A_2528, %parallel_loop3A_2529] {strides = array<i32>} : memref<8x20x128xf32, #tpu.memory_space<vmem>>, vector<1x1x16xf32>,
        %parallel_loop3A_2531 = vector.shape_cast %parallel_loop3A_2530 : vector<1x1x16xf32> to vector<16xf32>
        %parallel_loop3A_2532 = vector.shape_cast %parallel_loop3A_2520 : vector<16xf32> to vector<1x1x16xf32>
        tpu.vector_store %parallel_loop3A_2526[%parallel_loop3A_2527, %parallel_loop3A_2528, %parallel_loop3A_2529], %parallel_loop3A_2532 {strides = array<i32>} : memref<8x20x128xf32, #tpu.memory_space<vmem>>, vector<1x1x16xf32>,
        %parallel_loop3A_2533 = arith.constant 48 : i32
        %parallel_loop3A_2534 = arith.addi %parallel_loop3A_2481, %parallel_loop3A_2533 : i32
        %parallel_loop3A_2535 = arith.index_cast %parallel_loop3A_2534 : i32 to index
        %parallel_loop3A_2536 = tpu.vector_load %arg19[%parallel_loop3A_2535] {strides = array<i32>} : memref<1536xf32, #tpu.memory_space<vmem>>, vector<16xf32>,
        %parallel_loop3A_2537 = vector.shape_cast %parallel_loop3A_2536 : vector<16xf32> to vector<16xf32>
        %parallel_loop3A_2538 = arith.constant 14 : i32
        %parallel_loop3A_2539 = arith.constant 0 : i32
        %parallel_loop3A_2540 = arith.constant 0 : i32
        %parallel_loop3A_2541 = arith.constant 0 : i32
        %parallel_loop3A_2542 = tpu.memref_slice %arg14[%select_n3A_52, %parallel_loop3A_2539, %parallel_loop3A_2540, %parallel_loop3A_2541] : memref<2x8x20x128xf32, #tpu.memory_space<vmem>> -> memref<1x8x20x128xf32, #tpu.memory_space<vmem>>
        %parallel_loop3A_2543 = tpu.memref_squeeze %parallel_loop3A_2542 : memref<1x8x20x128xf32, #tpu.memory_space<vmem>> -> memref<8x20x128xf32, #tpu.memory_space<vmem>>
        %parallel_loop3A_2544 = arith.index_cast %parallel_loop3A_715 : i32 to index
        %parallel_loop3A_2545 = arith.index_cast %parallel_loop3A_2538 : i32 to index
        %parallel_loop3A_2546 = arith.constant 48 : index
        %parallel_loop3A_2547 = tpu.vector_load %parallel_loop3A_2543[%parallel_loop3A_2544, %parallel_loop3A_2545, %parallel_loop3A_2546] {strides = array<i32>} : memref<8x20x128xf32, #tpu.memory_space<vmem>>, vector<1x1x16xf32>,
        %parallel_loop3A_2548 = vector.shape_cast %parallel_loop3A_2547 : vector<1x1x16xf32> to vector<16xf32>
        %parallel_loop3A_2549 = vector.shape_cast %parallel_loop3A_2537 : vector<16xf32> to vector<1x1x16xf32>
        tpu.vector_store %parallel_loop3A_2543[%parallel_loop3A_2544, %parallel_loop3A_2545, %parallel_loop3A_2546], %parallel_loop3A_2549 {strides = array<i32>} : memref<8x20x128xf32, #tpu.memory_space<vmem>>, vector<1x1x16xf32>,
        %parallel_loop3A_2550 = arith.constant 64 : i32
        %parallel_loop3A_2551 = arith.addi %parallel_loop3A_2481, %parallel_loop3A_2550 : i32
        %parallel_loop3A_2552 = arith.index_cast %parallel_loop3A_2551 : i32 to index
        %parallel_loop3A_2553 = tpu.vector_load %arg19[%parallel_loop3A_2552] {strides = array<i32>} : memref<1536xf32, #tpu.memory_space<vmem>>, vector<16xf32>,
        %parallel_loop3A_2554 = vector.shape_cast %parallel_loop3A_2553 : vector<16xf32> to vector<16xf32>
        %parallel_loop3A_2555 = arith.constant 14 : i32
        %parallel_loop3A_2556 = arith.constant 0 : i32
        %parallel_loop3A_2557 = arith.constant 0 : i32
        %parallel_loop3A_2558 = arith.constant 0 : i32
        %parallel_loop3A_2559 = tpu.memref_slice %arg14[%select_n3A_52, %parallel_loop3A_2556, %parallel_loop3A_2557, %parallel_loop3A_2558] : memref<2x8x20x128xf32, #tpu.memory_space<vmem>> -> memref<1x8x20x128xf32, #tpu.memory_space<vmem>>
        %parallel_loop3A_2560 = tpu.memref_squeeze %parallel_loop3A_2559 : memref<1x8x20x128xf32, #tpu.memory_space<vmem>> -> memref<8x20x128xf32, #tpu.memory_space<vmem>>
        %parallel_loop3A_2561 = arith.index_cast %parallel_loop3A_715 : i32 to index
        %parallel_loop3A_2562 = arith.index_cast %parallel_loop3A_2555 : i32 to index
        %parallel_loop3A_2563 = arith.constant 64 : index
        %parallel_loop3A_2564 = tpu.vector_load %parallel_loop3A_2560[%parallel_loop3A_2561, %parallel_loop3A_2562, %parallel_loop3A_2563] {strides = array<i32>} : memref<8x20x128xf32, #tpu.memory_space<vmem>>, vector<1x1x16xf32>,
        %parallel_loop3A_2565 = vector.shape_cast %parallel_loop3A_2564 : vector<1x1x16xf32> to vector<16xf32>
        %parallel_loop3A_2566 = vector.shape_cast %parallel_loop3A_2554 : vector<16xf32> to vector<1x1x16xf32>
        tpu.vector_store %parallel_loop3A_2560[%parallel_loop3A_2561, %parallel_loop3A_2562, %parallel_loop3A_2563], %parallel_loop3A_2566 {strides = array<i32>} : memref<8x20x128xf32, #tpu.memory_space<vmem>>, vector<1x1x16xf32>,
        %parallel_loop3A_2567 = arith.constant 80 : i32
        %parallel_loop3A_2568 = arith.addi %parallel_loop3A_2481, %parallel_loop3A_2567 : i32
        %parallel_loop3A_2569 = arith.index_cast %parallel_loop3A_2568 : i32 to index
        %parallel_loop3A_2570 = tpu.vector_load %arg19[%parallel_loop3A_2569] {strides = array<i32>} : memref<1536xf32, #tpu.memory_space<vmem>>, vector<16xf32>,
        %parallel_loop3A_2571 = vector.shape_cast %parallel_loop3A_2570 : vector<16xf32> to vector<16xf32>
        %parallel_loop3A_2572 = arith.constant 14 : i32
        %parallel_loop3A_2573 = arith.constant 0 : i32
        %parallel_loop3A_2574 = arith.constant 0 : i32
        %parallel_loop3A_2575 = arith.constant 0 : i32
        %parallel_loop3A_2576 = tpu.memref_slice %arg14[%select_n3A_52, %parallel_loop3A_2573, %parallel_loop3A_2574, %parallel_loop3A_2575] : memref<2x8x20x128xf32, #tpu.memory_space<vmem>> -> memref<1x8x20x128xf32, #tpu.memory_space<vmem>>
        %parallel_loop3A_2577 = tpu.memref_squeeze %parallel_loop3A_2576 : memref<1x8x20x128xf32, #tpu.memory_space<vmem>> -> memref<8x20x128xf32, #tpu.memory_space<vmem>>
        %parallel_loop3A_2578 = arith.index_cast %parallel_loop3A_715 : i32 to index
        %parallel_loop3A_2579 = arith.index_cast %parallel_loop3A_2572 : i32 to index
        %parallel_loop3A_2580 = arith.constant 80 : index
        %parallel_loop3A_2581 = tpu.vector_load %parallel_loop3A_2577[%parallel_loop3A_2578, %parallel_loop3A_2579, %parallel_loop3A_2580] {strides = array<i32>} : memref<8x20x128xf32, #tpu.memory_space<vmem>>, vector<1x1x16xf32>,
        %parallel_loop3A_2582 = vector.shape_cast %parallel_loop3A_2581 : vector<1x1x16xf32> to vector<16xf32>
        %parallel_loop3A_2583 = vector.shape_cast %parallel_loop3A_2571 : vector<16xf32> to vector<1x1x16xf32>
        tpu.vector_store %parallel_loop3A_2577[%parallel_loop3A_2578, %parallel_loop3A_2579, %parallel_loop3A_2580], %parallel_loop3A_2583 {strides = array<i32>} : memref<8x20x128xf32, #tpu.memory_space<vmem>>, vector<1x1x16xf32>,
        %parallel_loop3A_2584 = arith.constant 96 : i32
        %parallel_loop3A_2585 = arith.addi %parallel_loop3A_2481, %parallel_loop3A_2584 : i32
        %parallel_loop3A_2586 = arith.index_cast %parallel_loop3A_2585 : i32 to index
        %parallel_loop3A_2587 = tpu.vector_load %arg19[%parallel_loop3A_2586] {strides = array<i32>} : memref<1536xf32, #tpu.memory_space<vmem>>, vector<16xf32>,
        %parallel_loop3A_2588 = vector.shape_cast %parallel_loop3A_2587 : vector<16xf32> to vector<16xf32>
        %parallel_loop3A_2589 = arith.constant 14 : i32
        %parallel_loop3A_2590 = arith.constant 0 : i32
        %parallel_loop3A_2591 = arith.constant 0 : i32
        %parallel_loop3A_2592 = arith.constant 0 : i32
        %parallel_loop3A_2593 = tpu.memref_slice %arg14[%select_n3A_52, %parallel_loop3A_2590, %parallel_loop3A_2591, %parallel_loop3A_2592] : memref<2x8x20x128xf32, #tpu.memory_space<vmem>> -> memref<1x8x20x128xf32, #tpu.memory_space<vmem>>
        %parallel_loop3A_2594 = tpu.memref_squeeze %parallel_loop3A_2593 : memref<1x8x20x128xf32, #tpu.memory_space<vmem>> -> memref<8x20x128xf32, #tpu.memory_space<vmem>>
        %parallel_loop3A_2595 = arith.index_cast %parallel_loop3A_715 : i32 to index
        %parallel_loop3A_2596 = arith.index_cast %parallel_loop3A_2589 : i32 to index
        %parallel_loop3A_2597 = arith.constant 96 : index
        %parallel_loop3A_2598 = tpu.vector_load %parallel_loop3A_2594[%parallel_loop3A_2595, %parallel_loop3A_2596, %parallel_loop3A_2597] {strides = array<i32>} : memref<8x20x128xf32, #tpu.memory_space<vmem>>, vector<1x1x16xf32>,
        %parallel_loop3A_2599 = vector.shape_cast %parallel_loop3A_2598 : vector<1x1x16xf32> to vector<16xf32>
        %parallel_loop3A_2600 = vector.shape_cast %parallel_loop3A_2588 : vector<16xf32> to vector<1x1x16xf32>
        tpu.vector_store %parallel_loop3A_2594[%parallel_loop3A_2595, %parallel_loop3A_2596, %parallel_loop3A_2597], %parallel_loop3A_2600 {strides = array<i32>} : memref<8x20x128xf32, #tpu.memory_space<vmem>>, vector<1x1x16xf32>,
        %parallel_loop3A_2601 = arith.constant 112 : i32
        %parallel_loop3A_2602 = arith.addi %parallel_loop3A_2481, %parallel_loop3A_2601 : i32
        %parallel_loop3A_2603 = arith.index_cast %parallel_loop3A_2602 : i32 to index
        %parallel_loop3A_2604 = tpu.vector_load %arg19[%parallel_loop3A_2603] {strides = array<i32>} : memref<1536xf32, #tpu.memory_space<vmem>>, vector<16xf32>,
        %parallel_loop3A_2605 = vector.shape_cast %parallel_loop3A_2604 : vector<16xf32> to vector<16xf32>
        %parallel_loop3A_2606 = arith.constant 14 : i32
        %parallel_loop3A_2607 = arith.constant 0 : i32
        %parallel_loop3A_2608 = arith.constant 0 : i32
        %parallel_loop3A_2609 = arith.constant 0 : i32
        %parallel_loop3A_2610 = tpu.memref_slice %arg14[%select_n3A_52, %parallel_loop3A_2607, %parallel_loop3A_2608, %parallel_loop3A_2609] : memref<2x8x20x128xf32, #tpu.memory_space<vmem>> -> memref<1x8x20x128xf32, #tpu.memory_space<vmem>>
        %parallel_loop3A_2611 = tpu.memref_squeeze %parallel_loop3A_2610 : memref<1x8x20x128xf32, #tpu.memory_space<vmem>> -> memref<8x20x128xf32, #tpu.memory_space<vmem>>
        %parallel_loop3A_2612 = arith.index_cast %parallel_loop3A_715 : i32 to index
        %parallel_loop3A_2613 = arith.index_cast %parallel_loop3A_2606 : i32 to index
        %parallel_loop3A_2614 = arith.constant 112 : index
        %parallel_loop3A_2615 = tpu.vector_load %parallel_loop3A_2611[%parallel_loop3A_2612, %parallel_loop3A_2613, %parallel_loop3A_2614] {strides = array<i32>} : memref<8x20x128xf32, #tpu.memory_space<vmem>>, vector<1x1x16xf32>,
        %parallel_loop3A_2616 = vector.shape_cast %parallel_loop3A_2615 : vector<1x1x16xf32> to vector<16xf32>
        %parallel_loop3A_2617 = vector.shape_cast %parallel_loop3A_2605 : vector<16xf32> to vector<1x1x16xf32>
        tpu.vector_store %parallel_loop3A_2611[%parallel_loop3A_2612, %parallel_loop3A_2613, %parallel_loop3A_2614], %parallel_loop3A_2617 {strides = array<i32>} : memref<8x20x128xf32, #tpu.memory_space<vmem>>, vector<1x1x16xf32>,
        %parallel_loop3A_2618 = vector.extract_strided_slice %parallel_loop3A_723 {offsets = [7], sizes = [1], strides = [1]} : vector<16xi32> to vector<1xi32>
        %parallel_loop3A_2619 = vector.extract %parallel_loop3A_2618[0] : i32 from vector<1xi32>
        %parallel_loop3A_2620 = arith.constant 0 : i32
        %parallel_loop3A_2621 = arith.addi %parallel_loop3A_2619, %parallel_loop3A_2620 : i32
        %parallel_loop3A_2622 = arith.index_cast %parallel_loop3A_2621 : i32 to index
        %parallel_loop3A_2623 = tpu.vector_load %arg19[%parallel_loop3A_2622] {strides = array<i32>} : memref<1536xf32, #tpu.memory_space<vmem>>, vector<16xf32>,
        %parallel_loop3A_2624 = vector.shape_cast %parallel_loop3A_2623 : vector<16xf32> to vector<16xf32>
        %parallel_loop3A_2625 = arith.constant 15 : i32
        %parallel_loop3A_2626 = arith.constant 0 : i32
        %parallel_loop3A_2627 = arith.constant 0 : i32
        %parallel_loop3A_2628 = arith.constant 0 : i32
        %parallel_loop3A_2629 = tpu.memref_slice %arg14[%select_n3A_52, %parallel_loop3A_2626, %parallel_loop3A_2627, %parallel_loop3A_2628] : memref<2x8x20x128xf32, #tpu.memory_space<vmem>> -> memref<1x8x20x128xf32, #tpu.memory_space<vmem>>
        %parallel_loop3A_2630 = tpu.memref_squeeze %parallel_loop3A_2629 : memref<1x8x20x128xf32, #tpu.memory_space<vmem>> -> memref<8x20x128xf32, #tpu.memory_space<vmem>>
        %parallel_loop3A_2631 = arith.index_cast %parallel_loop3A_715 : i32 to index
        %parallel_loop3A_2632 = arith.index_cast %parallel_loop3A_2625 : i32 to index
        %parallel_loop3A_2633 = arith.constant 0 : index
        %parallel_loop3A_2634 = tpu.vector_load %parallel_loop3A_2630[%parallel_loop3A_2631, %parallel_loop3A_2632, %parallel_loop3A_2633] {strides = array<i32>} : memref<8x20x128xf32, #tpu.memory_space<vmem>>, vector<1x1x16xf32>,
        %parallel_loop3A_2635 = vector.shape_cast %parallel_loop3A_2634 : vector<1x1x16xf32> to vector<16xf32>
        %parallel_loop3A_2636 = vector.shape_cast %parallel_loop3A_2624 : vector<16xf32> to vector<1x1x16xf32>
        tpu.vector_store %parallel_loop3A_2630[%parallel_loop3A_2631, %parallel_loop3A_2632, %parallel_loop3A_2633], %parallel_loop3A_2636 {strides = array<i32>} : memref<8x20x128xf32, #tpu.memory_space<vmem>>, vector<1x1x16xf32>,
        %parallel_loop3A_2637 = arith.constant 16 : i32
        %parallel_loop3A_2638 = arith.addi %parallel_loop3A_2619, %parallel_loop3A_2637 : i32
        %parallel_loop3A_2639 = arith.index_cast %parallel_loop3A_2638 : i32 to index
        %parallel_loop3A_2640 = tpu.vector_load %arg19[%parallel_loop3A_2639] {strides = array<i32>} : memref<1536xf32, #tpu.memory_space<vmem>>, vector<16xf32>,
        %parallel_loop3A_2641 = vector.shape_cast %parallel_loop3A_2640 : vector<16xf32> to vector<16xf32>
        %parallel_loop3A_2642 = arith.constant 15 : i32
        %parallel_loop3A_2643 = arith.constant 0 : i32
        %parallel_loop3A_2644 = arith.constant 0 : i32
        %parallel_loop3A_2645 = arith.constant 0 : i32
        %parallel_loop3A_2646 = tpu.memref_slice %arg14[%select_n3A_52, %parallel_loop3A_2643, %parallel_loop3A_2644, %parallel_loop3A_2645] : memref<2x8x20x128xf32, #tpu.memory_space<vmem>> -> memref<1x8x20x128xf32, #tpu.memory_space<vmem>>
        %parallel_loop3A_2647 = tpu.memref_squeeze %parallel_loop3A_2646 : memref<1x8x20x128xf32, #tpu.memory_space<vmem>> -> memref<8x20x128xf32, #tpu.memory_space<vmem>>
        %parallel_loop3A_2648 = arith.index_cast %parallel_loop3A_715 : i32 to index
        %parallel_loop3A_2649 = arith.index_cast %parallel_loop3A_2642 : i32 to index
        %parallel_loop3A_2650 = arith.constant 16 : index
        %parallel_loop3A_2651 = tpu.vector_load %parallel_loop3A_2647[%parallel_loop3A_2648, %parallel_loop3A_2649, %parallel_loop3A_2650] {strides = array<i32>} : memref<8x20x128xf32, #tpu.memory_space<vmem>>, vector<1x1x16xf32>,
        %parallel_loop3A_2652 = vector.shape_cast %parallel_loop3A_2651 : vector<1x1x16xf32> to vector<16xf32>
        %parallel_loop3A_2653 = vector.shape_cast %parallel_loop3A_2641 : vector<16xf32> to vector<1x1x16xf32>
        tpu.vector_store %parallel_loop3A_2647[%parallel_loop3A_2648, %parallel_loop3A_2649, %parallel_loop3A_2650], %parallel_loop3A_2653 {strides = array<i32>} : memref<8x20x128xf32, #tpu.memory_space<vmem>>, vector<1x1x16xf32>,
        %parallel_loop3A_2654 = arith.constant 32 : i32
        %parallel_loop3A_2655 = arith.addi %parallel_loop3A_2619, %parallel_loop3A_2654 : i32
        %parallel_loop3A_2656 = arith.index_cast %parallel_loop3A_2655 : i32 to index
        %parallel_loop3A_2657 = tpu.vector_load %arg19[%parallel_loop3A_2656] {strides = array<i32>} : memref<1536xf32, #tpu.memory_space<vmem>>, vector<16xf32>,
        %parallel_loop3A_2658 = vector.shape_cast %parallel_loop3A_2657 : vector<16xf32> to vector<16xf32>
        %parallel_loop3A_2659 = arith.constant 15 : i32
        %parallel_loop3A_2660 = arith.constant 0 : i32
        %parallel_loop3A_2661 = arith.constant 0 : i32
        %parallel_loop3A_2662 = arith.constant 0 : i32
        %parallel_loop3A_2663 = tpu.memref_slice %arg14[%select_n3A_52, %parallel_loop3A_2660, %parallel_loop3A_2661, %parallel_loop3A_2662] : memref<2x8x20x128xf32, #tpu.memory_space<vmem>> -> memref<1x8x20x128xf32, #tpu.memory_space<vmem>>
        %parallel_loop3A_2664 = tpu.memref_squeeze %parallel_loop3A_2663 : memref<1x8x20x128xf32, #tpu.memory_space<vmem>> -> memref<8x20x128xf32, #tpu.memory_space<vmem>>
        %parallel_loop3A_2665 = arith.index_cast %parallel_loop3A_715 : i32 to index
        %parallel_loop3A_2666 = arith.index_cast %parallel_loop3A_2659 : i32 to index
        %parallel_loop3A_2667 = arith.constant 32 : index
        %parallel_loop3A_2668 = tpu.vector_load %parallel_loop3A_2664[%parallel_loop3A_2665, %parallel_loop3A_2666, %parallel_loop3A_2667] {strides = array<i32>} : memref<8x20x128xf32, #tpu.memory_space<vmem>>, vector<1x1x16xf32>,
        %parallel_loop3A_2669 = vector.shape_cast %parallel_loop3A_2668 : vector<1x1x16xf32> to vector<16xf32>
        %parallel_loop3A_2670 = vector.shape_cast %parallel_loop3A_2658 : vector<16xf32> to vector<1x1x16xf32>
        tpu.vector_store %parallel_loop3A_2664[%parallel_loop3A_2665, %parallel_loop3A_2666, %parallel_loop3A_2667], %parallel_loop3A_2670 {strides = array<i32>} : memref<8x20x128xf32, #tpu.memory_space<vmem>>, vector<1x1x16xf32>,
        %parallel_loop3A_2671 = arith.constant 48 : i32
        %parallel_loop3A_2672 = arith.addi %parallel_loop3A_2619, %parallel_loop3A_2671 : i32
        %parallel_loop3A_2673 = arith.index_cast %parallel_loop3A_2672 : i32 to index
        %parallel_loop3A_2674 = tpu.vector_load %arg19[%parallel_loop3A_2673] {strides = array<i32>} : memref<1536xf32, #tpu.memory_space<vmem>>, vector<16xf32>,
        %parallel_loop3A_2675 = vector.shape_cast %parallel_loop3A_2674 : vector<16xf32> to vector<16xf32>
        %parallel_loop3A_2676 = arith.constant 15 : i32
        %parallel_loop3A_2677 = arith.constant 0 : i32
        %parallel_loop3A_2678 = arith.constant 0 : i32
        %parallel_loop3A_2679 = arith.constant 0 : i32
        %parallel_loop3A_2680 = tpu.memref_slice %arg14[%select_n3A_52, %parallel_loop3A_2677, %parallel_loop3A_2678, %parallel_loop3A_2679] : memref<2x8x20x128xf32, #tpu.memory_space<vmem>> -> memref<1x8x20x128xf32, #tpu.memory_space<vmem>>
        %parallel_loop3A_2681 = tpu.memref_squeeze %parallel_loop3A_2680 : memref<1x8x20x128xf32, #tpu.memory_space<vmem>> -> memref<8x20x128xf32, #tpu.memory_space<vmem>>
        %parallel_loop3A_2682 = arith.index_cast %parallel_loop3A_715 : i32 to index
        %parallel_loop3A_2683 = arith.index_cast %parallel_loop3A_2676 : i32 to index
        %parallel_loop3A_2684 = arith.constant 48 : index
        %parallel_loop3A_2685 = tpu.vector_load %parallel_loop3A_2681[%parallel_loop3A_2682, %parallel_loop3A_2683, %parallel_loop3A_2684] {strides = array<i32>} : memref<8x20x128xf32, #tpu.memory_space<vmem>>, vector<1x1x16xf32>,
        %parallel_loop3A_2686 = vector.shape_cast %parallel_loop3A_2685 : vector<1x1x16xf32> to vector<16xf32>
        %parallel_loop3A_2687 = vector.shape_cast %parallel_loop3A_2675 : vector<16xf32> to vector<1x1x16xf32>
        tpu.vector_store %parallel_loop3A_2681[%parallel_loop3A_2682, %parallel_loop3A_2683, %parallel_loop3A_2684], %parallel_loop3A_2687 {strides = array<i32>} : memref<8x20x128xf32, #tpu.memory_space<vmem>>, vector<1x1x16xf32>,
        %parallel_loop3A_2688 = arith.constant 64 : i32
        %parallel_loop3A_2689 = arith.addi %parallel_loop3A_2619, %parallel_loop3A_2688 : i32
        %parallel_loop3A_2690 = arith.index_cast %parallel_loop3A_2689 : i32 to index
        %parallel_loop3A_2691 = tpu.vector_load %arg19[%parallel_loop3A_2690] {strides = array<i32>} : memref<1536xf32, #tpu.memory_space<vmem>>, vector<16xf32>,
        %parallel_loop3A_2692 = vector.shape_cast %parallel_loop3A_2691 : vector<16xf32> to vector<16xf32>
        %parallel_loop3A_2693 = arith.constant 15 : i32
        %parallel_loop3A_2694 = arith.constant 0 : i32
        %parallel_loop3A_2695 = arith.constant 0 : i32
        %parallel_loop3A_2696 = arith.constant 0 : i32
        %parallel_loop3A_2697 = tpu.memref_slice %arg14[%select_n3A_52, %parallel_loop3A_2694, %parallel_loop3A_2695, %parallel_loop3A_2696] : memref<2x8x20x128xf32, #tpu.memory_space<vmem>> -> memref<1x8x20x128xf32, #tpu.memory_space<vmem>>
        %parallel_loop3A_2698 = tpu.memref_squeeze %parallel_loop3A_2697 : memref<1x8x20x128xf32, #tpu.memory_space<vmem>> -> memref<8x20x128xf32, #tpu.memory_space<vmem>>
        %parallel_loop3A_2699 = arith.index_cast %parallel_loop3A_715 : i32 to index
        %parallel_loop3A_2700 = arith.index_cast %parallel_loop3A_2693 : i32 to index
        %parallel_loop3A_2701 = arith.constant 64 : index
        %parallel_loop3A_2702 = tpu.vector_load %parallel_loop3A_2698[%parallel_loop3A_2699, %parallel_loop3A_2700, %parallel_loop3A_2701] {strides = array<i32>} : memref<8x20x128xf32, #tpu.memory_space<vmem>>, vector<1x1x16xf32>,
        %parallel_loop3A_2703 = vector.shape_cast %parallel_loop3A_2702 : vector<1x1x16xf32> to vector<16xf32>
        %parallel_loop3A_2704 = vector.shape_cast %parallel_loop3A_2692 : vector<16xf32> to vector<1x1x16xf32>
        tpu.vector_store %parallel_loop3A_2698[%parallel_loop3A_2699, %parallel_loop3A_2700, %parallel_loop3A_2701], %parallel_loop3A_2704 {strides = array<i32>} : memref<8x20x128xf32, #tpu.memory_space<vmem>>, vector<1x1x16xf32>,
        %parallel_loop3A_2705 = arith.constant 80 : i32
        %parallel_loop3A_2706 = arith.addi %parallel_loop3A_2619, %parallel_loop3A_2705 : i32
        %parallel_loop3A_2707 = arith.index_cast %parallel_loop3A_2706 : i32 to index
        %parallel_loop3A_2708 = tpu.vector_load %arg19[%parallel_loop3A_2707] {strides = array<i32>} : memref<1536xf32, #tpu.memory_space<vmem>>, vector<16xf32>,
        %parallel_loop3A_2709 = vector.shape_cast %parallel_loop3A_2708 : vector<16xf32> to vector<16xf32>
        %parallel_loop3A_2710 = arith.constant 15 : i32
        %parallel_loop3A_2711 = arith.constant 0 : i32
        %parallel_loop3A_2712 = arith.constant 0 : i32
        %parallel_loop3A_2713 = arith.constant 0 : i32
        %parallel_loop3A_2714 = tpu.memref_slice %arg14[%select_n3A_52, %parallel_loop3A_2711, %parallel_loop3A_2712, %parallel_loop3A_2713] : memref<2x8x20x128xf32, #tpu.memory_space<vmem>> -> memref<1x8x20x128xf32, #tpu.memory_space<vmem>>
        %parallel_loop3A_2715 = tpu.memref_squeeze %parallel_loop3A_2714 : memref<1x8x20x128xf32, #tpu.memory_space<vmem>> -> memref<8x20x128xf32, #tpu.memory_space<vmem>>
        %parallel_loop3A_2716 = arith.index_cast %parallel_loop3A_715 : i32 to index
        %parallel_loop3A_2717 = arith.index_cast %parallel_loop3A_2710 : i32 to index
        %parallel_loop3A_2718 = arith.constant 80 : index
        %parallel_loop3A_2719 = tpu.vector_load %parallel_loop3A_2715[%parallel_loop3A_2716, %parallel_loop3A_2717, %parallel_loop3A_2718] {strides = array<i32>} : memref<8x20x128xf32, #tpu.memory_space<vmem>>, vector<1x1x16xf32>,
        %parallel_loop3A_2720 = vector.shape_cast %parallel_loop3A_2719 : vector<1x1x16xf32> to vector<16xf32>
        %parallel_loop3A_2721 = vector.shape_cast %parallel_loop3A_2709 : vector<16xf32> to vector<1x1x16xf32>
        tpu.vector_store %parallel_loop3A_2715[%parallel_loop3A_2716, %parallel_loop3A_2717, %parallel_loop3A_2718], %parallel_loop3A_2721 {strides = array<i32>} : memref<8x20x128xf32, #tpu.memory_space<vmem>>, vector<1x1x16xf32>,
        %parallel_loop3A_2722 = arith.constant 96 : i32
        %parallel_loop3A_2723 = arith.addi %parallel_loop3A_2619, %parallel_loop3A_2722 : i32
        %parallel_loop3A_2724 = arith.index_cast %parallel_loop3A_2723 : i32 to index
        %parallel_loop3A_2725 = tpu.vector_load %arg19[%parallel_loop3A_2724] {strides = array<i32>} : memref<1536xf32, #tpu.memory_space<vmem>>, vector<16xf32>,
        %parallel_loop3A_2726 = vector.shape_cast %parallel_loop3A_2725 : vector<16xf32> to vector<16xf32>
        %parallel_loop3A_2727 = arith.constant 15 : i32
        %parallel_loop3A_2728 = arith.constant 0 : i32
        %parallel_loop3A_2729 = arith.constant 0 : i32
        %parallel_loop3A_2730 = arith.constant 0 : i32
        %parallel_loop3A_2731 = tpu.memref_slice %arg14[%select_n3A_52, %parallel_loop3A_2728, %parallel_loop3A_2729, %parallel_loop3A_2730] : memref<2x8x20x128xf32, #tpu.memory_space<vmem>> -> memref<1x8x20x128xf32, #tpu.memory_space<vmem>>
        %parallel_loop3A_2732 = tpu.memref_squeeze %parallel_loop3A_2731 : memref<1x8x20x128xf32, #tpu.memory_space<vmem>> -> memref<8x20x128xf32, #tpu.memory_space<vmem>>
        %parallel_loop3A_2733 = arith.index_cast %parallel_loop3A_715 : i32 to index
        %parallel_loop3A_2734 = arith.index_cast %parallel_loop3A_2727 : i32 to index
        %parallel_loop3A_2735 = arith.constant 96 : index
        %parallel_loop3A_2736 = tpu.vector_load %parallel_loop3A_2732[%parallel_loop3A_2733, %parallel_loop3A_2734, %parallel_loop3A_2735] {strides = array<i32>} : memref<8x20x128xf32, #tpu.memory_space<vmem>>, vector<1x1x16xf32>,
        %parallel_loop3A_2737 = vector.shape_cast %parallel_loop3A_2736 : vector<1x1x16xf32> to vector<16xf32>
        %parallel_loop3A_2738 = vector.shape_cast %parallel_loop3A_2726 : vector<16xf32> to vector<1x1x16xf32>
        tpu.vector_store %parallel_loop3A_2732[%parallel_loop3A_2733, %parallel_loop3A_2734, %parallel_loop3A_2735], %parallel_loop3A_2738 {strides = array<i32>} : memref<8x20x128xf32, #tpu.memory_space<vmem>>, vector<1x1x16xf32>,
        %parallel_loop3A_2739 = arith.constant 112 : i32
        %parallel_loop3A_2740 = arith.addi %parallel_loop3A_2619, %parallel_loop3A_2739 : i32
        %parallel_loop3A_2741 = arith.index_cast %parallel_loop3A_2740 : i32 to index
        %parallel_loop3A_2742 = tpu.vector_load %arg19[%parallel_loop3A_2741] {strides = array<i32>} : memref<1536xf32, #tpu.memory_space<vmem>>, vector<16xf32>,
        %parallel_loop3A_2743 = vector.shape_cast %parallel_loop3A_2742 : vector<16xf32> to vector<16xf32>
        %parallel_loop3A_2744 = arith.constant 15 : i32
        %parallel_loop3A_2745 = arith.constant 0 : i32
        %parallel_loop3A_2746 = arith.constant 0 : i32
        %parallel_loop3A_2747 = arith.constant 0 : i32
        %parallel_loop3A_2748 = tpu.memref_slice %arg14[%select_n3A_52, %parallel_loop3A_2745, %parallel_loop3A_2746, %parallel_loop3A_2747] : memref<2x8x20x128xf32, #tpu.memory_space<vmem>> -> memref<1x8x20x128xf32, #tpu.memory_space<vmem>>
        %parallel_loop3A_2749 = tpu.memref_squeeze %parallel_loop3A_2748 : memref<1x8x20x128xf32, #tpu.memory_space<vmem>> -> memref<8x20x128xf32, #tpu.memory_space<vmem>>
        %parallel_loop3A_2750 = arith.index_cast %parallel_loop3A_715 : i32 to index
        %parallel_loop3A_2751 = arith.index_cast %parallel_loop3A_2744 : i32 to index
        %parallel_loop3A_2752 = arith.constant 112 : index
        %parallel_loop3A_2753 = tpu.vector_load %parallel_loop3A_2749[%parallel_loop3A_2750, %parallel_loop3A_2751, %parallel_loop3A_2752] {strides = array<i32>} : memref<8x20x128xf32, #tpu.memory_space<vmem>>, vector<1x1x16xf32>,
        %parallel_loop3A_2754 = vector.shape_cast %parallel_loop3A_2753 : vector<1x1x16xf32> to vector<16xf32>
        %parallel_loop3A_2755 = vector.shape_cast %parallel_loop3A_2743 : vector<16xf32> to vector<1x1x16xf32>
        tpu.vector_store %parallel_loop3A_2749[%parallel_loop3A_2750, %parallel_loop3A_2751, %parallel_loop3A_2752], %parallel_loop3A_2755 {strides = array<i32>} : memref<8x20x128xf32, #tpu.memory_space<vmem>>, vector<1x1x16xf32>,
        %parallel_loop3A_2756 = vector.extract_strided_slice %parallel_loop3A_723 {offsets = [8], sizes = [1], strides = [1]} : vector<16xi32> to vector<1xi32>
        %parallel_loop3A_2757 = vector.extract %parallel_loop3A_2756[0] : i32 from vector<1xi32>
        %parallel_loop3A_2758 = arith.constant 0 : i32
        %parallel_loop3A_2759 = arith.addi %parallel_loop3A_2757, %parallel_loop3A_2758 : i32
        %parallel_loop3A_2760 = arith.index_cast %parallel_loop3A_2759 : i32 to index
        %parallel_loop3A_2761 = tpu.vector_load %arg19[%parallel_loop3A_2760] {strides = array<i32>} : memref<1536xf32, #tpu.memory_space<vmem>>, vector<16xf32>,
        %parallel_loop3A_2762 = vector.shape_cast %parallel_loop3A_2761 : vector<16xf32> to vector<16xf32>
        %parallel_loop3A_2763 = arith.constant 16 : i32
        %parallel_loop3A_2764 = arith.constant 0 : i32
        %parallel_loop3A_2765 = arith.constant 0 : i32
        %parallel_loop3A_2766 = arith.constant 0 : i32
        %parallel_loop3A_2767 = tpu.memref_slice %arg14[%select_n3A_52, %parallel_loop3A_2764, %parallel_loop3A_2765, %parallel_loop3A_2766] : memref<2x8x20x128xf32, #tpu.memory_space<vmem>> -> memref<1x8x20x128xf32, #tpu.memory_space<vmem>>
        %parallel_loop3A_2768 = tpu.memref_squeeze %parallel_loop3A_2767 : memref<1x8x20x128xf32, #tpu.memory_space<vmem>> -> memref<8x20x128xf32, #tpu.memory_space<vmem>>
        %parallel_loop3A_2769 = arith.index_cast %parallel_loop3A_715 : i32 to index
        %parallel_loop3A_2770 = arith.index_cast %parallel_loop3A_2763 : i32 to index
        %parallel_loop3A_2771 = arith.constant 0 : index
        %parallel_loop3A_2772 = tpu.vector_load %parallel_loop3A_2768[%parallel_loop3A_2769, %parallel_loop3A_2770, %parallel_loop3A_2771] {strides = array<i32>} : memref<8x20x128xf32, #tpu.memory_space<vmem>>, vector<1x1x16xf32>,
        %parallel_loop3A_2773 = vector.shape_cast %parallel_loop3A_2772 : vector<1x1x16xf32> to vector<16xf32>
        %parallel_loop3A_2774 = vector.shape_cast %parallel_loop3A_2762 : vector<16xf32> to vector<1x1x16xf32>
        tpu.vector_store %parallel_loop3A_2768[%parallel_loop3A_2769, %parallel_loop3A_2770, %parallel_loop3A_2771], %parallel_loop3A_2774 {strides = array<i32>} : memref<8x20x128xf32, #tpu.memory_space<vmem>>, vector<1x1x16xf32>,
        %parallel_loop3A_2775 = arith.constant 16 : i32
        %parallel_loop3A_2776 = arith.addi %parallel_loop3A_2757, %parallel_loop3A_2775 : i32
        %parallel_loop3A_2777 = arith.index_cast %parallel_loop3A_2776 : i32 to index
        %parallel_loop3A_2778 = tpu.vector_load %arg19[%parallel_loop3A_2777] {strides = array<i32>} : memref<1536xf32, #tpu.memory_space<vmem>>, vector<16xf32>,
        %parallel_loop3A_2779 = vector.shape_cast %parallel_loop3A_2778 : vector<16xf32> to vector<16xf32>
        %parallel_loop3A_2780 = arith.constant 16 : i32
        %parallel_loop3A_2781 = arith.constant 0 : i32
        %parallel_loop3A_2782 = arith.constant 0 : i32
        %parallel_loop3A_2783 = arith.constant 0 : i32
        %parallel_loop3A_2784 = tpu.memref_slice %arg14[%select_n3A_52, %parallel_loop3A_2781, %parallel_loop3A_2782, %parallel_loop3A_2783] : memref<2x8x20x128xf32, #tpu.memory_space<vmem>> -> memref<1x8x20x128xf32, #tpu.memory_space<vmem>>
        %parallel_loop3A_2785 = tpu.memref_squeeze %parallel_loop3A_2784 : memref<1x8x20x128xf32, #tpu.memory_space<vmem>> -> memref<8x20x128xf32, #tpu.memory_space<vmem>>
        %parallel_loop3A_2786 = arith.index_cast %parallel_loop3A_715 : i32 to index
        %parallel_loop3A_2787 = arith.index_cast %parallel_loop3A_2780 : i32 to index
        %parallel_loop3A_2788 = arith.constant 16 : index
        %parallel_loop3A_2789 = tpu.vector_load %parallel_loop3A_2785[%parallel_loop3A_2786, %parallel_loop3A_2787, %parallel_loop3A_2788] {strides = array<i32>} : memref<8x20x128xf32, #tpu.memory_space<vmem>>, vector<1x1x16xf32>,
        %parallel_loop3A_2790 = vector.shape_cast %parallel_loop3A_2789 : vector<1x1x16xf32> to vector<16xf32>
        %parallel_loop3A_2791 = vector.shape_cast %parallel_loop3A_2779 : vector<16xf32> to vector<1x1x16xf32>
        tpu.vector_store %parallel_loop3A_2785[%parallel_loop3A_2786, %parallel_loop3A_2787, %parallel_loop3A_2788], %parallel_loop3A_2791 {strides = array<i32>} : memref<8x20x128xf32, #tpu.memory_space<vmem>>, vector<1x1x16xf32>,
        %parallel_loop3A_2792 = arith.constant 32 : i32
        %parallel_loop3A_2793 = arith.addi %parallel_loop3A_2757, %parallel_loop3A_2792 : i32
        %parallel_loop3A_2794 = arith.index_cast %parallel_loop3A_2793 : i32 to index
        %parallel_loop3A_2795 = tpu.vector_load %arg19[%parallel_loop3A_2794] {strides = array<i32>} : memref<1536xf32, #tpu.memory_space<vmem>>, vector<16xf32>,
        %parallel_loop3A_2796 = vector.shape_cast %parallel_loop3A_2795 : vector<16xf32> to vector<16xf32>
        %parallel_loop3A_2797 = arith.constant 16 : i32
        %parallel_loop3A_2798 = arith.constant 0 : i32
        %parallel_loop3A_2799 = arith.constant 0 : i32
        %parallel_loop3A_2800 = arith.constant 0 : i32
        %parallel_loop3A_2801 = tpu.memref_slice %arg14[%select_n3A_52, %parallel_loop3A_2798, %parallel_loop3A_2799, %parallel_loop3A_2800] : memref<2x8x20x128xf32, #tpu.memory_space<vmem>> -> memref<1x8x20x128xf32, #tpu.memory_space<vmem>>
        %parallel_loop3A_2802 = tpu.memref_squeeze %parallel_loop3A_2801 : memref<1x8x20x128xf32, #tpu.memory_space<vmem>> -> memref<8x20x128xf32, #tpu.memory_space<vmem>>
        %parallel_loop3A_2803 = arith.index_cast %parallel_loop3A_715 : i32 to index
        %parallel_loop3A_2804 = arith.index_cast %parallel_loop3A_2797 : i32 to index
        %parallel_loop3A_2805 = arith.constant 32 : index
        %parallel_loop3A_2806 = tpu.vector_load %parallel_loop3A_2802[%parallel_loop3A_2803, %parallel_loop3A_2804, %parallel_loop3A_2805] {strides = array<i32>} : memref<8x20x128xf32, #tpu.memory_space<vmem>>, vector<1x1x16xf32>,
        %parallel_loop3A_2807 = vector.shape_cast %parallel_loop3A_2806 : vector<1x1x16xf32> to vector<16xf32>
        %parallel_loop3A_2808 = vector.shape_cast %parallel_loop3A_2796 : vector<16xf32> to vector<1x1x16xf32>
        tpu.vector_store %parallel_loop3A_2802[%parallel_loop3A_2803, %parallel_loop3A_2804, %parallel_loop3A_2805], %parallel_loop3A_2808 {strides = array<i32>} : memref<8x20x128xf32, #tpu.memory_space<vmem>>, vector<1x1x16xf32>,
        %parallel_loop3A_2809 = arith.constant 48 : i32
        %parallel_loop3A_2810 = arith.addi %parallel_loop3A_2757, %parallel_loop3A_2809 : i32
        %parallel_loop3A_2811 = arith.index_cast %parallel_loop3A_2810 : i32 to index
        %parallel_loop3A_2812 = tpu.vector_load %arg19[%parallel_loop3A_2811] {strides = array<i32>} : memref<1536xf32, #tpu.memory_space<vmem>>, vector<16xf32>,
        %parallel_loop3A_2813 = vector.shape_cast %parallel_loop3A_2812 : vector<16xf32> to vector<16xf32>
        %parallel_loop3A_2814 = arith.constant 16 : i32
        %parallel_loop3A_2815 = arith.constant 0 : i32
        %parallel_loop3A_2816 = arith.constant 0 : i32
        %parallel_loop3A_2817 = arith.constant 0 : i32
        %parallel_loop3A_2818 = tpu.memref_slice %arg14[%select_n3A_52, %parallel_loop3A_2815, %parallel_loop3A_2816, %parallel_loop3A_2817] : memref<2x8x20x128xf32, #tpu.memory_space<vmem>> -> memref<1x8x20x128xf32, #tpu.memory_space<vmem>>
        %parallel_loop3A_2819 = tpu.memref_squeeze %parallel_loop3A_2818 : memref<1x8x20x128xf32, #tpu.memory_space<vmem>> -> memref<8x20x128xf32, #tpu.memory_space<vmem>>
        %parallel_loop3A_2820 = arith.index_cast %parallel_loop3A_715 : i32 to index
        %parallel_loop3A_2821 = arith.index_cast %parallel_loop3A_2814 : i32 to index
        %parallel_loop3A_2822 = arith.constant 48 : index
        %parallel_loop3A_2823 = tpu.vector_load %parallel_loop3A_2819[%parallel_loop3A_2820, %parallel_loop3A_2821, %parallel_loop3A_2822] {strides = array<i32>} : memref<8x20x128xf32, #tpu.memory_space<vmem>>, vector<1x1x16xf32>,
        %parallel_loop3A_2824 = vector.shape_cast %parallel_loop3A_2823 : vector<1x1x16xf32> to vector<16xf32>
        %parallel_loop3A_2825 = vector.shape_cast %parallel_loop3A_2813 : vector<16xf32> to vector<1x1x16xf32>
        tpu.vector_store %parallel_loop3A_2819[%parallel_loop3A_2820, %parallel_loop3A_2821, %parallel_loop3A_2822], %parallel_loop3A_2825 {strides = array<i32>} : memref<8x20x128xf32, #tpu.memory_space<vmem>>, vector<1x1x16xf32>,
        %parallel_loop3A_2826 = arith.constant 64 : i32
        %parallel_loop3A_2827 = arith.addi %parallel_loop3A_2757, %parallel_loop3A_2826 : i32
        %parallel_loop3A_2828 = arith.index_cast %parallel_loop3A_2827 : i32 to index
        %parallel_loop3A_2829 = tpu.vector_load %arg19[%parallel_loop3A_2828] {strides = array<i32>} : memref<1536xf32, #tpu.memory_space<vmem>>, vector<16xf32>,
        %parallel_loop3A_2830 = vector.shape_cast %parallel_loop3A_2829 : vector<16xf32> to vector<16xf32>
        %parallel_loop3A_2831 = arith.constant 16 : i32
        %parallel_loop3A_2832 = arith.constant 0 : i32
        %parallel_loop3A_2833 = arith.constant 0 : i32
        %parallel_loop3A_2834 = arith.constant 0 : i32
        %parallel_loop3A_2835 = tpu.memref_slice %arg14[%select_n3A_52, %parallel_loop3A_2832, %parallel_loop3A_2833, %parallel_loop3A_2834] : memref<2x8x20x128xf32, #tpu.memory_space<vmem>> -> memref<1x8x20x128xf32, #tpu.memory_space<vmem>>
        %parallel_loop3A_2836 = tpu.memref_squeeze %parallel_loop3A_2835 : memref<1x8x20x128xf32, #tpu.memory_space<vmem>> -> memref<8x20x128xf32, #tpu.memory_space<vmem>>
        %parallel_loop3A_2837 = arith.index_cast %parallel_loop3A_715 : i32 to index
        %parallel_loop3A_2838 = arith.index_cast %parallel_loop3A_2831 : i32 to index
        %parallel_loop3A_2839 = arith.constant 64 : index
        %parallel_loop3A_2840 = tpu.vector_load %parallel_loop3A_2836[%parallel_loop3A_2837, %parallel_loop3A_2838, %parallel_loop3A_2839] {strides = array<i32>} : memref<8x20x128xf32, #tpu.memory_space<vmem>>, vector<1x1x16xf32>,
        %parallel_loop3A_2841 = vector.shape_cast %parallel_loop3A_2840 : vector<1x1x16xf32> to vector<16xf32>
        %parallel_loop3A_2842 = vector.shape_cast %parallel_loop3A_2830 : vector<16xf32> to vector<1x1x16xf32>
        tpu.vector_store %parallel_loop3A_2836[%parallel_loop3A_2837, %parallel_loop3A_2838, %parallel_loop3A_2839], %parallel_loop3A_2842 {strides = array<i32>} : memref<8x20x128xf32, #tpu.memory_space<vmem>>, vector<1x1x16xf32>,
        %parallel_loop3A_2843 = arith.constant 80 : i32
        %parallel_loop3A_2844 = arith.addi %parallel_loop3A_2757, %parallel_loop3A_2843 : i32
        %parallel_loop3A_2845 = arith.index_cast %parallel_loop3A_2844 : i32 to index
        %parallel_loop3A_2846 = tpu.vector_load %arg19[%parallel_loop3A_2845] {strides = array<i32>} : memref<1536xf32, #tpu.memory_space<vmem>>, vector<16xf32>,
        %parallel_loop3A_2847 = vector.shape_cast %parallel_loop3A_2846 : vector<16xf32> to vector<16xf32>
        %parallel_loop3A_2848 = arith.constant 16 : i32
        %parallel_loop3A_2849 = arith.constant 0 : i32
        %parallel_loop3A_2850 = arith.constant 0 : i32
        %parallel_loop3A_2851 = arith.constant 0 : i32
        %parallel_loop3A_2852 = tpu.memref_slice %arg14[%select_n3A_52, %parallel_loop3A_2849, %parallel_loop3A_2850, %parallel_loop3A_2851] : memref<2x8x20x128xf32, #tpu.memory_space<vmem>> -> memref<1x8x20x128xf32, #tpu.memory_space<vmem>>
        %parallel_loop3A_2853 = tpu.memref_squeeze %parallel_loop3A_2852 : memref<1x8x20x128xf32, #tpu.memory_space<vmem>> -> memref<8x20x128xf32, #tpu.memory_space<vmem>>
        %parallel_loop3A_2854 = arith.index_cast %parallel_loop3A_715 : i32 to index
        %parallel_loop3A_2855 = arith.index_cast %parallel_loop3A_2848 : i32 to index
        %parallel_loop3A_2856 = arith.constant 80 : index
        %parallel_loop3A_2857 = tpu.vector_load %parallel_loop3A_2853[%parallel_loop3A_2854, %parallel_loop3A_2855, %parallel_loop3A_2856] {strides = array<i32>} : memref<8x20x128xf32, #tpu.memory_space<vmem>>, vector<1x1x16xf32>,
        %parallel_loop3A_2858 = vector.shape_cast %parallel_loop3A_2857 : vector<1x1x16xf32> to vector<16xf32>
        %parallel_loop3A_2859 = vector.shape_cast %parallel_loop3A_2847 : vector<16xf32> to vector<1x1x16xf32>
        tpu.vector_store %parallel_loop3A_2853[%parallel_loop3A_2854, %parallel_loop3A_2855, %parallel_loop3A_2856], %parallel_loop3A_2859 {strides = array<i32>} : memref<8x20x128xf32, #tpu.memory_space<vmem>>, vector<1x1x16xf32>,
        %parallel_loop3A_2860 = arith.constant 96 : i32
        %parallel_loop3A_2861 = arith.addi %parallel_loop3A_2757, %parallel_loop3A_2860 : i32
        %parallel_loop3A_2862 = arith.index_cast %parallel_loop3A_2861 : i32 to index
        %parallel_loop3A_2863 = tpu.vector_load %arg19[%parallel_loop3A_2862] {strides = array<i32>} : memref<1536xf32, #tpu.memory_space<vmem>>, vector<16xf32>,
        %parallel_loop3A_2864 = vector.shape_cast %parallel_loop3A_2863 : vector<16xf32> to vector<16xf32>
        %parallel_loop3A_2865 = arith.constant 16 : i32
        %parallel_loop3A_2866 = arith.constant 0 : i32
        %parallel_loop3A_2867 = arith.constant 0 : i32
        %parallel_loop3A_2868 = arith.constant 0 : i32
        %parallel_loop3A_2869 = tpu.memref_slice %arg14[%select_n3A_52, %parallel_loop3A_2866, %parallel_loop3A_2867, %parallel_loop3A_2868] : memref<2x8x20x128xf32, #tpu.memory_space<vmem>> -> memref<1x8x20x128xf32, #tpu.memory_space<vmem>>
        %parallel_loop3A_2870 = tpu.memref_squeeze %parallel_loop3A_2869 : memref<1x8x20x128xf32, #tpu.memory_space<vmem>> -> memref<8x20x128xf32, #tpu.memory_space<vmem>>
        %parallel_loop3A_2871 = arith.index_cast %parallel_loop3A_715 : i32 to index
        %parallel_loop3A_2872 = arith.index_cast %parallel_loop3A_2865 : i32 to index
        %parallel_loop3A_2873 = arith.constant 96 : index
        %parallel_loop3A_2874 = tpu.vector_load %parallel_loop3A_2870[%parallel_loop3A_2871, %parallel_loop3A_2872, %parallel_loop3A_2873] {strides = array<i32>} : memref<8x20x128xf32, #tpu.memory_space<vmem>>, vector<1x1x16xf32>,
        %parallel_loop3A_2875 = vector.shape_cast %parallel_loop3A_2874 : vector<1x1x16xf32> to vector<16xf32>
        %parallel_loop3A_2876 = vector.shape_cast %parallel_loop3A_2864 : vector<16xf32> to vector<1x1x16xf32>
        tpu.vector_store %parallel_loop3A_2870[%parallel_loop3A_2871, %parallel_loop3A_2872, %parallel_loop3A_2873], %parallel_loop3A_2876 {strides = array<i32>} : memref<8x20x128xf32, #tpu.memory_space<vmem>>, vector<1x1x16xf32>,
        %parallel_loop3A_2877 = arith.constant 112 : i32
        %parallel_loop3A_2878 = arith.addi %parallel_loop3A_2757, %parallel_loop3A_2877 : i32
        %parallel_loop3A_2879 = arith.index_cast %parallel_loop3A_2878 : i32 to index
        %parallel_loop3A_2880 = tpu.vector_load %arg19[%parallel_loop3A_2879] {strides = array<i32>} : memref<1536xf32, #tpu.memory_space<vmem>>, vector<16xf32>,
        %parallel_loop3A_2881 = vector.shape_cast %parallel_loop3A_2880 : vector<16xf32> to vector<16xf32>
        %parallel_loop3A_2882 = arith.constant 16 : i32
        %parallel_loop3A_2883 = arith.constant 0 : i32
        %parallel_loop3A_2884 = arith.constant 0 : i32
        %parallel_loop3A_2885 = arith.constant 0 : i32
        %parallel_loop3A_2886 = tpu.memref_slice %arg14[%select_n3A_52, %parallel_loop3A_2883, %parallel_loop3A_2884, %parallel_loop3A_2885] : memref<2x8x20x128xf32, #tpu.memory_space<vmem>> -> memref<1x8x20x128xf32, #tpu.memory_space<vmem>>
        %parallel_loop3A_2887 = tpu.memref_squeeze %parallel_loop3A_2886 : memref<1x8x20x128xf32, #tpu.memory_space<vmem>> -> memref<8x20x128xf32, #tpu.memory_space<vmem>>
        %parallel_loop3A_2888 = arith.index_cast %parallel_loop3A_715 : i32 to index
        %parallel_loop3A_2889 = arith.index_cast %parallel_loop3A_2882 : i32 to index
        %parallel_loop3A_2890 = arith.constant 112 : index
        %parallel_loop3A_2891 = tpu.vector_load %parallel_loop3A_2887[%parallel_loop3A_2888, %parallel_loop3A_2889, %parallel_loop3A_2890] {strides = array<i32>} : memref<8x20x128xf32, #tpu.memory_space<vmem>>, vector<1x1x16xf32>,
        %parallel_loop3A_2892 = vector.shape_cast %parallel_loop3A_2891 : vector<1x1x16xf32> to vector<16xf32>
        %parallel_loop3A_2893 = vector.shape_cast %parallel_loop3A_2881 : vector<16xf32> to vector<1x1x16xf32>
        tpu.vector_store %parallel_loop3A_2887[%parallel_loop3A_2888, %parallel_loop3A_2889, %parallel_loop3A_2890], %parallel_loop3A_2893 {strides = array<i32>} : memref<8x20x128xf32, #tpu.memory_space<vmem>>, vector<1x1x16xf32>,
        %parallel_loop3A_2894 = vector.extract_strided_slice %parallel_loop3A_723 {offsets = [9], sizes = [1], strides = [1]} : vector<16xi32> to vector<1xi32>
        %parallel_loop3A_2895 = vector.extract %parallel_loop3A_2894[0] : i32 from vector<1xi32>
        %parallel_loop3A_2896 = arith.constant 0 : i32
        %parallel_loop3A_2897 = arith.addi %parallel_loop3A_2895, %parallel_loop3A_2896 : i32
        %parallel_loop3A_2898 = arith.index_cast %parallel_loop3A_2897 : i32 to index
        %parallel_loop3A_2899 = tpu.vector_load %arg19[%parallel_loop3A_2898] {strides = array<i32>} : memref<1536xf32, #tpu.memory_space<vmem>>, vector<16xf32>,
        %parallel_loop3A_2900 = vector.shape_cast %parallel_loop3A_2899 : vector<16xf32> to vector<16xf32>
        %parallel_loop3A_2901 = arith.constant 17 : i32
        %parallel_loop3A_2902 = arith.constant 0 : i32
        %parallel_loop3A_2903 = arith.constant 0 : i32
        %parallel_loop3A_2904 = arith.constant 0 : i32
        %parallel_loop3A_2905 = tpu.memref_slice %arg14[%select_n3A_52, %parallel_loop3A_2902, %parallel_loop3A_2903, %parallel_loop3A_2904] : memref<2x8x20x128xf32, #tpu.memory_space<vmem>> -> memref<1x8x20x128xf32, #tpu.memory_space<vmem>>
        %parallel_loop3A_2906 = tpu.memref_squeeze %parallel_loop3A_2905 : memref<1x8x20x128xf32, #tpu.memory_space<vmem>> -> memref<8x20x128xf32, #tpu.memory_space<vmem>>
        %parallel_loop3A_2907 = arith.index_cast %parallel_loop3A_715 : i32 to index
        %parallel_loop3A_2908 = arith.index_cast %parallel_loop3A_2901 : i32 to index
        %parallel_loop3A_2909 = arith.constant 0 : index
        %parallel_loop3A_2910 = tpu.vector_load %parallel_loop3A_2906[%parallel_loop3A_2907, %parallel_loop3A_2908, %parallel_loop3A_2909] {strides = array<i32>} : memref<8x20x128xf32, #tpu.memory_space<vmem>>, vector<1x1x16xf32>,
        %parallel_loop3A_2911 = vector.shape_cast %parallel_loop3A_2910 : vector<1x1x16xf32> to vector<16xf32>
        %parallel_loop3A_2912 = vector.shape_cast %parallel_loop3A_2900 : vector<16xf32> to vector<1x1x16xf32>
        tpu.vector_store %parallel_loop3A_2906[%parallel_loop3A_2907, %parallel_loop3A_2908, %parallel_loop3A_2909], %parallel_loop3A_2912 {strides = array<i32>} : memref<8x20x128xf32, #tpu.memory_space<vmem>>, vector<1x1x16xf32>,
        %parallel_loop3A_2913 = arith.constant 16 : i32
        %parallel_loop3A_2914 = arith.addi %parallel_loop3A_2895, %parallel_loop3A_2913 : i32
        %parallel_loop3A_2915 = arith.index_cast %parallel_loop3A_2914 : i32 to index
        %parallel_loop3A_2916 = tpu.vector_load %arg19[%parallel_loop3A_2915] {strides = array<i32>} : memref<1536xf32, #tpu.memory_space<vmem>>, vector<16xf32>,
        %parallel_loop3A_2917 = vector.shape_cast %parallel_loop3A_2916 : vector<16xf32> to vector<16xf32>
        %parallel_loop3A_2918 = arith.constant 17 : i32
        %parallel_loop3A_2919 = arith.constant 0 : i32
        %parallel_loop3A_2920 = arith.constant 0 : i32
        %parallel_loop3A_2921 = arith.constant 0 : i32
        %parallel_loop3A_2922 = tpu.memref_slice %arg14[%select_n3A_52, %parallel_loop3A_2919, %parallel_loop3A_2920, %parallel_loop3A_2921] : memref<2x8x20x128xf32, #tpu.memory_space<vmem>> -> memref<1x8x20x128xf32, #tpu.memory_space<vmem>>
        %parallel_loop3A_2923 = tpu.memref_squeeze %parallel_loop3A_2922 : memref<1x8x20x128xf32, #tpu.memory_space<vmem>> -> memref<8x20x128xf32, #tpu.memory_space<vmem>>
        %parallel_loop3A_2924 = arith.index_cast %parallel_loop3A_715 : i32 to index
        %parallel_loop3A_2925 = arith.index_cast %parallel_loop3A_2918 : i32 to index
        %parallel_loop3A_2926 = arith.constant 16 : index
        %parallel_loop3A_2927 = tpu.vector_load %parallel_loop3A_2923[%parallel_loop3A_2924, %parallel_loop3A_2925, %parallel_loop3A_2926] {strides = array<i32>} : memref<8x20x128xf32, #tpu.memory_space<vmem>>, vector<1x1x16xf32>,
        %parallel_loop3A_2928 = vector.shape_cast %parallel_loop3A_2927 : vector<1x1x16xf32> to vector<16xf32>
        %parallel_loop3A_2929 = vector.shape_cast %parallel_loop3A_2917 : vector<16xf32> to vector<1x1x16xf32>
        tpu.vector_store %parallel_loop3A_2923[%parallel_loop3A_2924, %parallel_loop3A_2925, %parallel_loop3A_2926], %parallel_loop3A_2929 {strides = array<i32>} : memref<8x20x128xf32, #tpu.memory_space<vmem>>, vector<1x1x16xf32>,
        %parallel_loop3A_2930 = arith.constant 32 : i32
        %parallel_loop3A_2931 = arith.addi %parallel_loop3A_2895, %parallel_loop3A_2930 : i32
        %parallel_loop3A_2932 = arith.index_cast %parallel_loop3A_2931 : i32 to index
        %parallel_loop3A_2933 = tpu.vector_load %arg19[%parallel_loop3A_2932] {strides = array<i32>} : memref<1536xf32, #tpu.memory_space<vmem>>, vector<16xf32>,
        %parallel_loop3A_2934 = vector.shape_cast %parallel_loop3A_2933 : vector<16xf32> to vector<16xf32>
        %parallel_loop3A_2935 = arith.constant 17 : i32
        %parallel_loop3A_2936 = arith.constant 0 : i32
        %parallel_loop3A_2937 = arith.constant 0 : i32
        %parallel_loop3A_2938 = arith.constant 0 : i32
        %parallel_loop3A_2939 = tpu.memref_slice %arg14[%select_n3A_52, %parallel_loop3A_2936, %parallel_loop3A_2937, %parallel_loop3A_2938] : memref<2x8x20x128xf32, #tpu.memory_space<vmem>> -> memref<1x8x20x128xf32, #tpu.memory_space<vmem>>
        %parallel_loop3A_2940 = tpu.memref_squeeze %parallel_loop3A_2939 : memref<1x8x20x128xf32, #tpu.memory_space<vmem>> -> memref<8x20x128xf32, #tpu.memory_space<vmem>>
        %parallel_loop3A_2941 = arith.index_cast %parallel_loop3A_715 : i32 to index
        %parallel_loop3A_2942 = arith.index_cast %parallel_loop3A_2935 : i32 to index
        %parallel_loop3A_2943 = arith.constant 32 : index
        %parallel_loop3A_2944 = tpu.vector_load %parallel_loop3A_2940[%parallel_loop3A_2941, %parallel_loop3A_2942, %parallel_loop3A_2943] {strides = array<i32>} : memref<8x20x128xf32, #tpu.memory_space<vmem>>, vector<1x1x16xf32>,
        %parallel_loop3A_2945 = vector.shape_cast %parallel_loop3A_2944 : vector<1x1x16xf32> to vector<16xf32>
        %parallel_loop3A_2946 = vector.shape_cast %parallel_loop3A_2934 : vector<16xf32> to vector<1x1x16xf32>
        tpu.vector_store %parallel_loop3A_2940[%parallel_loop3A_2941, %parallel_loop3A_2942, %parallel_loop3A_2943], %parallel_loop3A_2946 {strides = array<i32>} : memref<8x20x128xf32, #tpu.memory_space<vmem>>, vector<1x1x16xf32>,
        %parallel_loop3A_2947 = arith.constant 48 : i32
        %parallel_loop3A_2948 = arith.addi %parallel_loop3A_2895, %parallel_loop3A_2947 : i32
        %parallel_loop3A_2949 = arith.index_cast %parallel_loop3A_2948 : i32 to index
        %parallel_loop3A_2950 = tpu.vector_load %arg19[%parallel_loop3A_2949] {strides = array<i32>} : memref<1536xf32, #tpu.memory_space<vmem>>, vector<16xf32>,
        %parallel_loop3A_2951 = vector.shape_cast %parallel_loop3A_2950 : vector<16xf32> to vector<16xf32>
        %parallel_loop3A_2952 = arith.constant 17 : i32
        %parallel_loop3A_2953 = arith.constant 0 : i32
        %parallel_loop3A_2954 = arith.constant 0 : i32
        %parallel_loop3A_2955 = arith.constant 0 : i32
        %parallel_loop3A_2956 = tpu.memref_slice %arg14[%select_n3A_52, %parallel_loop3A_2953, %parallel_loop3A_2954, %parallel_loop3A_2955] : memref<2x8x20x128xf32, #tpu.memory_space<vmem>> -> memref<1x8x20x128xf32, #tpu.memory_space<vmem>>
        %parallel_loop3A_2957 = tpu.memref_squeeze %parallel_loop3A_2956 : memref<1x8x20x128xf32, #tpu.memory_space<vmem>> -> memref<8x20x128xf32, #tpu.memory_space<vmem>>
        %parallel_loop3A_2958 = arith.index_cast %parallel_loop3A_715 : i32 to index
        %parallel_loop3A_2959 = arith.index_cast %parallel_loop3A_2952 : i32 to index
        %parallel_loop3A_2960 = arith.constant 48 : index
        %parallel_loop3A_2961 = tpu.vector_load %parallel_loop3A_2957[%parallel_loop3A_2958, %parallel_loop3A_2959, %parallel_loop3A_2960] {strides = array<i32>} : memref<8x20x128xf32, #tpu.memory_space<vmem>>, vector<1x1x16xf32>,
        %parallel_loop3A_2962 = vector.shape_cast %parallel_loop3A_2961 : vector<1x1x16xf32> to vector<16xf32>
        %parallel_loop3A_2963 = vector.shape_cast %parallel_loop3A_2951 : vector<16xf32> to vector<1x1x16xf32>
        tpu.vector_store %parallel_loop3A_2957[%parallel_loop3A_2958, %parallel_loop3A_2959, %parallel_loop3A_2960], %parallel_loop3A_2963 {strides = array<i32>} : memref<8x20x128xf32, #tpu.memory_space<vmem>>, vector<1x1x16xf32>,
        %parallel_loop3A_2964 = arith.constant 64 : i32
        %parallel_loop3A_2965 = arith.addi %parallel_loop3A_2895, %parallel_loop3A_2964 : i32
        %parallel_loop3A_2966 = arith.index_cast %parallel_loop3A_2965 : i32 to index
        %parallel_loop3A_2967 = tpu.vector_load %arg19[%parallel_loop3A_2966] {strides = array<i32>} : memref<1536xf32, #tpu.memory_space<vmem>>, vector<16xf32>,
        %parallel_loop3A_2968 = vector.shape_cast %parallel_loop3A_2967 : vector<16xf32> to vector<16xf32>
        %parallel_loop3A_2969 = arith.constant 17 : i32
        %parallel_loop3A_2970 = arith.constant 0 : i32
        %parallel_loop3A_2971 = arith.constant 0 : i32
        %parallel_loop3A_2972 = arith.constant 0 : i32
        %parallel_loop3A_2973 = tpu.memref_slice %arg14[%select_n3A_52, %parallel_loop3A_2970, %parallel_loop3A_2971, %parallel_loop3A_2972] : memref<2x8x20x128xf32, #tpu.memory_space<vmem>> -> memref<1x8x20x128xf32, #tpu.memory_space<vmem>>
        %parallel_loop3A_2974 = tpu.memref_squeeze %parallel_loop3A_2973 : memref<1x8x20x128xf32, #tpu.memory_space<vmem>> -> memref<8x20x128xf32, #tpu.memory_space<vmem>>
        %parallel_loop3A_2975 = arith.index_cast %parallel_loop3A_715 : i32 to index
        %parallel_loop3A_2976 = arith.index_cast %parallel_loop3A_2969 : i32 to index
        %parallel_loop3A_2977 = arith.constant 64 : index
        %parallel_loop3A_2978 = tpu.vector_load %parallel_loop3A_2974[%parallel_loop3A_2975, %parallel_loop3A_2976, %parallel_loop3A_2977] {strides = array<i32>} : memref<8x20x128xf32, #tpu.memory_space<vmem>>, vector<1x1x16xf32>,
        %parallel_loop3A_2979 = vector.shape_cast %parallel_loop3A_2978 : vector<1x1x16xf32> to vector<16xf32>
        %parallel_loop3A_2980 = vector.shape_cast %parallel_loop3A_2968 : vector<16xf32> to vector<1x1x16xf32>
        tpu.vector_store %parallel_loop3A_2974[%parallel_loop3A_2975, %parallel_loop3A_2976, %parallel_loop3A_2977], %parallel_loop3A_2980 {strides = array<i32>} : memref<8x20x128xf32, #tpu.memory_space<vmem>>, vector<1x1x16xf32>,
        %parallel_loop3A_2981 = arith.constant 80 : i32
        %parallel_loop3A_2982 = arith.addi %parallel_loop3A_2895, %parallel_loop3A_2981 : i32
        %parallel_loop3A_2983 = arith.index_cast %parallel_loop3A_2982 : i32 to index
        %parallel_loop3A_2984 = tpu.vector_load %arg19[%parallel_loop3A_2983] {strides = array<i32>} : memref<1536xf32, #tpu.memory_space<vmem>>, vector<16xf32>,
        %parallel_loop3A_2985 = vector.shape_cast %parallel_loop3A_2984 : vector<16xf32> to vector<16xf32>
        %parallel_loop3A_2986 = arith.constant 17 : i32
        %parallel_loop3A_2987 = arith.constant 0 : i32
        %parallel_loop3A_2988 = arith.constant 0 : i32
        %parallel_loop3A_2989 = arith.constant 0 : i32
        %parallel_loop3A_2990 = tpu.memref_slice %arg14[%select_n3A_52, %parallel_loop3A_2987, %parallel_loop3A_2988, %parallel_loop3A_2989] : memref<2x8x20x128xf32, #tpu.memory_space<vmem>> -> memref<1x8x20x128xf32, #tpu.memory_space<vmem>>
        %parallel_loop3A_2991 = tpu.memref_squeeze %parallel_loop3A_2990 : memref<1x8x20x128xf32, #tpu.memory_space<vmem>> -> memref<8x20x128xf32, #tpu.memory_space<vmem>>
        %parallel_loop3A_2992 = arith.index_cast %parallel_loop3A_715 : i32 to index
        %parallel_loop3A_2993 = arith.index_cast %parallel_loop3A_2986 : i32 to index
        %parallel_loop3A_2994 = arith.constant 80 : index
        %parallel_loop3A_2995 = tpu.vector_load %parallel_loop3A_2991[%parallel_loop3A_2992, %parallel_loop3A_2993, %parallel_loop3A_2994] {strides = array<i32>} : memref<8x20x128xf32, #tpu.memory_space<vmem>>, vector<1x1x16xf32>,
        %parallel_loop3A_2996 = vector.shape_cast %parallel_loop3A_2995 : vector<1x1x16xf32> to vector<16xf32>
        %parallel_loop3A_2997 = vector.shape_cast %parallel_loop3A_2985 : vector<16xf32> to vector<1x1x16xf32>
        tpu.vector_store %parallel_loop3A_2991[%parallel_loop3A_2992, %parallel_loop3A_2993, %parallel_loop3A_2994], %parallel_loop3A_2997 {strides = array<i32>} : memref<8x20x128xf32, #tpu.memory_space<vmem>>, vector<1x1x16xf32>,
        %parallel_loop3A_2998 = arith.constant 96 : i32
        %parallel_loop3A_2999 = arith.addi %parallel_loop3A_2895, %parallel_loop3A_2998 : i32
        %parallel_loop3A_3000 = arith.index_cast %parallel_loop3A_2999 : i32 to index
        %parallel_loop3A_3001 = tpu.vector_load %arg19[%parallel_loop3A_3000] {strides = array<i32>} : memref<1536xf32, #tpu.memory_space<vmem>>, vector<16xf32>,
        %parallel_loop3A_3002 = vector.shape_cast %parallel_loop3A_3001 : vector<16xf32> to vector<16xf32>
        %parallel_loop3A_3003 = arith.constant 17 : i32
        %parallel_loop3A_3004 = arith.constant 0 : i32
        %parallel_loop3A_3005 = arith.constant 0 : i32
        %parallel_loop3A_3006 = arith.constant 0 : i32
        %parallel_loop3A_3007 = tpu.memref_slice %arg14[%select_n3A_52, %parallel_loop3A_3004, %parallel_loop3A_3005, %parallel_loop3A_3006] : memref<2x8x20x128xf32, #tpu.memory_space<vmem>> -> memref<1x8x20x128xf32, #tpu.memory_space<vmem>>
        %parallel_loop3A_3008 = tpu.memref_squeeze %parallel_loop3A_3007 : memref<1x8x20x128xf32, #tpu.memory_space<vmem>> -> memref<8x20x128xf32, #tpu.memory_space<vmem>>
        %parallel_loop3A_3009 = arith.index_cast %parallel_loop3A_715 : i32 to index
        %parallel_loop3A_3010 = arith.index_cast %parallel_loop3A_3003 : i32 to index
        %parallel_loop3A_3011 = arith.constant 96 : index
        %parallel_loop3A_3012 = tpu.vector_load %parallel_loop3A_3008[%parallel_loop3A_3009, %parallel_loop3A_3010, %parallel_loop3A_3011] {strides = array<i32>} : memref<8x20x128xf32, #tpu.memory_space<vmem>>, vector<1x1x16xf32>,
        %parallel_loop3A_3013 = vector.shape_cast %parallel_loop3A_3012 : vector<1x1x16xf32> to vector<16xf32>
        %parallel_loop3A_3014 = vector.shape_cast %parallel_loop3A_3002 : vector<16xf32> to vector<1x1x16xf32>
        tpu.vector_store %parallel_loop3A_3008[%parallel_loop3A_3009, %parallel_loop3A_3010, %parallel_loop3A_3011], %parallel_loop3A_3014 {strides = array<i32>} : memref<8x20x128xf32, #tpu.memory_space<vmem>>, vector<1x1x16xf32>,
        %parallel_loop3A_3015 = arith.constant 112 : i32
        %parallel_loop3A_3016 = arith.addi %parallel_loop3A_2895, %parallel_loop3A_3015 : i32
        %parallel_loop3A_3017 = arith.index_cast %parallel_loop3A_3016 : i32 to index
        %parallel_loop3A_3018 = tpu.vector_load %arg19[%parallel_loop3A_3017] {strides = array<i32>} : memref<1536xf32, #tpu.memory_space<vmem>>, vector<16xf32>,
        %parallel_loop3A_3019 = vector.shape_cast %parallel_loop3A_3018 : vector<16xf32> to vector<16xf32>
        %parallel_loop3A_3020 = arith.constant 17 : i32
        %parallel_loop3A_3021 = arith.constant 0 : i32
        %parallel_loop3A_3022 = arith.constant 0 : i32
        %parallel_loop3A_3023 = arith.constant 0 : i32
        %parallel_loop3A_3024 = tpu.memref_slice %arg14[%select_n3A_52, %parallel_loop3A_3021, %parallel_loop3A_3022, %parallel_loop3A_3023] : memref<2x8x20x128xf32, #tpu.memory_space<vmem>> -> memref<1x8x20x128xf32, #tpu.memory_space<vmem>>
        %parallel_loop3A_3025 = tpu.memref_squeeze %parallel_loop3A_3024 : memref<1x8x20x128xf32, #tpu.memory_space<vmem>> -> memref<8x20x128xf32, #tpu.memory_space<vmem>>
        %parallel_loop3A_3026 = arith.index_cast %parallel_loop3A_715 : i32 to index
        %parallel_loop3A_3027 = arith.index_cast %parallel_loop3A_3020 : i32 to index
        %parallel_loop3A_3028 = arith.constant 112 : index
        %parallel_loop3A_3029 = tpu.vector_load %parallel_loop3A_3025[%parallel_loop3A_3026, %parallel_loop3A_3027, %parallel_loop3A_3028] {strides = array<i32>} : memref<8x20x128xf32, #tpu.memory_space<vmem>>, vector<1x1x16xf32>,
        %parallel_loop3A_3030 = vector.shape_cast %parallel_loop3A_3029 : vector<1x1x16xf32> to vector<16xf32>
        %parallel_loop3A_3031 = vector.shape_cast %parallel_loop3A_3019 : vector<16xf32> to vector<1x1x16xf32>
        tpu.vector_store %parallel_loop3A_3025[%parallel_loop3A_3026, %parallel_loop3A_3027, %parallel_loop3A_3028], %parallel_loop3A_3031 {strides = array<i32>} : memref<8x20x128xf32, #tpu.memory_space<vmem>>, vector<1x1x16xf32>,
        %parallel_loop3A_3032 = vector.extract_strided_slice %parallel_loop3A_723 {offsets = [10], sizes = [1], strides = [1]} : vector<16xi32> to vector<1xi32>
        %parallel_loop3A_3033 = vector.extract %parallel_loop3A_3032[0] : i32 from vector<1xi32>
        %parallel_loop3A_3034 = arith.constant 0 : i32
        %parallel_loop3A_3035 = arith.addi %parallel_loop3A_3033, %parallel_loop3A_3034 : i32
        %parallel_loop3A_3036 = arith.index_cast %parallel_loop3A_3035 : i32 to index
        %parallel_loop3A_3037 = tpu.vector_load %arg19[%parallel_loop3A_3036] {strides = array<i32>} : memref<1536xf32, #tpu.memory_space<vmem>>, vector<16xf32>,
        %parallel_loop3A_3038 = vector.shape_cast %parallel_loop3A_3037 : vector<16xf32> to vector<16xf32>
        %parallel_loop3A_3039 = arith.constant 18 : i32
        %parallel_loop3A_3040 = arith.constant 0 : i32
        %parallel_loop3A_3041 = arith.constant 0 : i32
        %parallel_loop3A_3042 = arith.constant 0 : i32
        %parallel_loop3A_3043 = tpu.memref_slice %arg14[%select_n3A_52, %parallel_loop3A_3040, %parallel_loop3A_3041, %parallel_loop3A_3042] : memref<2x8x20x128xf32, #tpu.memory_space<vmem>> -> memref<1x8x20x128xf32, #tpu.memory_space<vmem>>
        %parallel_loop3A_3044 = tpu.memref_squeeze %parallel_loop3A_3043 : memref<1x8x20x128xf32, #tpu.memory_space<vmem>> -> memref<8x20x128xf32, #tpu.memory_space<vmem>>
        %parallel_loop3A_3045 = arith.index_cast %parallel_loop3A_715 : i32 to index
        %parallel_loop3A_3046 = arith.index_cast %parallel_loop3A_3039 : i32 to index
        %parallel_loop3A_3047 = arith.constant 0 : index
        %parallel_loop3A_3048 = tpu.vector_load %parallel_loop3A_3044[%parallel_loop3A_3045, %parallel_loop3A_3046, %parallel_loop3A_3047] {strides = array<i32>} : memref<8x20x128xf32, #tpu.memory_space<vmem>>, vector<1x1x16xf32>,
        %parallel_loop3A_3049 = vector.shape_cast %parallel_loop3A_3048 : vector<1x1x16xf32> to vector<16xf32>
        %parallel_loop3A_3050 = vector.shape_cast %parallel_loop3A_3038 : vector<16xf32> to vector<1x1x16xf32>
        tpu.vector_store %parallel_loop3A_3044[%parallel_loop3A_3045, %parallel_loop3A_3046, %parallel_loop3A_3047], %parallel_loop3A_3050 {strides = array<i32>} : memref<8x20x128xf32, #tpu.memory_space<vmem>>, vector<1x1x16xf32>,
        %parallel_loop3A_3051 = arith.constant 16 : i32
        %parallel_loop3A_3052 = arith.addi %parallel_loop3A_3033, %parallel_loop3A_3051 : i32
        %parallel_loop3A_3053 = arith.index_cast %parallel_loop3A_3052 : i32 to index
        %parallel_loop3A_3054 = tpu.vector_load %arg19[%parallel_loop3A_3053] {strides = array<i32>} : memref<1536xf32, #tpu.memory_space<vmem>>, vector<16xf32>,
        %parallel_loop3A_3055 = vector.shape_cast %parallel_loop3A_3054 : vector<16xf32> to vector<16xf32>
        %parallel_loop3A_3056 = arith.constant 18 : i32
        %parallel_loop3A_3057 = arith.constant 0 : i32
        %parallel_loop3A_3058 = arith.constant 0 : i32
        %parallel_loop3A_3059 = arith.constant 0 : i32
        %parallel_loop3A_3060 = tpu.memref_slice %arg14[%select_n3A_52, %parallel_loop3A_3057, %parallel_loop3A_3058, %parallel_loop3A_3059] : memref<2x8x20x128xf32, #tpu.memory_space<vmem>> -> memref<1x8x20x128xf32, #tpu.memory_space<vmem>>
        %parallel_loop3A_3061 = tpu.memref_squeeze %parallel_loop3A_3060 : memref<1x8x20x128xf32, #tpu.memory_space<vmem>> -> memref<8x20x128xf32, #tpu.memory_space<vmem>>
        %parallel_loop3A_3062 = arith.index_cast %parallel_loop3A_715 : i32 to index
        %parallel_loop3A_3063 = arith.index_cast %parallel_loop3A_3056 : i32 to index
        %parallel_loop3A_3064 = arith.constant 16 : index
        %parallel_loop3A_3065 = tpu.vector_load %parallel_loop3A_3061[%parallel_loop3A_3062, %parallel_loop3A_3063, %parallel_loop3A_3064] {strides = array<i32>} : memref<8x20x128xf32, #tpu.memory_space<vmem>>, vector<1x1x16xf32>,
        %parallel_loop3A_3066 = vector.shape_cast %parallel_loop3A_3065 : vector<1x1x16xf32> to vector<16xf32>
        %parallel_loop3A_3067 = vector.shape_cast %parallel_loop3A_3055 : vector<16xf32> to vector<1x1x16xf32>
        tpu.vector_store %parallel_loop3A_3061[%parallel_loop3A_3062, %parallel_loop3A_3063, %parallel_loop3A_3064], %parallel_loop3A_3067 {strides = array<i32>} : memref<8x20x128xf32, #tpu.memory_space<vmem>>, vector<1x1x16xf32>,
        %parallel_loop3A_3068 = arith.constant 32 : i32
        %parallel_loop3A_3069 = arith.addi %parallel_loop3A_3033, %parallel_loop3A_3068 : i32
        %parallel_loop3A_3070 = arith.index_cast %parallel_loop3A_3069 : i32 to index
        %parallel_loop3A_3071 = tpu.vector_load %arg19[%parallel_loop3A_3070] {strides = array<i32>} : memref<1536xf32, #tpu.memory_space<vmem>>, vector<16xf32>,
        %parallel_loop3A_3072 = vector.shape_cast %parallel_loop3A_3071 : vector<16xf32> to vector<16xf32>
        %parallel_loop3A_3073 = arith.constant 18 : i32
        %parallel_loop3A_3074 = arith.constant 0 : i32
        %parallel_loop3A_3075 = arith.constant 0 : i32
        %parallel_loop3A_3076 = arith.constant 0 : i32
        %parallel_loop3A_3077 = tpu.memref_slice %arg14[%select_n3A_52, %parallel_loop3A_3074, %parallel_loop3A_3075, %parallel_loop3A_3076] : memref<2x8x20x128xf32, #tpu.memory_space<vmem>> -> memref<1x8x20x128xf32, #tpu.memory_space<vmem>>
        %parallel_loop3A_3078 = tpu.memref_squeeze %parallel_loop3A_3077 : memref<1x8x20x128xf32, #tpu.memory_space<vmem>> -> memref<8x20x128xf32, #tpu.memory_space<vmem>>
        %parallel_loop3A_3079 = arith.index_cast %parallel_loop3A_715 : i32 to index
        %parallel_loop3A_3080 = arith.index_cast %parallel_loop3A_3073 : i32 to index
        %parallel_loop3A_3081 = arith.constant 32 : index
        %parallel_loop3A_3082 = tpu.vector_load %parallel_loop3A_3078[%parallel_loop3A_3079, %parallel_loop3A_3080, %parallel_loop3A_3081] {strides = array<i32>} : memref<8x20x128xf32, #tpu.memory_space<vmem>>, vector<1x1x16xf32>,
        %parallel_loop3A_3083 = vector.shape_cast %parallel_loop3A_3082 : vector<1x1x16xf32> to vector<16xf32>
        %parallel_loop3A_3084 = vector.shape_cast %parallel_loop3A_3072 : vector<16xf32> to vector<1x1x16xf32>
        tpu.vector_store %parallel_loop3A_3078[%parallel_loop3A_3079, %parallel_loop3A_3080, %parallel_loop3A_3081], %parallel_loop3A_3084 {strides = array<i32>} : memref<8x20x128xf32, #tpu.memory_space<vmem>>, vector<1x1x16xf32>,
        %parallel_loop3A_3085 = arith.constant 48 : i32
        %parallel_loop3A_3086 = arith.addi %parallel_loop3A_3033, %parallel_loop3A_3085 : i32
        %parallel_loop3A_3087 = arith.index_cast %parallel_loop3A_3086 : i32 to index
        %parallel_loop3A_3088 = tpu.vector_load %arg19[%parallel_loop3A_3087] {strides = array<i32>} : memref<1536xf32, #tpu.memory_space<vmem>>, vector<16xf32>,
        %parallel_loop3A_3089 = vector.shape_cast %parallel_loop3A_3088 : vector<16xf32> to vector<16xf32>
        %parallel_loop3A_3090 = arith.constant 18 : i32
        %parallel_loop3A_3091 = arith.constant 0 : i32
        %parallel_loop3A_3092 = arith.constant 0 : i32
        %parallel_loop3A_3093 = arith.constant 0 : i32
        %parallel_loop3A_3094 = tpu.memref_slice %arg14[%select_n3A_52, %parallel_loop3A_3091, %parallel_loop3A_3092, %parallel_loop3A_3093] : memref<2x8x20x128xf32, #tpu.memory_space<vmem>> -> memref<1x8x20x128xf32, #tpu.memory_space<vmem>>
        %parallel_loop3A_3095 = tpu.memref_squeeze %parallel_loop3A_3094 : memref<1x8x20x128xf32, #tpu.memory_space<vmem>> -> memref<8x20x128xf32, #tpu.memory_space<vmem>>
        %parallel_loop3A_3096 = arith.index_cast %parallel_loop3A_715 : i32 to index
        %parallel_loop3A_3097 = arith.index_cast %parallel_loop3A_3090 : i32 to index
        %parallel_loop3A_3098 = arith.constant 48 : index
        %parallel_loop3A_3099 = tpu.vector_load %parallel_loop3A_3095[%parallel_loop3A_3096, %parallel_loop3A_3097, %parallel_loop3A_3098] {strides = array<i32>} : memref<8x20x128xf32, #tpu.memory_space<vmem>>, vector<1x1x16xf32>,
        %parallel_loop3A_3100 = vector.shape_cast %parallel_loop3A_3099 : vector<1x1x16xf32> to vector<16xf32>
        %parallel_loop3A_3101 = vector.shape_cast %parallel_loop3A_3089 : vector<16xf32> to vector<1x1x16xf32>
        tpu.vector_store %parallel_loop3A_3095[%parallel_loop3A_3096, %parallel_loop3A_3097, %parallel_loop3A_3098], %parallel_loop3A_3101 {strides = array<i32>} : memref<8x20x128xf32, #tpu.memory_space<vmem>>, vector<1x1x16xf32>,
        %parallel_loop3A_3102 = arith.constant 64 : i32
        %parallel_loop3A_3103 = arith.addi %parallel_loop3A_3033, %parallel_loop3A_3102 : i32
        %parallel_loop3A_3104 = arith.index_cast %parallel_loop3A_3103 : i32 to index
        %parallel_loop3A_3105 = tpu.vector_load %arg19[%parallel_loop3A_3104] {strides = array<i32>} : memref<1536xf32, #tpu.memory_space<vmem>>, vector<16xf32>,
        %parallel_loop3A_3106 = vector.shape_cast %parallel_loop3A_3105 : vector<16xf32> to vector<16xf32>
        %parallel_loop3A_3107 = arith.constant 18 : i32
        %parallel_loop3A_3108 = arith.constant 0 : i32
        %parallel_loop3A_3109 = arith.constant 0 : i32
        %parallel_loop3A_3110 = arith.constant 0 : i32
        %parallel_loop3A_3111 = tpu.memref_slice %arg14[%select_n3A_52, %parallel_loop3A_3108, %parallel_loop3A_3109, %parallel_loop3A_3110] : memref<2x8x20x128xf32, #tpu.memory_space<vmem>> -> memref<1x8x20x128xf32, #tpu.memory_space<vmem>>
        %parallel_loop3A_3112 = tpu.memref_squeeze %parallel_loop3A_3111 : memref<1x8x20x128xf32, #tpu.memory_space<vmem>> -> memref<8x20x128xf32, #tpu.memory_space<vmem>>
        %parallel_loop3A_3113 = arith.index_cast %parallel_loop3A_715 : i32 to index
        %parallel_loop3A_3114 = arith.index_cast %parallel_loop3A_3107 : i32 to index
        %parallel_loop3A_3115 = arith.constant 64 : index
        %parallel_loop3A_3116 = tpu.vector_load %parallel_loop3A_3112[%parallel_loop3A_3113, %parallel_loop3A_3114, %parallel_loop3A_3115] {strides = array<i32>} : memref<8x20x128xf32, #tpu.memory_space<vmem>>, vector<1x1x16xf32>,
        %parallel_loop3A_3117 = vector.shape_cast %parallel_loop3A_3116 : vector<1x1x16xf32> to vector<16xf32>
        %parallel_loop3A_3118 = vector.shape_cast %parallel_loop3A_3106 : vector<16xf32> to vector<1x1x16xf32>
        tpu.vector_store %parallel_loop3A_3112[%parallel_loop3A_3113, %parallel_loop3A_3114, %parallel_loop3A_3115], %parallel_loop3A_3118 {strides = array<i32>} : memref<8x20x128xf32, #tpu.memory_space<vmem>>, vector<1x1x16xf32>,
        %parallel_loop3A_3119 = arith.constant 80 : i32
        %parallel_loop3A_3120 = arith.addi %parallel_loop3A_3033, %parallel_loop3A_3119 : i32
        %parallel_loop3A_3121 = arith.index_cast %parallel_loop3A_3120 : i32 to index
        %parallel_loop3A_3122 = tpu.vector_load %arg19[%parallel_loop3A_3121] {strides = array<i32>} : memref<1536xf32, #tpu.memory_space<vmem>>, vector<16xf32>,
        %parallel_loop3A_3123 = vector.shape_cast %parallel_loop3A_3122 : vector<16xf32> to vector<16xf32>
        %parallel_loop3A_3124 = arith.constant 18 : i32
        %parallel_loop3A_3125 = arith.constant 0 : i32
        %parallel_loop3A_3126 = arith.constant 0 : i32
        %parallel_loop3A_3127 = arith.constant 0 : i32
        %parallel_loop3A_3128 = tpu.memref_slice %arg14[%select_n3A_52, %parallel_loop3A_3125, %parallel_loop3A_3126, %parallel_loop3A_3127] : memref<2x8x20x128xf32, #tpu.memory_space<vmem>> -> memref<1x8x20x128xf32, #tpu.memory_space<vmem>>
        %parallel_loop3A_3129 = tpu.memref_squeeze %parallel_loop3A_3128 : memref<1x8x20x128xf32, #tpu.memory_space<vmem>> -> memref<8x20x128xf32, #tpu.memory_space<vmem>>
        %parallel_loop3A_3130 = arith.index_cast %parallel_loop3A_715 : i32 to index
        %parallel_loop3A_3131 = arith.index_cast %parallel_loop3A_3124 : i32 to index
        %parallel_loop3A_3132 = arith.constant 80 : index
        %parallel_loop3A_3133 = tpu.vector_load %parallel_loop3A_3129[%parallel_loop3A_3130, %parallel_loop3A_3131, %parallel_loop3A_3132] {strides = array<i32>} : memref<8x20x128xf32, #tpu.memory_space<vmem>>, vector<1x1x16xf32>,
        %parallel_loop3A_3134 = vector.shape_cast %parallel_loop3A_3133 : vector<1x1x16xf32> to vector<16xf32>
        %parallel_loop3A_3135 = vector.shape_cast %parallel_loop3A_3123 : vector<16xf32> to vector<1x1x16xf32>
        tpu.vector_store %parallel_loop3A_3129[%parallel_loop3A_3130, %parallel_loop3A_3131, %parallel_loop3A_3132], %parallel_loop3A_3135 {strides = array<i32>} : memref<8x20x128xf32, #tpu.memory_space<vmem>>, vector<1x1x16xf32>,
        %parallel_loop3A_3136 = arith.constant 96 : i32
        %parallel_loop3A_3137 = arith.addi %parallel_loop3A_3033, %parallel_loop3A_3136 : i32
        %parallel_loop3A_3138 = arith.index_cast %parallel_loop3A_3137 : i32 to index
        %parallel_loop3A_3139 = tpu.vector_load %arg19[%parallel_loop3A_3138] {strides = array<i32>} : memref<1536xf32, #tpu.memory_space<vmem>>, vector<16xf32>,
        %parallel_loop3A_3140 = vector.shape_cast %parallel_loop3A_3139 : vector<16xf32> to vector<16xf32>
        %parallel_loop3A_3141 = arith.constant 18 : i32
        %parallel_loop3A_3142 = arith.constant 0 : i32
        %parallel_loop3A_3143 = arith.constant 0 : i32
        %parallel_loop3A_3144 = arith.constant 0 : i32
        %parallel_loop3A_3145 = tpu.memref_slice %arg14[%select_n3A_52, %parallel_loop3A_3142, %parallel_loop3A_3143, %parallel_loop3A_3144] : memref<2x8x20x128xf32, #tpu.memory_space<vmem>> -> memref<1x8x20x128xf32, #tpu.memory_space<vmem>>
        %parallel_loop3A_3146 = tpu.memref_squeeze %parallel_loop3A_3145 : memref<1x8x20x128xf32, #tpu.memory_space<vmem>> -> memref<8x20x128xf32, #tpu.memory_space<vmem>>
        %parallel_loop3A_3147 = arith.index_cast %parallel_loop3A_715 : i32 to index
        %parallel_loop3A_3148 = arith.index_cast %parallel_loop3A_3141 : i32 to index
        %parallel_loop3A_3149 = arith.constant 96 : index
        %parallel_loop3A_3150 = tpu.vector_load %parallel_loop3A_3146[%parallel_loop3A_3147, %parallel_loop3A_3148, %parallel_loop3A_3149] {strides = array<i32>} : memref<8x20x128xf32, #tpu.memory_space<vmem>>, vector<1x1x16xf32>,
        %parallel_loop3A_3151 = vector.shape_cast %parallel_loop3A_3150 : vector<1x1x16xf32> to vector<16xf32>
        %parallel_loop3A_3152 = vector.shape_cast %parallel_loop3A_3140 : vector<16xf32> to vector<1x1x16xf32>
        tpu.vector_store %parallel_loop3A_3146[%parallel_loop3A_3147, %parallel_loop3A_3148, %parallel_loop3A_3149], %parallel_loop3A_3152 {strides = array<i32>} : memref<8x20x128xf32, #tpu.memory_space<vmem>>, vector<1x1x16xf32>,
        %parallel_loop3A_3153 = arith.constant 112 : i32
        %parallel_loop3A_3154 = arith.addi %parallel_loop3A_3033, %parallel_loop3A_3153 : i32
        %parallel_loop3A_3155 = arith.index_cast %parallel_loop3A_3154 : i32 to index
        %parallel_loop3A_3156 = tpu.vector_load %arg19[%parallel_loop3A_3155] {strides = array<i32>} : memref<1536xf32, #tpu.memory_space<vmem>>, vector<16xf32>,
        %parallel_loop3A_3157 = vector.shape_cast %parallel_loop3A_3156 : vector<16xf32> to vector<16xf32>
        %parallel_loop3A_3158 = arith.constant 18 : i32
        %parallel_loop3A_3159 = arith.constant 0 : i32
        %parallel_loop3A_3160 = arith.constant 0 : i32
        %parallel_loop3A_3161 = arith.constant 0 : i32
        %parallel_loop3A_3162 = tpu.memref_slice %arg14[%select_n3A_52, %parallel_loop3A_3159, %parallel_loop3A_3160, %parallel_loop3A_3161] : memref<2x8x20x128xf32, #tpu.memory_space<vmem>> -> memref<1x8x20x128xf32, #tpu.memory_space<vmem>>
        %parallel_loop3A_3163 = tpu.memref_squeeze %parallel_loop3A_3162 : memref<1x8x20x128xf32, #tpu.memory_space<vmem>> -> memref<8x20x128xf32, #tpu.memory_space<vmem>>
        %parallel_loop3A_3164 = arith.index_cast %parallel_loop3A_715 : i32 to index
        %parallel_loop3A_3165 = arith.index_cast %parallel_loop3A_3158 : i32 to index
        %parallel_loop3A_3166 = arith.constant 112 : index
        %parallel_loop3A_3167 = tpu.vector_load %parallel_loop3A_3163[%parallel_loop3A_3164, %parallel_loop3A_3165, %parallel_loop3A_3166] {strides = array<i32>} : memref<8x20x128xf32, #tpu.memory_space<vmem>>, vector<1x1x16xf32>,
        %parallel_loop3A_3168 = vector.shape_cast %parallel_loop3A_3167 : vector<1x1x16xf32> to vector<16xf32>
        %parallel_loop3A_3169 = vector.shape_cast %parallel_loop3A_3157 : vector<16xf32> to vector<1x1x16xf32>
        tpu.vector_store %parallel_loop3A_3163[%parallel_loop3A_3164, %parallel_loop3A_3165, %parallel_loop3A_3166], %parallel_loop3A_3169 {strides = array<i32>} : memref<8x20x128xf32, #tpu.memory_space<vmem>>, vector<1x1x16xf32>,
        %parallel_loop3A_3170 = vector.extract_strided_slice %parallel_loop3A_723 {offsets = [11], sizes = [1], strides = [1]} : vector<16xi32> to vector<1xi32>
        %parallel_loop3A_3171 = vector.extract %parallel_loop3A_3170[0] : i32 from vector<1xi32>
        %parallel_loop3A_3172 = arith.constant 0 : i32
        %parallel_loop3A_3173 = arith.addi %parallel_loop3A_3171, %parallel_loop3A_3172 : i32
        %parallel_loop3A_3174 = arith.index_cast %parallel_loop3A_3173 : i32 to index
        %parallel_loop3A_3175 = tpu.vector_load %arg19[%parallel_loop3A_3174] {strides = array<i32>} : memref<1536xf32, #tpu.memory_space<vmem>>, vector<16xf32>,
        %parallel_loop3A_3176 = vector.shape_cast %parallel_loop3A_3175 : vector<16xf32> to vector<16xf32>
        %parallel_loop3A_3177 = arith.constant 19 : i32
        %parallel_loop3A_3178 = arith.constant 0 : i32
        %parallel_loop3A_3179 = arith.constant 0 : i32
        %parallel_loop3A_3180 = arith.constant 0 : i32
        %parallel_loop3A_3181 = tpu.memref_slice %arg14[%select_n3A_52, %parallel_loop3A_3178, %parallel_loop3A_3179, %parallel_loop3A_3180] : memref<2x8x20x128xf32, #tpu.memory_space<vmem>> -> memref<1x8x20x128xf32, #tpu.memory_space<vmem>>
        %parallel_loop3A_3182 = tpu.memref_squeeze %parallel_loop3A_3181 : memref<1x8x20x128xf32, #tpu.memory_space<vmem>> -> memref<8x20x128xf32, #tpu.memory_space<vmem>>
        %parallel_loop3A_3183 = arith.index_cast %parallel_loop3A_715 : i32 to index
        %parallel_loop3A_3184 = arith.index_cast %parallel_loop3A_3177 : i32 to index
        %parallel_loop3A_3185 = arith.constant 0 : index
        %parallel_loop3A_3186 = tpu.vector_load %parallel_loop3A_3182[%parallel_loop3A_3183, %parallel_loop3A_3184, %parallel_loop3A_3185] {strides = array<i32>} : memref<8x20x128xf32, #tpu.memory_space<vmem>>, vector<1x1x16xf32>,
        %parallel_loop3A_3187 = vector.shape_cast %parallel_loop3A_3186 : vector<1x1x16xf32> to vector<16xf32>
        %parallel_loop3A_3188 = vector.shape_cast %parallel_loop3A_3176 : vector<16xf32> to vector<1x1x16xf32>
        tpu.vector_store %parallel_loop3A_3182[%parallel_loop3A_3183, %parallel_loop3A_3184, %parallel_loop3A_3185], %parallel_loop3A_3188 {strides = array<i32>} : memref<8x20x128xf32, #tpu.memory_space<vmem>>, vector<1x1x16xf32>,
        %parallel_loop3A_3189 = arith.constant 16 : i32
        %parallel_loop3A_3190 = arith.addi %parallel_loop3A_3171, %parallel_loop3A_3189 : i32
        %parallel_loop3A_3191 = arith.index_cast %parallel_loop3A_3190 : i32 to index
        %parallel_loop3A_3192 = tpu.vector_load %arg19[%parallel_loop3A_3191] {strides = array<i32>} : memref<1536xf32, #tpu.memory_space<vmem>>, vector<16xf32>,
        %parallel_loop3A_3193 = vector.shape_cast %parallel_loop3A_3192 : vector<16xf32> to vector<16xf32>
        %parallel_loop3A_3194 = arith.constant 19 : i32
        %parallel_loop3A_3195 = arith.constant 0 : i32
        %parallel_loop3A_3196 = arith.constant 0 : i32
        %parallel_loop3A_3197 = arith.constant 0 : i32
        %parallel_loop3A_3198 = tpu.memref_slice %arg14[%select_n3A_52, %parallel_loop3A_3195, %parallel_loop3A_3196, %parallel_loop3A_3197] : memref<2x8x20x128xf32, #tpu.memory_space<vmem>> -> memref<1x8x20x128xf32, #tpu.memory_space<vmem>>
        %parallel_loop3A_3199 = tpu.memref_squeeze %parallel_loop3A_3198 : memref<1x8x20x128xf32, #tpu.memory_space<vmem>> -> memref<8x20x128xf32, #tpu.memory_space<vmem>>
        %parallel_loop3A_3200 = arith.index_cast %parallel_loop3A_715 : i32 to index
        %parallel_loop3A_3201 = arith.index_cast %parallel_loop3A_3194 : i32 to index
        %parallel_loop3A_3202 = arith.constant 16 : index
        %parallel_loop3A_3203 = tpu.vector_load %parallel_loop3A_3199[%parallel_loop3A_3200, %parallel_loop3A_3201, %parallel_loop3A_3202] {strides = array<i32>} : memref<8x20x128xf32, #tpu.memory_space<vmem>>, vector<1x1x16xf32>,
        %parallel_loop3A_3204 = vector.shape_cast %parallel_loop3A_3203 : vector<1x1x16xf32> to vector<16xf32>
        %parallel_loop3A_3205 = vector.shape_cast %parallel_loop3A_3193 : vector<16xf32> to vector<1x1x16xf32>
        tpu.vector_store %parallel_loop3A_3199[%parallel_loop3A_3200, %parallel_loop3A_3201, %parallel_loop3A_3202], %parallel_loop3A_3205 {strides = array<i32>} : memref<8x20x128xf32, #tpu.memory_space<vmem>>, vector<1x1x16xf32>,
        %parallel_loop3A_3206 = arith.constant 32 : i32
        %parallel_loop3A_3207 = arith.addi %parallel_loop3A_3171, %parallel_loop3A_3206 : i32
        %parallel_loop3A_3208 = arith.index_cast %parallel_loop3A_3207 : i32 to index
        %parallel_loop3A_3209 = tpu.vector_load %arg19[%parallel_loop3A_3208] {strides = array<i32>} : memref<1536xf32, #tpu.memory_space<vmem>>, vector<16xf32>,
        %parallel_loop3A_3210 = vector.shape_cast %parallel_loop3A_3209 : vector<16xf32> to vector<16xf32>
        %parallel_loop3A_3211 = arith.constant 19 : i32
        %parallel_loop3A_3212 = arith.constant 0 : i32
        %parallel_loop3A_3213 = arith.constant 0 : i32
        %parallel_loop3A_3214 = arith.constant 0 : i32
        %parallel_loop3A_3215 = tpu.memref_slice %arg14[%select_n3A_52, %parallel_loop3A_3212, %parallel_loop3A_3213, %parallel_loop3A_3214] : memref<2x8x20x128xf32, #tpu.memory_space<vmem>> -> memref<1x8x20x128xf32, #tpu.memory_space<vmem>>
        %parallel_loop3A_3216 = tpu.memref_squeeze %parallel_loop3A_3215 : memref<1x8x20x128xf32, #tpu.memory_space<vmem>> -> memref<8x20x128xf32, #tpu.memory_space<vmem>>
        %parallel_loop3A_3217 = arith.index_cast %parallel_loop3A_715 : i32 to index
        %parallel_loop3A_3218 = arith.index_cast %parallel_loop3A_3211 : i32 to index
        %parallel_loop3A_3219 = arith.constant 32 : index
        %parallel_loop3A_3220 = tpu.vector_load %parallel_loop3A_3216[%parallel_loop3A_3217, %parallel_loop3A_3218, %parallel_loop3A_3219] {strides = array<i32>} : memref<8x20x128xf32, #tpu.memory_space<vmem>>, vector<1x1x16xf32>,
        %parallel_loop3A_3221 = vector.shape_cast %parallel_loop3A_3220 : vector<1x1x16xf32> to vector<16xf32>
        %parallel_loop3A_3222 = vector.shape_cast %parallel_loop3A_3210 : vector<16xf32> to vector<1x1x16xf32>
        tpu.vector_store %parallel_loop3A_3216[%parallel_loop3A_3217, %parallel_loop3A_3218, %parallel_loop3A_3219], %parallel_loop3A_3222 {strides = array<i32>} : memref<8x20x128xf32, #tpu.memory_space<vmem>>, vector<1x1x16xf32>,
        %parallel_loop3A_3223 = arith.constant 48 : i32
        %parallel_loop3A_3224 = arith.addi %parallel_loop3A_3171, %parallel_loop3A_3223 : i32
        %parallel_loop3A_3225 = arith.index_cast %parallel_loop3A_3224 : i32 to index
        %parallel_loop3A_3226 = tpu.vector_load %arg19[%parallel_loop3A_3225] {strides = array<i32>} : memref<1536xf32, #tpu.memory_space<vmem>>, vector<16xf32>,
        %parallel_loop3A_3227 = vector.shape_cast %parallel_loop3A_3226 : vector<16xf32> to vector<16xf32>
        %parallel_loop3A_3228 = arith.constant 19 : i32
        %parallel_loop3A_3229 = arith.constant 0 : i32
        %parallel_loop3A_3230 = arith.constant 0 : i32
        %parallel_loop3A_3231 = arith.constant 0 : i32
        %parallel_loop3A_3232 = tpu.memref_slice %arg14[%select_n3A_52, %parallel_loop3A_3229, %parallel_loop3A_3230, %parallel_loop3A_3231] : memref<2x8x20x128xf32, #tpu.memory_space<vmem>> -> memref<1x8x20x128xf32, #tpu.memory_space<vmem>>
        %parallel_loop3A_3233 = tpu.memref_squeeze %parallel_loop3A_3232 : memref<1x8x20x128xf32, #tpu.memory_space<vmem>> -> memref<8x20x128xf32, #tpu.memory_space<vmem>>
        %parallel_loop3A_3234 = arith.index_cast %parallel_loop3A_715 : i32 to index
        %parallel_loop3A_3235 = arith.index_cast %parallel_loop3A_3228 : i32 to index
        %parallel_loop3A_3236 = arith.constant 48 : index
        %parallel_loop3A_3237 = tpu.vector_load %parallel_loop3A_3233[%parallel_loop3A_3234, %parallel_loop3A_3235, %parallel_loop3A_3236] {strides = array<i32>} : memref<8x20x128xf32, #tpu.memory_space<vmem>>, vector<1x1x16xf32>,
        %parallel_loop3A_3238 = vector.shape_cast %parallel_loop3A_3237 : vector<1x1x16xf32> to vector<16xf32>
        %parallel_loop3A_3239 = vector.shape_cast %parallel_loop3A_3227 : vector<16xf32> to vector<1x1x16xf32>
        tpu.vector_store %parallel_loop3A_3233[%parallel_loop3A_3234, %parallel_loop3A_3235, %parallel_loop3A_3236], %parallel_loop3A_3239 {strides = array<i32>} : memref<8x20x128xf32, #tpu.memory_space<vmem>>, vector<1x1x16xf32>,
        %parallel_loop3A_3240 = arith.constant 64 : i32
        %parallel_loop3A_3241 = arith.addi %parallel_loop3A_3171, %parallel_loop3A_3240 : i32
        %parallel_loop3A_3242 = arith.index_cast %parallel_loop3A_3241 : i32 to index
        %parallel_loop3A_3243 = tpu.vector_load %arg19[%parallel_loop3A_3242] {strides = array<i32>} : memref<1536xf32, #tpu.memory_space<vmem>>, vector<16xf32>,
        %parallel_loop3A_3244 = vector.shape_cast %parallel_loop3A_3243 : vector<16xf32> to vector<16xf32>
        %parallel_loop3A_3245 = arith.constant 19 : i32
        %parallel_loop3A_3246 = arith.constant 0 : i32
        %parallel_loop3A_3247 = arith.constant 0 : i32
        %parallel_loop3A_3248 = arith.constant 0 : i32
        %parallel_loop3A_3249 = tpu.memref_slice %arg14[%select_n3A_52, %parallel_loop3A_3246, %parallel_loop3A_3247, %parallel_loop3A_3248] : memref<2x8x20x128xf32, #tpu.memory_space<vmem>> -> memref<1x8x20x128xf32, #tpu.memory_space<vmem>>
        %parallel_loop3A_3250 = tpu.memref_squeeze %parallel_loop3A_3249 : memref<1x8x20x128xf32, #tpu.memory_space<vmem>> -> memref<8x20x128xf32, #tpu.memory_space<vmem>>
        %parallel_loop3A_3251 = arith.index_cast %parallel_loop3A_715 : i32 to index
        %parallel_loop3A_3252 = arith.index_cast %parallel_loop3A_3245 : i32 to index
        %parallel_loop3A_3253 = arith.constant 64 : index
        %parallel_loop3A_3254 = tpu.vector_load %parallel_loop3A_3250[%parallel_loop3A_3251, %parallel_loop3A_3252, %parallel_loop3A_3253] {strides = array<i32>} : memref<8x20x128xf32, #tpu.memory_space<vmem>>, vector<1x1x16xf32>,
        %parallel_loop3A_3255 = vector.shape_cast %parallel_loop3A_3254 : vector<1x1x16xf32> to vector<16xf32>
        %parallel_loop3A_3256 = vector.shape_cast %parallel_loop3A_3244 : vector<16xf32> to vector<1x1x16xf32>
        tpu.vector_store %parallel_loop3A_3250[%parallel_loop3A_3251, %parallel_loop3A_3252, %parallel_loop3A_3253], %parallel_loop3A_3256 {strides = array<i32>} : memref<8x20x128xf32, #tpu.memory_space<vmem>>, vector<1x1x16xf32>,
        %parallel_loop3A_3257 = arith.constant 80 : i32
        %parallel_loop3A_3258 = arith.addi %parallel_loop3A_3171, %parallel_loop3A_3257 : i32
        %parallel_loop3A_3259 = arith.index_cast %parallel_loop3A_3258 : i32 to index
        %parallel_loop3A_3260 = tpu.vector_load %arg19[%parallel_loop3A_3259] {strides = array<i32>} : memref<1536xf32, #tpu.memory_space<vmem>>, vector<16xf32>,
        %parallel_loop3A_3261 = vector.shape_cast %parallel_loop3A_3260 : vector<16xf32> to vector<16xf32>
        %parallel_loop3A_3262 = arith.constant 19 : i32
        %parallel_loop3A_3263 = arith.constant 0 : i32
        %parallel_loop3A_3264 = arith.constant 0 : i32
        %parallel_loop3A_3265 = arith.constant 0 : i32
        %parallel_loop3A_3266 = tpu.memref_slice %arg14[%select_n3A_52, %parallel_loop3A_3263, %parallel_loop3A_3264, %parallel_loop3A_3265] : memref<2x8x20x128xf32, #tpu.memory_space<vmem>> -> memref<1x8x20x128xf32, #tpu.memory_space<vmem>>
        %parallel_loop3A_3267 = tpu.memref_squeeze %parallel_loop3A_3266 : memref<1x8x20x128xf32, #tpu.memory_space<vmem>> -> memref<8x20x128xf32, #tpu.memory_space<vmem>>
        %parallel_loop3A_3268 = arith.index_cast %parallel_loop3A_715 : i32 to index
        %parallel_loop3A_3269 = arith.index_cast %parallel_loop3A_3262 : i32 to index
        %parallel_loop3A_3270 = arith.constant 80 : index
        %parallel_loop3A_3271 = tpu.vector_load %parallel_loop3A_3267[%parallel_loop3A_3268, %parallel_loop3A_3269, %parallel_loop3A_3270] {strides = array<i32>} : memref<8x20x128xf32, #tpu.memory_space<vmem>>, vector<1x1x16xf32>,
        %parallel_loop3A_3272 = vector.shape_cast %parallel_loop3A_3271 : vector<1x1x16xf32> to vector<16xf32>
        %parallel_loop3A_3273 = vector.shape_cast %parallel_loop3A_3261 : vector<16xf32> to vector<1x1x16xf32>
        tpu.vector_store %parallel_loop3A_3267[%parallel_loop3A_3268, %parallel_loop3A_3269, %parallel_loop3A_3270], %parallel_loop3A_3273 {strides = array<i32>} : memref<8x20x128xf32, #tpu.memory_space<vmem>>, vector<1x1x16xf32>,
        %parallel_loop3A_3274 = arith.constant 96 : i32
        %parallel_loop3A_3275 = arith.addi %parallel_loop3A_3171, %parallel_loop3A_3274 : i32
        %parallel_loop3A_3276 = arith.index_cast %parallel_loop3A_3275 : i32 to index
        %parallel_loop3A_3277 = tpu.vector_load %arg19[%parallel_loop3A_3276] {strides = array<i32>} : memref<1536xf32, #tpu.memory_space<vmem>>, vector<16xf32>,
        %parallel_loop3A_3278 = vector.shape_cast %parallel_loop3A_3277 : vector<16xf32> to vector<16xf32>
        %parallel_loop3A_3279 = arith.constant 19 : i32
        %parallel_loop3A_3280 = arith.constant 0 : i32
        %parallel_loop3A_3281 = arith.constant 0 : i32
        %parallel_loop3A_3282 = arith.constant 0 : i32
        %parallel_loop3A_3283 = tpu.memref_slice %arg14[%select_n3A_52, %parallel_loop3A_3280, %parallel_loop3A_3281, %parallel_loop3A_3282] : memref<2x8x20x128xf32, #tpu.memory_space<vmem>> -> memref<1x8x20x128xf32, #tpu.memory_space<vmem>>
        %parallel_loop3A_3284 = tpu.memref_squeeze %parallel_loop3A_3283 : memref<1x8x20x128xf32, #tpu.memory_space<vmem>> -> memref<8x20x128xf32, #tpu.memory_space<vmem>>
        %parallel_loop3A_3285 = arith.index_cast %parallel_loop3A_715 : i32 to index
        %parallel_loop3A_3286 = arith.index_cast %parallel_loop3A_3279 : i32 to index
        %parallel_loop3A_3287 = arith.constant 96 : index
        %parallel_loop3A_3288 = tpu.vector_load %parallel_loop3A_3284[%parallel_loop3A_3285, %parallel_loop3A_3286, %parallel_loop3A_3287] {strides = array<i32>} : memref<8x20x128xf32, #tpu.memory_space<vmem>>, vector<1x1x16xf32>,
        %parallel_loop3A_3289 = vector.shape_cast %parallel_loop3A_3288 : vector<1x1x16xf32> to vector<16xf32>
        %parallel_loop3A_3290 = vector.shape_cast %parallel_loop3A_3278 : vector<16xf32> to vector<1x1x16xf32>
        tpu.vector_store %parallel_loop3A_3284[%parallel_loop3A_3285, %parallel_loop3A_3286, %parallel_loop3A_3287], %parallel_loop3A_3290 {strides = array<i32>} : memref<8x20x128xf32, #tpu.memory_space<vmem>>, vector<1x1x16xf32>,
        %parallel_loop3A_3291 = arith.constant 112 : i32
        %parallel_loop3A_3292 = arith.addi %parallel_loop3A_3171, %parallel_loop3A_3291 : i32
        %parallel_loop3A_3293 = arith.index_cast %parallel_loop3A_3292 : i32 to index
        %parallel_loop3A_3294 = tpu.vector_load %arg19[%parallel_loop3A_3293] {strides = array<i32>} : memref<1536xf32, #tpu.memory_space<vmem>>, vector<16xf32>,
        %parallel_loop3A_3295 = vector.shape_cast %parallel_loop3A_3294 : vector<16xf32> to vector<16xf32>
        %parallel_loop3A_3296 = arith.constant 19 : i32
        %parallel_loop3A_3297 = arith.constant 0 : i32
        %parallel_loop3A_3298 = arith.constant 0 : i32
        %parallel_loop3A_3299 = arith.constant 0 : i32
        %parallel_loop3A_3300 = tpu.memref_slice %arg14[%select_n3A_52, %parallel_loop3A_3297, %parallel_loop3A_3298, %parallel_loop3A_3299] : memref<2x8x20x128xf32, #tpu.memory_space<vmem>> -> memref<1x8x20x128xf32, #tpu.memory_space<vmem>>
        %parallel_loop3A_3301 = tpu.memref_squeeze %parallel_loop3A_3300 : memref<1x8x20x128xf32, #tpu.memory_space<vmem>> -> memref<8x20x128xf32, #tpu.memory_space<vmem>>
        %parallel_loop3A_3302 = arith.index_cast %parallel_loop3A_715 : i32 to index
        %parallel_loop3A_3303 = arith.index_cast %parallel_loop3A_3296 : i32 to index
        %parallel_loop3A_3304 = arith.constant 112 : index
        %parallel_loop3A_3305 = tpu.vector_load %parallel_loop3A_3301[%parallel_loop3A_3302, %parallel_loop3A_3303, %parallel_loop3A_3304] {strides = array<i32>} : memref<8x20x128xf32, #tpu.memory_space<vmem>>, vector<1x1x16xf32>,
        %parallel_loop3A_3306 = vector.shape_cast %parallel_loop3A_3305 : vector<1x1x16xf32> to vector<16xf32>
        %parallel_loop3A_3307 = vector.shape_cast %parallel_loop3A_3295 : vector<16xf32> to vector<1x1x16xf32>
        tpu.vector_store %parallel_loop3A_3301[%parallel_loop3A_3302, %parallel_loop3A_3303, %parallel_loop3A_3304], %parallel_loop3A_3307 {strides = array<i32>} : memref<8x20x128xf32, #tpu.memory_space<vmem>>, vector<1x1x16xf32>,
      } {sc.loop_unroll_factor = 4 : i64, sc.parallel_access}
      %mul3A_696 = arith.constant 8 : i32
      %mul3A_697 = arith.muli %scan3A_42, %mul3A_696 : i32
      %add3A_698 = arith.addi %mul3A_2, %mul3A_697 : i32
      %dma_start3A = arith.constant 0 : i32
      %dma_start3A_699 = arith.constant 0 : i32
      %dma_start3A_700 = arith.constant 0 : i32
      %dma_start3A_701 = tpu.memref_slice %arg14[%select_n3A_52, %dma_start3A, %dma_start3A_699, %dma_start3A_700] : memref<2x8x20x128xf32, #tpu.memory_space<vmem>> -> memref<1x8x20x128xf32, #tpu.memory_space<vmem>>
      %dma_start3A_702 = tpu.memref_squeeze %dma_start3A_701 : memref<1x8x20x128xf32, #tpu.memory_space<vmem>> -> memref<8x20x128xf32, #tpu.memory_space<vmem>>
      %dma_start3A_703 = arith.constant 0 : i32
      %dma_start3A_704 = arith.constant 0 : i32
      %dma_start3A_705 = tpu.memref_slice %arg13[%add3A_698, %dma_start3A_703, %dma_start3A_704] : memref<16384x20x128xf32, #tpu.memory_space<hbm>> -> memref<8x20x128xf32, #tpu.memory_space<hbm>>
      %dma_start3A_706 = arith.constant 0 : i32
      %dma_start3A_707 = arith.constant 0 : i32
      %dma_start3A_708 = tpu.memref_slice %arg13[%add3A_698, %dma_start3A_706, %dma_start3A_707] : memref<16384x20x128xf32, #tpu.memory_space<hbm>> -> memref<8x20x128xf32, #tpu.memory_space<hbm>>
      %dma_start3A_709 = arith.constant 0 : i32
      %dma_start3A_710 = arith.constant 0 : i32
      %dma_start3A_711 = arith.constant 0 : i32
      %dma_start3A_712 = tpu.memref_slice %arg14[%select_n3A_52, %dma_start3A_709, %dma_start3A_710, %dma_start3A_711] : memref<2x8x20x128xf32, #tpu.memory_space<vmem>> -> memref<1x8x20x128xf32, #tpu.memory_space<vmem>>
      %dma_start3A_713 = tpu.memref_squeeze %dma_start3A_712 : memref<1x8x20x128xf32, #tpu.memory_space<vmem>> -> memref<8x20x128xf32, #tpu.memory_space<vmem>>
      tpu.enqueue_dma source(%dma_start3A_713 : memref<8x20x128xf32, #tpu.memory_space<vmem>>) target(%dma_start3A_708 : memref<8x20x128xf32, #tpu.memory_space<hbm>>) target_semaphore(%arg26 : memref<!tpu.dma_semaphore, #tpu.memory_space<semaphore_mem>>)
      %scan3A_714 = arith.constant 0 : i32
      scf.yield %scan3A_714 : i32
    }
    %scan3A_8 = arith.constant 64 : i32
    %dma_wait3A = arith.constant 0 : i32
    %dma_wait3A_9 = arith.constant 0 : i32
    %dma_wait3A_10 = arith.constant 0 : i32
    %dma_wait3A_11 = arith.constant 0 : i32
    %dma_wait3A_12 = tpu.memref_slice %arg14[%dma_wait3A, %dma_wait3A_9, %dma_wait3A_10, %dma_wait3A_11] : memref<2x8x20x128xf32, #tpu.memory_space<vmem>> -> memref<1x8x20x128xf32, #tpu.memory_space<vmem>>
    %dma_wait3A_13 = tpu.memref_squeeze %dma_wait3A_12 : memref<1x8x20x128xf32, #tpu.memory_space<vmem>> -> memref<8x20x128xf32, #tpu.memory_space<vmem>>
    %dma_wait3A_14 = arith.constant 0 : i32
    %dma_wait3A_15 = arith.constant 0 : i32
    %dma_wait3A_16 = tpu.memref_slice %arg13[%mul3A_2, %dma_wait3A_14, %dma_wait3A_15] : memref<16384x20x128xf32, #tpu.memory_space<hbm>> -> memref<8x20x128xf32, #tpu.memory_space<hbm>>
    %dma_wait3A_17 = arith.constant 0 : i32
    %dma_wait3A_18 = arith.constant 0 : i32
    %dma_wait3A_19 = tpu.memref_slice %arg13[%mul3A_2, %dma_wait3A_17, %dma_wait3A_18] : memref<16384x20x128xf32, #tpu.memory_space<hbm>> -> memref<8x20x128xf32, #tpu.memory_space<hbm>>
    %dma_wait3A_20 = arith.constant 0 : i32
    %dma_wait3A_21 = arith.constant 0 : i32
    %dma_wait3A_22 = arith.constant 0 : i32
    %dma_wait3A_23 = tpu.memref_slice %arg14[%dma_wait3A, %dma_wait3A_20, %dma_wait3A_21, %dma_wait3A_22] : memref<2x8x20x128xf32, #tpu.memory_space<vmem>> -> memref<1x8x20x128xf32, #tpu.memory_space<vmem>>
    %dma_wait3A_24 = tpu.memref_squeeze %dma_wait3A_23 : memref<1x8x20x128xf32, #tpu.memory_space<vmem>> -> memref<8x20x128xf32, #tpu.memory_space<vmem>>
    tpu.wait_dma2 semaphore(%arg26 : memref<!tpu.dma_semaphore, #tpu.memory_space<semaphore_mem>>) src(%dma_wait3A_24 : memref<8x20x128xf32, #tpu.memory_space<vmem>>) dst(%dma_wait3A_19 : memref<8x20x128xf32, #tpu.memory_space<hbm>>)
    %dma_wait3A_25 = arith.constant 0 : i32
    %dma_wait3A_26 = arith.constant 0 : i32
    %dma_wait3A_27 = arith.constant 0 : i32
    %dma_wait3A_28 = arith.constant 0 : i32
    %dma_wait3A_29 = tpu.memref_slice %arg14[%dma_wait3A_25, %dma_wait3A_26, %dma_wait3A_27, %dma_wait3A_28] : memref<2x8x20x128xf32, #tpu.memory_space<vmem>> -> memref<1x8x20x128xf32, #tpu.memory_space<vmem>>
    %dma_wait3A_30 = tpu.memref_squeeze %dma_wait3A_29 : memref<1x8x20x128xf32, #tpu.memory_space<vmem>> -> memref<8x20x128xf32, #tpu.memory_space<vmem>>
    %dma_wait3A_31 = arith.constant 0 : i32
    %dma_wait3A_32 = arith.constant 0 : i32
    %dma_wait3A_33 = tpu.memref_slice %arg13[%mul3A_2, %dma_wait3A_31, %dma_wait3A_32] : memref<16384x20x128xf32, #tpu.memory_space<hbm>> -> memref<8x20x128xf32, #tpu.memory_space<hbm>>
    %dma_wait3A_34 = arith.constant 0 : i32
    %dma_wait3A_35 = arith.constant 0 : i32
    %dma_wait3A_36 = tpu.memref_slice %arg13[%mul3A_2, %dma_wait3A_34, %dma_wait3A_35] : memref<16384x20x128xf32, #tpu.memory_space<hbm>> -> memref<8x20x128xf32, #tpu.memory_space<hbm>>
    %dma_wait3A_37 = arith.constant 0 : i32
    %dma_wait3A_38 = arith.constant 0 : i32
    %dma_wait3A_39 = arith.constant 0 : i32
    %dma_wait3A_40 = tpu.memref_slice %arg14[%dma_wait3A_25, %dma_wait3A_37, %dma_wait3A_38, %dma_wait3A_39] : memref<2x8x20x128xf32, #tpu.memory_space<vmem>> -> memref<1x8x20x128xf32, #tpu.memory_space<vmem>>
    %dma_wait3A_41 = tpu.memref_squeeze %dma_wait3A_40 : memref<1x8x20x128xf32, #tpu.memory_space<vmem>> -> memref<8x20x128xf32, #tpu.memory_space<vmem>>
    tpu.wait_dma2 semaphore(%arg26 : memref<!tpu.dma_semaphore, #tpu.memory_space<semaphore_mem>>) src(%dma_wait3A_41 : memref<8x20x128xf32, #tpu.memory_space<vmem>>) dst(%dma_wait3A_36 : memref<8x20x128xf32, #tpu.memory_space<hbm>>)
    return
  }
}

</mosaic_0001>

<sc_bundles>
// kernel: kernel.3.cloned.1.call-start
scs
__scs_entry_jumppad:
0x0: {  	(pc) =	sbr.rel $0x88, $3  }
0x1: {  	(tag) =	ssettag $0x0;
	lr =	simm.s32 $0x1  }
0x2: {  	[smem:$0x3F95] =	sst lr;
	_ =	strace $0xD0000000  }
0x3: {  	_ = 	snop  }
0x4: {  	_ = 	snop  }
0x5: {  	_ = 	snop  }
0x6: {  	_ = 	snop  }
0x7: {  	_ = 	snop  }
__scs_overlays_trampoline_lowered:
0x8: {  	[smem:$0x3FA4] =	sst s0  }
0x9: {  	[smem:$0x3FA5] =	sst s1  }
0xa: {  	[smem:$0x3FA6] =	sst s2  }
0xb: {  	[smem:$0x3FA7] =	sst s3  }
0xc: {  	[smem:$0x3FA8] =	sst s4  }
0xd: {  	[smem:$0x3FA9] =	sst s5  }
0xe: {  	[smem:$0x3FAA] =	sst s6  }
0xf: {  	[smem:$0x3FAB] =	sst s7  }
0x10: {  	[smem:$0x3FAC] =	sst s8  }
0x11: {  	[smem:$0x3FAD] =	sst s9;
	s0 =	simm.s32 @!p0 $0x0  }
0x12: {  	s1 =	sld [smem:$0x3F93];
	s0 =	simm.s32 @p0 $0x1  }
0x13: {  	[smem:$0x3FAE] =	sst s0;
	s0 =	simm.s32 @!p1 $0x0  }
0x14: {  	s2 =	sld [smem:$0x3F92];
	s0 =	simm.s32 @p1 $0x1  }
0x15: {  	[smem:$0x3FAF] =	sst s0;
	s0 =	simm.s32 @!p2 $0x0  }
0x16: {  	s3 =	sld [smem:$0x3FDB];
	s0 =	simm.s32 @p2 $0x1  }
0x17: {  	s4 =	simm.s32 $0x1BF5;
	[smem:$0x3FB1] =	sst s0  }
0x18: {  	s0 =	sld [smem:$0x3F94];
	_ =	swait.ge [sflag:s4], $0x0  }
0x19: {  	s7 =	sld [smem:$0x3F95]  }
0x1a: {  	s8 =	sadd.s32 $0xFFFFE003, lr  }
0x1b: {  	s9 =	sadd.s32 $0xFFFFFEF7, lr;
	s5 =	simm.s32 $0xFFFFFFFF;
	p2 =	slt.u32 s8, $0xFFFFF086  }
0x1c: {  	p1 =	slt.u32 s9, $0xF7A;
	s5 =	simm.s32 @!p2 $0x0  }
0x1d: {  	s5 =	simm.s32 @p1 $0x1;
	p0 =	seq.s32 s7, s2  }
0x1e: {  	s7 =	smul.u32 @!p0 $0xF7A, s2;
	p2 =	seq.s32 @!p0 s5, $0x0  }
0x1f: {  	s9 =	smul.u32 $0xF7A, s1;
	s8 =	simm.s32 @!p0 $0x1BF5;
	p2 =	por !p2, p0  }
0x20: {  	[sflag:s8] =	ssyncset.s32 @!p0 $0xFFFFF086;
	s6 =	sadd.s32 @!p0 s3, s7;
	s7 =	simm.s32 @!p0 $0x108  }
0x21: {  	s3 =	sadd.s32 s3, s9;
	s6 =	sadd.s32 @!p0 $0x88, s6;
	s7 =	simm.s32 @p2 $0x1082  }
0x22: {  	[simem:s7], [sflag:s8] =	dma.local @!p0 [hbm:s6], $0xF7A  }
0x23: {  	s9 =	sor.u32 $0xD0000000, s2;
	s6 =	simm.s32 $0x108;
	_ =	swait.ge @!p0 [sflag:s8], $0x0  }
0x24: {  	s3 =	sadd.s32 $0x88, s3;
	s6 =	simm.s32 @!p1 $0x1082;
	[sflag:s4] =	ssyncset.s32 $0xFFFFF086  }
0x25: {  	[simem:s6], [sflag:s4] =	dma.local [hbm:s3], $0xF7A  }
0x26: {  	[smem:$0x3F95] =	sst s1;
	(tag) =	ssettag s2;
	_ =	strace s9  }
0x27: {  	s1 =	sld [smem:$0x3FA5]  }
0x28: {  	s2 =	sld [smem:$0x3FA6]  }
0x29: {  	s4 =	sld [smem:$0x3FA8]  }
0x2a: {  	p0 =	seq.s32 s5, $0x0;
	s5 =	sld [smem:$0x3FA9]  }
0x2b: {  	s6 =	sld [smem:$0x3FAA]  }
0x2c: {  	s7 =	sld [smem:$0x3FAB]  }
0x2d: {  	s3 =	simm.s32 $0x108;
	s8 =	sld [smem:$0x3FAC]  }
0x2e: {  	s3 =	simm.s32 @!p0 $0x1082;
	s9 =	sld [smem:$0x3FAD]  }
0x2f: {  	lr =	sadd.s32 s0, s3;
	s0 =	sld [smem:$0x3FA4]  }
0x30: {  	s3 =	sld [smem:$0x3FA7]  }
0x31: {  	[smem:$0x3FB0] =	sst s10  }
0x32: {  	s10 =	sld [smem:$0x3FAE];
	_ =	sdelay $0x3  }
0x33: {  	p0 =	seq.s32 s10, $0x1;
	s10 =	sld [smem:$0x3FB0];
	_ =	sdelay $0x3  }
0x34: {  	[smem:$0x3FB0] =	sst s10  }
0x35: {  	s10 =	sld [smem:$0x3FAF];
	_ =	sdelay $0x3  }
0x36: {  	p1 =	seq.s32 s10, $0x1;
	s10 =	sld [smem:$0x3FB0];
	_ =	sdelay $0x3  }
0x37: {  	[smem:$0x3FB0] =	sst s10  }
0x38: {  	s10 =	sld [smem:$0x3FB1]  }
0x39: {  	_ = 	snop;
	(pc) =	sbr.ind lr, $3  }
0x3a: {  	_ = 	snop  }
0x3b: {  	_ = 	snop  }
0x3c: {  	p2 =	seq.s32 s10, $0x1;
	s10 =	sld [smem:$0x3FB0]  }
0x3d: {  	_ =	shalt  }
0x3e: {  	_ =	shalt  }
0x3f: {  	_ =	shalt  }
0x40: {  	_ =	shalt  }
0x41: {  	_ =	shalt  }
0x42: {  	_ =	shalt  }
0x43: {  	_ =	shalt  }
0x44: {  	_ =	shalt  }
0x45: {  	_ =	shalt  }
0x46: {  	_ =	shalt  }
0x47: {  	_ =	shalt  }
0x48: {  	_ =	shalt  }
0x49: {  	_ =	shalt  }
0x4a: {  	_ =	shalt  }
0x4b: {  	_ =	shalt  }
0x4c: {  	_ =	shalt  }
0x4d: {  	_ =	shalt  }
0x4e: {  	_ =	shalt  }
0x4f: {  	_ =	shalt  }
0x50: {  	_ =	shalt  }
0x51: {  	_ =	shalt  }
0x52: {  	_ =	shalt  }
0x53: {  	_ =	shalt  }
0x54: {  	_ =	shalt  }
0x55: {  	_ =	shalt  }
0x56: {  	_ =	shalt  }
0x57: {  	_ =	shalt  }
0x58: {  	_ =	shalt  }
0x59: {  	_ =	shalt  }
0x5a: {  	_ =	shalt  }
0x5b: {  	_ =	shalt  }
0x5c: {  	_ =	shalt  }
0x5d: {  	_ =	shalt  }
0x5e: {  	_ =	shalt  }
0x5f: {  	_ =	shalt  }
0x60: {  	_ =	shalt  }
0x61: {  	_ =	shalt  }
0x62: {  	_ =	shalt  }
0x63: {  	_ =	shalt  }
0x64: {  	_ =	shalt  }
0x65: {  	_ =	shalt  }
0x66: {  	_ =	shalt  }
0x67: {  	_ =	shalt  }
0x68: {  	_ =	shalt  }
0x69: {  	_ =	shalt  }
0x6a: {  	_ =	shalt  }
0x6b: {  	_ =	shalt  }
0x6c: {  	_ =	shalt  }
0x6d: {  	_ =	shalt  }
0x6e: {  	_ =	shalt  }
0x6f: {  	_ =	shalt  }
0x70: {  	_ =	shalt  }
0x71: {  	_ =	shalt  }
0x72: {  	_ =	shalt  }
0x73: {  	_ =	shalt  }
0x74: {  	_ =	shalt  }
0x75: {  	_ =	shalt  }
0x76: {  	_ =	shalt  }
0x77: {  	_ =	shalt  }
0x78: {  	_ =	shalt  }
0x79: {  	_ =	shalt  }
0x7a: {  	_ =	shalt  }
0x7b: {  	_ =	shalt  }
0x7c: {  	_ =	shalt  }
0x7d: {  	_ =	shalt  }
0x7e: {  	_ =	shalt  }
0x7f: {  	_ =	shalt  }
0x80: {  	_ =	shalt  }
0x81: {  	_ =	shalt  }
0x82: {  	_ =	shalt  }
0x83: {  	_ =	shalt  }
0x84: {  	_ =	shalt  }
0x85: {  	_ =	shalt  }
0x86: {  	_ =	shalt  }
0x87: {  	_ =	shalt  }
.Lfunc_end0:
.L_simem_size_0:
called_computation_lowered:
.L_overlay_start_0:
0x88: {  	s2 =	sld [smem:$0x3FD9]  }
0x89: {  	s3 =	sld [smem:$0x3FFE];
	_ =	sdelay $0x1  }
0x8a: {  	s1 =	srdreg.scid  }
0x8b: {  	s0 =	sand.u32 $0x1, s1  }
0x8c: {  	s17 =	sshll.u32 s0, $0xA;
	s2 =	sadd.s32 s3, s2  }
0x8d: {  	s2 =	sadd.s32 s2, s17  }
0x8e: {  	[smem:$0x3FBC] =	sst s2  }
0x8f: {  	_ = 	snop  }
0x90: {  	s2 =	sld [smem:$0x3FC6]  }
0x91: {  	s18 =	sld [smem:$0x3FC5]  }
0x92: {  	s4 =	sld [smem:$0x3FC3]  }
0x93: {  	s5 =	sld [smem:$0x3FC2]  }
0x94: {  	s6 =	sld [smem:$0x3FC1]  }
0x95: {  	s7 =	sld [smem:$0x3FC0]  }
0x96: {  	s8 =	sld [smem:$0x3FBF]  }
0x97: {  	s9 =	sld [smem:$0x3FBE]  }
0x98: {  	s10 =	sld [smem:$0x3FD0];
	(tm) =	ssettm $0x1  }
0x99: {  	s11 =	sld [smem:$0x3FFB];
	_ =	sdelay $0x3  }
0x9a: {  	_ =	strace s11  }
0x9b: {  	s11 =	sld [smem:$0x3FFC];
	_ =	sdelay $0x3  }
0x9c: {  	_ =	strace s11  }
0x9d: {  	s11 =	sld [smem:$0x3FFD];
	_ =	sdelay $0x3  }
0x9e: {  	_ =	strace s11  }
0x9f: {  	_ =	strace $0x8FFFFFFF  }
0xa0: {  	s19 =	sld [smem:$0x3FDB];
	_ =	sdelay $0x1  }
0xa1: {  	s12 =	simm.s32 $_scs_section_size  }
0xa2: {  	s13 =	simm.s32 $_size__tile_overlayer_lowered;
	s14 =	simm.s32 $_tile_overlayer_lowered  }
0xa3: {  	s22 =	simm.s32 $0x1BFF;
	s21 =	sshll.u32 s14, $0x1;
	s11 =	sadd.s32 s12, s19  }
0xa4: {  	s15 =	simm.s32 $0x0;
	s20 =	sshll.u32 s13, $0x1;
	s13 =	sadd.s32 s21, s11  }
0xa5: {  	[timem:s15], [sflag:s22] =	dma.local [hbm:s13], s20  }
0xa6: {  	_ =	swait.ge [sflag:s22], s20  }
0xa7: {  	s12 =	ssub.s32 $0x0, s20;
	[sflag:s22] =	ssyncset.done $0x0  }
0xa8: {  	[sflag:s22] =	ssyncadd.s32 s12;
	_ =	sdelay $0x1  }
0xa9: {  	s23 =	simm.s32 $0x1B8B  }
0xaa: {  	_ =	swait.ge [sflag:s23], $0x1  }
0xab: {  	[sflag:s23] =	ssyncset.done $0x0  }
0xac: {  	s25 =	simm.s32 $0x1B8E;
	s24 =	sld [smem:$0x3FFE];
	[sflag:s23] =	ssyncadd.s32 $0xFFFFFFFF  }
0xad: {  	s26 =	simm.s32 $execute0_lowered;
	[smem:$0x3FD2] =	sst s25  }
0xae: {  	s13 =	sshll.u32 s26, $0x1;
	_ =	strace $0x80000046;
	[dreg:$0x1] =	wrdreg $0xFFFFFFFF  }
0xaf: {  	s28 =	simm.s32 $_size_execute0_lowered;
	s11 =	sadd.s32 s11, s13;
	[dreg:$0x0] =	wrdreg $0x0  }
0xb0: {  	s13 =	sshll.u32 s28, $0x1;
	[dreg:$0x2] =	wrdreg s11  }
0xb1: {  	[dreg:$0x3] =	wrdreg s13  }
0xb2: {  	[dreg:$0x4] =	wrdreg $0xC0  }
0xb3: {  	_ =	task [dreg:s15], $0x5FFFF  }
0xb4: {  	[dreg:$0x1] =	wrdreg $0xFFFFFFFF  }
0xb5: {  	[dreg:$0x0] =	wrdreg $0x60  }
0xb6: {  	[dreg:$0x2] =	wrdreg s10  }
0xb7: {  	[dreg:$0x3] =	wrdreg s24  }
0xb8: {  	[dreg:$0x4] =	wrdreg s2  }
0xb9: {  	[dreg:$0x5] =	wrdreg s18  }
0xba: {  	[dreg:$0x6] =	wrdreg s4  }
0xbb: {  	[dreg:$0x7] =	wrdreg s5  }
0xbc: {  	[dreg:$0x8] =	wrdreg s6  }
0xbd: {  	[dreg:$0x9] =	wrdreg s7  }
0xbe: {  	[dreg:$0xa] =	wrdreg s8  }
0xbf: {  	[dreg:$0xb] =	wrdreg s9  }
0xc0: {  	[dreg:$0xc] =	wrdreg $0x9  }
0xc1: {  	_ =	task.clear_ibuf [dreg:s15], $0xDFFFF;
	_ =	strace $0x90000046  }
0xc2: {  	s29 =	simm.s32 $0x9;
	_ =	strace $0x80000048  }
0xc3: {  	_ =	swait.ge [sflag:s29], $0x1  }
0xc4: {  	[sflag:s29] =	ssyncadd.s32 $0xFFFFFFFF  }
0xc5: {  	_ =	strace $0x90000048  }
0xc6: {  	_ =	sfence  }
0xc7: {  	s30 =	sld [smem:$0x0];
	_ =	sdelay $0x2  }
0xc8: {  	s31 =	sshll.u32 s1, $0xD;
	s1 =	sshrl.u32 s1, $0x2  }
0xc9: {  	s3 =	sand.u32 $0x4000, s31;
	s1 =	sadd.s32 s1, s30  }
0xca: {  	s0 =	sor.u32 s3, s0;
	s1 =	sshll.u32 s1, $0x11  }
0xcb: {  	s0 =	sor.u32 s1, s0  }
0xcc: {  	s0 =	sadd.s32 $0x8F2B, s0  }
0xcd: {  	[sflag:s0] =	ssyncadd.remote.s32 $0x1  }
0xce: {  	_ =	sfence.sel $0xFFFF  }
0xcf: {  	[dreg:$0x0] =	wrdreg $0xFFFFFFFF;
	(pc) =	sbr.abs _section_cstart, $3  }
0xd0: {  	[dreg:$0x1] =	wrdreg $0xFFFFFFFF  }
0xd1: {  	_ =	task.clear_ibuf [dreg:s15], $0x2FFFF;
	_ =	strace $0x9FFFFFFF  }
0xd2: {  	(tm) =	ssettm $0x7FFFFFFF  }
0xd3: {  	_ =	shalt  }
tec
execute0_lowered:
.L_overlay_start_1:
0x0: {  	(tag) =	ssettag $0x1  }
0x1: {  	s0 =	rddreg [dreg:$0x0]  }
0x2: {  	s1 =	rddreg [dreg:$0x1];
	s2 =	srdreg.scid  }
0x3: {  	s4 =	stileid.u32;
	s10 =	simm.s32 $0x0;
	s17 =	simm.s32 $0x80  }
0x4: {  	s18 =	simm.s32 $0x400;
	s20 =	simm.s32 $0x2;
	s31 =	simm.s32 $0x19B00  }
0x5: {  	s7 =	simm.s32 $0x1;
	s2 =	sand.u32 $0x1, s2;
	s3 =	sshll.u32 s4, $0x1  }
0x6: {  	s4 =	sshll.u32 s4, $0xB;
	[smem:$0x7FF] =	sst s10;
	s3 =	sor.u32 s2, s3  }
0x7: {  	s11 =	sadd.s32 $0x800, s1;
	s12 =	sadd.s32 $0x8A00, s1;
	s5 =	sshll.u32 s3, $0x4  }
0x8: {  	_ =	strace $0x80000047;
	s2 =	ssub.s32 $0x2, s2;
	s4 =	sor.u32 s4, s5  }
0x9: {  	s30 =	sshrl.u32 s2, $0x1;
	s13 =	sshll.u32 s3, $0x9;
	s4 =	sand.u32 $0x6070, s4  }
0xa: {  	s29 =	sadd.s32 s4, s1;
	s1 =	ssub.s32 s2, s30;
	s14 =	sadd.s32 s0, s4  }
0xb: {  	s2 =	simm.s32 $0x0;
	s15 =	sadd.s32 $0xA00, s29;
	s16 =	smax.u32 s1, $0x1  }
.LBB2_1:
0xc: {  	s0 =	simm.s32 $0xC000  }
0xd: {  	[tilespmem:s0], [sflag:$0x2] =	stream.strided.gather [hbm4b:s14+s17], $0x2000, s18, s17, $0x38;
	[tilespmem:$0x1A280] =	vst v63  }
0xe: {  	_ =	swait.ge [sflag:s20], $0x2000  }
0xf: {  	[sflag:s20] =	ssyncset.done $0x0  }
0x10: {  	s3 =	simm.s32 $0xE000;
	[sflag:s20] =	ssyncadd.s32 $0xFFFFE000  }
0x11: {  	[tilespmem:s3], [sflag:$0x2] =	stream.strided.gather [hbm4b:s15+s17], $0x2000, s18, s17, $0x38;
	[tilespmem:$0x1A280] =	vst v63  }
0x12: {  	_ =	swait.ge [sflag:s20], $0x2000  }
0x13: {  	[sflag:s20] =	ssyncset.done $0x0  }
0x14: {  	[sflag:s20] =	ssyncadd.s32 $0xFFFFE000  }
0x15: {  	s1 =	simm.s32 $0x10000;
	s4 =	rddreg [dreg:$0x2]  }
0x16: {  	[tilespmem:s1], [sflag:$0x2] =	stream.linear.gather [hbm4b:s4+s10], $0x400, $0x38;
	[tilespmem:$0x1A280] =	vst v63  }
0x17: {  	_ =	swait.ge [sflag:s20], $0x400  }
0x18: {  	[sflag:s20] =	ssyncset.done $0x0  }
0x19: {  	[sflag:s20] =	ssyncadd.s32 $0xFFFFFC00  }
0x1a: {  	s6 =	simm.s32 $0x10400;
	s5 =	rddreg [dreg:$0x3]  }
0x1b: {  	[tilespmem:s6], [sflag:$0x2] =	stream.linear.gather [hbm4b:s5+s10], $0x400, $0x38;
	[tilespmem:$0x1A280] =	vst v63  }
0x1c: {  	_ =	swait.ge [sflag:s20], $0x400  }
0x1d: {  	[sflag:s20] =	ssyncset.done $0x0  }
0x1e: {  	s8 =	simm.s32 $0x10800;
	[sflag:s20] =	ssyncadd.s32 $0xFFFFFC00  }
0x1f: {  	[tilespmem:s8], [sflag:$0x2] =	stream.linear.gather [hbm4b:s11+s10], $0x600, $0x38;
	[tilespmem:$0x1A280] =	vst v63  }
0x20: {  	_ =	swait.ge [sflag:s20], $0x600  }
0x21: {  	[sflag:s20] =	ssyncset.done $0x0  }
0x22: {  	[sflag:s20] =	ssyncadd.s32 $0xFFFFFA00  }
0x23: {  	s19 =	simm.s32 $0x10E00;
	s9 =	rddreg [dreg:$0x4]  }
0x24: {  	[tilespmem:s19], [sflag:$0x2] =	stream.linear.gather [hbm4b:s9+s10], $0x4B80, $0x38;
	[tilespmem:$0x1A280] =	vst v63  }
0x25: {  	_ =	swait.ge [sflag:s20], $0x4B80  }
0x26: {  	[sflag:s20] =	ssyncset.done $0x0  }
0x27: {  	[sflag:s20] =	ssyncadd.s32 $0xFFFFB480  }
0x28: {  	s22 =	simm.s32 $0x15980;
	s21 =	rddreg [dreg:$0x5]  }
0x29: {  	[tilespmem:s22], [sflag:$0x2] =	stream.linear.gather [hbm4b:s21+s10], $0x3280, $0x38;
	[tilespmem:$0x1A280] =	vst v63  }
0x2a: {  	_ =	swait.ge [sflag:s20], $0x3280  }
0x2b: {  	[sflag:s20] =	ssyncset.done $0x0  }
0x2c: {  	[sflag:s20] =	ssyncadd.s32 $0xFFFFCD80  }
0x2d: {  	s24 =	simm.s32 $0x18C00;
	s23 =	rddreg [dreg:$0x6]  }
0x2e: {  	[tilespmem:s24], [sflag:$0x2] =	stream.linear.gather [hbm4b:s23+s10], $0xA80, $0x38;
	[tilespmem:$0x1A280] =	vst v63  }
0x2f: {  	_ =	swait.ge [sflag:s20], $0xA80  }
0x30: {  	[sflag:s20] =	ssyncset.done $0x0  }
0x31: {  	[sflag:s20] =	ssyncadd.s32 $0xFFFFF580  }
0x32: {  	s26 =	simm.s32 $0x19680;
	s25 =	rddreg [dreg:$0x7]  }
0x33: {  	[tilespmem:s26], [sflag:$0x2] =	stream.linear.gather [hbm4b:s25+s10], $0x280, $0x38;
	[tilespmem:$0x1A280] =	vst v63  }
0x34: {  	_ =	swait.ge [sflag:s20], $0x280  }
0x35: {  	[sflag:s20] =	ssyncset.done $0x0  }
0x36: {  	[sflag:s20] =	ssyncadd.s32 $0xFFFFFD80  }
0x37: {  	s29 =	simm.s32 $0x19900;
	s28 =	rddreg [dreg:$0x8]  }
0x38: {  	[tilespmem:s29], [sflag:$0x2] =	stream.linear.gather [hbm4b:s28+s10], $0x200, $0x38;
	[tilespmem:$0x1A280] =	vst v63  }
0x39: {  	_ =	swait.ge [sflag:s20], $0x200  }
0x3a: {  	[sflag:s20] =	ssyncset.done $0x0  }
0x3b: {  	[sflag:s20] =	ssyncadd.s32 $0xFFFFFE00  }
0x3c: {  	s30 =	rddreg [dreg:$0x9]  }
0x3d: {  	[tilespmem:s31], [sflag:$0x2] =	stream.linear.gather [hbm4b:s30+s10], $0x780, $0x38;
	[tilespmem:$0x1A280] =	vst v63  }
0x3e: {  	_ =	swait.ge [sflag:s20], $0x780  }
0x3f: {  	[sflag:s20] =	ssyncset.done $0x0  }
0x40: {  	s0 =	simm.s32 $0x0;
	[sflag:s20] =	ssyncadd.s32 $0xFFFFF880  }
.LBB2_2:
0x41: {  	p0 =	slt.u32 s0, $0x2  }
0x42: {  	s1 =	simm.s32 @!p0 $0x1  }
0x43: {  	_ =	swait.ge @!p0 [sflag:s1], $0x5000  }
0x44: {  	[sflag:s1] =	ssyncset.done @!p0 $0x0  }
0x45: {  	[sflag:s1] =	ssyncadd.s32 @!p0 $0xFFFFB000  }
0x46: {  	v0 =	vld [tilespmem:$0x10000];
	_ =	sdelay $0x4  }
0x47: {  	[tilespmem:$0x1F800] =	vst v0;
	v0 =	vld [tilespmem:$0x10010];
	_ =	sdelay $0x4  }
0x48: {  	[tilespmem:$0x1F810] =	vst v0;
	v0 =	vld [tilespmem:$0x10020];
	_ =	sdelay $0x4  }
0x49: {  	[tilespmem:$0x1F820] =	vst v0;
	v0 =	vld [tilespmem:$0x10030];
	_ =	sdelay $0x4  }
0x4a: {  	[tilespmem:$0x1F830] =	vst v0;
	v0 =	vld [tilespmem:$0x10040];
	_ =	sdelay $0x4  }
0x4b: {  	[tilespmem:$0x1F840] =	vst v0;
	v0 =	vld [tilespmem:$0x10050];
	_ =	sdelay $0x4  }
0x4c: {  	[tilespmem:$0x1F850] =	vst v0;
	v0 =	vld [tilespmem:$0x10060];
	_ =	sdelay $0x4  }
0x4d: {  	[tilespmem:$0x1F860] =	vst v0;
	v0 =	vld [tilespmem:$0x10070];
	_ =	sdelay $0x4  }
0x4e: {  	[tilespmem:$0x1F870] =	vst v0;
	v0 =	vld [tilespmem:$0x10080];
	_ =	sdelay $0x4  }
0x4f: {  	[tilespmem:$0x1F880] =	vst v0;
	v0 =	vld [tilespmem:$0x10090];
	_ =	sdelay $0x4  }
0x50: {  	[tilespmem:$0x1F890] =	vst v0;
	v0 =	vld [tilespmem:$0x100A0];
	_ =	sdelay $0x4  }
0x51: {  	[tilespmem:$0x1F8A0] =	vst v0;
	v0 =	vld [tilespmem:$0x100B0];
	_ =	sdelay $0x4  }
0x52: {  	[tilespmem:$0x1F8B0] =	vst v0;
	v0 =	vld [tilespmem:$0x100C0];
	_ =	sdelay $0x4  }
0x53: {  	[tilespmem:$0x1F8C0] =	vst v0;
	v0 =	vld [tilespmem:$0x100D0];
	_ =	sdelay $0x4  }
0x54: {  	[tilespmem:$0x1F8D0] =	vst v0;
	v0 =	vld [tilespmem:$0x100E0];
	_ =	sdelay $0x4  }
0x55: {  	[tilespmem:$0x1F8E0] =	vst v0;
	v0 =	vld [tilespmem:$0x100F0];
	_ =	sdelay $0x4  }
0x56: {  	[tilespmem:$0x1F8F0] =	vst v0;
	v0 =	vld [tilespmem:$0x10100];
	_ =	sdelay $0x4  }
0x57: {  	[tilespmem:$0x1F900] =	vst v0;
	v0 =	vld [tilespmem:$0x10110];
	_ =	sdelay $0x4  }
0x58: {  	[tilespmem:$0x1F910] =	vst v0;
	v0 =	vld [tilespmem:$0x10120];
	_ =	sdelay $0x4  }
0x59: {  	[tilespmem:$0x1F920] =	vst v0;
	v0 =	vld [tilespmem:$0x10130];
	_ =	sdelay $0x4  }
0x5a: {  	[tilespmem:$0x1F930] =	vst v0;
	v0 =	vld [tilespmem:$0x10140];
	_ =	sdelay $0x4  }
0x5b: {  	[tilespmem:$0x1F940] =	vst v0;
	v0 =	vld [tilespmem:$0x10150];
	_ =	sdelay $0x4  }
0x5c: {  	[tilespmem:$0x1F950] =	vst v0;
	v0 =	vld [tilespmem:$0x10160];
	_ =	sdelay $0x4  }
0x5d: {  	[tilespmem:$0x1F960] =	vst v0;
	v0 =	vld [tilespmem:$0x10170];
	_ =	sdelay $0x4  }
0x5e: {  	[tilespmem:$0x1F970] =	vst v0;
	v0 =	vld [tilespmem:$0x10180];
	_ =	sdelay $0x4  }
0x5f: {  	[tilespmem:$0x1F980] =	vst v0;
	v0 =	vld [tilespmem:$0x10190];
	_ =	sdelay $0x4  }
0x60: {  	[tilespmem:$0x1F990] =	vst v0;
	v0 =	vld [tilespmem:$0x101A0];
	_ =	sdelay $0x4  }
0x61: {  	[tilespmem:$0x1F9A0] =	vst v0;
	v0 =	vld [tilespmem:$0x101B0];
	_ =	sdelay $0x4  }
0x62: {  	[tilespmem:$0x1F9B0] =	vst v0;
	v0 =	vld [tilespmem:$0x101C0];
	_ =	sdelay $0x4  }
0x63: {  	[tilespmem:$0x1F9C0] =	vst v0;
	v0 =	vld [tilespmem:$0x101D0];
	_ =	sdelay $0x4  }
0x64: {  	[tilespmem:$0x1F9D0] =	vst v0;
	v0 =	vld [tilespmem:$0x101E0];
	_ =	sdelay $0x4  }
0x65: {  	[tilespmem:$0x1F9E0] =	vst v0;
	v0 =	vld [tilespmem:$0x101F0];
	_ =	sdelay $0x4  }
0x66: {  	[tilespmem:$0x1F9F0] =	vst v0;
	v0 =	vld [tilespmem:$0x10200];
	_ =	sdelay $0x4  }
0x67: {  	[tilespmem:$0x1FA00] =	vst v0;
	v0 =	vld [tilespmem:$0x10210];
	_ =	sdelay $0x4  }
0x68: {  	[tilespmem:$0x1FA10] =	vst v0;
	v0 =	vld [tilespmem:$0x10220];
	_ =	sdelay $0x4  }
0x69: {  	[tilespmem:$0x1FA20] =	vst v0;
	v0 =	vld [tilespmem:$0x10230];
	_ =	sdelay $0x4  }
0x6a: {  	[tilespmem:$0x1FA30] =	vst v0;
	v0 =	vld [tilespmem:$0x10240];
	_ =	sdelay $0x4  }
0x6b: {  	[tilespmem:$0x1FA40] =	vst v0;
	v0 =	vld [tilespmem:$0x10250];
	_ =	sdelay $0x4  }
0x6c: {  	[tilespmem:$0x1FA50] =	vst v0;
	v0 =	vld [tilespmem:$0x10260];
	_ =	sdelay $0x4  }
0x6d: {  	[tilespmem:$0x1FA60] =	vst v0;
	v0 =	vld [tilespmem:$0x10270];
	_ =	sdelay $0x4  }
0x6e: {  	[tilespmem:$0x1FA70] =	vst v0;
	v0 =	vld [tilespmem:$0x10280];
	_ =	sdelay $0x4  }
0x6f: {  	[tilespmem:$0x1FA80] =	vst v0;
	v0 =	vld [tilespmem:$0x10290];
	_ =	sdelay $0x4  }
0x70: {  	[tilespmem:$0x1FA90] =	vst v0;
	v0 =	vld [tilespmem:$0x102A0];
	_ =	sdelay $0x4  }
0x71: {  	[tilespmem:$0x1FAA0] =	vst v0;
	v0 =	vld [tilespmem:$0x102B0];
	_ =	sdelay $0x4  }
0x72: {  	[tilespmem:$0x1FAB0] =	vst v0;
	v0 =	vld [tilespmem:$0x102C0];
	_ =	sdelay $0x4  }
0x73: {  	[tilespmem:$0x1FAC0] =	vst v0;
	v0 =	vld [tilespmem:$0x102D0];
	_ =	sdelay $0x4  }
0x74: {  	[tilespmem:$0x1FAD0] =	vst v0;
	v0 =	vld [tilespmem:$0x102E0];
	_ =	sdelay $0x4  }
0x75: {  	[tilespmem:$0x1FAE0] =	vst v0;
	v0 =	vld [tilespmem:$0x102F0];
	_ =	sdelay $0x4  }
0x76: {  	[tilespmem:$0x1FAF0] =	vst v0;
	v0 =	vld [tilespmem:$0x10300];
	_ =	sdelay $0x4  }
0x77: {  	[tilespmem:$0x1FB00] =	vst v0;
	v0 =	vld [tilespmem:$0x10310];
	_ =	sdelay $0x4  }
0x78: {  	[tilespmem:$0x1FB10] =	vst v0;
	v0 =	vld [tilespmem:$0x10320];
	_ =	sdelay $0x4  }
0x79: {  	[tilespmem:$0x1FB20] =	vst v0;
	v0 =	vld [tilespmem:$0x10330];
	_ =	sdelay $0x4  }
0x7a: {  	[tilespmem:$0x1FB30] =	vst v0;
	v0 =	vld [tilespmem:$0x10340];
	_ =	sdelay $0x4  }
0x7b: {  	[tilespmem:$0x1FB40] =	vst v0;
	v0 =	vld [tilespmem:$0x10350];
	_ =	sdelay $0x4  }
0x7c: {  	[tilespmem:$0x1FB50] =	vst v0;
	v0 =	vld [tilespmem:$0x10360];
	_ =	sdelay $0x4  }
0x7d: {  	[tilespmem:$0x1FB60] =	vst v0;
	v0 =	vld [tilespmem:$0x10370];
	_ =	sdelay $0x4  }
0x7e: {  	[tilespmem:$0x1FB70] =	vst v0;
	v0 =	vld [tilespmem:$0x10380];
	_ =	sdelay $0x4  }
0x7f: {  	[tilespmem:$0x1FB80] =	vst v0;
	v0 =	vld [tilespmem:$0x10390];
	_ =	sdelay $0x4  }
0x80: {  	[tilespmem:$0x1FB90] =	vst v0;
	v0 =	vld [tilespmem:$0x103A0];
	_ =	sdelay $0x4  }
0x81: {  	[tilespmem:$0x1FBA0] =	vst v0;
	v0 =	vld [tilespmem:$0x103B0];
	_ =	sdelay $0x4  }
0x82: {  	[tilespmem:$0x1FBB0] =	vst v0;
	v0 =	vld [tilespmem:$0x103C0];
	_ =	sdelay $0x4  }
0x83: {  	[tilespmem:$0x1FBC0] =	vst v0;
	v0 =	vld [tilespmem:$0x103D0];
	_ =	sdelay $0x4  }
0x84: {  	[tilespmem:$0x1FBD0] =	vst v0;
	v0 =	vld [tilespmem:$0x103E0];
	_ =	sdelay $0x4  }
0x85: {  	[tilespmem:$0x1FBE0] =	vst v0;
	v0 =	vld [tilespmem:$0x103F0];
	_ =	sdelay $0x4  }
0x86: {  	[tilespmem:$0x1FBF0] =	vst v0;
	v0 =	vld [tilespmem:$0x10400];
	_ =	sdelay $0x4  }
0x87: {  	[tilespmem:$0x1FC00] =	vst v0;
	v0 =	vld [tilespmem:$0x10410];
	_ =	sdelay $0x4  }
0x88: {  	[tilespmem:$0x1FC10] =	vst v0;
	v0 =	vld [tilespmem:$0x10420];
	_ =	sdelay $0x4  }
0x89: {  	[tilespmem:$0x1FC20] =	vst v0;
	v0 =	vld [tilespmem:$0x10430];
	_ =	sdelay $0x4  }
0x8a: {  	[tilespmem:$0x1FC30] =	vst v0;
	v0 =	vld [tilespmem:$0x10440];
	_ =	sdelay $0x4  }
0x8b: {  	[tilespmem:$0x1FC40] =	vst v0;
	v0 =	vld [tilespmem:$0x10450];
	_ =	sdelay $0x4  }
0x8c: {  	[tilespmem:$0x1FC50] =	vst v0;
	v0 =	vld [tilespmem:$0x10460];
	_ =	sdelay $0x4  }
0x8d: {  	[tilespmem:$0x1FC60] =	vst v0;
	v0 =	vld [tilespmem:$0x10470];
	_ =	sdelay $0x4  }
0x8e: {  	[tilespmem:$0x1FC70] =	vst v0;
	v0 =	vld [tilespmem:$0x10480];
	_ =	sdelay $0x4  }
0x8f: {  	[tilespmem:$0x1FC80] =	vst v0;
	v0 =	vld [tilespmem:$0x10490];
	_ =	sdelay $0x4  }
0x90: {  	[tilespmem:$0x1FC90] =	vst v0;
	v0 =	vld [tilespmem:$0x104A0];
	_ =	sdelay $0x4  }
0x91: {  	[tilespmem:$0x1FCA0] =	vst v0;
	v0 =	vld [tilespmem:$0x104B0];
	_ =	sdelay $0x4  }
0x92: {  	[tilespmem:$0x1FCB0] =	vst v0;
	v0 =	vld [tilespmem:$0x104C0];
	_ =	sdelay $0x4  }
0x93: {  	[tilespmem:$0x1FCC0] =	vst v0;
	v0 =	vld [tilespmem:$0x104D0];
	_ =	sdelay $0x4  }
0x94: {  	[tilespmem:$0x1FCD0] =	vst v0;
	v0 =	vld [tilespmem:$0x104E0];
	_ =	sdelay $0x4  }
0x95: {  	[tilespmem:$0x1FCE0] =	vst v0;
	v0 =	vld [tilespmem:$0x104F0];
	_ =	sdelay $0x4  }
0x96: {  	[tilespmem:$0x1FCF0] =	vst v0;
	v0 =	vld [tilespmem:$0x10500];
	_ =	sdelay $0x4  }
0x97: {  	[tilespmem:$0x1FD00] =	vst v0;
	v0 =	vld [tilespmem:$0x10510];
	_ =	sdelay $0x4  }
0x98: {  	[tilespmem:$0x1FD10] =	vst v0;
	v0 =	vld [tilespmem:$0x10520];
	_ =	sdelay $0x4  }
0x99: {  	[tilespmem:$0x1FD20] =	vst v0;
	v0 =	vld [tilespmem:$0x10530];
	_ =	sdelay $0x4  }
0x9a: {  	[tilespmem:$0x1FD30] =	vst v0;
	v0 =	vld [tilespmem:$0x10540];
	_ =	sdelay $0x4  }
0x9b: {  	[tilespmem:$0x1FD40] =	vst v0;
	v0 =	vld [tilespmem:$0x10550];
	_ =	sdelay $0x4  }
0x9c: {  	[tilespmem:$0x1FD50] =	vst v0;
	v0 =	vld [tilespmem:$0x10560];
	_ =	sdelay $0x4  }
0x9d: {  	[tilespmem:$0x1FD60] =	vst v0;
	v0 =	vld [tilespmem:$0x10570];
	_ =	sdelay $0x4  }
0x9e: {  	[tilespmem:$0x1FD70] =	vst v0;
	v0 =	vld [tilespmem:$0x10580];
	_ =	sdelay $0x4  }
0x9f: {  	[tilespmem:$0x1FD80] =	vst v0;
	v0 =	vld [tilespmem:$0x10590];
	_ =	sdelay $0x4  }
0xa0: {  	[tilespmem:$0x1FD90] =	vst v0;
	v0 =	vld [tilespmem:$0x105A0];
	_ =	sdelay $0x4  }
0xa1: {  	[tilespmem:$0x1FDA0] =	vst v0;
	v0 =	vld [tilespmem:$0x105B0];
	_ =	sdelay $0x4  }
0xa2: {  	[tilespmem:$0x1FDB0] =	vst v0;
	v0 =	vld [tilespmem:$0x105C0];
	_ =	sdelay $0x4  }
0xa3: {  	[tilespmem:$0x1FDC0] =	vst v0;
	v0 =	vld [tilespmem:$0x105D0];
	_ =	sdelay $0x4  }
0xa4: {  	[tilespmem:$0x1FDD0] =	vst v0;
	v0 =	vld [tilespmem:$0x105E0];
	_ =	sdelay $0x4  }
0xa5: {  	[tilespmem:$0x1FDE0] =	vst v0;
	v0 =	vld [tilespmem:$0x105F0];
	_ =	sdelay $0x4  }
0xa6: {  	[tilespmem:$0x1FDF0] =	vst v0;
	v0 =	vld [tilespmem:$0x10600];
	_ =	sdelay $0x4  }
0xa7: {  	[tilespmem:$0x1FE00] =	vst v0;
	v0 =	vld [tilespmem:$0x10610];
	_ =	sdelay $0x4  }
0xa8: {  	[tilespmem:$0x1FE10] =	vst v0;
	v0 =	vld [tilespmem:$0x10620];
	_ =	sdelay $0x4  }
0xa9: {  	[tilespmem:$0x1FE20] =	vst v0;
	v0 =	vld [tilespmem:$0x10630];
	_ =	sdelay $0x4  }
0xaa: {  	[tilespmem:$0x1FE30] =	vst v0;
	v0 =	vld [tilespmem:$0x10640];
	_ =	sdelay $0x4  }
0xab: {  	[tilespmem:$0x1FE40] =	vst v0;
	v0 =	vld [tilespmem:$0x10650];
	_ =	sdelay $0x4  }
0xac: {  	[tilespmem:$0x1FE50] =	vst v0;
	v0 =	vld [tilespmem:$0x10660];
	_ =	sdelay $0x4  }
0xad: {  	[tilespmem:$0x1FE60] =	vst v0;
	v0 =	vld [tilespmem:$0x10670];
	_ =	sdelay $0x4  }
0xae: {  	[tilespmem:$0x1FE70] =	vst v0;
	v0 =	vld [tilespmem:$0x10680];
	_ =	sdelay $0x4  }
0xaf: {  	[tilespmem:$0x1FE80] =	vst v0;
	v0 =	vld [tilespmem:$0x10690];
	_ =	sdelay $0x4  }
0xb0: {  	[tilespmem:$0x1FE90] =	vst v0;
	v0 =	vld [tilespmem:$0x106A0];
	_ =	sdelay $0x4  }
0xb1: {  	[tilespmem:$0x1FEA0] =	vst v0;
	v0 =	vld [tilespmem:$0x106B0];
	_ =	sdelay $0x4  }
0xb2: {  	[tilespmem:$0x1FEB0] =	vst v0;
	v0 =	vld [tilespmem:$0x106C0];
	_ =	sdelay $0x4  }
0xb3: {  	[tilespmem:$0x1FEC0] =	vst v0;
	v0 =	vld [tilespmem:$0x106D0];
	_ =	sdelay $0x4  }
0xb4: {  	[tilespmem:$0x1FED0] =	vst v0;
	v0 =	vld [tilespmem:$0x106E0];
	_ =	sdelay $0x4  }
0xb5: {  	[tilespmem:$0x1FEE0] =	vst v0;
	v0 =	vld [tilespmem:$0x106F0];
	_ =	sdelay $0x4  }
0xb6: {  	[tilespmem:$0x1FEF0] =	vst v0;
	v0 =	vld [tilespmem:$0x10700];
	_ =	sdelay $0x4  }
0xb7: {  	[tilespmem:$0x1FF00] =	vst v0;
	v0 =	vld [tilespmem:$0x10710];
	_ =	sdelay $0x4  }
0xb8: {  	[tilespmem:$0x1FF10] =	vst v0;
	v0 =	vld [tilespmem:$0x10720];
	_ =	sdelay $0x4  }
0xb9: {  	[tilespmem:$0x1FF20] =	vst v0;
	v0 =	vld [tilespmem:$0x10730];
	_ =	sdelay $0x4  }
0xba: {  	[tilespmem:$0x1FF30] =	vst v0;
	v0 =	vld [tilespmem:$0x10740];
	_ =	sdelay $0x4  }
0xbb: {  	[tilespmem:$0x1FF40] =	vst v0;
	v0 =	vld [tilespmem:$0x10750];
	_ =	sdelay $0x4  }
0xbc: {  	[tilespmem:$0x1FF50] =	vst v0;
	v0 =	vld [tilespmem:$0x10760];
	_ =	sdelay $0x4  }
0xbd: {  	[tilespmem:$0x1FF60] =	vst v0;
	v0 =	vld [tilespmem:$0x10770];
	_ =	sdelay $0x4  }
0xbe: {  	[tilespmem:$0x1FF70] =	vst v0;
	v0 =	vld [tilespmem:$0x10780];
	_ =	sdelay $0x4  }
0xbf: {  	[tilespmem:$0x1FF80] =	vst v0;
	v0 =	vld [tilespmem:$0x10790];
	_ =	sdelay $0x4  }
0xc0: {  	[tilespmem:$0x1FF90] =	vst v0;
	v0 =	vld [tilespmem:$0x107A0];
	_ =	sdelay $0x4  }
0xc1: {  	[tilespmem:$0x1FFA0] =	vst v0;
	v0 =	vld [tilespmem:$0x107B0];
	_ =	sdelay $0x4  }
0xc2: {  	[tilespmem:$0x1FFB0] =	vst v0;
	v0 =	vld [tilespmem:$0x107C0];
	_ =	sdelay $0x4  }
0xc3: {  	[tilespmem:$0x1FFC0] =	vst v0;
	v0 =	vld [tilespmem:$0x107D0];
	_ =	sdelay $0x4  }
0xc4: {  	[tilespmem:$0x1FFD0] =	vst v0;
	v0 =	vld [tilespmem:$0x107E0];
	_ =	sdelay $0x4  }
0xc5: {  	[tilespmem:$0x1FFE0] =	vst v0;
	v0 =	vld [tilespmem:$0x107F0];
	_ =	sdelay $0x1  }
0xc6: {  	s30 =	sand.u32 $0x1, s0  }
0xc7: {  	p0 =	seq.s32 s30, $0x1;
	s1 =	simm.s32 $0x6000  }
0xc8: {  	s1 =	simm.s32 @!p0 $0x0  }
0xc9: {  	s3 =	sshll.u32 s0, $0x7;
	s4 =	simm.s32 $0x0;
	p0 =	por $0x1, $0x1;
	[tilespmem:$0x1FFF0] =	vst v0;
	v0 =	vmov s1  }
.LBB2_3:
0xca: {  	s5 =	sshll.u32 s4, $0x4  }
0xcb: {  	s5 =	sor.u32 s3, s5  }
0xcc: {  	v1 =	vld [tilespmem:s5+$0xC000];
	_ =	sdelay $0x1  }
0xcd: {  	v16 =	vld [tilespmem:$0x1F800]  }
0xce: {  	v46 =	vld [tilespmem:$0x1F810]  }
0xcf: {  	v5 =	vld [tilespmem:$0x1FC00]  }
0xd0: {  	v45 =	vld [tilespmem:$0x1FC10];
	v3 =	vbroadcast v1, $0x0;
	_ =	sdelay $0x1  }
0xd1: {  	v15 =	vld [tilespmem:$0x1F820];
	v2 =	vmul.f32 v3, v16  }
0xd2: {  	s6 =	smul.u32 $0x3000, s4;
	v10 =	vld [tilespmem:$0x1F830];
	v4 =	vmul.f32 v3, v46  }
0xd3: {  	v22 =	vld [tilespmem:$0x1FC20];
	v5 =	vadd.f32 v2, v5  }
0xd4: {  	v2 =	vld [tilespmem:s5+$0xE000];
	s5 =	sshra.s32 s6, $0x2;
	v4 =	vadd.f32 v4, v45  }
0xd5: {  	v26 =	vld [tilespmem:$0x1F840];
	[tilespmem:v0+s5+$0x0 ss:$0x1] =	vst.idx.msk $0xffff, v5  }
0xd6: {  	v56 =	vld [tilespmem:$0x1FC30];
	[tilespmem:v0+s5+$0x10 ss:$0x1] =	vst.idx.msk $0xffff, v4  }
0xd7: {  	v27 =	vld [tilespmem:$0x1F850]  }
0xd8: {  	v35 =	vld [tilespmem:$0x1FC40]  }
0xd9: {  	v60 =	vld [tilespmem:$0x1F860]  }
0xda: {  	v39 =	vld [tilespmem:$0x1FC50]  }
0xdb: {  	v6 =	vmul.f32 v3, v15;
	v37 =	vld [tilespmem:$0x1F870]  }
0xdc: {  	v7 =	vmul.f32 v3, v10;
	v38 =	vld [tilespmem:$0x1FC60]  }
0xdd: {  	v23 =	vmul.f32 v3, v26;
	v5 =	vadd.f32 v6, v22;
	v41 =	vld [tilespmem:$0x1FC70]  }
0xde: {  	v30 =	vadd.f32 v7, v56;
	v31 =	vmul.f32 v3, v27  }
0xdf: {  	[tilespmem:v0+s5+$0x20 ss:$0x1] =	vst.idx.msk $0xffff, v5;
	v33 =	vadd.f32 v23, v35;
	v34 =	vmul.f32 v3, v60  }
0xe0: {  	[tilespmem:v0+s5+$0x30 ss:$0x1] =	vst.idx.msk $0xffff, v30;
	v3 =	vmul.f32 v3, v37;
	v36 =	vadd.f32 v31, v39  }
0xe1: {  	v40 =	vld [tilespmem:$0x1F880];
	[tilespmem:v0+s5+$0x40 ss:$0x1] =	vst.idx.msk $0xffff, v33;
	v5 =	vadd.f32 v34, v38  }
0xe2: {  	v59 =	vld [tilespmem:$0x1F890];
	v3 =	vadd.f32 v3, v41;
	[tilespmem:v0+s5+$0x50 ss:$0x1] =	vst.idx.msk $0xffff, v36  }
0xe3: {  	v43 =	vld [tilespmem:$0x1FC80];
	[tilespmem:v0+s5+$0x60 ss:$0x1] =	vst.idx.msk $0xffff, v5  }
0xe4: {  	v8 =	vbroadcast v1, $0x1;
	[tilespmem:v0+s5+$0x70 ss:$0x1] =	vst.idx.msk $0xffff, v3;
	v3 =	vld [tilespmem:$0x1FC90];
	_ =	sdelay $0x1  }
0xe5: {  	v6 =	vmul.f32 v8, v40  }
0xe6: {  	v42 =	vmul.f32 v8, v59  }
0xe7: {  	v18 =	vld [tilespmem:$0x1F8A0];
	v5 =	vadd.f32 v6, v43  }
0xe8: {  	v47 =	vld [tilespmem:$0x1F8B0];
	v3 =	vadd.f32 v42, v3  }
0xe9: {  	v48 =	vld [tilespmem:$0x1FCA0];
	[tilespmem:v0+s5+$0x80 ss:$0x1] =	vst.idx.msk $0xffff, v5  }
0xea: {  	[tilespmem:v0+s5+$0x90 ss:$0x1] =	vst.idx.msk $0xffff, v3;
	v3 =	vld [tilespmem:$0x1FCB0];
	_ =	sdelay $0x1  }
0xeb: {  	v19 =	vld [tilespmem:$0x1F8C0];
	v44 =	vmul.f32 v8, v18  }
0xec: {  	v50 =	vld [tilespmem:$0x1F8D0];
	v4 =	vmul.f32 v8, v47  }
0xed: {  	v51 =	vld [tilespmem:$0x1FCC0];
	v5 =	vadd.f32 v44, v48  }
0xee: {  	v20 =	vld [tilespmem:$0x1F8E0];
	v3 =	vadd.f32 v4, v3  }
0xef: {  	v54 =	vld [tilespmem:$0x1F8F0];
	[tilespmem:v0+s5+$0xA0 ss:$0x1] =	vst.idx.msk $0xffff, v5  }
0xf0: {  	v49 =	vmul.f32 v8, v19;
	[tilespmem:v0+s5+$0xB0 ss:$0x1] =	vst.idx.msk $0xffff, v3;
	v3 =	vld [tilespmem:$0x1FCD0]  }
0xf1: {  	v47 =	vld [tilespmem:$0x1FCE0]  }
0xf2: {  	v5 =	vadd.f32 v49, v51;
	v49 =	vld [tilespmem:$0x1FCF0]  }
0xf3: {  	v4 =	vmul.f32 v8, v50  }
0xf4: {  	v52 =	vmul.f32 v8, v20  }
0xf5: {  	v3 =	vadd.f32 v4, v3;
	v4 =	vmul.f32 v8, v54  }
0xf6: {  	v57 =	vld [tilespmem:$0x1F900];
	v55 =	vadd.f32 v52, v47;
	[tilespmem:v0+s5+$0xC0 ss:$0x1] =	vst.idx.msk $0xffff, v5  }
0xf7: {  	v28 =	vld [tilespmem:$0x1F910];
	[tilespmem:v0+s5+$0xD0 ss:$0x1] =	vst.idx.msk $0xffff, v3;
	v3 =	vadd.f32 v4, v49  }
0xf8: {  	v48 =	vld [tilespmem:$0x1FD00];
	[tilespmem:v0+s5+$0xE0 ss:$0x1] =	vst.idx.msk $0xffff, v55  }
0xf9: {  	v53 =	vbroadcast v1, $0x2;
	[tilespmem:v0+s5+$0xF0 ss:$0x1] =	vst.idx.msk $0xffff, v3;
	v3 =	vld [tilespmem:$0x1FD10];
	_ =	sdelay $0x1  }
0xfa: {  	v6 =	vmul.f32 v53, v57  }
0xfb: {  	v29 =	vld [tilespmem:$0x1F920];
	v58 =	vmul.f32 v53, v28  }
0xfc: {  	v9 =	vld [tilespmem:$0x1FD20];
	v61 =	vadd.f32 v6, v48  }
0xfd: {  	v30 =	vld [tilespmem:$0x1F930];
	v3 =	vadd.f32 v58, v3  }
0xfe: {  	v21 =	vld [tilespmem:$0x1F940];
	[tilespmem:v0+s5+$0x100 ss:$0x1] =	vst.idx.msk $0xffff, v61  }
0xff: {  	[tilespmem:v0+s5+$0x110 ss:$0x1] =	vst.idx.msk $0xffff, v3;
	v3 =	vld [tilespmem:$0x1FD30]  }
0x100: {  	v22 =	vld [tilespmem:$0x1F950]  }
0x101: {  	v13 =	vld [tilespmem:$0x1FD40];
	v62 =	vmul.f32 v53, v29  }
0x102: {  	v24 =	vld [tilespmem:$0x1F970];
	v63 =	vmul.f32 v53, v30  }
0x103: {  	v25 =	vld [tilespmem:$0x1F980];
	v5 =	vadd.f32 v62, v9  }
0x104: {  	v32 =	vld [tilespmem:$0x1FD80];
	v3 =	vadd.f32 v63, v3  }
0x105: {  	v23 =	vld [tilespmem:$0x1F960];
	[tilespmem:v0+s5+$0x120 ss:$0x1] =	vst.idx.msk $0xffff, v5  }
0x106: {  	[tilespmem:v0+s5+$0x130 ss:$0x1] =	vst.idx.msk $0xffff, v3;
	v3 =	vld [tilespmem:$0x1FD50]  }
0x107: {  	v37 =	vld [tilespmem:$0x1FA00]  }
0x108: {  	v11 =	vmul.f32 v53, v21;
	v31 =	vld [tilespmem:$0x1FD90]  }
0x109: {  	v12 =	vmul.f32 v53, v22;
	v41 =	vld [tilespmem:$0x1FDC0]  }
0x10a: {  	v33 =	vld [tilespmem:$0x1F9F0];
	v5 =	vadd.f32 v11, v13  }
0x10b: {  	v44 =	vld [tilespmem:$0x1FD60];
	v3 =	vadd.f32 v12, v3  }
0x10c: {  	v51 =	vld [tilespmem:$0x1F990];
	[tilespmem:v0+s5+$0x140 ss:$0x1] =	vst.idx.msk $0xffff, v5  }
0x10d: {  	[tilespmem:v0+s5+$0x150 ss:$0x1] =	vst.idx.msk $0xffff, v3;
	v3 =	vld [tilespmem:$0x1FD70]  }
0x10e: {  	v38 =	vld [tilespmem:$0x1FA10]  }
0x10f: {  	v17 =	vbroadcast v1, $0x3;
	v36 =	vld [tilespmem:$0x1FDD0];
	v14 =	vmul.f32 v53, v23  }
0x110: {  	v43 =	vmul.f32 v53, v24;
	v53 =	vld [tilespmem:$0x1F9A0]  }
0x111: {  	v57 =	vld [tilespmem:$0x1F9C0];
	v50 =	vmul.f32 v17, v25;
	v5 =	vadd.f32 v14, v44  }
0x112: {  	v42 =	vld [tilespmem:$0x1FA20];
	v4 =	vmul.f32 v17, v51;
	v3 =	vadd.f32 v43, v3  }
0x113: {  	v52 =	vadd.f32 v50, v32;
	v54 =	vld [tilespmem:$0x1F9B0];
	[tilespmem:v0+s5+$0x160 ss:$0x1] =	vst.idx.msk $0xffff, v5  }
0x114: {  	v55 =	vld [tilespmem:$0x1FDA0];
	[tilespmem:v0+s5+$0x170 ss:$0x1] =	vst.idx.msk $0xffff, v3;
	v3 =	vadd.f32 v4, v31  }
0x115: {  	v58 =	vld [tilespmem:$0x1F9D0];
	[tilespmem:v0+s5+$0x180 ss:$0x1] =	vst.idx.msk $0xffff, v52  }
0x116: {  	[tilespmem:v0+s5+$0x190 ss:$0x1] =	vst.idx.msk $0xffff, v3;
	v3 =	vld [tilespmem:$0x1FDB0]  }
0x117: {  	v62 =	vld [tilespmem:$0x1F9E0]  }
0x118: {  	v6 =	vmul.f32 v17, v53;
	v11 =	vld [tilespmem:$0x1FA30]  }
0x119: {  	v13 =	vld [tilespmem:$0x1FA50];
	v4 =	vmul.f32 v17, v54  }
0x11a: {  	v44 =	vld [tilespmem:$0x1FE20];
	v5 =	vadd.f32 v6, v55;
	v6 =	vmul.f32 v17, v57  }
0x11b: {  	v14 =	vld [tilespmem:$0x1FA60];
	v3 =	vadd.f32 v4, v3;
	v4 =	vmul.f32 v17, v58  }
0x11c: {  	v12 =	vld [tilespmem:$0x1FA40];
	v61 =	vadd.f32 v6, v41;
	v6 =	vmul.f32 v17, v62;
	[tilespmem:v0+s5+$0x1A0 ss:$0x1] =	vst.idx.msk $0xffff, v5  }
0x11d: {  	[tilespmem:v0+s5+$0x1B0 ss:$0x1] =	vst.idx.msk $0xffff, v3;
	v3 =	vadd.f32 v4, v36;
	v4 =	vmul.f32 v17, v33;
	v17 =	vld [tilespmem:$0x1FDE0]  }
0x11e: {  	v57 =	vld [tilespmem:$0x1FA80];
	[tilespmem:v0+s5+$0x1C0 ss:$0x1] =	vst.idx.msk $0xffff, v61  }
0x11f: {  	[tilespmem:v0+s5+$0x1D0 ss:$0x1] =	vst.idx.msk $0xffff, v3;
	v3 =	vld [tilespmem:$0x1FDF0]  }
0x120: {  	v63 =	vbroadcast v1, $0x4;
	v54 =	vld [tilespmem:$0x1FA70]  }
0x121: {  	v33 =	vld [tilespmem:$0x1FE10]  }
0x122: {  	v34 =	vadd.f32 v6, v17;
	v6 =	vmul.f32 v63, v37;
	v37 =	vld [tilespmem:$0x1FE00]  }
0x123: {  	v62 =	vld [tilespmem:$0x1FAA0]  }
0x124: {  	v58 =	vld [tilespmem:$0x1FA90];
	v3 =	vadd.f32 v4, v3;
	v4 =	vmul.f32 v63, v38  }
0x125: {  	[tilespmem:v0+s5+$0x1E0 ss:$0x1] =	vst.idx.msk $0xffff, v34;
	v38 =	vld [tilespmem:$0x1FE30]  }
0x126: {  	v34 =	vld [tilespmem:$0x1FE40];
	[tilespmem:v0+s5+$0x1F0 ss:$0x1] =	vst.idx.msk $0xffff, v3;
	v3 =	vadd.f32 v4, v33  }
0x127: {  	v4 =	vmul.f32 v63, v54;
	v54 =	vld [tilespmem:$0x1FED0];
	v40 =	vadd.f32 v6, v37;
	v6 =	vmul.f32 v63, v42  }
0x128: {  	v43 =	vmul.f32 v63, v11;
	v42 =	vld [tilespmem:$0x1FE70]  }
0x129: {  	[tilespmem:v0+s5+$0x200 ss:$0x1] =	vst.idx.msk $0xffff, v40;
	v5 =	vadd.f32 v6, v44;
	v44 =	vld [tilespmem:$0x1FE50]  }
0x12a: {  	v51 =	vmul.f32 v63, v13;
	[tilespmem:v0+s5+$0x210 ss:$0x1] =	vst.idx.msk $0xffff, v3;
	v3 =	vadd.f32 v43, v38;
	v43 =	vld [tilespmem:$0x1FE60]  }
0x12b: {  	v53 =	vmul.f32 v63, v14;
	v50 =	vmul.f32 v63, v12;
	v63 =	vld [tilespmem:$0x1FAB0]  }
0x12c: {  	v8 =	vbroadcast v1, $0x5;
	v40 =	vld [tilespmem:$0x1FE80]  }
0x12d: {  	v52 =	vadd.f32 v50, v34;
	v50 =	vld [tilespmem:$0x1FE90];
	[tilespmem:v0+s5+$0x220 ss:$0x1] =	vst.idx.msk $0xffff, v5  }
0x12e: {  	v6 =	vmul.f32 v8, v57;
	v57 =	vld [tilespmem:$0x1FAC0];
	[tilespmem:v0+s5+$0x230 ss:$0x1] =	vst.idx.msk $0xffff, v3;
	v3 =	vadd.f32 v51, v44  }
0x12f: {  	[tilespmem:v0+s5+$0x240 ss:$0x1] =	vst.idx.msk $0xffff, v52;
	v52 =	vld [tilespmem:$0x1FAD0];
	v55 =	vadd.f32 v53, v43  }
0x130: {  	v51 =	vld [tilespmem:$0x1FEA0];
	[tilespmem:v0+s5+$0x250 ss:$0x1] =	vst.idx.msk $0xffff, v3;
	v3 =	vadd.f32 v4, v42  }
0x131: {  	v61 =	vadd.f32 v6, v40;
	v6 =	vmul.f32 v8, v62;
	v62 =	vld [tilespmem:$0x1FAE0];
	[tilespmem:v0+s5+$0x260 ss:$0x1] =	vst.idx.msk $0xffff, v55  }
0x132: {  	v53 =	vld [tilespmem:$0x1FEB0];
	v4 =	vmul.f32 v8, v58;
	[tilespmem:v0+s5+$0x270 ss:$0x1] =	vst.idx.msk $0xffff, v3  }
0x133: {  	[tilespmem:v0+s5+$0x280 ss:$0x1] =	vst.idx.msk $0xffff, v61;
	v61 =	vld [tilespmem:$0x1FEC0]  }
0x134: {  	v55 =	vld [tilespmem:$0x1FEE0];
	v3 =	vadd.f32 v4, v50  }
0x135: {  	v4 =	vmul.f32 v8, v63;
	v9 =	vadd.f32 v6, v51;
	v6 =	vmul.f32 v8, v57;
	v57 =	vld [tilespmem:$0x1FB00];
	_ =	sdelay $0x1  }
0x136: {  	v58 =	vmul.f32 v8, v52;
	[tilespmem:v0+s5+$0x290 ss:$0x1] =	vst.idx.msk $0xffff, v3;
	v3 =	vadd.f32 v4, v53  }
0x137: {  	v7 =	vbroadcast v1, $0x6;
	v63 =	vld [tilespmem:$0x1FAF0];
	[tilespmem:v0+s5+$0x2A0 ss:$0x1] =	vst.idx.msk $0xffff, v9;
	v5 =	vadd.f32 v6, v61;
	v6 =	vmul.f32 v8, v62  }
0x138: {  	[tilespmem:v0+s5+$0x2B0 ss:$0x1] =	vst.idx.msk $0xffff, v3;
	v3 =	vadd.f32 v58, v54;
	v58 =	vld [tilespmem:$0x1FB10]  }
0x139: {  	v9 =	vadd.f32 v6, v55;
	v6 =	vmul.f32 v7, v57;
	v57 =	vld [tilespmem:$0x1FEF0];
	_ =	sdelay $0x2  }
0x13a: {  	v4 =	vmul.f32 v8, v63  }
0x13b: {  	v62 =	vld [tilespmem:$0x1FB20];
	[tilespmem:v0+s5+$0x2C0 ss:$0x1] =	vst.idx.msk $0xffff, v5  }
0x13c: {  	[tilespmem:v0+s5+$0x2D0 ss:$0x1] =	vst.idx.msk $0xffff, v3;
	v3 =	vadd.f32 v4, v57;
	v4 =	vmul.f32 v7, v58;
	v58 =	vld [tilespmem:$0x1FF00]  }
0x13d: {  	v63 =	vld [tilespmem:$0x1FF10];
	_ =	sdelay $0x2  }
0x13e: {  	v8 =	vld [tilespmem:$0x1FB30]  }
0x13f: {  	[tilespmem:v0+s5+$0x2E0 ss:$0x1] =	vst.idx.msk $0xffff, v9;
	v61 =	vadd.f32 v6, v58;
	v6 =	vmul.f32 v7, v62;
	v62 =	vld [tilespmem:$0x1FF20]  }
0x140: {  	[tilespmem:v0+s5+$0x2F0 ss:$0x1] =	vst.idx.msk $0xffff, v3;
	v3 =	vadd.f32 v4, v63;
	v63 =	vld [tilespmem:$0x1FB40];
	_ =	sdelay $0x1  }
0x141: {  	[tilespmem:v0+s5+$0x300 ss:$0x1] =	vst.idx.msk $0xffff, v61;
	v61 =	vld [tilespmem:$0x1FB50]  }
0x142: {  	[tilespmem:v0+s5+$0x310 ss:$0x1] =	vst.idx.msk $0xffff, v3;
	v3 =	vld [tilespmem:$0x1FF30]  }
0x143: {  	v4 =	vmul.f32 v7, v8;
	v8 =	vld [tilespmem:$0x1FF40];
	v9 =	vadd.f32 v6, v62  }
0x144: {  	v6 =	vmul.f32 v7, v63;
	v63 =	vld [tilespmem:$0x1FF50]  }
0x145: {  	[tilespmem:v0+s5+$0x320 ss:$0x1] =	vst.idx.msk $0xffff, v9;
	v9 =	vld [tilespmem:$0x1FB60];
	_ =	sdelay $0x1  }
0x146: {  	v3 =	vadd.f32 v4, v3;
	v4 =	vmul.f32 v7, v61;
	_ =	sdelay $0x1  }
0x147: {  	[tilespmem:v0+s5+$0x330 ss:$0x1] =	vst.idx.msk $0xffff, v3;
	v3 =	vadd.f32 v4, v63;
	v63 =	vld [tilespmem:$0x1FF60]  }
0x148: {  	v5 =	vadd.f32 v6, v8;
	v6 =	vmul.f32 v7, v9;
	v9 =	vld [tilespmem:$0x1FB70];
	_ =	sdelay $0x3  }
0x149: {  	[tilespmem:v0+s5+$0x340 ss:$0x1] =	vst.idx.msk $0xffff, v5;
	v5 =	vadd.f32 v6, v63;
	v63 =	vld [tilespmem:$0x1FF70]  }
0x14a: {  	v4 =	vmul.f32 v7, v9;
	v9 =	vld [tilespmem:$0x1FB80];
	_ =	sdelay $0x2  }
0x14b: {  	v1 =	vbroadcast v1, $0x7  }
0x14c: {  	[tilespmem:v0+s5+$0x350 ss:$0x1] =	vst.idx.msk $0xffff, v3;
	v3 =	vadd.f32 v4, v63;
	v63 =	vld [tilespmem:$0x1FF80]  }
0x14d: {  	v6 =	vmul.f32 v1, v9;
	v9 =	vld [tilespmem:$0x1FBA0];
	_ =	sdelay $0x2  }
0x14e: {  	v8 =	vld [tilespmem:$0x1FB90];
	_ =	sdelay $0x1  }
0x14f: {  	[tilespmem:v0+s5+$0x360 ss:$0x1] =	vst.idx.msk $0xffff, v5;
	v5 =	vadd.f32 v6, v63;
	v6 =	vmul.f32 v1, v9;
	v9 =	vld [tilespmem:$0x1FF90];
	_ =	sdelay $0x2  }
0x150: {  	v4 =	vmul.f32 v1, v8;
	_ =	sdelay $0x1  }
0x151: {  	[tilespmem:v0+s5+$0x370 ss:$0x1] =	vst.idx.msk $0xffff, v3;
	v3 =	vadd.f32 v4, v9;
	v9 =	vld [tilespmem:$0x1FFA0];
	_ =	sdelay $0x4  }
0x152: {  	[tilespmem:v0+s5+$0x380 ss:$0x1] =	vst.idx.msk $0xffff, v5;
	v5 =	vadd.f32 v6, v9;
	v9 =	vld [tilespmem:$0x1FBC0];
	_ =	sdelay $0x2  }
0x153: {  	v8 =	vld [tilespmem:$0x1FBB0];
	_ =	sdelay $0x1  }
0x154: {  	v6 =	vmul.f32 v1, v9;
	v9 =	vld [tilespmem:$0x1FFB0];
	_ =	sdelay $0x2  }
0x155: {  	v4 =	vmul.f32 v1, v8;
	_ =	sdelay $0x1  }
0x156: {  	[tilespmem:v0+s5+$0x390 ss:$0x1] =	vst.idx.msk $0xffff, v3;
	v3 =	vadd.f32 v4, v9;
	v9 =	vld [tilespmem:$0x1FFC0];
	_ =	sdelay $0x1  }
0x157: {  	v8 =	vld [tilespmem:$0x1FBD0]  }
0x158: {  	(v2sf) =	vpush v2, $0x0;
	[tilespmem:v0+s5+$0x3A0 ss:$0x1] =	vst.idx.msk $0xffff, v5  }
0x159: {  	[tilespmem:v0+s5+$0x3B0 ss:$0x1] =	vst.idx.msk $0xffff, v3;
	v3 =	vld [tilespmem:$0x1FFD0]  }
0x15a: {  	v5 =	vadd.f32 v6, v9;
	v9 =	vld [tilespmem:$0x1FBE0];
	_ =	sdelay $0x1  }
0x15b: {  	v4 =	vmul.f32 v1, v8;
	_ =	sdelay $0x1  }
0x15c: {  	v8 =	vld [tilespmem:$0x1FBF0];
	v3 =	vadd.f32 v4, v3  }
0x15d: {  	[tilespmem:v0+s5+$0x3C0 ss:$0x1] =	vst.idx.msk $0xffff, v5;
	v6 =	vmul.f32 v1, v9;
	v9 =	vld [tilespmem:$0x1FFE0]  }
0x15e: {  	[tilespmem:v0+s5+$0x3D0 ss:$0x1] =	vst.idx.msk $0xffff, v3;
	v3 =	vld [tilespmem:$0x1FFF0];
	_ =	sdelay $0x2  }
0x15f: {  	v1 =	vmul.f32 v1, v8  }
0x160: {  	v4 =	vadd.f32 v6, v9  }
0x161: {  	v1 =	vadd.f32 v1, v3  }
0x162: {  	[tilespmem:v0+s5+$0x3E0 ss:$0x1] =	vst.idx.msk $0xffff, v4  }
0x163: {  	s25 =	spop (v2sf);
	[tilespmem:v0+s5+$0x3F0 ss:$0x1] =	vst.idx.msk $0xffff, v1  }
0x164: {  	v1 =	vld [tilespmem:s25+$0x10E00];
	_ =	sdelay $0x4  }
0x165: {  	[tilespmem:v0+s5+$0x400 ss:$0x1] =	vst.idx.msk $0xffff, v1  }
0x166: {  	v1 =	vld [tilespmem:s25+$0x10E10];
	_ =	sdelay $0x4  }
0x167: {  	[tilespmem:v0+s5+$0x410 ss:$0x1] =	vst.idx.msk $0xffff, v1  }
0x168: {  	v1 =	vld [tilespmem:s25+$0x10E20];
	_ =	sdelay $0x4  }
0x169: {  	[tilespmem:v0+s5+$0x420 ss:$0x1] =	vst.idx.msk $0xffff, v1  }
0x16a: {  	v1 =	vld [tilespmem:s25+$0x10E30];
	_ =	sdelay $0x4  }
0x16b: {  	[tilespmem:v0+s5+$0x430 ss:$0x1] =	vst.idx.msk $0xffff, v1  }
0x16c: {  	v1 =	vld [tilespmem:s25+$0x10E40];
	_ =	sdelay $0x4  }
0x16d: {  	[tilespmem:v0+s5+$0x440 ss:$0x1] =	vst.idx.msk $0xffff, v1  }
0x16e: {  	v1 =	vld [tilespmem:s25+$0x10E50];
	_ =	sdelay $0x1  }
0x16f: {  	(v2sf) =	vpush v2, $0x1;
	_ =	sdelay $0x2  }
0x170: {  	[tilespmem:v0+s5+$0x450 ss:$0x1] =	vst.idx.msk $0xffff, v1  }
0x171: {  	v1 =	vld [tilespmem:s25+$0x10E60];
	_ =	sdelay $0x4  }
0x172: {  	[tilespmem:v0+s5+$0x460 ss:$0x1] =	vst.idx.msk $0xffff, v1  }
0x173: {  	v1 =	vld [tilespmem:s25+$0x10E70];
	_ =	sdelay $0x4  }
0x174: {  	s26 =	spop (v2sf);
	[tilespmem:v0+s5+$0x470 ss:$0x1] =	vst.idx.msk $0xffff, v1  }
0x175: {  	v1 =	vld [tilespmem:s26+$0x15980];
	_ =	sdelay $0x4  }
0x176: {  	[tilespmem:v0+s5+$0x480 ss:$0x1] =	vst.idx.msk $0xffff, v1  }
0x177: {  	v1 =	vld [tilespmem:s26+$0x15990];
	_ =	sdelay $0x4  }
0x178: {  	[tilespmem:v0+s5+$0x490 ss:$0x1] =	vst.idx.msk $0xffff, v1  }
0x179: {  	v1 =	vld [tilespmem:s26+$0x159A0];
	_ =	sdelay $0x4  }
0x17a: {  	[tilespmem:v0+s5+$0x4A0 ss:$0x1] =	vst.idx.msk $0xffff, v1  }
0x17b: {  	v1 =	vld [tilespmem:s26+$0x159B0];
	_ =	sdelay $0x4  }
0x17c: {  	[tilespmem:v0+s5+$0x4B0 ss:$0x1] =	vst.idx.msk $0xffff, v1  }
0x17d: {  	v1 =	vld [tilespmem:s26+$0x159C0];
	_ =	sdelay $0x4  }
0x17e: {  	[tilespmem:v0+s5+$0x4C0 ss:$0x1] =	vst.idx.msk $0xffff, v1  }
0x17f: {  	v1 =	vld [tilespmem:s26+$0x159D0];
	_ =	sdelay $0x1  }
0x180: {  	(v2sf) =	vpush v2, $0x2;
	_ =	sdelay $0x2  }
0x181: {  	[tilespmem:v0+s5+$0x4D0 ss:$0x1] =	vst.idx.msk $0xffff, v1  }
0x182: {  	v1 =	vld [tilespmem:s26+$0x159E0];
	_ =	sdelay $0x4  }
0x183: {  	[tilespmem:v0+s5+$0x4E0 ss:$0x1] =	vst.idx.msk $0xffff, v1  }
0x184: {  	v1 =	vld [tilespmem:s26+$0x159F0];
	_ =	sdelay $0x4  }
0x185: {  	s28 =	spop (v2sf);
	[tilespmem:v0+s5+$0x4F0 ss:$0x1] =	vst.idx.msk $0xffff, v1  }
0x186: {  	v1 =	vld [tilespmem:s28+$0x18C00];
	_ =	sdelay $0x4  }
0x187: {  	[tilespmem:v0+s5+$0x500 ss:$0x1] =	vst.idx.msk $0xffff, v1  }
0x188: {  	v1 =	vld [tilespmem:s28+$0x18C10];
	_ =	sdelay $0x4  }
0x189: {  	[tilespmem:v0+s5+$0x510 ss:$0x1] =	vst.idx.msk $0xffff, v1  }
0x18a: {  	v1 =	vld [tilespmem:s28+$0x18C20];
	_ =	sdelay $0x4  }
0x18b: {  	[tilespmem:v0+s5+$0x520 ss:$0x1] =	vst.idx.msk $0xffff, v1  }
0x18c: {  	v1 =	vld [tilespmem:s28+$0x18C30];
	_ =	sdelay $0x4  }
0x18d: {  	[tilespmem:v0+s5+$0x530 ss:$0x1] =	vst.idx.msk $0xffff, v1  }
0x18e: {  	v1 =	vld [tilespmem:s28+$0x18C40];
	_ =	sdelay $0x4  }
0x18f: {  	[tilespmem:v0+s5+$0x540 ss:$0x1] =	vst.idx.msk $0xffff, v1  }
0x190: {  	v1 =	vld [tilespmem:s28+$0x18C50];
	_ =	sdelay $0x1  }
0x191: {  	(v2sf) =	vpush v2, $0x3;
	_ =	sdelay $0x2  }
0x192: {  	[tilespmem:v0+s5+$0x550 ss:$0x1] =	vst.idx.msk $0xffff, v1  }
0x193: {  	v1 =	vld [tilespmem:s28+$0x18C60];
	_ =	sdelay $0x4  }
0x194: {  	[tilespmem:v0+s5+$0x560 ss:$0x1] =	vst.idx.msk $0xffff, v1  }
0x195: {  	v1 =	vld [tilespmem:s28+$0x18C70];
	_ =	sdelay $0x4  }
0x196: {  	s19 =	spop (v2sf);
	[tilespmem:v0+s5+$0x570 ss:$0x1] =	vst.idx.msk $0xffff, v1  }
0x197: {  	v1 =	vld [tilespmem:s19+$0x19680];
	_ =	sdelay $0x4  }
0x198: {  	[tilespmem:v0+s5+$0x580 ss:$0x1] =	vst.idx.msk $0xffff, v1  }
0x199: {  	v1 =	vld [tilespmem:s19+$0x19690];
	_ =	sdelay $0x4  }
0x19a: {  	[tilespmem:v0+s5+$0x590 ss:$0x1] =	vst.idx.msk $0xffff, v1  }
0x19b: {  	v1 =	vld [tilespmem:s19+$0x196A0]  }
0x19c: {  	s29 =	sor.u32 $0x1, s4  }
0x19d: {  	s8 =	sshll.u32 s29, $0x4  }
0x19e: {  	s8 =	sor.u32 s3, s8  }
0x19f: {  	v4 =	vld [tilespmem:s8+$0xC000]  }
0x1a0: {  	[tilespmem:v0+s5+$0x5A0 ss:$0x1] =	vst.idx.msk $0xffff, v1  }
0x1a1: {  	v1 =	vld [tilespmem:s19+$0x196B0];
	_ =	sdelay $0x2  }
0x1a2: {  	v5 =	vbroadcast v4, $0x0;
	_ =	sdelay $0x1  }
0x1a3: {  	[tilespmem:$0x1F7F0] =	vst v1;
	v1 =	vmul.f32 v5, v16;
	v16 =	vld [tilespmem:$0x1FC00];
	_ =	sdelay $0x1  }
0x1a4: {  	v9 =	vmul.f32 v5, v10;
	v10 =	vld [tilespmem:$0x1FC20];
	_ =	sdelay $0x1  }
0x1a5: {  	s6 =	smul.u32 $0x3000, s29  }
0x1a6: {  	v6 =	vmul.f32 v5, v46;
	v46 =	vmul.f32 v5, v15;
	v7 =	vadd.f32 v1, v16  }
0x1a7: {  	s6 =	sshra.s32 s6, $0x2;
	v15 =	vmul.f32 v5, v26  }
0x1a8: {  	v1 =	vld [tilespmem:s8+$0xE000];
	[tilespmem:v0+s6+$0x0 ss:$0x1] =	vst.idx.msk $0xffff, v7;
	v7 =	vadd.f32 v46, v10;
	v46 =	vmul.f32 v5, v27  }
0x1a9: {  	v6 =	vadd.f32 v6, v45;
	v45 =	vadd.f32 v9, v56  }
0x1aa: {  	v56 =	vadd.f32 v15, v35;
	v35 =	vadd.f32 v46, v39;
	v39 =	vld [tilespmem:$0x1FC60]  }
0x1ab: {  	v15 =	vld [tilespmem:$0x1F870]  }
0x1ac: {  	[tilespmem:v0+s6+$0x10 ss:$0x1] =	vst.idx.msk $0xffff, v6  }
0x1ad: {  	v60 =	vmul.f32 v5, v60;
	v10 =	vbroadcast v4, $0x1;
	[tilespmem:v0+s6+$0x20 ss:$0x1] =	vst.idx.msk $0xffff, v7;
	v46 =	vld [tilespmem:$0x1FC70]  }
0x1ae: {  	[tilespmem:v0+s6+$0x30 ss:$0x1] =	vst.idx.msk $0xffff, v45;
	v45 =	vld [tilespmem:$0x1F880]  }
0x1af: {  	v7 =	vadd.f32 v60, v39;
	v60 =	vmul.f32 v10, v18;
	v18 =	vld [tilespmem:$0x1FC90]  }
0x1b0: {  	v5 =	vmul.f32 v5, v15;
	[tilespmem:v0+s6+$0x40 ss:$0x1] =	vst.idx.msk $0xffff, v56;
	v56 =	vmul.f32 v10, v59;
	v59 =	vld [tilespmem:$0x1FC80]  }
0x1b1: {  	[tilespmem:v0+s6+$0x50 ss:$0x1] =	vst.idx.msk $0xffff, v35;
	v35 =	vld [tilespmem:$0x1F8B0]  }
0x1b2: {  	v5 =	vadd.f32 v5, v46;
	v39 =	vld [tilespmem:$0x1FCA0]  }
0x1b3: {  	v46 =	vld [tilespmem:$0x1FCB0];
	v8 =	vmul.f32 v10, v45;
	[tilespmem:v0+s6+$0x60 ss:$0x1] =	vst.idx.msk $0xffff, v7  }
0x1b4: {  	[tilespmem:v0+s6+$0x70 ss:$0x1] =	vst.idx.msk $0xffff, v5;
	v5 =	vadd.f32 v56, v18;
	v56 =	vld [tilespmem:$0x1F8D0]  }
0x1b5: {  	v7 =	vadd.f32 v8, v59;
	v59 =	vld [tilespmem:$0x1FCC0]  }
0x1b6: {  	v45 =	vmul.f32 v10, v19;
	v19 =	vld [tilespmem:$0x1FCD0]  }
0x1b7: {  	v6 =	vmul.f32 v10, v35  }
0x1b8: {  	[tilespmem:v0+s6+$0x80 ss:$0x1] =	vst.idx.msk $0xffff, v7;
	v7 =	vadd.f32 v60, v39;
	v60 =	vmul.f32 v10, v20;
	v20 =	vld [tilespmem:$0x1F8F0]  }
0x1b9: {  	v9 =	vbroadcast v4, $0x2;
	v39 =	vld [tilespmem:$0x1F900];
	[tilespmem:v0+s6+$0x90 ss:$0x1] =	vst.idx.msk $0xffff, v5;
	v5 =	vadd.f32 v6, v46;
	v6 =	vmul.f32 v10, v56  }
0x1ba: {  	[tilespmem:v0+s6+$0xA0 ss:$0x1] =	vst.idx.msk $0xffff, v7;
	v7 =	vadd.f32 v45, v59  }
0x1bb: {  	v59 =	vmul.f32 v9, v30;
	v30 =	vld [tilespmem:$0x1FD40];
	[tilespmem:v0+s6+$0xB0 ss:$0x1] =	vst.idx.msk $0xffff, v5;
	v18 =	vadd.f32 v6, v19  }
0x1bc: {  	[tilespmem:v0+s6+$0xC0 ss:$0x1] =	vst.idx.msk $0xffff, v7;
	v56 =	vld [tilespmem:$0x1FD10]  }
0x1bd: {  	v6 =	vmul.f32 v10, v20;
	[tilespmem:v0+s6+$0xD0 ss:$0x1] =	vst.idx.msk $0xffff, v18;
	v18 =	vld [tilespmem:$0x1FD20]  }
0x1be: {  	v35 =	vadd.f32 v60, v47;
	v46 =	vmul.f32 v9, v28;
	v28 =	vld [tilespmem:$0x1FD30];
	v8 =	vmul.f32 v9, v39  }
0x1bf: {  	v21 =	vmul.f32 v9, v21;
	v45 =	vadd.f32 v6, v49  }
0x1c0: {  	v39 =	vld [tilespmem:$0x1FD50];
	v47 =	vadd.f32 v8, v48;
	v49 =	vmul.f32 v9, v29;
	[tilespmem:v0+s6+$0xE0 ss:$0x1] =	vst.idx.msk $0xffff, v35  }
0x1c1: {  	v20 =	vmov v48;
	v48 =	vld [tilespmem:$0x1FD60];
	v7 =	vadd.f32 v21, v30;
	v5 =	vadd.f32 v46, v56;
	[tilespmem:v0+s6+$0xF0 ss:$0x1] =	vst.idx.msk $0xffff, v45  }
0x1c2: {  	v30 =	vld [tilespmem:$0x1F9A0];
	v29 =	vmul.f32 v9, v22;
	[tilespmem:v0+s6+$0x100 ss:$0x1] =	vst.idx.msk $0xffff, v47;
	v60 =	vadd.f32 v49, v18  }
0x1c3: {  	v35 =	vmul.f32 v9, v23;
	v23 =	vld [tilespmem:$0x1FDA0];
	[tilespmem:v0+s6+$0x110 ss:$0x1] =	vst.idx.msk $0xffff, v5;
	v5 =	vadd.f32 v59, v28  }
0x1c4: {  	v49 =	vld [tilespmem:$0x1FD70];
	[tilespmem:v0+s6+$0x120 ss:$0x1] =	vst.idx.msk $0xffff, v60  }
0x1c5: {  	v10 =	vbroadcast v4, $0x3;
	[tilespmem:v0+s6+$0x130 ss:$0x1] =	vst.idx.msk $0xffff, v5;
	v5 =	vadd.f32 v29, v39;
	v29 =	vld [tilespmem:$0x1F990];
	_ =	sdelay $0x1  }
0x1c6: {  	v22 =	vld [tilespmem:$0x1F9B0];
	v60 =	vmul.f32 v10, v30  }
0x1c7: {  	v45 =	vmul.f32 v9, v24;
	v24 =	vld [tilespmem:$0x1F9C0];
	v46 =	vadd.f32 v35, v48  }
0x1c8: {  	v47 =	vmul.f32 v10, v25;
	[tilespmem:v0+s6+$0x140 ss:$0x1] =	vst.idx.msk $0xffff, v7;
	v7 =	vadd.f32 v60, v23;
	v60 =	vld [tilespmem:$0x1FDB0]  }
0x1c9: {  	[tilespmem:v0+s6+$0x150 ss:$0x1] =	vst.idx.msk $0xffff, v5;
	v5 =	vadd.f32 v45, v49;
	v56 =	vmul.f32 v10, v29  }
0x1ca: {  	v59 =	vadd.f32 v47, v32;
	v32 =	vld [tilespmem:$0x1F9D0];
	[tilespmem:v0+s6+$0x160 ss:$0x1] =	vst.idx.msk $0xffff, v46  }
0x1cb: {  	v6 =	vmul.f32 v10, v22;
	[tilespmem:v0+s6+$0x170 ss:$0x1] =	vst.idx.msk $0xffff, v5;
	v21 =	vadd.f32 v56, v31  }
0x1cc: {  	v8 =	vmul.f32 v10, v24;
	[tilespmem:v0+s6+$0x180 ss:$0x1] =	vst.idx.msk $0xffff, v59  }
0x1cd: {  	v25 =	vadd.f32 v6, v60;
	[tilespmem:v0+s6+$0x190 ss:$0x1] =	vst.idx.msk $0xffff, v21  }
0x1ce: {  	v39 =	vadd.f32 v8, v41;
	v46 =	vld [tilespmem:$0x1F9F0];
	[tilespmem:v0+s6+$0x1A0 ss:$0x1] =	vst.idx.msk $0xffff, v7  }
0x1cf: {  	v35 =	vmul.f32 v10, v32;
	v31 =	vmov v41;
	v41 =	vld [tilespmem:$0x1F9E0];
	[tilespmem:v0+s6+$0x1B0 ss:$0x1] =	vst.idx.msk $0xffff, v25  }
0x1d0: {  	[tilespmem:v0+s6+$0x1C0 ss:$0x1] =	vst.idx.msk $0xffff, v39;
	v39 =	vld [tilespmem:$0x1FA10]  }
0x1d1: {  	v45 =	vadd.f32 v35, v36;
	v35 =	vld [tilespmem:$0x1FA20]  }
0x1d2: {  	v9 =	vbroadcast v4, $0x4;
	v49 =	vld [tilespmem:$0x1FA00]  }
0x1d3: {  	v56 =	vld [tilespmem:$0x1FDF0]  }
0x1d4: {  	v23 =	vmul.f32 v9, v11;
	v8 =	vmul.f32 v10, v41  }
0x1d5: {  	v6 =	vmul.f32 v10, v46;
	v59 =	vmul.f32 v9, v39  }
0x1d6: {  	v24 =	vld [tilespmem:$0x1FE20];
	v21 =	vmul.f32 v9, v35;
	v25 =	vmul.f32 v9, v12;
	v47 =	vadd.f32 v8, v17  }
0x1d7: {  	v11 =	vld [tilespmem:$0x1FA90];
	v8 =	vmul.f32 v9, v49;
	v22 =	vadd.f32 v59, v33;
	v33 =	vmul.f32 v9, v13  }
0x1d8: {  	v5 =	vadd.f32 v6, v56;
	[tilespmem:v0+s6+$0x1D0 ss:$0x1] =	vst.idx.msk $0xffff, v45;
	v36 =	vadd.f32 v25, v34;
	v25 =	vld [tilespmem:$0x1FEC0]  }
0x1d9: {  	[tilespmem:v0+s6+$0x1E0 ss:$0x1] =	vst.idx.msk $0xffff, v47;
	v17 =	vadd.f32 v8, v37;
	v41 =	vadd.f32 v33, v44;
	v44 =	vld [tilespmem:$0x1FA70]  }
0x1da: {  	[tilespmem:v0+s6+$0x1F0 ss:$0x1] =	vst.idx.msk $0xffff, v5;
	v47 =	vmov v13;
	v13 =	vld [tilespmem:$0x1FAA0]  }
0x1db: {  	v7 =	vadd.f32 v21, v24;
	[tilespmem:v0+s6+$0x200 ss:$0x1] =	vst.idx.msk $0xffff, v17;
	v59 =	vld [tilespmem:$0x1FA80]  }
0x1dc: {  	v28 =	vadd.f32 v23, v38;
	v38 =	vbroadcast v4, $0x5;
	[tilespmem:v0+s6+$0x210 ss:$0x1] =	vst.idx.msk $0xffff, v22;
	v22 =	vld [tilespmem:$0x1FAC0]  }
0x1dd: {  	v37 =	vmul.f32 v9, v14;
	v17 =	vld [tilespmem:$0x1FAB0];
	[tilespmem:v0+s6+$0x220 ss:$0x1] =	vst.idx.msk $0xffff, v7  }
0x1de: {  	(v2sf) =	vpush v2, $0x4;
	v24 =	vmul.f32 v38, v52;
	[tilespmem:v0+s6+$0x230 ss:$0x1] =	vst.idx.msk $0xffff, v28;
	v28 =	vld [tilespmem:$0x1FAE0];
	v6 =	vmul.f32 v9, v44  }
0x1df: {  	(v2sf) =	vpush v2, $0x5;
	v45 =	vadd.f32 v37, v43;
	[tilespmem:v0+s6+$0x240 ss:$0x1] =	vst.idx.msk $0xffff, v36;
	v8 =	vmul.f32 v38, v13;
	v36 =	vld [tilespmem:$0x1FAF0]  }
0x1e0: {  	v49 =	vmul.f32 v38, v59;
	v56 =	vadd.f32 v6, v42;
	v6 =	vmul.f32 v38, v11  }
0x1e1: {  	(v2sf) =	vpush v2, $0x6;
	[tilespmem:v0+s6+$0x250 ss:$0x1] =	vst.idx.msk $0xffff, v41;
	v21 =	vadd.f32 v8, v51;
	v8 =	vmul.f32 v38, v22  }
0x1e2: {  	(v2sf) =	vpush v2, $0x7;
	[tilespmem:v0+s6+$0x260 ss:$0x1] =	vst.idx.msk $0xffff, v45;
	v14 =	vadd.f32 v6, v50;
	v6 =	vmul.f32 v38, v17  }
0x1e3: {  	v46 =	vmovc v12;
	v12 =	vadd.f32 v49, v40;
	v7 =	vadd.f32 v8, v25;
	v8 =	vmul.f32 v38, v28  }
0x1e4: {  	(v2sf) =	vpush v2, $0x8;
	[tilespmem:v0+s6+$0x270 ss:$0x1] =	vst.idx.msk $0xffff, v56;
	v23 =	vadd.f32 v6, v53;
	v6 =	vmul.f32 v38, v36;
	v38 =	vld [tilespmem:$0x1FB00]  }
0x1e5: {  	(v2sf) =	vpush v2, $0x9;
	v41 =	vld [tilespmem:$0x1FB10];
	[tilespmem:v0+s6+$0x280 ss:$0x1] =	vst.idx.msk $0xffff, v12  }
0x1e6: {  	(v2sf) =	vpush v2, $0xA;
	[tilespmem:v0+s6+$0x290 ss:$0x1] =	vst.idx.msk $0xffff, v14  }
0x1e7: {  	(v2sf) =	vpush v2, $0xB;
	v2 =	vld [tilespmem:$0x1FF10];
	v33 =	vbroadcast v4, $0x6;
	[tilespmem:v0+s6+$0x2A0 ss:$0x1] =	vst.idx.msk $0xffff, v21  }
0x1e8: {  	v34 =	vadd.f32 v24, v54;
	[tilespmem:v0+s6+$0x2B0 ss:$0x1] =	vst.idx.msk $0xffff, v23  }
0x1e9: {  	v37 =	vadd.f32 v8, v55;
	[tilespmem:v0+s6+$0x2C0 ss:$0x1] =	vst.idx.msk $0xffff, v7;
	v8 =	vmul.f32 v33, v38  }
0x1ea: {  	v40 =	vadd.f32 v6, v57;
	v6 =	vmul.f32 v33, v41;
	[tilespmem:v0+s6+$0x2D0 ss:$0x1] =	vst.idx.msk $0xffff, v34  }
0x1eb: {  	v43 =	vld [tilespmem:$0x1FB20];
	[tilespmem:v0+s6+$0x2E0 ss:$0x1] =	vst.idx.msk $0xffff, v37;
	v42 =	vadd.f32 v8, v58  }
0x1ec: {  	v56 =	vld [tilespmem:$0x1FB30];
	v2 =	vadd.f32 v6, v2;
	[tilespmem:v0+s6+$0x2F0 ss:$0x1] =	vst.idx.msk $0xffff, v40  }
0x1ed: {  	[tilespmem:v0+s6+$0x300 ss:$0x1] =	vst.idx.msk $0xffff, v42  }
0x1ee: {  	[tilespmem:v0+s6+$0x310 ss:$0x1] =	vst.idx.msk $0xffff, v2;
	v2 =	vld [tilespmem:$0x1FF30];
	_ =	sdelay $0x1  }
0x1ef: {  	v8 =	vmul.f32 v33, v43  }
0x1f0: {  	v44 =	vmul.f32 v33, v56  }
0x1f1: {  	v49 =	vld [tilespmem:$0x1FB40];
	v45 =	vadd.f32 v8, v62  }
0x1f2: {  	v2 =	vadd.f32 v44, v2  }
0x1f3: {  	v51 =	vld [tilespmem:$0x1FF40];
	[tilespmem:v0+s6+$0x320 ss:$0x1] =	vst.idx.msk $0xffff, v45  }
0x1f4: {  	[tilespmem:v0+s6+$0x330 ss:$0x1] =	vst.idx.msk $0xffff, v2;
	v2 =	vld [tilespmem:$0x1FF50];
	_ =	sdelay $0x1  }
0x1f5: {  	v7 =	vmul.f32 v33, v49  }
0x1f6: {  	v50 =	vmul.f32 v33, v61  }
0x1f7: {  	v52 =	vld [tilespmem:$0x1FB60];
	v6 =	vadd.f32 v7, v51  }
0x1f8: {  	v53 =	vld [tilespmem:$0x1FB70];
	v2 =	vadd.f32 v50, v2  }
0x1f9: {  	v54 =	vld [tilespmem:$0x1FF60];
	[tilespmem:v0+s6+$0x340 ss:$0x1] =	vst.idx.msk $0xffff, v6  }
0x1fa: {  	[tilespmem:v0+s6+$0x350 ss:$0x1] =	vst.idx.msk $0xffff, v2;
	v2 =	vld [tilespmem:$0x1FF70];
	_ =	sdelay $0x1  }
0x1fb: {  	v7 =	vmul.f32 v33, v52  }
0x1fc: {  	v5 =	vmul.f32 v33, v53  }
0x1fd: {  	v55 =	vld [tilespmem:$0x1FB80];
	v6 =	vadd.f32 v7, v54  }
0x1fe: {  	v57 =	vld [tilespmem:$0x1FB90];
	v2 =	vadd.f32 v5, v2  }
0x1ff: {  	[tilespmem:v0+s6+$0x360 ss:$0x1] =	vst.idx.msk $0xffff, v6  }
0x200: {  	v4 =	vbroadcast v4, $0x7;
	[tilespmem:v0+s6+$0x370 ss:$0x1] =	vst.idx.msk $0xffff, v2;
	v2 =	vld [tilespmem:$0x1FF90];
	_ =	sdelay $0x1  }
0x201: {  	v7 =	vmul.f32 v4, v55  }
0x202: {  	v5 =	vmul.f32 v4, v57  }
0x203: {  	v61 =	vld [tilespmem:$0x1FBA0];
	v58 =	vadd.f32 v7, v63  }
0x204: {  	v62 =	vld [tilespmem:$0x1FBB0];
	v2 =	vadd.f32 v5, v2  }
0x205: {  	v63 =	vld [tilespmem:$0x1FFA0];
	[tilespmem:v0+s6+$0x380 ss:$0x1] =	vst.idx.msk $0xffff, v58  }
0x206: {  	[tilespmem:v0+s6+$0x390 ss:$0x1] =	vst.idx.msk $0xffff, v2;
	v2 =	vld [tilespmem:$0x1FFB0]  }
0x207: {  	(v2sf) =	vpush v1, $0x0  }
0x208: {  	v10 =	vld [tilespmem:$0x1FBD0];
	v7 =	vmul.f32 v4, v61  }
0x209: {  	v13 =	vld [tilespmem:$0x1FBF0];
	v5 =	vmul.f32 v4, v62  }
0x20a: {  	v9 =	vld [tilespmem:$0x1FBC0];
	v6 =	vadd.f32 v7, v63  }
0x20b: {  	v11 =	vld [tilespmem:$0x1FFC0];
	v2 =	vadd.f32 v5, v2  }
0x20c: {  	v12 =	vld [tilespmem:$0x1FBE0];
	[tilespmem:v0+s6+$0x3A0 ss:$0x1] =	vst.idx.msk $0xffff, v6  }
0x20d: {  	[tilespmem:v0+s6+$0x3B0 ss:$0x1] =	vst.idx.msk $0xffff, v2;
	v2 =	vld [tilespmem:$0x1FFD0]  }
0x20e: {  	s26 =	spop (v2sf);
	v14 =	vld [tilespmem:$0x1FFE0]  }
0x20f: {  	s25 =	spop (v2sf);
	v7 =	vmul.f32 v4, v9  }
0x210: {  	s24 =	spop (v2sf);
	v5 =	vmul.f32 v4, v10  }
0x211: {  	s23 =	spop (v2sf);
	v6 =	vadd.f32 v7, v11;
	v7 =	vmul.f32 v4, v12  }
0x212: {  	s22 =	spop (v2sf);
	v4 =	vmul.f32 v4, v13;
	v2 =	vadd.f32 v5, v2  }
0x213: {  	s21 =	spop (v2sf);
	[tilespmem:v0+s6+$0x3C0 ss:$0x1] =	vst.idx.msk $0xffff, v6;
	v5 =	vadd.f32 v7, v14  }
0x214: {  	s9 =	spop (v2sf);
	[tilespmem:v0+s6+$0x3D0 ss:$0x1] =	vst.idx.msk $0xffff, v2;
	v2 =	vadd.f32 v4, v3  }
0x215: {  	s8 =	spop (v2sf);
	[tilespmem:v0+s6+$0x3E0 ss:$0x1] =	vst.idx.msk $0xffff, v5  }
0x216: {  	s28 =	spop (v2sf);
	[tilespmem:v0+s6+$0x3F0 ss:$0x1] =	vst.idx.msk $0xffff, v2  }
0x217: {  	v2 =	vld [tilespmem:s28+$0x10E00];
	_ =	sdelay $0x4  }
0x218: {  	[tilespmem:v0+s6+$0x400 ss:$0x1] =	vst.idx.msk $0xffff, v2  }
0x219: {  	v2 =	vld [tilespmem:s28+$0x10E10];
	_ =	sdelay $0x4  }
0x21a: {  	[tilespmem:v0+s6+$0x410 ss:$0x1] =	vst.idx.msk $0xffff, v2  }
0x21b: {  	v2 =	vld [tilespmem:s28+$0x10E20];
	_ =	sdelay $0x4  }
0x21c: {  	[tilespmem:v0+s6+$0x420 ss:$0x1] =	vst.idx.msk $0xffff, v2  }
0x21d: {  	v2 =	vld [tilespmem:s28+$0x10E30];
	_ =	sdelay $0x4  }
0x21e: {  	[tilespmem:v0+s6+$0x430 ss:$0x1] =	vst.idx.msk $0xffff, v2  }
0x21f: {  	v2 =	vld [tilespmem:s28+$0x10E40];
	_ =	sdelay $0x4  }
0x220: {  	[tilespmem:v0+s6+$0x440 ss:$0x1] =	vst.idx.msk $0xffff, v2  }
0x221: {  	v2 =	vld [tilespmem:s28+$0x10E50];
	_ =	sdelay $0x1  }
0x222: {  	(v2sf) =	vpush v1, $0x1;
	_ =	sdelay $0x2  }
0x223: {  	[tilespmem:v0+s6+$0x450 ss:$0x1] =	vst.idx.msk $0xffff, v2  }
0x224: {  	v2 =	vld [tilespmem:s28+$0x10E60];
	_ =	sdelay $0x4  }
0x225: {  	[tilespmem:v0+s6+$0x460 ss:$0x1] =	vst.idx.msk $0xffff, v2  }
0x226: {  	v2 =	vld [tilespmem:s28+$0x10E70];
	_ =	sdelay $0x4  }
0x227: {  	s30 =	spop (v2sf);
	[tilespmem:v0+s6+$0x470 ss:$0x1] =	vst.idx.msk $0xffff, v2  }
0x228: {  	v2 =	vld [tilespmem:s30+$0x15980];
	_ =	sdelay $0x4  }
0x229: {  	[tilespmem:v0+s6+$0x480 ss:$0x1] =	vst.idx.msk $0xffff, v2  }
0x22a: {  	v2 =	vld [tilespmem:s30+$0x15990];
	_ =	sdelay $0x4  }
0x22b: {  	[tilespmem:v0+s6+$0x490 ss:$0x1] =	vst.idx.msk $0xffff, v2  }
0x22c: {  	v2 =	vld [tilespmem:s30+$0x159A0];
	_ =	sdelay $0x4  }
0x22d: {  	[tilespmem:v0+s6+$0x4A0 ss:$0x1] =	vst.idx.msk $0xffff, v2  }
0x22e: {  	v2 =	vld [tilespmem:s30+$0x159B0];
	_ =	sdelay $0x4  }
0x22f: {  	[tilespmem:v0+s6+$0x4B0 ss:$0x1] =	vst.idx.msk $0xffff, v2  }
0x230: {  	v2 =	vld [tilespmem:s30+$0x159C0];
	_ =	sdelay $0x4  }
0x231: {  	[tilespmem:v0+s6+$0x4C0 ss:$0x1] =	vst.idx.msk $0xffff, v2  }
0x232: {  	v2 =	vld [tilespmem:s30+$0x159D0];
	_ =	sdelay $0x1  }
0x233: {  	(v2sf) =	vpush v1, $0x2;
	_ =	sdelay $0x2  }
0x234: {  	[tilespmem:v0+s6+$0x4D0 ss:$0x1] =	vst.idx.msk $0xffff, v2  }
0x235: {  	v2 =	vld [tilespmem:s30+$0x159E0];
	_ =	sdelay $0x4  }
0x236: {  	[tilespmem:v0+s6+$0x4E0 ss:$0x1] =	vst.idx.msk $0xffff, v2  }
0x237: {  	v2 =	vld [tilespmem:s30+$0x159F0];
	_ =	sdelay $0x4  }
0x238: {  	s29 =	spop (v2sf);
	[tilespmem:v0+s6+$0x4F0 ss:$0x1] =	vst.idx.msk $0xffff, v2  }
0x239: {  	v2 =	vld [tilespmem:s29+$0x18C00];
	_ =	sdelay $0x4  }
0x23a: {  	[tilespmem:v0+s6+$0x500 ss:$0x1] =	vst.idx.msk $0xffff, v2  }
0x23b: {  	v2 =	vld [tilespmem:s29+$0x18C10];
	_ =	sdelay $0x4  }
0x23c: {  	[tilespmem:v0+s6+$0x510 ss:$0x1] =	vst.idx.msk $0xffff, v2  }
0x23d: {  	v2 =	vld [tilespmem:s29+$0x18C20];
	_ =	sdelay $0x4  }
0x23e: {  	[tilespmem:v0+s6+$0x520 ss:$0x1] =	vst.idx.msk $0xffff, v2  }
0x23f: {  	v2 =	vld [tilespmem:s29+$0x18C30];
	_ =	sdelay $0x4  }
0x240: {  	[tilespmem:v0+s6+$0x530 ss:$0x1] =	vst.idx.msk $0xffff, v2  }
0x241: {  	v2 =	vld [tilespmem:s29+$0x18C40];
	_ =	sdelay $0x4  }
0x242: {  	[tilespmem:v0+s6+$0x540 ss:$0x1] =	vst.idx.msk $0xffff, v2  }
0x243: {  	v2 =	vld [tilespmem:s29+$0x18C50];
	_ =	sdelay $0x1  }
0x244: {  	(v2sf) =	vpush v1, $0x3;
	_ =	sdelay $0x2  }
0x245: {  	[tilespmem:v0+s6+$0x550 ss:$0x1] =	vst.idx.msk $0xffff, v2  }
0x246: {  	v2 =	vld [tilespmem:s29+$0x18C60];
	_ =	sdelay $0x4  }
0x247: {  	[tilespmem:v0+s6+$0x560 ss:$0x1] =	vst.idx.msk $0xffff, v2  }
0x248: {  	v2 =	vld [tilespmem:s29+$0x18C70];
	_ =	sdelay $0x4  }
0x249: {  	s30 =	spop (v2sf);
	[tilespmem:v0+s6+$0x570 ss:$0x1] =	vst.idx.msk $0xffff, v2  }
0x24a: {  	v2 =	vld [tilespmem:s30+$0x19680];
	_ =	sdelay $0x4  }
0x24b: {  	[tilespmem:v0+s6+$0x580 ss:$0x1] =	vst.idx.msk $0xffff, v2  }
0x24c: {  	v2 =	vld [tilespmem:s30+$0x19690];
	_ =	sdelay $0x4  }
0x24d: {  	[tilespmem:v0+s6+$0x590 ss:$0x1] =	vst.idx.msk $0xffff, v2  }
0x24e: {  	v2 =	vld [tilespmem:s30+$0x196A0];
	_ =	sdelay $0x4  }
0x24f: {  	v3 =	vld [tilespmem:$0x1F7F0];
	[tilespmem:v0+s6+$0x5A0 ss:$0x1] =	vst.idx.msk $0xffff, v2  }
0x250: {  	v2 =	vld [tilespmem:s30+$0x196B0];
	_ =	sdelay $0x3  }
0x251: {  	[tilespmem:v0+s5+$0x5B0 ss:$0x1] =	vst.idx.msk $0xffff, v3  }
0x252: {  	v3 =	vld [tilespmem:s19+$0x196C0];
	[tilespmem:v0+s6+$0x5B0 ss:$0x1] =	vst.idx.msk $0xffff, v2  }
0x253: {  	v2 =	vld [tilespmem:s30+$0x196C0];
	_ =	sdelay $0x3  }
0x254: {  	[tilespmem:v0+s5+$0x5C0 ss:$0x1] =	vst.idx.msk $0xffff, v3  }
0x255: {  	v3 =	vld [tilespmem:s19+$0x196D0];
	[tilespmem:v0+s6+$0x5C0 ss:$0x1] =	vst.idx.msk $0xffff, v2  }
0x256: {  	v2 =	vld [tilespmem:s30+$0x196D0];
	_ =	sdelay $0x1  }
0x257: {  	(v2sf) =	vpush v1, $0x4;
	_ =	sdelay $0x1  }
0x258: {  	[tilespmem:v0+s5+$0x5D0 ss:$0x1] =	vst.idx.msk $0xffff, v3  }
0x259: {  	v3 =	vld [tilespmem:s19+$0x196E0];
	[tilespmem:v0+s6+$0x5D0 ss:$0x1] =	vst.idx.msk $0xffff, v2  }
0x25a: {  	v2 =	vld [tilespmem:s30+$0x196E0];
	_ =	sdelay $0x3  }
0x25b: {  	[tilespmem:v0+s5+$0x5E0 ss:$0x1] =	vst.idx.msk $0xffff, v3  }
0x25c: {  	v3 =	vld [tilespmem:s19+$0x196F0];
	[tilespmem:v0+s6+$0x5E0 ss:$0x1] =	vst.idx.msk $0xffff, v2  }
0x25d: {  	v2 =	vld [tilespmem:s30+$0x196F0];
	_ =	sdelay $0x3  }
0x25e: {  	[tilespmem:v0+s5+$0x5F0 ss:$0x1] =	vst.idx.msk $0xffff, v3  }
0x25f: {  	v3 =	vld [tilespmem:s26+$0x19900];
	s29 =	spop (v2sf);
	[tilespmem:v0+s6+$0x5F0 ss:$0x1] =	vst.idx.msk $0xffff, v2  }
0x260: {  	v2 =	vld [tilespmem:s29+$0x19900];
	_ =	sdelay $0x3  }
0x261: {  	[tilespmem:v0+s5+$0x600 ss:$0x1] =	vst.idx.msk $0xffff, v3  }
0x262: {  	v3 =	vld [tilespmem:s26+$0x19910];
	[tilespmem:v0+s6+$0x600 ss:$0x1] =	vst.idx.msk $0xffff, v2  }
0x263: {  	v2 =	vld [tilespmem:s29+$0x19910];
	_ =	sdelay $0x3  }
0x264: {  	[tilespmem:v0+s5+$0x610 ss:$0x1] =	vst.idx.msk $0xffff, v3  }
0x265: {  	v3 =	vld [tilespmem:s26+$0x19920];
	[tilespmem:v0+s6+$0x610 ss:$0x1] =	vst.idx.msk $0xffff, v2  }
0x266: {  	v2 =	vld [tilespmem:s29+$0x19920];
	_ =	sdelay $0x3  }
0x267: {  	[tilespmem:v0+s5+$0x620 ss:$0x1] =	vst.idx.msk $0xffff, v3  }
0x268: {  	v3 =	vld [tilespmem:s26+$0x19930];
	[tilespmem:v0+s6+$0x620 ss:$0x1] =	vst.idx.msk $0xffff, v2  }
0x269: {  	v2 =	vld [tilespmem:s29+$0x19930];
	_ =	sdelay $0x3  }
0x26a: {  	[tilespmem:v0+s5+$0x630 ss:$0x1] =	vst.idx.msk $0xffff, v3  }
0x26b: {  	v3 =	vld [tilespmem:s26+$0x19940];
	[tilespmem:v0+s6+$0x630 ss:$0x1] =	vst.idx.msk $0xffff, v2  }
0x26c: {  	v2 =	vld [tilespmem:s29+$0x19940];
	_ =	sdelay $0x3  }
0x26d: {  	[tilespmem:v0+s5+$0x640 ss:$0x1] =	vst.idx.msk $0xffff, v3  }
0x26e: {  	v3 =	vld [tilespmem:s26+$0x19950];
	[tilespmem:v0+s6+$0x640 ss:$0x1] =	vst.idx.msk $0xffff, v2  }
0x26f: {  	v2 =	vld [tilespmem:s29+$0x19950];
	_ =	sdelay $0x1  }
0x270: {  	(v2sf) =	vpush v1, $0x5;
	_ =	sdelay $0x1  }
0x271: {  	[tilespmem:v0+s5+$0x650 ss:$0x1] =	vst.idx.msk $0xffff, v3  }
0x272: {  	v3 =	vld [tilespmem:s26+$0x19960];
	[tilespmem:v0+s6+$0x650 ss:$0x1] =	vst.idx.msk $0xffff, v2  }
0x273: {  	v2 =	vld [tilespmem:s29+$0x19960];
	_ =	sdelay $0x3  }
0x274: {  	[tilespmem:v0+s5+$0x660 ss:$0x1] =	vst.idx.msk $0xffff, v3  }
0x275: {  	v3 =	vld [tilespmem:s26+$0x19970];
	[tilespmem:v0+s6+$0x660 ss:$0x1] =	vst.idx.msk $0xffff, v2  }
0x276: {  	v2 =	vld [tilespmem:s29+$0x19970];
	_ =	sdelay $0x3  }
0x277: {  	[tilespmem:v0+s5+$0x670 ss:$0x1] =	vst.idx.msk $0xffff, v3  }
0x278: {  	s30 =	spop (v2sf);
	v3 =	vld [tilespmem:s25+$0x19B00];
	[tilespmem:v0+s6+$0x670 ss:$0x1] =	vst.idx.msk $0xffff, v2  }
0x279: {  	v2 =	vld [tilespmem:s30+$0x19B00];
	_ =	sdelay $0x3  }
0x27a: {  	[tilespmem:v0+s5+$0x680 ss:$0x1] =	vst.idx.msk $0xffff, v3  }
0x27b: {  	v3 =	vld [tilespmem:s25+$0x19B10];
	[tilespmem:v0+s6+$0x680 ss:$0x1] =	vst.idx.msk $0xffff, v2  }
0x27c: {  	v2 =	vld [tilespmem:s30+$0x19B10];
	_ =	sdelay $0x3  }
0x27d: {  	[tilespmem:v0+s5+$0x690 ss:$0x1] =	vst.idx.msk $0xffff, v3  }
0x27e: {  	v3 =	vld [tilespmem:s25+$0x19B20];
	[tilespmem:v0+s6+$0x690 ss:$0x1] =	vst.idx.msk $0xffff, v2  }
0x27f: {  	v2 =	vld [tilespmem:s30+$0x19B20];
	_ =	sdelay $0x3  }
0x280: {  	[tilespmem:v0+s5+$0x6A0 ss:$0x1] =	vst.idx.msk $0xffff, v3  }
0x281: {  	v3 =	vld [tilespmem:s25+$0x19B30];
	[tilespmem:v0+s6+$0x6A0 ss:$0x1] =	vst.idx.msk $0xffff, v2  }
0x282: {  	v2 =	vld [tilespmem:s30+$0x19B30];
	_ =	sdelay $0x3  }
0x283: {  	[tilespmem:v0+s5+$0x6B0 ss:$0x1] =	vst.idx.msk $0xffff, v3  }
0x284: {  	v3 =	vld [tilespmem:s25+$0x19B40];
	[tilespmem:v0+s6+$0x6B0 ss:$0x1] =	vst.idx.msk $0xffff, v2  }
0x285: {  	v2 =	vld [tilespmem:s30+$0x19B40];
	_ =	sdelay $0x3  }
0x286: {  	[tilespmem:v0+s5+$0x6C0 ss:$0x1] =	vst.idx.msk $0xffff, v3  }
0x287: {  	v3 =	vld [tilespmem:s25+$0x19B50];
	[tilespmem:v0+s6+$0x6C0 ss:$0x1] =	vst.idx.msk $0xffff, v2  }
0x288: {  	v2 =	vld [tilespmem:s30+$0x19B50];
	_ =	sdelay $0x1  }
0x289: {  	(v2sf) =	vpush v1, $0x6;
	_ =	sdelay $0x1  }
0x28a: {  	[tilespmem:v0+s5+$0x6D0 ss:$0x1] =	vst.idx.msk $0xffff, v3  }
0x28b: {  	v3 =	vld [tilespmem:s25+$0x19B60];
	[tilespmem:v0+s6+$0x6D0 ss:$0x1] =	vst.idx.msk $0xffff, v2  }
0x28c: {  	v2 =	vld [tilespmem:s30+$0x19B60];
	_ =	sdelay $0x3  }
0x28d: {  	[tilespmem:v0+s5+$0x6E0 ss:$0x1] =	vst.idx.msk $0xffff, v3  }
0x28e: {  	v3 =	vld [tilespmem:s25+$0x19B70];
	[tilespmem:v0+s6+$0x6E0 ss:$0x1] =	vst.idx.msk $0xffff, v2  }
0x28f: {  	v2 =	vld [tilespmem:s30+$0x19B70];
	_ =	sdelay $0x3  }
0x290: {  	[tilespmem:v0+s5+$0x6F0 ss:$0x1] =	vst.idx.msk $0xffff, v3  }
0x291: {  	s26 =	spop (v2sf);
	v3 =	vld [tilespmem:s24+$0x10800];
	[tilespmem:v0+s6+$0x6F0 ss:$0x1] =	vst.idx.msk $0xffff, v2  }
0x292: {  	v2 =	vld [tilespmem:s26+$0x10800];
	_ =	sdelay $0x3  }
0x293: {  	[tilespmem:v0+s5+$0x700 ss:$0x1] =	vst.idx.msk $0xffff, v3  }
0x294: {  	v3 =	vld [tilespmem:s24+$0x10810];
	[tilespmem:v0+s6+$0x700 ss:$0x1] =	vst.idx.msk $0xffff, v2  }
0x295: {  	v2 =	vld [tilespmem:s26+$0x10810];
	_ =	sdelay $0x3  }
0x296: {  	[tilespmem:v0+s5+$0x710 ss:$0x1] =	vst.idx.msk $0xffff, v3  }
0x297: {  	v3 =	vld [tilespmem:s24+$0x10820];
	[tilespmem:v0+s6+$0x710 ss:$0x1] =	vst.idx.msk $0xffff, v2  }
0x298: {  	v2 =	vld [tilespmem:s26+$0x10820];
	_ =	sdelay $0x3  }
0x299: {  	[tilespmem:v0+s5+$0x720 ss:$0x1] =	vst.idx.msk $0xffff, v3  }
0x29a: {  	v3 =	vld [tilespmem:s24+$0x10830];
	[tilespmem:v0+s6+$0x720 ss:$0x1] =	vst.idx.msk $0xffff, v2  }
0x29b: {  	v2 =	vld [tilespmem:s26+$0x10830];
	_ =	sdelay $0x3  }
0x29c: {  	[tilespmem:v0+s5+$0x730 ss:$0x1] =	vst.idx.msk $0xffff, v3  }
0x29d: {  	v3 =	vld [tilespmem:s24+$0x10840];
	[tilespmem:v0+s6+$0x730 ss:$0x1] =	vst.idx.msk $0xffff, v2  }
0x29e: {  	v2 =	vld [tilespmem:s26+$0x10840];
	_ =	sdelay $0x3  }
0x29f: {  	[tilespmem:v0+s5+$0x740 ss:$0x1] =	vst.idx.msk $0xffff, v3  }
0x2a0: {  	v3 =	vld [tilespmem:s24+$0x10850];
	[tilespmem:v0+s6+$0x740 ss:$0x1] =	vst.idx.msk $0xffff, v2  }
0x2a1: {  	v2 =	vld [tilespmem:s26+$0x10850];
	_ =	sdelay $0x1  }
0x2a2: {  	(v2sf) =	vpush v1, $0x7;
	_ =	sdelay $0x1  }
0x2a3: {  	[tilespmem:v0+s5+$0x750 ss:$0x1] =	vst.idx.msk $0xffff, v3  }
0x2a4: {  	v3 =	vld [tilespmem:s24+$0x10860];
	[tilespmem:v0+s6+$0x750 ss:$0x1] =	vst.idx.msk $0xffff, v2  }
0x2a5: {  	v2 =	vld [tilespmem:s26+$0x10860];
	_ =	sdelay $0x3  }
0x2a6: {  	[tilespmem:v0+s5+$0x760 ss:$0x1] =	vst.idx.msk $0xffff, v3  }
0x2a7: {  	v3 =	vld [tilespmem:s24+$0x10870];
	[tilespmem:v0+s6+$0x760 ss:$0x1] =	vst.idx.msk $0xffff, v2  }
0x2a8: {  	v2 =	vld [tilespmem:s26+$0x10870];
	_ =	sdelay $0x3  }
0x2a9: {  	[tilespmem:v0+s5+$0x770 ss:$0x1] =	vst.idx.msk $0xffff, v3  }
0x2aa: {  	s28 =	spop (v2sf);
	v3 =	vld [tilespmem:s23+$0x10800];
	[tilespmem:v0+s6+$0x770 ss:$0x1] =	vst.idx.msk $0xffff, v2  }
0x2ab: {  	v2 =	vld [tilespmem:s28+$0x10800];
	_ =	sdelay $0x3  }
0x2ac: {  	[tilespmem:v0+s5+$0x780 ss:$0x1] =	vst.idx.msk $0xffff, v3  }
0x2ad: {  	v3 =	vld [tilespmem:s23+$0x10810];
	[tilespmem:v0+s6+$0x780 ss:$0x1] =	vst.idx.msk $0xffff, v2  }
0x2ae: {  	v2 =	vld [tilespmem:s28+$0x10810];
	_ =	sdelay $0x3  }
0x2af: {  	[tilespmem:v0+s5+$0x790 ss:$0x1] =	vst.idx.msk $0xffff, v3  }
0x2b0: {  	v3 =	vld [tilespmem:s23+$0x10820];
	[tilespmem:v0+s6+$0x790 ss:$0x1] =	vst.idx.msk $0xffff, v2  }
0x2b1: {  	v2 =	vld [tilespmem:s28+$0x10820];
	_ =	sdelay $0x3  }
0x2b2: {  	[tilespmem:v0+s5+$0x7A0 ss:$0x1] =	vst.idx.msk $0xffff, v3  }
0x2b3: {  	v3 =	vld [tilespmem:s23+$0x10830];
	[tilespmem:v0+s6+$0x7A0 ss:$0x1] =	vst.idx.msk $0xffff, v2  }
0x2b4: {  	v2 =	vld [tilespmem:s28+$0x10830];
	_ =	sdelay $0x3  }
0x2b5: {  	[tilespmem:v0+s5+$0x7B0 ss:$0x1] =	vst.idx.msk $0xffff, v3  }
0x2b6: {  	v3 =	vld [tilespmem:s23+$0x10840];
	[tilespmem:v0+s6+$0x7B0 ss:$0x1] =	vst.idx.msk $0xffff, v2  }
0x2b7: {  	v2 =	vld [tilespmem:s28+$0x10840];
	_ =	sdelay $0x3  }
0x2b8: {  	[tilespmem:v0+s5+$0x7C0 ss:$0x1] =	vst.idx.msk $0xffff, v3  }
0x2b9: {  	v3 =	vld [tilespmem:s23+$0x10850];
	[tilespmem:v0+s6+$0x7C0 ss:$0x1] =	vst.idx.msk $0xffff, v2  }
0x2ba: {  	v2 =	vld [tilespmem:s28+$0x10850];
	_ =	sdelay $0x1  }
0x2bb: {  	(v2sf) =	vpush v1, $0x8;
	_ =	sdelay $0x1  }
0x2bc: {  	[tilespmem:v0+s5+$0x7D0 ss:$0x1] =	vst.idx.msk $0xffff, v3  }
0x2bd: {  	v3 =	vld [tilespmem:s23+$0x10860];
	[tilespmem:v0+s6+$0x7D0 ss:$0x1] =	vst.idx.msk $0xffff, v2  }
0x2be: {  	v2 =	vld [tilespmem:s28+$0x10860];
	_ =	sdelay $0x3  }
0x2bf: {  	[tilespmem:v0+s5+$0x7E0 ss:$0x1] =	vst.idx.msk $0xffff, v3  }
0x2c0: {  	v3 =	vld [tilespmem:s23+$0x10870];
	[tilespmem:v0+s6+$0x7E0 ss:$0x1] =	vst.idx.msk $0xffff, v2  }
0x2c1: {  	v2 =	vld [tilespmem:s28+$0x10870];
	_ =	sdelay $0x3  }
0x2c2: {  	[tilespmem:v0+s5+$0x7F0 ss:$0x1] =	vst.idx.msk $0xffff, v3  }
0x2c3: {  	s29 =	spop (v2sf);
	v3 =	vld [tilespmem:s22+$0x10800];
	[tilespmem:v0+s6+$0x7F0 ss:$0x1] =	vst.idx.msk $0xffff, v2  }
0x2c4: {  	v2 =	vld [tilespmem:s29+$0x10800];
	_ =	sdelay $0x3  }
0x2c5: {  	[tilespmem:v0+s5+$0x800 ss:$0x1] =	vst.idx.msk $0xffff, v3  }
0x2c6: {  	v3 =	vld [tilespmem:s22+$0x10810];
	[tilespmem:v0+s6+$0x800 ss:$0x1] =	vst.idx.msk $0xffff, v2  }
0x2c7: {  	v2 =	vld [tilespmem:s29+$0x10810];
	_ =	sdelay $0x3  }
0x2c8: {  	[tilespmem:v0+s5+$0x810 ss:$0x1] =	vst.idx.msk $0xffff, v3  }
0x2c9: {  	v3 =	vld [tilespmem:s22+$0x10820];
	[tilespmem:v0+s6+$0x810 ss:$0x1] =	vst.idx.msk $0xffff, v2  }
0x2ca: {  	v2 =	vld [tilespmem:s29+$0x10820];
	_ =	sdelay $0x3  }
0x2cb: {  	[tilespmem:v0+s5+$0x820 ss:$0x1] =	vst.idx.msk $0xffff, v3  }
0x2cc: {  	v3 =	vld [tilespmem:s22+$0x10830];
	[tilespmem:v0+s6+$0x820 ss:$0x1] =	vst.idx.msk $0xffff, v2  }
0x2cd: {  	v2 =	vld [tilespmem:s29+$0x10830];
	_ =	sdelay $0x3  }
0x2ce: {  	[tilespmem:v0+s5+$0x830 ss:$0x1] =	vst.idx.msk $0xffff, v3  }
0x2cf: {  	v3 =	vld [tilespmem:s22+$0x10840];
	[tilespmem:v0+s6+$0x830 ss:$0x1] =	vst.idx.msk $0xffff, v2  }
0x2d0: {  	v2 =	vld [tilespmem:s29+$0x10840];
	_ =	sdelay $0x3  }
0x2d1: {  	[tilespmem:v0+s5+$0x840 ss:$0x1] =	vst.idx.msk $0xffff, v3  }
0x2d2: {  	v3 =	vld [tilespmem:s22+$0x10850];
	[tilespmem:v0+s6+$0x840 ss:$0x1] =	vst.idx.msk $0xffff, v2  }
0x2d3: {  	v2 =	vld [tilespmem:s29+$0x10850];
	_ =	sdelay $0x1  }
0x2d4: {  	(v2sf) =	vpush v1, $0x9;
	_ =	sdelay $0x1  }
0x2d5: {  	[tilespmem:v0+s5+$0x850 ss:$0x1] =	vst.idx.msk $0xffff, v3  }
0x2d6: {  	v3 =	vld [tilespmem:s22+$0x10860];
	[tilespmem:v0+s6+$0x850 ss:$0x1] =	vst.idx.msk $0xffff, v2  }
0x2d7: {  	v2 =	vld [tilespmem:s29+$0x10860];
	_ =	sdelay $0x3  }
0x2d8: {  	[tilespmem:v0+s5+$0x860 ss:$0x1] =	vst.idx.msk $0xffff, v3  }
0x2d9: {  	v3 =	vld [tilespmem:s22+$0x10870];
	[tilespmem:v0+s6+$0x860 ss:$0x1] =	vst.idx.msk $0xffff, v2  }
0x2da: {  	v2 =	vld [tilespmem:s29+$0x10870];
	_ =	sdelay $0x3  }
0x2db: {  	[tilespmem:v0+s5+$0x870 ss:$0x1] =	vst.idx.msk $0xffff, v3  }
0x2dc: {  	s30 =	spop (v2sf);
	v3 =	vld [tilespmem:s21+$0x10800];
	[tilespmem:v0+s6+$0x870 ss:$0x1] =	vst.idx.msk $0xffff, v2  }
0x2dd: {  	v2 =	vld [tilespmem:s30+$0x10800];
	_ =	sdelay $0x3  }
0x2de: {  	[tilespmem:v0+s5+$0x880 ss:$0x1] =	vst.idx.msk $0xffff, v3  }
0x2df: {  	v3 =	vld [tilespmem:s21+$0x10810];
	[tilespmem:v0+s6+$0x880 ss:$0x1] =	vst.idx.msk $0xffff, v2  }
0x2e0: {  	v2 =	vld [tilespmem:s30+$0x10810];
	_ =	sdelay $0x3  }
0x2e1: {  	[tilespmem:v0+s5+$0x890 ss:$0x1] =	vst.idx.msk $0xffff, v3  }
0x2e2: {  	v3 =	vld [tilespmem:s21+$0x10820];
	[tilespmem:v0+s6+$0x890 ss:$0x1] =	vst.idx.msk $0xffff, v2  }
0x2e3: {  	v2 =	vld [tilespmem:s30+$0x10820];
	_ =	sdelay $0x3  }
0x2e4: {  	[tilespmem:v0+s5+$0x8A0 ss:$0x1] =	vst.idx.msk $0xffff, v3  }
0x2e5: {  	v3 =	vld [tilespmem:s21+$0x10830];
	[tilespmem:v0+s6+$0x8A0 ss:$0x1] =	vst.idx.msk $0xffff, v2  }
0x2e6: {  	v2 =	vld [tilespmem:s30+$0x10830];
	_ =	sdelay $0x3  }
0x2e7: {  	[tilespmem:v0+s5+$0x8B0 ss:$0x1] =	vst.idx.msk $0xffff, v3  }
0x2e8: {  	v3 =	vld [tilespmem:s21+$0x10840];
	[tilespmem:v0+s6+$0x8B0 ss:$0x1] =	vst.idx.msk $0xffff, v2  }
0x2e9: {  	v2 =	vld [tilespmem:s30+$0x10840];
	_ =	sdelay $0x3  }
0x2ea: {  	[tilespmem:v0+s5+$0x8C0 ss:$0x1] =	vst.idx.msk $0xffff, v3  }
0x2eb: {  	v3 =	vld [tilespmem:s21+$0x10850];
	[tilespmem:v0+s6+$0x8C0 ss:$0x1] =	vst.idx.msk $0xffff, v2  }
0x2ec: {  	v2 =	vld [tilespmem:s30+$0x10850];
	_ =	sdelay $0x1  }
0x2ed: {  	(v2sf) =	vpush v1, $0xA;
	_ =	sdelay $0x1  }
0x2ee: {  	[tilespmem:v0+s5+$0x8D0 ss:$0x1] =	vst.idx.msk $0xffff, v3  }
0x2ef: {  	v3 =	vld [tilespmem:s21+$0x10860];
	[tilespmem:v0+s6+$0x8D0 ss:$0x1] =	vst.idx.msk $0xffff, v2  }
0x2f0: {  	v2 =	vld [tilespmem:s30+$0x10860];
	_ =	sdelay $0x3  }
0x2f1: {  	[tilespmem:v0+s5+$0x8E0 ss:$0x1] =	vst.idx.msk $0xffff, v3  }
0x2f2: {  	v3 =	vld [tilespmem:s21+$0x10870];
	[tilespmem:v0+s6+$0x8E0 ss:$0x1] =	vst.idx.msk $0xffff, v2  }
0x2f3: {  	v2 =	vld [tilespmem:s30+$0x10870];
	_ =	sdelay $0x3  }
0x2f4: {  	[tilespmem:v0+s5+$0x8F0 ss:$0x1] =	vst.idx.msk $0xffff, v3  }
0x2f5: {  	s22 =	spop (v2sf);
	v3 =	vld [tilespmem:s9+$0x10800];
	[tilespmem:v0+s6+$0x8F0 ss:$0x1] =	vst.idx.msk $0xffff, v2  }
0x2f6: {  	v2 =	vld [tilespmem:s22+$0x10800];
	_ =	sdelay $0x3  }
0x2f7: {  	[tilespmem:v0+s5+$0x900 ss:$0x1] =	vst.idx.msk $0xffff, v3  }
0x2f8: {  	v3 =	vld [tilespmem:s9+$0x10810];
	[tilespmem:v0+s6+$0x900 ss:$0x1] =	vst.idx.msk $0xffff, v2  }
0x2f9: {  	v2 =	vld [tilespmem:s22+$0x10810];
	_ =	sdelay $0x3  }
0x2fa: {  	[tilespmem:v0+s5+$0x910 ss:$0x1] =	vst.idx.msk $0xffff, v3  }
0x2fb: {  	v3 =	vld [tilespmem:s9+$0x10820];
	[tilespmem:v0+s6+$0x910 ss:$0x1] =	vst.idx.msk $0xffff, v2  }
0x2fc: {  	v2 =	vld [tilespmem:s22+$0x10820];
	_ =	sdelay $0x3  }
0x2fd: {  	[tilespmem:v0+s5+$0x920 ss:$0x1] =	vst.idx.msk $0xffff, v3  }
0x2fe: {  	v3 =	vld [tilespmem:s9+$0x10830];
	[tilespmem:v0+s6+$0x920 ss:$0x1] =	vst.idx.msk $0xffff, v2  }
0x2ff: {  	v2 =	vld [tilespmem:s22+$0x10830];
	_ =	sdelay $0x3  }
0x300: {  	[tilespmem:v0+s5+$0x930 ss:$0x1] =	vst.idx.msk $0xffff, v3  }
0x301: {  	v3 =	vld [tilespmem:s9+$0x10840];
	[tilespmem:v0+s6+$0x930 ss:$0x1] =	vst.idx.msk $0xffff, v2  }
0x302: {  	v2 =	vld [tilespmem:s22+$0x10840];
	_ =	sdelay $0x3  }
0x303: {  	[tilespmem:v0+s5+$0x940 ss:$0x1] =	vst.idx.msk $0xffff, v3  }
0x304: {  	v3 =	vld [tilespmem:s9+$0x10850];
	[tilespmem:v0+s6+$0x940 ss:$0x1] =	vst.idx.msk $0xffff, v2  }
0x305: {  	v2 =	vld [tilespmem:s22+$0x10850];
	_ =	sdelay $0x1  }
0x306: {  	(v2sf) =	vpush v1, $0xB;
	_ =	sdelay $0x1  }
0x307: {  	[tilespmem:v0+s5+$0x950 ss:$0x1] =	vst.idx.msk $0xffff, v3  }
0x308: {  	v1 =	vld [tilespmem:s9+$0x10860];
	[tilespmem:v0+s6+$0x950 ss:$0x1] =	vst.idx.msk $0xffff, v2  }
0x309: {  	v2 =	vld [tilespmem:s22+$0x10860];
	_ =	sdelay $0x3  }
0x30a: {  	[tilespmem:v0+s5+$0x960 ss:$0x1] =	vst.idx.msk $0xffff, v1  }
0x30b: {  	v1 =	vld [tilespmem:s9+$0x10870];
	[tilespmem:v0+s6+$0x960 ss:$0x1] =	vst.idx.msk $0xffff, v2  }
0x30c: {  	v2 =	vld [tilespmem:s22+$0x10870];
	_ =	sdelay $0x3  }
0x30d: {  	[tilespmem:v0+s5+$0x970 ss:$0x1] =	vst.idx.msk $0xffff, v1  }
0x30e: {  	s23 =	spop (v2sf);
	v1 =	vld [tilespmem:s8+$0x10800];
	[tilespmem:v0+s6+$0x970 ss:$0x1] =	vst.idx.msk $0xffff, v2  }
0x30f: {  	v2 =	vld [tilespmem:s23+$0x10800];
	_ =	sdelay $0x3  }
0x310: {  	[tilespmem:v0+s5+$0x980 ss:$0x1] =	vst.idx.msk $0xffff, v1  }
0x311: {  	v1 =	vld [tilespmem:s8+$0x10810];
	[tilespmem:v0+s6+$0x980 ss:$0x1] =	vst.idx.msk $0xffff, v2  }
0x312: {  	v2 =	vld [tilespmem:s23+$0x10810];
	_ =	sdelay $0x3  }
0x313: {  	[tilespmem:v0+s5+$0x990 ss:$0x1] =	vst.idx.msk $0xffff, v1  }
0x314: {  	v1 =	vld [tilespmem:s8+$0x10820];
	[tilespmem:v0+s6+$0x990 ss:$0x1] =	vst.idx.msk $0xffff, v2  }
0x315: {  	v2 =	vld [tilespmem:s23+$0x10820];
	_ =	sdelay $0x3  }
0x316: {  	[tilespmem:v0+s5+$0x9A0 ss:$0x1] =	vst.idx.msk $0xffff, v1  }
0x317: {  	v1 =	vld [tilespmem:s8+$0x10830];
	[tilespmem:v0+s6+$0x9A0 ss:$0x1] =	vst.idx.msk $0xffff, v2  }
0x318: {  	v2 =	vld [tilespmem:s23+$0x10830];
	_ =	sdelay $0x3  }
0x319: {  	[tilespmem:v0+s5+$0x9B0 ss:$0x1] =	vst.idx.msk $0xffff, v1  }
0x31a: {  	v1 =	vld [tilespmem:s8+$0x10840];
	[tilespmem:v0+s6+$0x9B0 ss:$0x1] =	vst.idx.msk $0xffff, v2  }
0x31b: {  	v2 =	vld [tilespmem:s23+$0x10840];
	_ =	sdelay $0x3  }
0x31c: {  	[tilespmem:v0+s5+$0x9C0 ss:$0x1] =	vst.idx.msk $0xffff, v1  }
0x31d: {  	v1 =	vld [tilespmem:s8+$0x10850];
	[tilespmem:v0+s6+$0x9C0 ss:$0x1] =	vst.idx.msk $0xffff, v2  }
0x31e: {  	v2 =	vld [tilespmem:s23+$0x10850]  }
0x31f: {  	v44 =	vld [tilespmem:$0x1F800]  }
0x320: {  	v49 =	vld [tilespmem:$0x1F810]  }
0x321: {  	v21 =	vld [tilespmem:$0x1F820]  }
0x322: {  	v36 =	vld [tilespmem:$0x1FC10];
	s24 =	sor.u32 $0x2, s4;
	[tilespmem:v0+s5+$0x9D0 ss:$0x1] =	vst.idx.msk $0xffff, v1  }
0x323: {  	s25 =	sshll.u32 s24, $0x4;
	v3 =	vld [tilespmem:s8+$0x10860];
	[tilespmem:v0+s6+$0x9D0 ss:$0x1] =	vst.idx.msk $0xffff, v2  }
0x324: {  	s21 =	sor.u32 s3, s25;
	v2 =	vld [tilespmem:s23+$0x10860]  }
0x325: {  	v9 =	vld [tilespmem:s21+$0xC000]  }
0x326: {  	v42 =	vld [tilespmem:$0x1F830]  }
0x327: {  	v1 =	vld [tilespmem:$0x1F880]  }
0x328: {  	v43 =	vld [tilespmem:$0x1FC20];
	[tilespmem:v0+s5+$0x9E0 ss:$0x1] =	vst.idx.msk $0xffff, v3  }
0x329: {  	v3 =	vld [tilespmem:s8+$0x10870];
	[tilespmem:v0+s6+$0x9E0 ss:$0x1] =	vst.idx.msk $0xffff, v2  }
0x32a: {  	v17 =	vbroadcast v9, $0x0;
	v45 =	vbroadcast v9, $0x1;
	v2 =	vld [tilespmem:s23+$0x10870]  }
0x32b: {  	v37 =	vld [tilespmem:$0x1FC30]  }
0x32c: {  	v24 =	vmul.f32 v17, v44;
	v51 =	vmul.f32 v45, v1;
	v1 =	vld [tilespmem:$0x1FC70]  }
0x32d: {  	s26 =	smul.u32 $0x3000, s24;
	v25 =	vmul.f32 v17, v49;
	v28 =	vmul.f32 v17, v21  }
0x32e: {  	v33 =	vmul.f32 v17, v42;
	[tilespmem:v0+s5+$0x9F0 ss:$0x1] =	vst.idx.msk $0xffff, v3;
	v3 =	vadd.f32 v24, v16  }
0x32f: {  	v4 =	vmul.f32 v17, v15;
	v6 =	vadd.f32 v25, v36;
	v25 =	vld [tilespmem:$0x1FC40];
	s5 =	sshra.s32 s26, $0x2;
	[tilespmem:v0+s6+$0x9F0 ss:$0x1] =	vst.idx.msk $0xffff, v2  }
0x330: {  	v2 =	vld [tilespmem:s21+$0xE000];
	[tilespmem:v0+s5+$0x0 ss:$0x1] =	vst.idx.msk $0xffff, v3;
	v3 =	vadd.f32 v28, v43  }
0x331: {  	v38 =	vadd.f32 v33, v37;
	v4 =	vadd.f32 v4, v1;
	v1 =	vld [tilespmem:$0x1F890];
	[tilespmem:v0+s5+$0x10 ss:$0x1] =	vst.idx.msk $0xffff, v6  }
0x332: {  	v24 =	vld [tilespmem:$0x1F860];
	[tilespmem:v0+s5+$0x20 ss:$0x1] =	vst.idx.msk $0xffff, v3  }
0x333: {  	[tilespmem:v0+s5+$0x30 ss:$0x1] =	vst.idx.msk $0xffff, v38;
	v38 =	vld [tilespmem:$0x1FC50]  }
0x334: {  	v57 =	vld [tilespmem:$0x1FC60]  }
0x335: {  	v34 =	vmul.f32 v17, v26  }
0x336: {  	v40 =	vmul.f32 v17, v27;
	v52 =	vmul.f32 v45, v1;
	v1 =	vld [tilespmem:$0x1FC80]  }
0x337: {  	v41 =	vmul.f32 v17, v24;
	v3 =	vadd.f32 v34, v25  }
0x338: {  	v50 =	vadd.f32 v40, v38  }
0x339: {  	[tilespmem:v0+s5+$0x40 ss:$0x1] =	vst.idx.msk $0xffff, v3;
	v3 =	vadd.f32 v41, v57  }
0x33a: {  	[tilespmem:v0+s5+$0x50 ss:$0x1] =	vst.idx.msk $0xffff, v50  }
0x33b: {  	[tilespmem:v0+s5+$0x60 ss:$0x1] =	vst.idx.msk $0xffff, v3;
	v3 =	vadd.f32 v51, v1;
	v1 =	vld [tilespmem:$0x1FC90];
	_ =	sdelay $0x2  }
0x33c: {  	v10 =	vld [tilespmem:$0x1F8A0];
	_ =	sdelay $0x1  }
0x33d: {  	v54 =	vadd.f32 v52, v1;
	v1 =	vld [tilespmem:$0x1FCA0];
	_ =	sdelay $0x2  }
0x33e: {  	v11 =	vld [tilespmem:$0x1F8B0];
	v53 =	vmul.f32 v45, v10  }
0x33f: {  	v12 =	vld [tilespmem:$0x1F8C0];
	[tilespmem:v0+s5+$0x70 ss:$0x1] =	vst.idx.msk $0xffff, v4  }
0x340: {  	[tilespmem:v0+s5+$0x80 ss:$0x1] =	vst.idx.msk $0xffff, v3;
	v3 =	vadd.f32 v53, v1;
	v1 =	vld [tilespmem:$0x1FCB0]  }
0x341: {  	v13 =	vld [tilespmem:$0x1F8D0]  }
0x342: {  	v14 =	vld [tilespmem:$0x1F8E0]  }
0x343: {  	v55 =	vmul.f32 v45, v11;
	v15 =	vld [tilespmem:$0x1F8F0]  }
0x344: {  	v40 =	vld [tilespmem:$0x1FCF0]  }
0x345: {  	v61 =	vadd.f32 v55, v1;
	v1 =	vld [tilespmem:$0x1FCC0];
	_ =	sdelay $0x2  }
0x346: {  	v58 =	vmul.f32 v45, v12;
	v33 =	vld [tilespmem:$0x1FCE0];
	v23 =	vmul.f32 v45, v15  }
0x347: {  	v62 =	vmul.f32 v45, v13;
	v63 =	vmul.f32 v45, v14;
	v45 =	vld [tilespmem:$0x1F910];
	[tilespmem:v0+s5+$0x90 ss:$0x1] =	vst.idx.msk $0xffff, v54  }
0x348: {  	v50 =	vadd.f32 v23, v40;
	v23 =	vld [tilespmem:$0x1F930];
	[tilespmem:v0+s5+$0xA0 ss:$0x1] =	vst.idx.msk $0xffff, v3;
	v3 =	vadd.f32 v58, v1  }
0x349: {  	v22 =	vadd.f32 v62, v19;
	v28 =	vld [tilespmem:$0x1F900];
	[tilespmem:v0+s5+$0xB0 ss:$0x1] =	vst.idx.msk $0xffff, v61  }
0x34a: {  	v1 =	vld [tilespmem:$0x1FD30];
	[tilespmem:v0+s5+$0xC0 ss:$0x1] =	vst.idx.msk $0xffff, v3  }
0x34b: {  	v7 =	vbroadcast v9, $0x2;
	[tilespmem:v0+s5+$0xD0 ss:$0x1] =	vst.idx.msk $0xffff, v22;
	v22 =	vld [tilespmem:$0x1F920]  }
0x34c: {  	v41 =	vld [tilespmem:$0x1FD10]  }
0x34d: {  	v16 =	vld [tilespmem:$0x1F940];
	v54 =	vmul.f32 v7, v23  }
0x34e: {  	v34 =	vmul.f32 v7, v28;
	v3 =	vadd.f32 v63, v33  }
0x34f: {  	v51 =	vmul.f32 v7, v45;
	v58 =	vadd.f32 v54, v1;
	v1 =	vld [tilespmem:$0x1FD40]  }
0x350: {  	[tilespmem:v0+s5+$0xE0 ss:$0x1] =	vst.idx.msk $0xffff, v3;
	v3 =	vadd.f32 v34, v20;
	v52 =	vmul.f32 v7, v22  }
0x351: {  	v53 =	vadd.f32 v51, v41;
	[tilespmem:v0+s5+$0xF0 ss:$0x1] =	vst.idx.msk $0xffff, v50  }
0x352: {  	v17 =	vld [tilespmem:$0x1F950];
	v55 =	vmul.f32 v7, v16;
	[tilespmem:v0+s5+$0x100 ss:$0x1] =	vst.idx.msk $0xffff, v3;
	v3 =	vadd.f32 v52, v18  }
0x353: {  	[tilespmem:v0+s5+$0x110 ss:$0x1] =	vst.idx.msk $0xffff, v53;
	v18 =	vld [tilespmem:$0x1F960]  }
0x354: {  	[tilespmem:v0+s5+$0x120 ss:$0x1] =	vst.idx.msk $0xffff, v3;
	v3 =	vadd.f32 v55, v1;
	v1 =	vld [tilespmem:$0x1FD50];
	_ =	sdelay $0x2  }
0x355: {  	v61 =	vmul.f32 v7, v17  }
0x356: {  	v62 =	vmul.f32 v7, v18  }
0x357: {  	v19 =	vld [tilespmem:$0x1F970];
	[tilespmem:v0+s5+$0x130 ss:$0x1] =	vst.idx.msk $0xffff, v58;
	v63 =	vadd.f32 v61, v1  }
0x358: {  	v20 =	vld [tilespmem:$0x1F980];
	[tilespmem:v0+s5+$0x140 ss:$0x1] =	vst.idx.msk $0xffff, v3;
	v3 =	vadd.f32 v62, v48  }
0x359: {  	v1 =	vld [tilespmem:$0x1FD70];
	[tilespmem:v0+s5+$0x150 ss:$0x1] =	vst.idx.msk $0xffff, v63  }
0x35a: {  	[tilespmem:v0+s5+$0x160 ss:$0x1] =	vst.idx.msk $0xffff, v3;
	v3 =	vld [tilespmem:$0x1FD80]  }
0x35b: {  	v8 =	vbroadcast v9, $0x3  }
0x35c: {  	v34 =	vmul.f32 v7, v19  }
0x35d: {  	v50 =	vmul.f32 v8, v20;
	v48 =	vld [tilespmem:$0x1FD90]  }
0x35e: {  	v51 =	vadd.f32 v34, v1;
	v1 =	vld [tilespmem:$0x1F9C0]  }
0x35f: {  	v3 =	vadd.f32 v50, v3;
	v50 =	vld [tilespmem:$0x1FDA0];
	_ =	sdelay $0x1  }
0x360: {  	v52 =	vmul.f32 v8, v29  }
0x361: {  	v53 =	vmul.f32 v8, v30  }
0x362: {  	v29 =	vmov v30;
	v30 =	vld [tilespmem:$0x1F9B0];
	v54 =	vadd.f32 v52, v48;
	[tilespmem:v0+s5+$0x170 ss:$0x1] =	vst.idx.msk $0xffff, v51  }
0x363: {  	[tilespmem:v0+s5+$0x180 ss:$0x1] =	vst.idx.msk $0xffff, v3;
	v58 =	vmul.f32 v8, v1;
	v3 =	vadd.f32 v53, v50  }
0x364: {  	v34 =	vld [tilespmem:$0x1FDD0];
	[tilespmem:v0+s5+$0x190 ss:$0x1] =	vst.idx.msk $0xffff, v54  }
0x365: {  	[tilespmem:v0+s5+$0x1A0 ss:$0x1] =	vst.idx.msk $0xffff, v3;
	v3 =	vadd.f32 v58, v31;
	v31 =	vld [tilespmem:$0x1F9E0]  }
0x366: {  	v1 =	vld [tilespmem:$0x1FA00]  }
0x367: {  	v55 =	vmul.f32 v8, v30;
	v51 =	vld [tilespmem:$0x1FDE0];
	_ =	sdelay $0x1  }
0x368: {  	v7 =	vbroadcast v9, $0x4;
	v61 =	vadd.f32 v55, v60;
	v62 =	vmul.f32 v8, v32;
	v32 =	vld [tilespmem:$0x1F9F0]  }
0x369: {  	v63 =	vmul.f32 v8, v31  }
0x36a: {  	v54 =	vadd.f32 v62, v34;
	v58 =	vmul.f32 v7, v1;
	v1 =	vld [tilespmem:$0x1FDF0];
	[tilespmem:v0+s5+$0x1B0 ss:$0x1] =	vst.idx.msk $0xffff, v61  }
0x36b: {  	v62 =	vmul.f32 v7, v35;
	v35 =	vld [tilespmem:$0x1FA30];
	[tilespmem:v0+s5+$0x1C0 ss:$0x1] =	vst.idx.msk $0xffff, v3;
	v3 =	vadd.f32 v63, v51  }
0x36c: {  	[tilespmem:v0+s5+$0x1D0 ss:$0x1] =	vst.idx.msk $0xffff, v54  }
0x36d: {  	v55 =	vmul.f32 v8, v32;
	[tilespmem:v0+s5+$0x1E0 ss:$0x1] =	vst.idx.msk $0xffff, v3;
	v3 =	vld [tilespmem:$0x1FE00]  }
0x36e: {  	v53 =	vld [tilespmem:$0x1FE10]  }
0x36f: {  	v60 =	vadd.f32 v55, v1;
	v1 =	vld [tilespmem:$0x1FE20]  }
0x370: {  	v6 =	vmul.f32 v7, v35;
	v35 =	vld [tilespmem:$0x1FE30]  }
0x371: {  	v61 =	vmul.f32 v7, v39;
	v55 =	vld [tilespmem:$0x1FE40]  }
0x372: {  	v3 =	vadd.f32 v58, v3  }
0x373: {  	v63 =	vadd.f32 v61, v53;
	[tilespmem:v0+s5+$0x1F0 ss:$0x1] =	vst.idx.msk $0xffff, v60  }
0x374: {  	v39 =	vmul.f32 v7, v46;
	[tilespmem:v0+s5+$0x200 ss:$0x1] =	vst.idx.msk $0xffff, v3;
	v3 =	vadd.f32 v62, v1  }
0x375: {  	v46 =	vadd.f32 v6, v35;
	v58 =	vmul.f32 v7, v47;
	v47 =	vld [tilespmem:$0x1FE50];
	[tilespmem:v0+s5+$0x210 ss:$0x1] =	vst.idx.msk $0xffff, v63  }
0x376: {  	[tilespmem:v0+s5+$0x220 ss:$0x1] =	vst.idx.msk $0xffff, v3;
	v3 =	vadd.f32 v39, v55;
	v39 =	vld [tilespmem:$0x1FA60]  }
0x377: {  	[tilespmem:v0+s5+$0x230 ss:$0x1] =	vst.idx.msk $0xffff, v46;
	v46 =	vld [tilespmem:$0x1FA70]  }
0x378: {  	[tilespmem:v0+s5+$0x240 ss:$0x1] =	vst.idx.msk $0xffff, v3;
	v3 =	vld [tilespmem:$0x1FE60]  }
0x379: {  	v54 =	vld [tilespmem:$0x1FE70];
	_ =	sdelay $0x1  }
0x37a: {  	v60 =	vmul.f32 v7, v39  }
0x37b: {  	v61 =	vadd.f32 v58, v47;
	v62 =	vmul.f32 v7, v46  }
0x37c: {  	v58 =	vld [tilespmem:$0x1FA90];
	v3 =	vadd.f32 v60, v3  }
0x37d: {  	[tilespmem:v0+s5+$0x250 ss:$0x1] =	vst.idx.msk $0xffff, v61;
	v60 =	vadd.f32 v62, v54;
	v62 =	vld [tilespmem:$0x1FE90]  }
0x37e: {  	[tilespmem:v0+s5+$0x260 ss:$0x1] =	vst.idx.msk $0xffff, v3;
	v3 =	vld [tilespmem:$0x1FE80]  }
0x37f: {  	v8 =	vbroadcast v9, $0x5;
	_ =	sdelay $0x1  }
0x380: {  	v52 =	vmov v59;
	v63 =	vmul.f32 v8, v59;
	v59 =	vld [tilespmem:$0x1FAA0];
	v61 =	vmul.f32 v8, v58  }
0x381: {  	[tilespmem:v0+s5+$0x270 ss:$0x1] =	vst.idx.msk $0xffff, v60;
	v60 =	vld [tilespmem:$0x1FAB0]  }
0x382: {  	v4 =	vadd.f32 v61, v62;
	v61 =	vld [tilespmem:$0x1FAC0];
	v3 =	vadd.f32 v63, v3  }
0x383: {  	v62 =	vld [tilespmem:$0x1FEB0]  }
0x384: {  	[tilespmem:v0+s5+$0x280 ss:$0x1] =	vst.idx.msk $0xffff, v3;
	v3 =	vld [tilespmem:$0x1FEA0]  }
0x385: {  	v63 =	vld [tilespmem:$0x1FAD0]  }
0x386: {  	v1 =	vld [tilespmem:$0x1FEC0]  }
0x387: {  	v5 =	vmul.f32 v8, v59  }
0x388: {  	v6 =	vmul.f32 v8, v60  }
0x389: {  	v3 =	vadd.f32 v5, v3;
	v5 =	vmul.f32 v8, v61  }
0x38a: {  	[tilespmem:v0+s5+$0x290 ss:$0x1] =	vst.idx.msk $0xffff, v4;
	v4 =	vadd.f32 v6, v62;
	v6 =	vmul.f32 v8, v63;
	v63 =	vld [tilespmem:$0x1FAE0]  }
0x38b: {  	[tilespmem:v0+s5+$0x2A0 ss:$0x1] =	vst.idx.msk $0xffff, v3;
	v3 =	vadd.f32 v5, v1;
	v1 =	vld [tilespmem:$0x1FAF0]  }
0x38c: {  	[tilespmem:v0+s5+$0x2B0 ss:$0x1] =	vst.idx.msk $0xffff, v4;
	v4 =	vld [tilespmem:$0x1FED0];
	_ =	sdelay $0x3  }
0x38d: {  	[tilespmem:v0+s5+$0x2C0 ss:$0x1] =	vst.idx.msk $0xffff, v3;
	v3 =	vld [tilespmem:$0x1FEE0]  }
0x38e: {  	v5 =	vmul.f32 v8, v63;
	v4 =	vadd.f32 v6, v4;
	v6 =	vmul.f32 v8, v1;
	v8 =	vld [tilespmem:$0x1FB00];
	_ =	sdelay $0x2  }
0x38f: {  	v7 =	vbroadcast v9, $0x6;
	_ =	sdelay $0x1  }
0x390: {  	v3 =	vadd.f32 v5, v3;
	v5 =	vmul.f32 v7, v8;
	v8 =	vld [tilespmem:$0x1FEF0];
	_ =	sdelay $0x2  }
0x391: {  	[tilespmem:v0+s5+$0x2D0 ss:$0x1] =	vst.idx.msk $0xffff, v4  }
0x392: {  	[tilespmem:v0+s5+$0x2E0 ss:$0x1] =	vst.idx.msk $0xffff, v3;
	v3 =	vld [tilespmem:$0x1FF00]  }
0x393: {  	v4 =	vadd.f32 v6, v8;
	v8 =	vld [tilespmem:$0x1FB20];
	_ =	sdelay $0x2  }
0x394: {  	v6 =	vld [tilespmem:$0x1FB10];
	_ =	sdelay $0x1  }
0x395: {  	v3 =	vadd.f32 v5, v3;
	v5 =	vmul.f32 v7, v8;
	v8 =	vld [tilespmem:$0x1FF10];
	_ =	sdelay $0x2  }
0x396: {  	v6 =	vmul.f32 v7, v6;
	_ =	sdelay $0x1  }
0x397: {  	[tilespmem:v0+s5+$0x2F0 ss:$0x1] =	vst.idx.msk $0xffff, v4;
	v4 =	vadd.f32 v6, v8;
	v6 =	vmul.f32 v7, v56;
	v56 =	vld [tilespmem:$0x1FF20]  }
0x398: {  	v8 =	vld [tilespmem:$0x1FB40];
	_ =	sdelay $0x4  }
0x399: {  	[tilespmem:v0+s5+$0x300 ss:$0x1] =	vst.idx.msk $0xffff, v3;
	v3 =	vadd.f32 v5, v56;
	v5 =	vmul.f32 v7, v8;
	v8 =	vld [tilespmem:$0x1FF30];
	_ =	sdelay $0x2  }
0x39a: {  	[tilespmem:v0+s5+$0x310 ss:$0x1] =	vst.idx.msk $0xffff, v4  }
0x39b: {  	[tilespmem:v0+s5+$0x320 ss:$0x1] =	vst.idx.msk $0xffff, v3;
	v3 =	vld [tilespmem:$0x1FF40]  }
0x39c: {  	v4 =	vadd.f32 v6, v8;
	v8 =	vld [tilespmem:$0x1FB60];
	_ =	sdelay $0x2  }
0x39d: {  	v6 =	vld [tilespmem:$0x1FB50]  }
0x39e: {  	v1 =	vbroadcast v9, $0x7;
	v9 =	vld [tilespmem:$0x1FB70]  }
0x39f: {  	v3 =	vadd.f32 v5, v3;
	v5 =	vmul.f32 v7, v8;
	v8 =	vld [tilespmem:$0x1FF50];
	_ =	sdelay $0x2  }
0x3a0: {  	[tilespmem:v0+s5+$0x330 ss:$0x1] =	vst.idx.msk $0xffff, v4;
	v6 =	vmul.f32 v7, v6  }
0x3a1: {  	[tilespmem:v0+s5+$0x340 ss:$0x1] =	vst.idx.msk $0xffff, v3;
	v3 =	vld [tilespmem:$0x1FF60]  }
0x3a2: {  	v4 =	vadd.f32 v6, v8;
	v6 =	vmul.f32 v7, v9;
	v9 =	vld [tilespmem:$0x1FB80];
	_ =	sdelay $0x3  }
0x3a3: {  	v8 =	vld [tilespmem:$0x1FF70]  }
0x3a4: {  	v3 =	vadd.f32 v5, v3;
	v5 =	vmul.f32 v1, v9;
	v9 =	vld [tilespmem:$0x1FB90];
	_ =	sdelay $0x2  }
0x3a5: {  	[tilespmem:v0+s5+$0x350 ss:$0x1] =	vst.idx.msk $0xffff, v4  }
0x3a6: {  	[tilespmem:v0+s5+$0x360 ss:$0x1] =	vst.idx.msk $0xffff, v3;
	v3 =	vld [tilespmem:$0x1FF80]  }
0x3a7: {  	v4 =	vadd.f32 v6, v8;
	v6 =	vmul.f32 v1, v9;
	v9 =	vld [tilespmem:$0x1FBA0];
	_ =	sdelay $0x3  }
0x3a8: {  	v8 =	vld [tilespmem:$0x1FF90]  }
0x3a9: {  	v3 =	vadd.f32 v5, v3;
	v5 =	vmul.f32 v1, v9;
	v9 =	vld [tilespmem:$0x1FBB0]  }
0x3aa: {  	[tilespmem:v0+s5+$0x370 ss:$0x1] =	vst.idx.msk $0xffff, v4  }
0x3ab: {  	[tilespmem:v0+s5+$0x380 ss:$0x1] =	vst.idx.msk $0xffff, v3;
	v3 =	vld [tilespmem:$0x1FFA0];
	_ =	sdelay $0x2  }
0x3ac: {  	v4 =	vadd.f32 v6, v8;
	v6 =	vmul.f32 v1, v9;
	v9 =	vld [tilespmem:$0x1FBC0];
	_ =	sdelay $0x1  }
0x3ad: {  	v3 =	vadd.f32 v5, v3  }
0x3ae: {  	v8 =	vld [tilespmem:$0x1FFB0];
	[tilespmem:v0+s5+$0x390 ss:$0x1] =	vst.idx.msk $0xffff, v4  }
0x3af: {  	[tilespmem:v0+s5+$0x3A0 ss:$0x1] =	vst.idx.msk $0xffff, v3;
	v3 =	vld [tilespmem:$0x1FFC0]  }
0x3b0: {  	v5 =	vmul.f32 v1, v9;
	v9 =	vld [tilespmem:$0x1FBD0];
	_ =	sdelay $0x3  }
0x3b1: {  	v4 =	vadd.f32 v6, v8  }
0x3b2: {  	v3 =	vadd.f32 v5, v3;
	v6 =	vmul.f32 v1, v9;
	v9 =	vld [tilespmem:$0x1FBE0]  }
0x3b3: {  	v8 =	vld [tilespmem:$0x1FFD0];
	[tilespmem:v0+s5+$0x3B0 ss:$0x1] =	vst.idx.msk $0xffff, v4  }
0x3b4: {  	[tilespmem:v0+s5+$0x3C0 ss:$0x1] =	vst.idx.msk $0xffff, v3;
	v3 =	vld [tilespmem:$0x1FFE0];
	_ =	sdelay $0x2  }
0x3b5: {  	v5 =	vmul.f32 v1, v9  }
0x3b6: {  	s28 =	sor.u32 $0x3, s4;
	v4 =	vadd.f32 v6, v8  }
0x3b7: {  	s29 =	sshll.u32 s28, $0x4;
	v3 =	vadd.f32 v5, v3  }
0x3b8: {  	s6 =	sor.u32 s3, s29;
	[tilespmem:v0+s5+$0x3D0 ss:$0x1] =	vst.idx.msk $0xffff, v4  }
0x3b9: {  	[tilespmem:v0+s5+$0x3E0 ss:$0x1] =	vst.idx.msk $0xffff, v3;
	v3 =	vld [tilespmem:s6+$0xC000];
	_ =	sdelay $0x2  }
0x3ba: {  	v9 =	vld [tilespmem:$0x1FBF0];
	_ =	sdelay $0x1  }
0x3bb: {  	v4 =	vbroadcast v3, $0x0;
	_ =	sdelay $0x1  }
0x3bc: {  	v5 =	vmul.f32 v4, v44;
	v44 =	vld [tilespmem:$0x1FFF0]  }
0x3bd: {  	v1 =	vmul.f32 v1, v9;
	v9 =	vld [tilespmem:$0x1FC00]  }
0x3be: {  	v49 =	vmul.f32 v4, v49  }
0x3bf: {  	v21 =	vmul.f32 v4, v21  }
0x3c0: {  	v6 =	vadd.f32 v49, v36;
	v36 =	vmul.f32 v4, v42  }
0x3c1: {  	s4 =	smul.u32 $0x3000, s28;
	v42 =	vadd.f32 v21, v43;
	v21 =	vmul.f32 v4, v27;
	v1 =	vadd.f32 v1, v44  }
0x3c2: {  	v5 =	vadd.f32 v5, v9;
	v49 =	vadd.f32 v36, v37;
	v36 =	vld [tilespmem:$0x1F870]  }
0x3c3: {  	s4 =	sshra.s32 s4, $0x2;
	v43 =	vmul.f32 v4, v26;
	v27 =	vadd.f32 v21, v38;
	v38 =	vld [tilespmem:$0x1F880];
	[tilespmem:v0+s5+$0x3F0 ss:$0x1] =	vst.idx.msk $0xffff, v1  }
0x3c4: {  	v1 =	vld [tilespmem:s6+$0xE000];
	[tilespmem:v0+s4+$0x0 ss:$0x1] =	vst.idx.msk $0xffff, v5  }
0x3c5: {  	v25 =	vadd.f32 v43, v25;
	v43 =	vld [tilespmem:$0x1F890];
	[tilespmem:v0+s4+$0x10 ss:$0x1] =	vst.idx.msk $0xffff, v6  }
0x3c6: {  	v26 =	vmul.f32 v4, v24;
	v9 =	vbroadcast v3, $0x1;
	[tilespmem:v0+s4+$0x20 ss:$0x1] =	vst.idx.msk $0xffff, v42;
	v42 =	vld [tilespmem:$0x1FC70]  }
0x3c7: {  	[tilespmem:v0+s4+$0x30 ss:$0x1] =	vst.idx.msk $0xffff, v49;
	v49 =	vld [tilespmem:$0x1FC80]  }
0x3c8: {  	v8 =	vld [tilespmem:$0x1FC90];
	v37 =	vadd.f32 v26, v57;
	v57 =	vmul.f32 v9, v10  }
0x3c9: {  	v10 =	vmul.f32 v9, v11;
	v11 =	vld [tilespmem:$0x1FCA0];
	v4 =	vmul.f32 v4, v36  }
0x3ca: {  	v12 =	vmul.f32 v9, v12;
	v21 =	vld [tilespmem:$0x1FCB0];
	v7 =	vmul.f32 v9, v38;
	[tilespmem:v0+s4+$0x40 ss:$0x1] =	vst.idx.msk $0xffff, v25  }
0x3cb: {  	v6 =	vmul.f32 v9, v43;
	v25 =	vld [tilespmem:$0x1FCC0];
	[tilespmem:v0+s4+$0x50 ss:$0x1] =	vst.idx.msk $0xffff, v27;
	v4 =	vadd.f32 v4, v42  }
0x3cc: {  	v26 =	vmul.f32 v9, v14;
	v36 =	vld [tilespmem:$0x1FCD0];
	[tilespmem:v0+s4+$0x60 ss:$0x1] =	vst.idx.msk $0xffff, v37;
	v5 =	vadd.f32 v7, v49  }
0x3cd: {  	v24 =	vmul.f32 v9, v13;
	[tilespmem:v0+s4+$0x70 ss:$0x1] =	vst.idx.msk $0xffff, v4;
	v4 =	vadd.f32 v6, v8  }
0x3ce: {  	v13 =	vld [tilespmem:$0x1FD30];
	v38 =	vadd.f32 v26, v33;
	v27 =	vbroadcast v3, $0x2;
	[tilespmem:v0+s4+$0x80 ss:$0x1] =	vst.idx.msk $0xffff, v5;
	v5 =	vadd.f32 v57, v11  }
0x3cf: {  	v37 =	vmul.f32 v9, v15;
	v49 =	vld [tilespmem:$0x1FD00];
	[tilespmem:v0+s4+$0x90 ss:$0x1] =	vst.idx.msk $0xffff, v4;
	v4 =	vadd.f32 v10, v21  }
0x3d0: {  	v26 =	vld [tilespmem:$0x1FD80];
	v42 =	vmul.f32 v27, v28;
	[tilespmem:v0+s4+$0xA0 ss:$0x1] =	vst.idx.msk $0xffff, v5;
	v5 =	vadd.f32 v12, v25  }
0x3d1: {  	v45 =	vmul.f32 v27, v45;
	v11 =	vld [tilespmem:$0x1FD20];
	[tilespmem:v0+s4+$0xB0 ss:$0x1] =	vst.idx.msk $0xffff, v4;
	v4 =	vadd.f32 v24, v36  }
0x3d2: {  	v15 =	vld [tilespmem:$0x1FD40];
	v14 =	vmul.f32 v27, v17;
	v43 =	vadd.f32 v37, v40;
	[tilespmem:v0+s4+$0xC0 ss:$0x1] =	vst.idx.msk $0xffff, v5  }
0x3d3: {  	v57 =	vmul.f32 v27, v22;
	v22 =	vld [tilespmem:$0x1FD60];
	v12 =	vmul.f32 v27, v16;
	[tilespmem:v0+s4+$0xD0 ss:$0x1] =	vst.idx.msk $0xffff, v4  }
0x3d4: {  	v16 =	vmul.f32 v27, v18;
	v18 =	vld [tilespmem:$0x1FD50];
	v5 =	vadd.f32 v42, v49;
	[tilespmem:v0+s4+$0xE0 ss:$0x1] =	vst.idx.msk $0xffff, v38  }
0x3d5: {  	v17 =	vbroadcast v3, $0x3;
	v9 =	vadd.f32 v45, v41;
	v10 =	vmul.f32 v27, v23;
	v25 =	vld [tilespmem:$0x1F990];
	[tilespmem:v0+s4+$0xF0 ss:$0x1] =	vst.idx.msk $0xffff, v43  }
0x3d6: {  	v24 =	vld [tilespmem:$0x1FD70];
	[tilespmem:v0+s4+$0x100 ss:$0x1] =	vst.idx.msk $0xffff, v5;
	v5 =	vadd.f32 v57, v11  }
0x3d7: {  	v33 =	vld [tilespmem:$0x1F9C0];
	v40 =	vmul.f32 v17, v31;
	v4 =	vadd.f32 v10, v13;
	[tilespmem:v0+s4+$0x110 ss:$0x1] =	vst.idx.msk $0xffff, v9  }
0x3d8: {  	v37 =	vld [tilespmem:$0x1F9D0];
	v21 =	vmul.f32 v27, v19;
	[tilespmem:v0+s4+$0x120 ss:$0x1] =	vst.idx.msk $0xffff, v5;
	v5 =	vadd.f32 v12, v15  }
0x3d9: {  	v45 =	vadd.f32 v40, v51;
	v51 =	vld [tilespmem:$0x1FE00];
	[tilespmem:v0+s4+$0x130 ss:$0x1] =	vst.idx.msk $0xffff, v4;
	v4 =	vadd.f32 v14, v18  }
0x3da: {  	v23 =	vmul.f32 v17, v20;
	v36 =	vld [tilespmem:$0x1FDB0];
	[tilespmem:v0+s4+$0x140 ss:$0x1] =	vst.idx.msk $0xffff, v5;
	v5 =	vadd.f32 v16, v22  }
0x3db: {  	v38 =	vld [tilespmem:$0x1FDC0];
	v6 =	vmul.f32 v17, v25;
	[tilespmem:v0+s4+$0x150 ss:$0x1] =	vst.idx.msk $0xffff, v4;
	v4 =	vadd.f32 v21, v24  }
0x3dc: {  	v27 =	vmul.f32 v17, v29;
	v49 =	vld [tilespmem:$0x1FDF0];
	[tilespmem:v0+s4+$0x160 ss:$0x1] =	vst.idx.msk $0xffff, v5;
	v5 =	vadd.f32 v23, v26  }
0x3dd: {  	v29 =	vmul.f32 v17, v30;
	v28 =	vadd.f32 v6, v48;
	v48 =	vld [tilespmem:$0x1FA00];
	[tilespmem:v0+s4+$0x170 ss:$0x1] =	vst.idx.msk $0xffff, v4  }
0x3de: {  	v7 =	vmul.f32 v17, v33;
	v30 =	vadd.f32 v27, v50;
	v50 =	vld [tilespmem:$0x1FA10];
	[tilespmem:v0+s4+$0x180 ss:$0x1] =	vst.idx.msk $0xffff, v5  }
0x3df: {  	v57 =	vld [tilespmem:$0x1FA20];
	v6 =	vmul.f32 v17, v37;
	v4 =	vadd.f32 v29, v36;
	[tilespmem:v0+s4+$0x190 ss:$0x1] =	vst.idx.msk $0xffff, v28  }
0x3e0: {  	v41 =	vbroadcast v3, $0x4;
	v10 =	vld [tilespmem:$0x1FA30];
	v5 =	vadd.f32 v7, v38;
	[tilespmem:v0+s4+$0x1A0 ss:$0x1] =	vst.idx.msk $0xffff, v30  }
0x3e1: {  	v43 =	vmul.f32 v17, v32;
	v11 =	vld [tilespmem:$0x1FE20];
	v42 =	vadd.f32 v6, v34;
	[tilespmem:v0+s4+$0x1B0 ss:$0x1] =	vst.idx.msk $0xffff, v4  }
0x3e2: {  	v7 =	vmul.f32 v41, v48;
	[tilespmem:v0+s4+$0x1C0 ss:$0x1] =	vst.idx.msk $0xffff, v5  }
0x3e3: {  	v6 =	vmul.f32 v41, v50;
	v4 =	vadd.f32 v43, v49;
	[tilespmem:v0+s4+$0x1D0 ss:$0x1] =	vst.idx.msk $0xffff, v42  }
0x3e4: {  	v5 =	vadd.f32 v7, v51;
	v7 =	vmul.f32 v41, v57;
	[tilespmem:v0+s4+$0x1E0 ss:$0x1] =	vst.idx.msk $0xffff, v45  }
0x3e5: {  	v9 =	vadd.f32 v6, v53;
	v6 =	vmul.f32 v41, v10;
	[tilespmem:v0+s4+$0x1F0 ss:$0x1] =	vst.idx.msk $0xffff, v4  }
0x3e6: {  	[tilespmem:v0+s4+$0x200 ss:$0x1] =	vst.idx.msk $0xffff, v5;
	v5 =	vadd.f32 v7, v11  }
0x3e7: {  	v13 =	vadd.f32 v6, v35;
	[tilespmem:v0+s4+$0x210 ss:$0x1] =	vst.idx.msk $0xffff, v9  }
0x3e8: {  	v12 =	vld [tilespmem:$0x1FA40];
	[tilespmem:v0+s4+$0x220 ss:$0x1] =	vst.idx.msk $0xffff, v5  }
0x3e9: {  	(v2sf) =	vpush v2, $0x0;
	v14 =	vld [tilespmem:$0x1FA50];
	[tilespmem:v0+s4+$0x230 ss:$0x1] =	vst.idx.msk $0xffff, v13  }
0x3ea: {  	v20 =	vld [tilespmem:$0x1FE60]  }
0x3eb: {  	v24 =	vld [tilespmem:$0x1FE80]  }
0x3ec: {  	v26 =	vld [tilespmem:$0x1FE90]  }
0x3ed: {  	v19 =	vmul.f32 v41, v46;
	v7 =	vmul.f32 v41, v12;
	(v2sf) =	vpush v2, $0x1;
	v28 =	vld [tilespmem:$0x1FEA0]  }
0x3ee: {  	v17 =	vbroadcast v3, $0x5;
	v6 =	vmul.f32 v41, v14;
	v31 =	vld [tilespmem:$0x1FAD0];
	(v2sf) =	vpush v2, $0x2  }
0x3ef: {  	v16 =	vmul.f32 v41, v39;
	v15 =	vadd.f32 v7, v55;
	v32 =	vld [tilespmem:$0x1FEC0];
	(v2sf) =	vpush v2, $0x3  }
0x3f0: {  	v25 =	vmul.f32 v17, v59;
	v18 =	vadd.f32 v6, v47;
	v35 =	vld [tilespmem:$0x1FED0];
	(v2sf) =	vpush v2, $0x4  }
0x3f1: {  	v21 =	vmul.f32 v17, v52;
	v36 =	vld [tilespmem:$0x1FAF0];
	[tilespmem:v0+s4+$0x240 ss:$0x1] =	vst.idx.msk $0xffff, v15;
	(v2sf) =	vpush v2, $0x5;
	v5 =	vadd.f32 v16, v20  }
0x3f2: {  	v22 =	vadd.f32 v19, v54;
	v23 =	vmul.f32 v17, v58;
	v37 =	vld [tilespmem:$0x1FEE0];
	[tilespmem:v0+s4+$0x250 ss:$0x1] =	vst.idx.msk $0xffff, v18;
	(v2sf) =	vpush v2, $0x6  }
0x3f3: {  	v27 =	vmul.f32 v17, v60;
	v38 =	vld [tilespmem:$0x1FB00];
	(v2sf) =	vpush v2, $0x7;
	[tilespmem:v0+s4+$0x260 ss:$0x1] =	vst.idx.msk $0xffff, v5;
	v5 =	vadd.f32 v21, v24  }
0x3f4: {  	v33 =	vmul.f32 v17, v63;
	v39 =	vld [tilespmem:$0x1FEF0];
	v4 =	vadd.f32 v23, v26;
	(v2sf) =	vpush v2, $0x8;
	[tilespmem:v0+s4+$0x270 ss:$0x1] =	vst.idx.msk $0xffff, v22  }
0x3f5: {  	v29 =	vmul.f32 v17, v61;
	v40 =	vld [tilespmem:$0x1FB10];
	(v2sf) =	vpush v2, $0x9;
	[tilespmem:v0+s4+$0x280 ss:$0x1] =	vst.idx.msk $0xffff, v5;
	v5 =	vadd.f32 v25, v28  }
0x3f6: {  	v30 =	vadd.f32 v27, v62;
	v41 =	vld [tilespmem:$0x1FF00];
	v6 =	vmul.f32 v17, v31;
	(v2sf) =	vpush v2, $0xA;
	[tilespmem:v0+s4+$0x290 ss:$0x1] =	vst.idx.msk $0xffff, v4  }
0x3f7: {  	v34 =	vbroadcast v3, $0x6;
	(v2sf) =	vpush v2, $0xB;
	v2 =	vld [tilespmem:$0x1FF10];
	[tilespmem:v0+s4+$0x2A0 ss:$0x1] =	vst.idx.msk $0xffff, v5;
	v5 =	vadd.f32 v29, v32  }
0x3f8: {  	v4 =	vadd.f32 v6, v35;
	v6 =	vmul.f32 v17, v36;
	[tilespmem:v0+s4+$0x2B0 ss:$0x1] =	vst.idx.msk $0xffff, v30  }
0x3f9: {  	v7 =	vmul.f32 v34, v38;
	[tilespmem:v0+s4+$0x2C0 ss:$0x1] =	vst.idx.msk $0xffff, v5;
	v5 =	vadd.f32 v33, v37  }
0x3fa: {  	[tilespmem:v0+s4+$0x2D0 ss:$0x1] =	vst.idx.msk $0xffff, v4;
	v4 =	vadd.f32 v6, v39;
	v6 =	vmul.f32 v34, v40  }
0x3fb: {  	v42 =	vld [tilespmem:$0x1FB20];
	[tilespmem:v0+s4+$0x2E0 ss:$0x1] =	vst.idx.msk $0xffff, v5;
	v5 =	vadd.f32 v7, v41  }
0x3fc: {  	v43 =	vld [tilespmem:$0x1FB30];
	[tilespmem:v0+s4+$0x2F0 ss:$0x1] =	vst.idx.msk $0xffff, v4;
	v2 =	vadd.f32 v6, v2  }
0x3fd: {  	[tilespmem:v0+s4+$0x300 ss:$0x1] =	vst.idx.msk $0xffff, v5  }
0x3fe: {  	[tilespmem:v0+s4+$0x310 ss:$0x1] =	vst.idx.msk $0xffff, v2;
	v2 =	vld [tilespmem:$0x1FF30];
	_ =	sdelay $0x1  }
0x3ff: {  	v7 =	vmul.f32 v34, v42  }
0x400: {  	v4 =	vmul.f32 v34, v43  }
0x401: {  	v46 =	vld [tilespmem:$0x1FB40];
	v45 =	vadd.f32 v7, v56  }
0x402: {  	v47 =	vld [tilespmem:$0x1FB50];
	v2 =	vadd.f32 v4, v2  }
0x403: {  	v48 =	vld [tilespmem:$0x1FF40];
	[tilespmem:v0+s4+$0x320 ss:$0x1] =	vst.idx.msk $0xffff, v45  }
0x404: {  	[tilespmem:v0+s4+$0x330 ss:$0x1] =	vst.idx.msk $0xffff, v2;
	v2 =	vld [tilespmem:$0x1FF50];
	_ =	sdelay $0x1  }
0x405: {  	v6 =	vmul.f32 v34, v46  }
0x406: {  	v4 =	vmul.f32 v34, v47  }
0x407: {  	v49 =	vld [tilespmem:$0x1FB60];
	v5 =	vadd.f32 v6, v48  }
0x408: {  	v50 =	vld [tilespmem:$0x1FB70];
	v2 =	vadd.f32 v4, v2  }
0x409: {  	v51 =	vld [tilespmem:$0x1FF60];
	[tilespmem:v0+s4+$0x340 ss:$0x1] =	vst.idx.msk $0xffff, v5  }
0x40a: {  	[tilespmem:v0+s4+$0x350 ss:$0x1] =	vst.idx.msk $0xffff, v2;
	v2 =	vld [tilespmem:$0x1FF70];
	_ =	sdelay $0x1  }
0x40b: {  	v6 =	vmul.f32 v34, v49  }
0x40c: {  	v4 =	vmul.f32 v34, v50  }
0x40d: {  	v52 =	vld [tilespmem:$0x1FB80];
	v5 =	vadd.f32 v6, v51  }
0x40e: {  	v53 =	vld [tilespmem:$0x1FB90];
	v2 =	vadd.f32 v4, v2  }
0x40f: {  	v54 =	vld [tilespmem:$0x1FF80];
	[tilespmem:v0+s4+$0x360 ss:$0x1] =	vst.idx.msk $0xffff, v5  }
0x410: {  	v3 =	vbroadcast v3, $0x7;
	[tilespmem:v0+s4+$0x370 ss:$0x1] =	vst.idx.msk $0xffff, v2;
	v2 =	vld [tilespmem:$0x1FF90];
	_ =	sdelay $0x1  }
0x411: {  	v6 =	vmul.f32 v3, v52  }
0x412: {  	v4 =	vmul.f32 v3, v53  }
0x413: {  	v55 =	vld [tilespmem:$0x1FBA0];
	v5 =	vadd.f32 v6, v54  }
0x414: {  	v56 =	vld [tilespmem:$0x1FBB0];
	v2 =	vadd.f32 v4, v2  }
0x415: {  	v57 =	vld [tilespmem:$0x1FFA0];
	[tilespmem:v0+s4+$0x380 ss:$0x1] =	vst.idx.msk $0xffff, v5  }
0x416: {  	[tilespmem:v0+s4+$0x390 ss:$0x1] =	vst.idx.msk $0xffff, v2;
	v2 =	vld [tilespmem:$0x1FFB0]  }
0x417: {  	(v2sf) =	vpush v1, $0x0  }
0x418: {  	v58 =	vld [tilespmem:$0x1FBC0];
	v6 =	vmul.f32 v3, v55  }
0x419: {  	v59 =	vld [tilespmem:$0x1FBD0];
	v4 =	vmul.f32 v3, v56  }
0x41a: {  	s29 =	spop (v2sf);
	v60 =	vld [tilespmem:$0x1FFC0];
	v5 =	vadd.f32 v6, v57  }
0x41b: {  	v61 =	vld [tilespmem:$0x1FBE0];
	s28 =	spop (v2sf);
	v2 =	vadd.f32 v4, v2  }
0x41c: {  	v62 =	vld [tilespmem:$0x1FBF0];
	s26 =	spop (v2sf);
	[tilespmem:v0+s4+$0x3A0 ss:$0x1] =	vst.idx.msk $0xffff, v5  }
0x41d: {  	s25 =	spop (v2sf);
	[tilespmem:v0+s4+$0x3B0 ss:$0x1] =	vst.idx.msk $0xffff, v2;
	v2 =	vld [tilespmem:$0x1FFD0]  }
0x41e: {  	v63 =	vld [tilespmem:$0x1FFE0];
	s24 =	spop (v2sf)  }
0x41f: {  	s23 =	spop (v2sf);
	v6 =	vmul.f32 v3, v58  }
0x420: {  	s22 =	spop (v2sf);
	v4 =	vmul.f32 v3, v59  }
0x421: {  	s21 =	spop (v2sf);
	v5 =	vadd.f32 v6, v60;
	v6 =	vmul.f32 v3, v61  }
0x422: {  	s19 =	spop (v2sf);
	v3 =	vmul.f32 v3, v62;
	v2 =	vadd.f32 v4, v2  }
0x423: {  	s9 =	spop (v2sf);
	[tilespmem:v0+s4+$0x3C0 ss:$0x1] =	vst.idx.msk $0xffff, v5;
	v4 =	vadd.f32 v6, v63  }
0x424: {  	s8 =	spop (v2sf);
	[tilespmem:v0+s4+$0x3D0 ss:$0x1] =	vst.idx.msk $0xffff, v2;
	v2 =	vadd.f32 v3, v44  }
0x425: {  	s6 =	spop (v2sf);
	[tilespmem:v0+s4+$0x3E0 ss:$0x1] =	vst.idx.msk $0xffff, v4  }
0x426: {  	s30 =	spop (v2sf);
	v3 =	vld [tilespmem:s29+$0x10E00];
	[tilespmem:v0+s4+$0x3F0 ss:$0x1] =	vst.idx.msk $0xffff, v2  }
0x427: {  	v2 =	vld [tilespmem:s30+$0x10E00];
	_ =	sdelay $0x3  }
0x428: {  	[tilespmem:v0+s5+$0x400 ss:$0x1] =	vst.idx.msk $0xffff, v3  }
0x429: {  	v3 =	vld [tilespmem:s29+$0x10E10];
	[tilespmem:v0+s4+$0x400 ss:$0x1] =	vst.idx.msk $0xffff, v2  }
0x42a: {  	v2 =	vld [tilespmem:s30+$0x10E10];
	_ =	sdelay $0x3  }
0x42b: {  	[tilespmem:v0+s5+$0x410 ss:$0x1] =	vst.idx.msk $0xffff, v3  }
0x42c: {  	v3 =	vld [tilespmem:s29+$0x10E20];
	[tilespmem:v0+s4+$0x410 ss:$0x1] =	vst.idx.msk $0xffff, v2  }
0x42d: {  	v2 =	vld [tilespmem:s30+$0x10E20];
	_ =	sdelay $0x3  }
0x42e: {  	[tilespmem:v0+s5+$0x420 ss:$0x1] =	vst.idx.msk $0xffff, v3  }
0x42f: {  	v3 =	vld [tilespmem:s29+$0x10E30];
	[tilespmem:v0+s4+$0x420 ss:$0x1] =	vst.idx.msk $0xffff, v2  }
0x430: {  	v2 =	vld [tilespmem:s30+$0x10E30];
	_ =	sdelay $0x3  }
0x431: {  	[tilespmem:v0+s5+$0x430 ss:$0x1] =	vst.idx.msk $0xffff, v3  }
0x432: {  	v3 =	vld [tilespmem:s29+$0x10E40];
	[tilespmem:v0+s4+$0x430 ss:$0x1] =	vst.idx.msk $0xffff, v2  }
0x433: {  	v2 =	vld [tilespmem:s30+$0x10E40];
	_ =	sdelay $0x3  }
0x434: {  	[tilespmem:v0+s5+$0x440 ss:$0x1] =	vst.idx.msk $0xffff, v3  }
0x435: {  	v3 =	vld [tilespmem:s29+$0x10E50];
	[tilespmem:v0+s4+$0x440 ss:$0x1] =	vst.idx.msk $0xffff, v2  }
0x436: {  	v2 =	vld [tilespmem:s30+$0x10E50];
	_ =	sdelay $0x1  }
0x437: {  	(v2sf) =	vpush v1, $0x1;
	_ =	sdelay $0x1  }
0x438: {  	[tilespmem:v0+s5+$0x450 ss:$0x1] =	vst.idx.msk $0xffff, v3  }
0x439: {  	v3 =	vld [tilespmem:s29+$0x10E60];
	[tilespmem:v0+s4+$0x450 ss:$0x1] =	vst.idx.msk $0xffff, v2  }
0x43a: {  	v2 =	vld [tilespmem:s30+$0x10E60];
	_ =	sdelay $0x3  }
0x43b: {  	[tilespmem:v0+s5+$0x460 ss:$0x1] =	vst.idx.msk $0xffff, v3  }
0x43c: {  	v3 =	vld [tilespmem:s29+$0x10E70];
	[tilespmem:v0+s4+$0x460 ss:$0x1] =	vst.idx.msk $0xffff, v2  }
0x43d: {  	v2 =	vld [tilespmem:s30+$0x10E70];
	_ =	sdelay $0x3  }
0x43e: {  	[tilespmem:v0+s5+$0x470 ss:$0x1] =	vst.idx.msk $0xffff, v3  }
0x43f: {  	s30 =	spop (v2sf);
	v3 =	vld [tilespmem:s28+$0x15980];
	[tilespmem:v0+s4+$0x470 ss:$0x1] =	vst.idx.msk $0xffff, v2  }
0x440: {  	v2 =	vld [tilespmem:s30+$0x15980];
	_ =	sdelay $0x3  }
0x441: {  	[tilespmem:v0+s5+$0x480 ss:$0x1] =	vst.idx.msk $0xffff, v3  }
0x442: {  	v3 =	vld [tilespmem:s28+$0x15990];
	[tilespmem:v0+s4+$0x480 ss:$0x1] =	vst.idx.msk $0xffff, v2  }
0x443: {  	v2 =	vld [tilespmem:s30+$0x15990];
	_ =	sdelay $0x3  }
0x444: {  	[tilespmem:v0+s5+$0x490 ss:$0x1] =	vst.idx.msk $0xffff, v3  }
0x445: {  	v3 =	vld [tilespmem:s28+$0x159A0];
	[tilespmem:v0+s4+$0x490 ss:$0x1] =	vst.idx.msk $0xffff, v2  }
0x446: {  	v2 =	vld [tilespmem:s30+$0x159A0];
	_ =	sdelay $0x3  }
0x447: {  	[tilespmem:v0+s5+$0x4A0 ss:$0x1] =	vst.idx.msk $0xffff, v3  }
0x448: {  	v3 =	vld [tilespmem:s28+$0x159B0];
	[tilespmem:v0+s4+$0x4A0 ss:$0x1] =	vst.idx.msk $0xffff, v2  }
0x449: {  	v2 =	vld [tilespmem:s30+$0x159B0];
	_ =	sdelay $0x3  }
0x44a: {  	[tilespmem:v0+s5+$0x4B0 ss:$0x1] =	vst.idx.msk $0xffff, v3  }
0x44b: {  	v3 =	vld [tilespmem:s28+$0x159C0];
	[tilespmem:v0+s4+$0x4B0 ss:$0x1] =	vst.idx.msk $0xffff, v2  }
0x44c: {  	v2 =	vld [tilespmem:s30+$0x159C0];
	_ =	sdelay $0x3  }
0x44d: {  	[tilespmem:v0+s5+$0x4C0 ss:$0x1] =	vst.idx.msk $0xffff, v3  }
0x44e: {  	v3 =	vld [tilespmem:s28+$0x159D0];
	[tilespmem:v0+s4+$0x4C0 ss:$0x1] =	vst.idx.msk $0xffff, v2  }
0x44f: {  	v2 =	vld [tilespmem:s30+$0x159D0];
	_ =	sdelay $0x1  }
0x450: {  	(v2sf) =	vpush v1, $0x2;
	_ =	sdelay $0x1  }
0x451: {  	[tilespmem:v0+s5+$0x4D0 ss:$0x1] =	vst.idx.msk $0xffff, v3  }
0x452: {  	v3 =	vld [tilespmem:s28+$0x159E0];
	[tilespmem:v0+s4+$0x4D0 ss:$0x1] =	vst.idx.msk $0xffff, v2  }
0x453: {  	v2 =	vld [tilespmem:s30+$0x159E0];
	_ =	sdelay $0x3  }
0x454: {  	[tilespmem:v0+s5+$0x4E0 ss:$0x1] =	vst.idx.msk $0xffff, v3  }
0x455: {  	v3 =	vld [tilespmem:s28+$0x159F0];
	[tilespmem:v0+s4+$0x4E0 ss:$0x1] =	vst.idx.msk $0xffff, v2  }
0x456: {  	v2 =	vld [tilespmem:s30+$0x159F0];
	_ =	sdelay $0x3  }
0x457: {  	[tilespmem:v0+s5+$0x4F0 ss:$0x1] =	vst.idx.msk $0xffff, v3  }
0x458: {  	s30 =	spop (v2sf);
	v3 =	vld [tilespmem:s26+$0x18C00];
	[tilespmem:v0+s4+$0x4F0 ss:$0x1] =	vst.idx.msk $0xffff, v2  }
0x459: {  	v2 =	vld [tilespmem:s30+$0x18C00];
	_ =	sdelay $0x3  }
0x45a: {  	[tilespmem:v0+s5+$0x500 ss:$0x1] =	vst.idx.msk $0xffff, v3  }
0x45b: {  	v3 =	vld [tilespmem:s26+$0x18C10];
	[tilespmem:v0+s4+$0x500 ss:$0x1] =	vst.idx.msk $0xffff, v2  }
0x45c: {  	v2 =	vld [tilespmem:s30+$0x18C10];
	_ =	sdelay $0x3  }
0x45d: {  	[tilespmem:v0+s5+$0x510 ss:$0x1] =	vst.idx.msk $0xffff, v3  }
0x45e: {  	v3 =	vld [tilespmem:s26+$0x18C20];
	[tilespmem:v0+s4+$0x510 ss:$0x1] =	vst.idx.msk $0xffff, v2  }
0x45f: {  	v2 =	vld [tilespmem:s30+$0x18C20];
	_ =	sdelay $0x3  }
0x460: {  	[tilespmem:v0+s5+$0x520 ss:$0x1] =	vst.idx.msk $0xffff, v3  }
0x461: {  	v3 =	vld [tilespmem:s26+$0x18C30];
	[tilespmem:v0+s4+$0x520 ss:$0x1] =	vst.idx.msk $0xffff, v2  }
0x462: {  	v2 =	vld [tilespmem:s30+$0x18C30];
	_ =	sdelay $0x3  }
0x463: {  	[tilespmem:v0+s5+$0x530 ss:$0x1] =	vst.idx.msk $0xffff, v3  }
0x464: {  	v3 =	vld [tilespmem:s26+$0x18C40];
	[tilespmem:v0+s4+$0x530 ss:$0x1] =	vst.idx.msk $0xffff, v2  }
0x465: {  	v2 =	vld [tilespmem:s30+$0x18C40];
	_ =	sdelay $0x3  }
0x466: {  	[tilespmem:v0+s5+$0x540 ss:$0x1] =	vst.idx.msk $0xffff, v3  }
0x467: {  	v3 =	vld [tilespmem:s26+$0x18C50];
	[tilespmem:v0+s4+$0x540 ss:$0x1] =	vst.idx.msk $0xffff, v2  }
0x468: {  	v2 =	vld [tilespmem:s30+$0x18C50];
	_ =	sdelay $0x1  }
0x469: {  	(v2sf) =	vpush v1, $0x3;
	_ =	sdelay $0x1  }
0x46a: {  	[tilespmem:v0+s5+$0x550 ss:$0x1] =	vst.idx.msk $0xffff, v3  }
0x46b: {  	v3 =	vld [tilespmem:s26+$0x18C60];
	[tilespmem:v0+s4+$0x550 ss:$0x1] =	vst.idx.msk $0xffff, v2  }
0x46c: {  	v2 =	vld [tilespmem:s30+$0x18C60];
	_ =	sdelay $0x3  }
0x46d: {  	[tilespmem:v0+s5+$0x560 ss:$0x1] =	vst.idx.msk $0xffff, v3  }
0x46e: {  	v3 =	vld [tilespmem:s26+$0x18C70];
	[tilespmem:v0+s4+$0x560 ss:$0x1] =	vst.idx.msk $0xffff, v2  }
0x46f: {  	v2 =	vld [tilespmem:s30+$0x18C70];
	_ =	sdelay $0x3  }
0x470: {  	[tilespmem:v0+s5+$0x570 ss:$0x1] =	vst.idx.msk $0xffff, v3  }
0x471: {  	s28 =	spop (v2sf);
	v3 =	vld [tilespmem:s25+$0x19680];
	[tilespmem:v0+s4+$0x570 ss:$0x1] =	vst.idx.msk $0xffff, v2  }
0x472: {  	v2 =	vld [tilespmem:s28+$0x19680];
	_ =	sdelay $0x3  }
0x473: {  	[tilespmem:v0+s5+$0x580 ss:$0x1] =	vst.idx.msk $0xffff, v3  }
0x474: {  	v3 =	vld [tilespmem:s25+$0x19690];
	[tilespmem:v0+s4+$0x580 ss:$0x1] =	vst.idx.msk $0xffff, v2  }
0x475: {  	v2 =	vld [tilespmem:s28+$0x19690];
	_ =	sdelay $0x3  }
0x476: {  	[tilespmem:v0+s5+$0x590 ss:$0x1] =	vst.idx.msk $0xffff, v3  }
0x477: {  	v3 =	vld [tilespmem:s25+$0x196A0];
	[tilespmem:v0+s4+$0x590 ss:$0x1] =	vst.idx.msk $0xffff, v2  }
0x478: {  	v2 =	vld [tilespmem:s28+$0x196A0];
	_ =	sdelay $0x3  }
0x479: {  	[tilespmem:v0+s5+$0x5A0 ss:$0x1] =	vst.idx.msk $0xffff, v3  }
0x47a: {  	v3 =	vld [tilespmem:s25+$0x196B0];
	[tilespmem:v0+s4+$0x5A0 ss:$0x1] =	vst.idx.msk $0xffff, v2  }
0x47b: {  	v2 =	vld [tilespmem:s28+$0x196B0];
	_ =	sdelay $0x3  }
0x47c: {  	[tilespmem:v0+s5+$0x5B0 ss:$0x1] =	vst.idx.msk $0xffff, v3  }
0x47d: {  	v3 =	vld [tilespmem:s25+$0x196C0];
	[tilespmem:v0+s4+$0x5B0 ss:$0x1] =	vst.idx.msk $0xffff, v2  }
0x47e: {  	v2 =	vld [tilespmem:s28+$0x196C0];
	_ =	sdelay $0x3  }
0x47f: {  	[tilespmem:v0+s5+$0x5C0 ss:$0x1] =	vst.idx.msk $0xffff, v3  }
0x480: {  	v3 =	vld [tilespmem:s25+$0x196D0];
	[tilespmem:v0+s4+$0x5C0 ss:$0x1] =	vst.idx.msk $0xffff, v2  }
0x481: {  	v2 =	vld [tilespmem:s28+$0x196D0];
	_ =	sdelay $0x1  }
0x482: {  	(v2sf) =	vpush v1, $0x4;
	_ =	sdelay $0x1  }
0x483: {  	[tilespmem:v0+s5+$0x5D0 ss:$0x1] =	vst.idx.msk $0xffff, v3  }
0x484: {  	v3 =	vld [tilespmem:s25+$0x196E0];
	[tilespmem:v0+s4+$0x5D0 ss:$0x1] =	vst.idx.msk $0xffff, v2  }
0x485: {  	v2 =	vld [tilespmem:s28+$0x196E0];
	_ =	sdelay $0x3  }
0x486: {  	[tilespmem:v0+s5+$0x5E0 ss:$0x1] =	vst.idx.msk $0xffff, v3  }
0x487: {  	v3 =	vld [tilespmem:s25+$0x196F0];
	[tilespmem:v0+s4+$0x5E0 ss:$0x1] =	vst.idx.msk $0xffff, v2  }
0x488: {  	v2 =	vld [tilespmem:s28+$0x196F0];
	_ =	sdelay $0x3  }
0x489: {  	[tilespmem:v0+s5+$0x5F0 ss:$0x1] =	vst.idx.msk $0xffff, v3  }
0x48a: {  	s29 =	spop (v2sf);
	v3 =	vld [tilespmem:s24+$0x19900];
	[tilespmem:v0+s4+$0x5F0 ss:$0x1] =	vst.idx.msk $0xffff, v2  }
0x48b: {  	v2 =	vld [tilespmem:s29+$0x19900];
	_ =	sdelay $0x3  }
0x48c: {  	[tilespmem:v0+s5+$0x600 ss:$0x1] =	vst.idx.msk $0xffff, v3  }
0x48d: {  	v3 =	vld [tilespmem:s24+$0x19910];
	[tilespmem:v0+s4+$0x600 ss:$0x1] =	vst.idx.msk $0xffff, v2  }
0x48e: {  	v2 =	vld [tilespmem:s29+$0x19910];
	_ =	sdelay $0x3  }
0x48f: {  	[tilespmem:v0+s5+$0x610 ss:$0x1] =	vst.idx.msk $0xffff, v3  }
0x490: {  	v3 =	vld [tilespmem:s24+$0x19920];
	[tilespmem:v0+s4+$0x610 ss:$0x1] =	vst.idx.msk $0xffff, v2  }
0x491: {  	v2 =	vld [tilespmem:s29+$0x19920];
	_ =	sdelay $0x3  }
0x492: {  	[tilespmem:v0+s5+$0x620 ss:$0x1] =	vst.idx.msk $0xffff, v3  }
0x493: {  	v3 =	vld [tilespmem:s24+$0x19930];
	[tilespmem:v0+s4+$0x620 ss:$0x1] =	vst.idx.msk $0xffff, v2  }
0x494: {  	v2 =	vld [tilespmem:s29+$0x19930];
	_ =	sdelay $0x3  }
0x495: {  	[tilespmem:v0+s5+$0x630 ss:$0x1] =	vst.idx.msk $0xffff, v3  }
0x496: {  	v3 =	vld [tilespmem:s24+$0x19940];
	[tilespmem:v0+s4+$0x630 ss:$0x1] =	vst.idx.msk $0xffff, v2  }
0x497: {  	v2 =	vld [tilespmem:s29+$0x19940];
	_ =	sdelay $0x3  }
0x498: {  	[tilespmem:v0+s5+$0x640 ss:$0x1] =	vst.idx.msk $0xffff, v3  }
0x499: {  	v3 =	vld [tilespmem:s24+$0x19950];
	[tilespmem:v0+s4+$0x640 ss:$0x1] =	vst.idx.msk $0xffff, v2  }
0x49a: {  	v2 =	vld [tilespmem:s29+$0x19950];
	_ =	sdelay $0x1  }
0x49b: {  	(v2sf) =	vpush v1, $0x5;
	_ =	sdelay $0x1  }
0x49c: {  	[tilespmem:v0+s5+$0x650 ss:$0x1] =	vst.idx.msk $0xffff, v3  }
0x49d: {  	v3 =	vld [tilespmem:s24+$0x19960];
	[tilespmem:v0+s4+$0x650 ss:$0x1] =	vst.idx.msk $0xffff, v2  }
0x49e: {  	v2 =	vld [tilespmem:s29+$0x19960];
	_ =	sdelay $0x3  }
0x49f: {  	[tilespmem:v0+s5+$0x660 ss:$0x1] =	vst.idx.msk $0xffff, v3  }
0x4a0: {  	v3 =	vld [tilespmem:s24+$0x19970];
	[tilespmem:v0+s4+$0x660 ss:$0x1] =	vst.idx.msk $0xffff, v2  }
0x4a1: {  	v2 =	vld [tilespmem:s29+$0x19970];
	_ =	sdelay $0x3  }
0x4a2: {  	[tilespmem:v0+s5+$0x670 ss:$0x1] =	vst.idx.msk $0xffff, v3  }
0x4a3: {  	s30 =	spop (v2sf);
	v3 =	vld [tilespmem:s23+$0x19B00];
	[tilespmem:v0+s4+$0x670 ss:$0x1] =	vst.idx.msk $0xffff, v2  }
0x4a4: {  	v2 =	vld [tilespmem:s30+$0x19B00];
	_ =	sdelay $0x3  }
0x4a5: {  	[tilespmem:v0+s5+$0x680 ss:$0x1] =	vst.idx.msk $0xffff, v3  }
0x4a6: {  	v3 =	vld [tilespmem:s23+$0x19B10];
	[tilespmem:v0+s4+$0x680 ss:$0x1] =	vst.idx.msk $0xffff, v2  }
0x4a7: {  	v2 =	vld [tilespmem:s30+$0x19B10];
	_ =	sdelay $0x3  }
0x4a8: {  	[tilespmem:v0+s5+$0x690 ss:$0x1] =	vst.idx.msk $0xffff, v3  }
0x4a9: {  	v3 =	vld [tilespmem:s23+$0x19B20];
	[tilespmem:v0+s4+$0x690 ss:$0x1] =	vst.idx.msk $0xffff, v2  }
0x4aa: {  	v2 =	vld [tilespmem:s30+$0x19B20];
	_ =	sdelay $0x3  }
0x4ab: {  	[tilespmem:v0+s5+$0x6A0 ss:$0x1] =	vst.idx.msk $0xffff, v3  }
0x4ac: {  	v3 =	vld [tilespmem:s23+$0x19B30];
	[tilespmem:v0+s4+$0x6A0 ss:$0x1] =	vst.idx.msk $0xffff, v2  }
0x4ad: {  	v2 =	vld [tilespmem:s30+$0x19B30];
	_ =	sdelay $0x3  }
0x4ae: {  	[tilespmem:v0+s5+$0x6B0 ss:$0x1] =	vst.idx.msk $0xffff, v3  }
0x4af: {  	v3 =	vld [tilespmem:s23+$0x19B40];
	[tilespmem:v0+s4+$0x6B0 ss:$0x1] =	vst.idx.msk $0xffff, v2  }
0x4b0: {  	v2 =	vld [tilespmem:s30+$0x19B40];
	_ =	sdelay $0x3  }
0x4b1: {  	[tilespmem:v0+s5+$0x6C0 ss:$0x1] =	vst.idx.msk $0xffff, v3  }
0x4b2: {  	v3 =	vld [tilespmem:s23+$0x19B50];
	[tilespmem:v0+s4+$0x6C0 ss:$0x1] =	vst.idx.msk $0xffff, v2  }
0x4b3: {  	v2 =	vld [tilespmem:s30+$0x19B50];
	_ =	sdelay $0x1  }
0x4b4: {  	(v2sf) =	vpush v1, $0x6;
	_ =	sdelay $0x1  }
0x4b5: {  	[tilespmem:v0+s5+$0x6D0 ss:$0x1] =	vst.idx.msk $0xffff, v3  }
0x4b6: {  	v3 =	vld [tilespmem:s23+$0x19B60];
	[tilespmem:v0+s4+$0x6D0 ss:$0x1] =	vst.idx.msk $0xffff, v2  }
0x4b7: {  	v2 =	vld [tilespmem:s30+$0x19B60];
	_ =	sdelay $0x3  }
0x4b8: {  	[tilespmem:v0+s5+$0x6E0 ss:$0x1] =	vst.idx.msk $0xffff, v3  }
0x4b9: {  	v3 =	vld [tilespmem:s23+$0x19B70];
	[tilespmem:v0+s4+$0x6E0 ss:$0x1] =	vst.idx.msk $0xffff, v2  }
0x4ba: {  	v2 =	vld [tilespmem:s30+$0x19B70];
	_ =	sdelay $0x3  }
0x4bb: {  	[tilespmem:v0+s5+$0x6F0 ss:$0x1] =	vst.idx.msk $0xffff, v3  }
0x4bc: {  	s24 =	spop (v2sf);
	v3 =	vld [tilespmem:s22+$0x10800];
	[tilespmem:v0+s4+$0x6F0 ss:$0x1] =	vst.idx.msk $0xffff, v2  }
0x4bd: {  	v2 =	vld [tilespmem:s24+$0x10800];
	_ =	sdelay $0x3  }
0x4be: {  	[tilespmem:v0+s5+$0x700 ss:$0x1] =	vst.idx.msk $0xffff, v3  }
0x4bf: {  	v3 =	vld [tilespmem:s22+$0x10810];
	[tilespmem:v0+s4+$0x700 ss:$0x1] =	vst.idx.msk $0xffff, v2  }
0x4c0: {  	v2 =	vld [tilespmem:s24+$0x10810];
	_ =	sdelay $0x3  }
0x4c1: {  	[tilespmem:v0+s5+$0x710 ss:$0x1] =	vst.idx.msk $0xffff, v3  }
0x4c2: {  	v3 =	vld [tilespmem:s22+$0x10820];
	[tilespmem:v0+s4+$0x710 ss:$0x1] =	vst.idx.msk $0xffff, v2  }
0x4c3: {  	v2 =	vld [tilespmem:s24+$0x10820];
	_ =	sdelay $0x3  }
0x4c4: {  	[tilespmem:v0+s5+$0x720 ss:$0x1] =	vst.idx.msk $0xffff, v3  }
0x4c5: {  	v3 =	vld [tilespmem:s22+$0x10830];
	[tilespmem:v0+s4+$0x720 ss:$0x1] =	vst.idx.msk $0xffff, v2  }
0x4c6: {  	v2 =	vld [tilespmem:s24+$0x10830];
	_ =	sdelay $0x3  }
0x4c7: {  	[tilespmem:v0+s5+$0x730 ss:$0x1] =	vst.idx.msk $0xffff, v3  }
0x4c8: {  	v3 =	vld [tilespmem:s22+$0x10840];
	[tilespmem:v0+s4+$0x730 ss:$0x1] =	vst.idx.msk $0xffff, v2  }
0x4c9: {  	v2 =	vld [tilespmem:s24+$0x10840];
	_ =	sdelay $0x3  }
0x4ca: {  	[tilespmem:v0+s5+$0x740 ss:$0x1] =	vst.idx.msk $0xffff, v3  }
0x4cb: {  	v3 =	vld [tilespmem:s22+$0x10850];
	[tilespmem:v0+s4+$0x740 ss:$0x1] =	vst.idx.msk $0xffff, v2  }
0x4cc: {  	v2 =	vld [tilespmem:s24+$0x10850];
	_ =	sdelay $0x1  }
0x4cd: {  	(v2sf) =	vpush v1, $0x7;
	_ =	sdelay $0x1  }
0x4ce: {  	[tilespmem:v0+s5+$0x750 ss:$0x1] =	vst.idx.msk $0xffff, v3  }
0x4cf: {  	v3 =	vld [tilespmem:s22+$0x10860];
	[tilespmem:v0+s4+$0x750 ss:$0x1] =	vst.idx.msk $0xffff, v2  }
0x4d0: {  	v2 =	vld [tilespmem:s24+$0x10860];
	_ =	sdelay $0x3  }
0x4d1: {  	[tilespmem:v0+s5+$0x760 ss:$0x1] =	vst.idx.msk $0xffff, v3  }
0x4d2: {  	v3 =	vld [tilespmem:s22+$0x10870];
	[tilespmem:v0+s4+$0x760 ss:$0x1] =	vst.idx.msk $0xffff, v2  }
0x4d3: {  	v2 =	vld [tilespmem:s24+$0x10870];
	_ =	sdelay $0x3  }
0x4d4: {  	[tilespmem:v0+s5+$0x770 ss:$0x1] =	vst.idx.msk $0xffff, v3  }
0x4d5: {  	s25 =	spop (v2sf);
	v3 =	vld [tilespmem:s21+$0x10800];
	[tilespmem:v0+s4+$0x770 ss:$0x1] =	vst.idx.msk $0xffff, v2  }
0x4d6: {  	v2 =	vld [tilespmem:s25+$0x10800];
	_ =	sdelay $0x3  }
0x4d7: {  	[tilespmem:v0+s5+$0x780 ss:$0x1] =	vst.idx.msk $0xffff, v3  }
0x4d8: {  	v3 =	vld [tilespmem:s21+$0x10810];
	[tilespmem:v0+s4+$0x780 ss:$0x1] =	vst.idx.msk $0xffff, v2  }
0x4d9: {  	v2 =	vld [tilespmem:s25+$0x10810];
	_ =	sdelay $0x3  }
0x4da: {  	[tilespmem:v0+s5+$0x790 ss:$0x1] =	vst.idx.msk $0xffff, v3  }
0x4db: {  	v3 =	vld [tilespmem:s21+$0x10820];
	[tilespmem:v0+s4+$0x790 ss:$0x1] =	vst.idx.msk $0xffff, v2  }
0x4dc: {  	v2 =	vld [tilespmem:s25+$0x10820];
	_ =	sdelay $0x3  }
0x4dd: {  	[tilespmem:v0+s5+$0x7A0 ss:$0x1] =	vst.idx.msk $0xffff, v3  }
0x4de: {  	v3 =	vld [tilespmem:s21+$0x10830];
	[tilespmem:v0+s4+$0x7A0 ss:$0x1] =	vst.idx.msk $0xffff, v2  }
0x4df: {  	v2 =	vld [tilespmem:s25+$0x10830];
	_ =	sdelay $0x3  }
0x4e0: {  	[tilespmem:v0+s5+$0x7B0 ss:$0x1] =	vst.idx.msk $0xffff, v3  }
0x4e1: {  	v3 =	vld [tilespmem:s21+$0x10840];
	[tilespmem:v0+s4+$0x7B0 ss:$0x1] =	vst.idx.msk $0xffff, v2  }
0x4e2: {  	v2 =	vld [tilespmem:s25+$0x10840];
	_ =	sdelay $0x3  }
0x4e3: {  	[tilespmem:v0+s5+$0x7C0 ss:$0x1] =	vst.idx.msk $0xffff, v3  }
0x4e4: {  	v3 =	vld [tilespmem:s21+$0x10850];
	[tilespmem:v0+s4+$0x7C0 ss:$0x1] =	vst.idx.msk $0xffff, v2  }
0x4e5: {  	v2 =	vld [tilespmem:s25+$0x10850];
	_ =	sdelay $0x1  }
0x4e6: {  	(v2sf) =	vpush v1, $0x8;
	_ =	sdelay $0x1  }
0x4e7: {  	[tilespmem:v0+s5+$0x7D0 ss:$0x1] =	vst.idx.msk $0xffff, v3  }
0x4e8: {  	v3 =	vld [tilespmem:s21+$0x10860];
	[tilespmem:v0+s4+$0x7D0 ss:$0x1] =	vst.idx.msk $0xffff, v2  }
0x4e9: {  	v2 =	vld [tilespmem:s25+$0x10860];
	_ =	sdelay $0x3  }
0x4ea: {  	[tilespmem:v0+s5+$0x7E0 ss:$0x1] =	vst.idx.msk $0xffff, v3  }
0x4eb: {  	v3 =	vld [tilespmem:s21+$0x10870];
	[tilespmem:v0+s4+$0x7E0 ss:$0x1] =	vst.idx.msk $0xffff, v2  }
0x4ec: {  	v2 =	vld [tilespmem:s25+$0x10870];
	_ =	sdelay $0x3  }
0x4ed: {  	[tilespmem:v0+s5+$0x7F0 ss:$0x1] =	vst.idx.msk $0xffff, v3  }
0x4ee: {  	s26 =	spop (v2sf);
	v3 =	vld [tilespmem:s19+$0x10800];
	[tilespmem:v0+s4+$0x7F0 ss:$0x1] =	vst.idx.msk $0xffff, v2  }
0x4ef: {  	v2 =	vld [tilespmem:s26+$0x10800];
	_ =	sdelay $0x3  }
0x4f0: {  	[tilespmem:v0+s5+$0x800 ss:$0x1] =	vst.idx.msk $0xffff, v3  }
0x4f1: {  	v3 =	vld [tilespmem:s19+$0x10810];
	[tilespmem:v0+s4+$0x800 ss:$0x1] =	vst.idx.msk $0xffff, v2  }
0x4f2: {  	v2 =	vld [tilespmem:s26+$0x10810];
	_ =	sdelay $0x3  }
0x4f3: {  	[tilespmem:v0+s5+$0x810 ss:$0x1] =	vst.idx.msk $0xffff, v3  }
0x4f4: {  	v3 =	vld [tilespmem:s19+$0x10820];
	[tilespmem:v0+s4+$0x810 ss:$0x1] =	vst.idx.msk $0xffff, v2  }
0x4f5: {  	v2 =	vld [tilespmem:s26+$0x10820];
	_ =	sdelay $0x3  }
0x4f6: {  	[tilespmem:v0+s5+$0x820 ss:$0x1] =	vst.idx.msk $0xffff, v3  }
0x4f7: {  	v3 =	vld [tilespmem:s19+$0x10830];
	[tilespmem:v0+s4+$0x820 ss:$0x1] =	vst.idx.msk $0xffff, v2  }
0x4f8: {  	v2 =	vld [tilespmem:s26+$0x10830];
	_ =	sdelay $0x3  }
0x4f9: {  	[tilespmem:v0+s5+$0x830 ss:$0x1] =	vst.idx.msk $0xffff, v3  }
0x4fa: {  	v3 =	vld [tilespmem:s19+$0x10840];
	[tilespmem:v0+s4+$0x830 ss:$0x1] =	vst.idx.msk $0xffff, v2  }
0x4fb: {  	v2 =	vld [tilespmem:s26+$0x10840];
	_ =	sdelay $0x3  }
0x4fc: {  	[tilespmem:v0+s5+$0x840 ss:$0x1] =	vst.idx.msk $0xffff, v3  }
0x4fd: {  	v3 =	vld [tilespmem:s19+$0x10850];
	[tilespmem:v0+s4+$0x840 ss:$0x1] =	vst.idx.msk $0xffff, v2  }
0x4fe: {  	v2 =	vld [tilespmem:s26+$0x10850];
	_ =	sdelay $0x1  }
0x4ff: {  	(v2sf) =	vpush v1, $0x9;
	_ =	sdelay $0x1  }
0x500: {  	[tilespmem:v0+s5+$0x850 ss:$0x1] =	vst.idx.msk $0xffff, v3  }
0x501: {  	v3 =	vld [tilespmem:s19+$0x10860];
	[tilespmem:v0+s4+$0x850 ss:$0x1] =	vst.idx.msk $0xffff, v2  }
0x502: {  	v2 =	vld [tilespmem:s26+$0x10860];
	_ =	sdelay $0x3  }
0x503: {  	[tilespmem:v0+s5+$0x860 ss:$0x1] =	vst.idx.msk $0xffff, v3  }
0x504: {  	v3 =	vld [tilespmem:s19+$0x10870];
	[tilespmem:v0+s4+$0x860 ss:$0x1] =	vst.idx.msk $0xffff, v2  }
0x505: {  	v2 =	vld [tilespmem:s26+$0x10870];
	_ =	sdelay $0x3  }
0x506: {  	[tilespmem:v0+s5+$0x870 ss:$0x1] =	vst.idx.msk $0xffff, v3  }
0x507: {  	s28 =	spop (v2sf);
	v3 =	vld [tilespmem:s9+$0x10800];
	[tilespmem:v0+s4+$0x870 ss:$0x1] =	vst.idx.msk $0xffff, v2  }
0x508: {  	v2 =	vld [tilespmem:s28+$0x10800];
	_ =	sdelay $0x3  }
0x509: {  	[tilespmem:v0+s5+$0x880 ss:$0x1] =	vst.idx.msk $0xffff, v3  }
0x50a: {  	v3 =	vld [tilespmem:s9+$0x10810];
	[tilespmem:v0+s4+$0x880 ss:$0x1] =	vst.idx.msk $0xffff, v2  }
0x50b: {  	v2 =	vld [tilespmem:s28+$0x10810];
	_ =	sdelay $0x3  }
0x50c: {  	[tilespmem:v0+s5+$0x890 ss:$0x1] =	vst.idx.msk $0xffff, v3  }
0x50d: {  	v3 =	vld [tilespmem:s9+$0x10820];
	[tilespmem:v0+s4+$0x890 ss:$0x1] =	vst.idx.msk $0xffff, v2  }
0x50e: {  	v2 =	vld [tilespmem:s28+$0x10820];
	_ =	sdelay $0x3  }
0x50f: {  	[tilespmem:v0+s5+$0x8A0 ss:$0x1] =	vst.idx.msk $0xffff, v3  }
0x510: {  	v3 =	vld [tilespmem:s9+$0x10830];
	[tilespmem:v0+s4+$0x8A0 ss:$0x1] =	vst.idx.msk $0xffff, v2  }
0x511: {  	v2 =	vld [tilespmem:s28+$0x10830];
	_ =	sdelay $0x3  }
0x512: {  	[tilespmem:v0+s5+$0x8B0 ss:$0x1] =	vst.idx.msk $0xffff, v3  }
0x513: {  	v3 =	vld [tilespmem:s9+$0x10840];
	[tilespmem:v0+s4+$0x8B0 ss:$0x1] =	vst.idx.msk $0xffff, v2  }
0x514: {  	v2 =	vld [tilespmem:s28+$0x10840];
	_ =	sdelay $0x3  }
0x515: {  	[tilespmem:v0+s5+$0x8C0 ss:$0x1] =	vst.idx.msk $0xffff, v3  }
0x516: {  	v3 =	vld [tilespmem:s9+$0x10850];
	[tilespmem:v0+s4+$0x8C0 ss:$0x1] =	vst.idx.msk $0xffff, v2  }
0x517: {  	v2 =	vld [tilespmem:s28+$0x10850];
	_ =	sdelay $0x1  }
0x518: {  	(v2sf) =	vpush v1, $0xA;
	_ =	sdelay $0x1  }
0x519: {  	[tilespmem:v0+s5+$0x8D0 ss:$0x1] =	vst.idx.msk $0xffff, v3  }
0x51a: {  	v3 =	vld [tilespmem:s9+$0x10860];
	[tilespmem:v0+s4+$0x8D0 ss:$0x1] =	vst.idx.msk $0xffff, v2  }
0x51b: {  	v2 =	vld [tilespmem:s28+$0x10860];
	_ =	sdelay $0x3  }
0x51c: {  	[tilespmem:v0+s5+$0x8E0 ss:$0x1] =	vst.idx.msk $0xffff, v3  }
0x51d: {  	v3 =	vld [tilespmem:s9+$0x10870];
	[tilespmem:v0+s4+$0x8E0 ss:$0x1] =	vst.idx.msk $0xffff, v2  }
0x51e: {  	v2 =	vld [tilespmem:s28+$0x10870];
	_ =	sdelay $0x3  }
0x51f: {  	[tilespmem:v0+s5+$0x8F0 ss:$0x1] =	vst.idx.msk $0xffff, v3  }
0x520: {  	s29 =	spop (v2sf);
	v3 =	vld [tilespmem:s8+$0x10800];
	[tilespmem:v0+s4+$0x8F0 ss:$0x1] =	vst.idx.msk $0xffff, v2  }
0x521: {  	v2 =	vld [tilespmem:s29+$0x10800];
	_ =	sdelay $0x3  }
0x522: {  	[tilespmem:v0+s5+$0x900 ss:$0x1] =	vst.idx.msk $0xffff, v3  }
0x523: {  	v3 =	vld [tilespmem:s8+$0x10810];
	[tilespmem:v0+s4+$0x900 ss:$0x1] =	vst.idx.msk $0xffff, v2  }
0x524: {  	v2 =	vld [tilespmem:s29+$0x10810];
	_ =	sdelay $0x3  }
0x525: {  	[tilespmem:v0+s5+$0x910 ss:$0x1] =	vst.idx.msk $0xffff, v3  }
0x526: {  	v3 =	vld [tilespmem:s8+$0x10820];
	[tilespmem:v0+s4+$0x910 ss:$0x1] =	vst.idx.msk $0xffff, v2  }
0x527: {  	v2 =	vld [tilespmem:s29+$0x10820];
	_ =	sdelay $0x3  }
0x528: {  	[tilespmem:v0+s5+$0x920 ss:$0x1] =	vst.idx.msk $0xffff, v3  }
0x529: {  	v3 =	vld [tilespmem:s8+$0x10830];
	[tilespmem:v0+s4+$0x920 ss:$0x1] =	vst.idx.msk $0xffff, v2  }
0x52a: {  	v2 =	vld [tilespmem:s29+$0x10830];
	_ =	sdelay $0x3  }
0x52b: {  	[tilespmem:v0+s5+$0x930 ss:$0x1] =	vst.idx.msk $0xffff, v3  }
0x52c: {  	v3 =	vld [tilespmem:s8+$0x10840];
	[tilespmem:v0+s4+$0x930 ss:$0x1] =	vst.idx.msk $0xffff, v2  }
0x52d: {  	v2 =	vld [tilespmem:s29+$0x10840];
	_ =	sdelay $0x3  }
0x52e: {  	[tilespmem:v0+s5+$0x940 ss:$0x1] =	vst.idx.msk $0xffff, v3  }
0x52f: {  	v3 =	vld [tilespmem:s8+$0x10850];
	[tilespmem:v0+s4+$0x940 ss:$0x1] =	vst.idx.msk $0xffff, v2  }
0x530: {  	v2 =	vld [tilespmem:s29+$0x10850];
	_ =	sdelay $0x1  }
0x531: {  	(v2sf) =	vpush v1, $0xB;
	_ =	sdelay $0x1  }
0x532: {  	[tilespmem:v0+s5+$0x950 ss:$0x1] =	vst.idx.msk $0xffff, v3  }
0x533: {  	v1 =	vld [tilespmem:s8+$0x10860];
	[tilespmem:v0+s4+$0x950 ss:$0x1] =	vst.idx.msk $0xffff, v2  }
0x534: {  	v2 =	vld [tilespmem:s29+$0x10860];
	_ =	sdelay $0x3  }
0x535: {  	[tilespmem:v0+s5+$0x960 ss:$0x1] =	vst.idx.msk $0xffff, v1  }
0x536: {  	v1 =	vld [tilespmem:s8+$0x10870];
	[tilespmem:v0+s4+$0x960 ss:$0x1] =	vst.idx.msk $0xffff, v2  }
0x537: {  	v2 =	vld [tilespmem:s29+$0x10870];
	_ =	sdelay $0x3  }
0x538: {  	[tilespmem:v0+s5+$0x970 ss:$0x1] =	vst.idx.msk $0xffff, v1  }
0x539: {  	s30 =	spop (v2sf);
	v1 =	vld [tilespmem:s6+$0x10800];
	[tilespmem:v0+s4+$0x970 ss:$0x1] =	vst.idx.msk $0xffff, v2  }
0x53a: {  	v2 =	vld [tilespmem:s30+$0x10800];
	_ =	sdelay $0x3  }
0x53b: {  	[tilespmem:v0+s5+$0x980 ss:$0x1] =	vst.idx.msk $0xffff, v1  }
0x53c: {  	v1 =	vld [tilespmem:s6+$0x10810];
	[tilespmem:v0+s4+$0x980 ss:$0x1] =	vst.idx.msk $0xffff, v2  }
0x53d: {  	v2 =	vld [tilespmem:s30+$0x10810];
	_ =	sdelay $0x3  }
0x53e: {  	[tilespmem:v0+s5+$0x990 ss:$0x1] =	vst.idx.msk $0xffff, v1  }
0x53f: {  	v1 =	vld [tilespmem:s6+$0x10820];
	[tilespmem:v0+s4+$0x990 ss:$0x1] =	vst.idx.msk $0xffff, v2  }
0x540: {  	v2 =	vld [tilespmem:s30+$0x10820];
	_ =	sdelay $0x3  }
0x541: {  	[tilespmem:v0+s5+$0x9A0 ss:$0x1] =	vst.idx.msk $0xffff, v1  }
0x542: {  	v1 =	vld [tilespmem:s6+$0x10830];
	[tilespmem:v0+s4+$0x9A0 ss:$0x1] =	vst.idx.msk $0xffff, v2  }
0x543: {  	v2 =	vld [tilespmem:s30+$0x10830];
	_ =	sdelay $0x3  }
0x544: {  	[tilespmem:v0+s5+$0x9B0 ss:$0x1] =	vst.idx.msk $0xffff, v1  }
0x545: {  	v1 =	vld [tilespmem:s6+$0x10840];
	[tilespmem:v0+s4+$0x9B0 ss:$0x1] =	vst.idx.msk $0xffff, v2  }
0x546: {  	v2 =	vld [tilespmem:s30+$0x10840];
	_ =	sdelay $0x3  }
0x547: {  	[tilespmem:v0+s5+$0x9C0 ss:$0x1] =	vst.idx.msk $0xffff, v1  }
0x548: {  	v1 =	vld [tilespmem:s6+$0x10850];
	[tilespmem:v0+s4+$0x9C0 ss:$0x1] =	vst.idx.msk $0xffff, v2  }
0x549: {  	v2 =	vld [tilespmem:s30+$0x10850];
	_ =	sdelay $0x3  }
0x54a: {  	[tilespmem:v0+s5+$0x9D0 ss:$0x1] =	vst.idx.msk $0xffff, v1  }
0x54b: {  	v1 =	vld [tilespmem:s6+$0x10860];
	[tilespmem:v0+s4+$0x9D0 ss:$0x1] =	vst.idx.msk $0xffff, v2  }
0x54c: {  	v2 =	vld [tilespmem:s30+$0x10860];
	_ =	sdelay $0x3  }
0x54d: {  	[tilespmem:v0+s5+$0x9E0 ss:$0x1] =	vst.idx.msk $0xffff, v1  }
0x54e: {  	v1 =	vld [tilespmem:s6+$0x10870];
	[tilespmem:v0+s4+$0x9E0 ss:$0x1] =	vst.idx.msk $0xffff, v2  }
0x54f: {  	p1 =	por p0, p0;
	v2 =	vld [tilespmem:s30+$0x10870]  }
.Ltmp0:
0x550: {  	_ = 	snop;
	(pc) =	sbr.rel @p1 .LBB2_3-.Ltmp0, $3  }
0x551: {  	_ =	sdelay $0x1  }
0x552: {  	[tilespmem:v0+s5+$0x9F0 ss:$0x1] =	vst.idx.msk $0xffff, v1  }
0x553: {  	p0 =	por $0x0, $0x0;
	[tilespmem:v0+s4+$0x9F0 ss:$0x1] =	vst.idx.msk $0xffff, v2;
	s4 =	simm.s32 $0x4  }
0x554: {  	s3 =	sshll.u32 s0, $0x3  }
0x555: {  	s3 =	sadd.s32 s13, s3  }
0x556: {  	s3 =	smul.u32 $0x180, s3;
	_ =	sdelay $0x1  }
0x557: {  	s3 =	sadd.s32 s12, s3  }
0x558: {  	[hbm4b:s3+s10] =	stream.linear.scatter [tilespmem:s1], [sflag:$0x1], $0xA00, $0x38;
	[tilespmem:$0x1A280] =	vst v63  }
0x559: {  	s4 =	sadd.s32 $0xC00, s1;
	s5 =	sadd.s32 $0x180, s3  }
0x55a: {  	[hbm4b:s5+s10] =	stream.linear.scatter [tilespmem:s4], [sflag:$0x1], $0xA00, $0x38;
	[tilespmem:$0x1A280] =	vst v63  }
0x55b: {  	s9 =	sadd.s32 $0x1800, s1;
	s19 =	sadd.s32 $0x300, s3  }
0x55c: {  	[hbm4b:s19+s10] =	stream.linear.scatter [tilespmem:s9], [sflag:$0x1], $0xA00, $0x38;
	[tilespmem:$0x1A280] =	vst v63  }
0x55d: {  	s21 =	sadd.s32 $0x2400, s1;
	s22 =	sadd.s32 $0x480, s3  }
0x55e: {  	[hbm4b:s22+s10] =	stream.linear.scatter [tilespmem:s21], [sflag:$0x1], $0xA00, $0x38;
	[tilespmem:$0x1A280] =	vst v63  }
0x55f: {  	s23 =	sadd.s32 $0x3000, s1;
	s0 =	sadd.s32 $0x1, s0;
	s24 =	sadd.s32 $0x600, s3  }
0x560: {  	[hbm4b:s24+s10] =	stream.linear.scatter [tilespmem:s23], [sflag:$0x1], $0xA00, $0x38;
	[tilespmem:$0x1A280] =	vst v63  }
0x561: {  	s25 =	sadd.s32 $0x3C00, s1;
	p0 =	sne.s32 s0, $0x40;
	s26 =	sadd.s32 $0x780, s3  }
0x562: {  	[hbm4b:s26+s10] =	stream.linear.scatter [tilespmem:s25], [sflag:$0x1], $0xA00, $0x38;
	[tilespmem:$0x1A280] =	vst v63  }
.Ltmp1:
0x563: {  	_ = 	snop;
	(pc) =	sbr.rel @p0 .LBB2_2-.Ltmp1, $4  }
0x564: {  	s28 =	sadd.s32 $0x4800, s1;
	s29 =	sadd.s32 $0x900, s3  }
0x565: {  	[hbm4b:s29+s10] =	stream.linear.scatter [tilespmem:s28], [sflag:$0x1], $0xA00, $0x38;
	[tilespmem:$0x1A280] =	vst v63  }
0x566: {  	s30 =	sadd.s32 $0x5400, s1;
	s3 =	sadd.s32 $0xA80, s3  }
0x567: {  	[hbm4b:s3+s10] =	stream.linear.scatter [tilespmem:s30], [sflag:$0x1], $0xA00, $0x38;
	[tilespmem:$0x1A280] =	vst v63  }
0x568: {  	s2 =	sadd.s32 $0x1, s2  }
0x569: {  	_ =	swait.ge [sflag:s7], $0x5000;
	p0 =	sne.s32 s2, s16  }
.Ltmp2:
0x56a: {  	[sflag:s7] =	ssyncset.done $0x0;
	(pc) =	sbr.rel @p0 .LBB2_1-.Ltmp2, $4  }
0x56b: {  	[sflag:s7] =	ssyncadd.s32 $0xFFFFB000  }
0x56c: {  	_ =	swait.ge [sflag:s7], $0x5000  }
0x56d: {  	[sflag:s7] =	ssyncset.done $0x0  }
0x56e: {  	[sflag:s7] =	ssyncadd.s32 $0xFFFFB000  }
0x56f: {  	_ =	sfence.sel $0x180000  }
0x570: {  	[bflag:$0x0] =	sbarrier.arrive $0xFFFF  }
0x571: {  	_ =	strace $0x90000047  }
0x572: {  	s0 =	stileid.u32;
	[bflag:$0x2] =	sbarrier.arrive $0xFFFF  }
0x573: {  	p0 =	sne.s32 s0, $0x0;
	s0 =	rddreg [dreg:$0xa]  }
0x574: {  	s0 =	sadd.s32 @!p0 $0x100000, s0  }
0x575: {  	[sflag:s0] =	ssyncadd.tile.s32 @!p0 $0x1;
	_ =	shalt  }
.Lfunc_end2:
_tile_overlayer_lowered:
.L_overlay_start_2:
0x576: {  	(tag) =	ssettag $0x2  }
0x577: {  	s0 =	rddreg [dreg:$0x0];
	s2 =	stileid.u32  }
0x578: {  	s1 =	rddreg [dreg:$0x1];
	p0 =	sne.s32 s2, $0x0  }
0x579: {  	s3 =	rddreg [dreg:$0x2];
	[bflag:$0x3] =	sbarrier.arrive $0xFFFF;
	s2 =	simm.s32 @!p0 $0x1C02  }
0x57a: {  	[timem:s3], [sflag:s2] =	dma.local @!p0 [hbm:s0], s1  }
0x57b: {  	s0 =	simm.s32 @!p0 $0x2  }
0x57c: {  	_ =	swait.ge @!p0 [sflag:s0], s1  }
0x57d: {  	s1 =	ssub.s32 @!p0 $0x0, s1;
	[sflag:s0] =	ssyncset.done @!p0 $0x0  }
0x57e: {  	[sflag:s0] =	ssyncadd.s32 @!p0 s1  }
0x57f: {  	[bflag:$0x3] =	sbarrier.arrive $0xFFFF  }
0x580: {  	_ =	shalt  }

</sc_bundles>
